<compile_context>
chip_gen: v7x
topology: tpu7x:2x2x1
jax: 0.10.2.dev20260603
libtpu: 0.0.44.dev20260713+nightly
codegen_flags: <defaults>
</compile_context>

<pallas_src>
import functools
import math

import jax
import jax.numpy as jnp
from jax import lax
from jax.experimental import pallas as pl
from jax.experimental.pallas import tpu as pltpu
from jax.experimental.pallas import tpu_sc as plsc

_B, _N, _C = 4, 4096, 1024
_K = math.floor(0.75 * _N)

_BI = 512
_NB = _N // _BI

_NS = 16
_TPW = _N // _NS
_RPW = _K // _NS
_CH = 16
_NCH = _RPW // _CH
_NBUF = 6


def _rank_body(s_ref, out_ref):
    jlt = (lax.broadcasted_iota(jnp.int32, (_BI, _BI), 0)
           < lax.broadcasted_iota(jnp.int32, (_BI, _BI), 1))
    for b in range(2):
        s_row = s_ref[b, 0:1, :]
        s_col = s_row.reshape(_N, 1)
        for ic in range(_NB):
            si = s_row[0:1, ic * _BI:(ic + 1) * _BI]
            acc = jnp.zeros((1, _BI), jnp.int32)
            for jc in range(_NB):
                sj = s_col[jc * _BI:(jc + 1) * _BI, 0:1]
                if jc < ic:
                    cmp = sj >= si
                elif jc > ic:
                    cmp = sj > si
                else:
                    cmp = (sj > si) | ((sj == si) & jlt)
                acc = acc + jnp.sum(cmp.astype(jnp.int32), axis=0, keepdims=True)
            out_ref[b, 0:1, ic * _BI:(ic + 1) * _BI] = acc


_rank_call = pl.pallas_call(
    _rank_body,
    out_shape=jax.ShapeDtypeStruct((2, 1, _N), jnp.int32),
)


def _sc_prune_body(gbase, ranks_hbm, x_hbm, m_hbm, xout_hbm, mout_hbm,
                   didx1_v, didx_v, vals_v, perm_sh, ridx_v, mout_v, *bufsems):
    bufs = bufsems[:_NBUF]
    gsems = bufsems[_NBUF:2 * _NBUF]
    ssems = bufsems[2 * _NBUF:3 * _NBUF]
    sem_m = bufsems[3 * _NBUF]
    c = lax.axis_index("c")
    s = lax.axis_index("s")

    with jax.named_scope("partA"):
        tok0 = c * _N + s * _TPW
        pltpu.sync_copy(ranks_hbm.at[pl.ds(tok0, _TPW)], didx1_v)
        for row in range(_TPW // 128):
            for cc in range(128 // 16):
                didx_v.at[row][pl.ds(cc * 16, 16)] = (
                    didx1_v[pl.ds(row * 128 + cc * 16, 16)])
                vals_v.at[row][pl.ds(cc * 16, 16)] = (
                    gbase + tok0 + row * 128 + cc * 16 + lax.iota(jnp.int32, 16))
        for row in range(_TPW // 128):
            pltpu.sync_copy(vals_v.at[row], perm_sh.at[didx_v.at[row]])

    with jax.named_scope("barrier"):
        plsc.subcore_barrier()

    with jax.named_scope("permload"):
        p0 = s * _RPW
        pltpu.sync_copy(perm_sh.at[pl.ds(p0, _RPW)], ridx_v)

    out0 = gbase // _N * _K + c * _K + s * _RPW

    hm = [pltpu.async_copy(m_hbm.at[ridx_v.at[pl.ds(j * 96, 96)]],
                           mout_v.at[pl.ds(j * 96, 96)], sem_m)
          for j in range(_RPW // 96)]

    lag = _NBUF - 1
    hg = [None] * _NCH
    hs = [None] * _NCH

    def _store(c2):
        s2 = c2 % _NBUF
        hg[c2].wait()
        hs[c2] = pltpu.async_copy(
            bufs[s2], xout_hbm.at[pl.ds(out0 + c2 * _CH, _CH)], ssems[s2])

    with jax.named_scope("xloop"):
        for ch in range(_NCH):
            slot = ch % _NBUF
            if ch >= _NBUF:
                hs[ch - _NBUF].wait()
            hg[ch] = pltpu.async_copy(
                x_hbm.at[ridx_v.at[pl.ds(ch * _CH, _CH)]], bufs[slot], gsems[slot])
            if ch >= lag:
                _store(ch - lag)
        for c2 in range(_NCH - lag, _NCH):
            _store(c2)
        for c2 in range(_NCH - _NBUF, _NCH):
            hs[c2].wait()

    with jax.named_scope("mask"):
        for h in hm:
            h.wait()
        pltpu.sync_copy(mout_v, mout_hbm.at[pl.ds(out0, _RPW)])


@functools.cache
def _build_sc_prune(pair):
    return pl.kernel(
        functools.partial(_sc_prune_body, pair * 2 * _N),
        mesh=plsc.VectorSubcoreMesh(core_axis_name="c", subcore_axis_name="s"),
        out_type=(),
        scratch_types=[
            pltpu.VMEM((_TPW,), jnp.int32),
            pltpu.VMEM((_TPW // 128, 128), jnp.int32),
            pltpu.VMEM((_TPW // 128, 128), jnp.int32),
            pltpu.VMEM_SHARED((_N,), jnp.int32),
            pltpu.VMEM((_RPW,), jnp.int32),
            pltpu.VMEM((_RPW,), jnp.float32),
        ] + [pltpu.VMEM((_CH, _C), jnp.float32) for _ in range(_NBUF)]
          + [pltpu.SemaphoreType.DMA for _ in range(2 * _NBUF + 1)],
    )


def kernel(x, m, scores):
    x_flat = x.reshape(_B * _N, _C)
    m_flat = m.reshape(_B * _N)
    r01 = _rank_call(scores[:2].reshape(2, 1, _N)).reshape(2 * _N)
    r23 = _rank_call(scores[2:].reshape(2, 1, _N)).reshape(2 * _N)
    xout_ref = pl.empty_ref_like(pltpu.HBM((_B * _K, _C), jnp.float32))
    mout_ref = pl.empty_ref_like(pltpu.HBM((_B * _K,), jnp.float32))
    _build_sc_prune(0)(r01, x_flat, m_flat, xout_ref, mout_ref)
    _build_sc_prune(1)(r23, x_flat, m_flat, xout_ref, mout_ref)
    return (xout_ref[...].reshape(_B, _K, _C),
            mout_ref[...].reshape(_B, 1, 1, _K))

# --- scband reference (transcript-rebuilt; emitter-appended) ---
"""Pipeline reference for scband-token-pruner-15333033247142 (READ-ONLY COPY).

The authoritative reference and input builder live on the scoring server;
editing this copy changes nothing except your own understanding.
"""

import jax, jax.numpy as jnp
import numpy as np
import math

B, N, C = 4, 4096, 1024
PRUNE_RATIO = 0.25
PRUNE_INDEX = 1
PCT_KEPT = (1 - PRUNE_INDEX * PRUNE_RATIO) / (1 - (PRUNE_INDEX - 1) * PRUNE_RATIO)


def setup_inputs(seed: int = 0) -> dict:
    key = jax.random.key(seed)
    k1, k2, k3 = jax.random.split(key, 3)
    x = jax.random.normal(k1, (B, N, C), dtype=jnp.float32)
    m = jax.random.normal(k2, (B, 1, 1, N), dtype=jnp.float32)
    scores = jax.random.normal(k3, (B, N), dtype=jnp.float32)
    return {"x": x, "m": m, "scores": scores}


def reference(x, m, scores):
    # x: [B, N, C], m: [B, 1, 1, N], scores: [B, N]
    Bx, Nx, Cx = x.shape
    k = math.floor(PCT_KEPT * Nx)
    # torch: scores.topk(k, sorted=False)[1] -> indices [B, k]
    _, topk_indices = jax.lax.top_k(scores, k)
    # x.gather(1, idx.unsqueeze(-1).expand(-1,-1,C))
    x_out = jnp.take_along_axis(x, topk_indices[:, :, None], axis=1)
    # m.gather(3, idx.unsqueeze(1).unsqueeze(1))
    m_out = jnp.take_along_axis(m, topk_indices[:, None, None, :], axis=3)
    return (x_out, m_out)

if __name__ == "__main__":
    import jax
    _d = setup_inputs()
    print(jax.jit(kernel)(*tuple(_d.values())))

</pallas_src>

<mosaic_0001>
#map = affine_map<(d0, d1) -> (0)>
#map1 = affine_map<(d0, d1) -> (0, 0)>
module attributes {stable_mosaic.version = 14 : i64} {
  func.func @new_body(%arg0: i32, %arg1: i32, %arg2: memref<8192xi32, #tpu.memory_space<hbm>>, %arg3: memref<16384x1024xf32, #tpu.memory_space<hbm>>, %arg4: memref<16384xf32, #tpu.memory_space<hbm>>, %arg5: memref<12288x1024xf32, #tpu.memory_space<hbm>>, %arg6: memref<12288xf32, #tpu.memory_space<hbm>>, %arg7: memref<12288x1024xf32, #tpu.memory_space<hbm>>, %arg8: memref<12288xf32, #tpu.memory_space<hbm>>, %arg9: memref<256xi32, #tpu.memory_space<vmem>>, %arg10: memref<2x128xi32, #tpu.memory_space<vmem>>, %arg11: memref<2x128xi32, #tpu.memory_space<vmem>>, %arg12: memref<4096xi32, #tpu.memory_space<vmem_shared>>, %arg13: memref<192xi32, #tpu.memory_space<vmem>>, %arg14: memref<192xf32, #tpu.memory_space<vmem>>, %arg15: memref<16x1024xf32, #tpu.memory_space<vmem>>, %arg16: memref<16x1024xf32, #tpu.memory_space<vmem>>, %arg17: memref<16x1024xf32, #tpu.memory_space<vmem>>, %arg18: memref<16x1024xf32, #tpu.memory_space<vmem>>, %arg19: memref<16x1024xf32, #tpu.memory_space<vmem>>, %arg20: memref<16x1024xf32, #tpu.memory_space<vmem>>, %arg21: memref<!tpu.dma_semaphore, #tpu.memory_space<semaphore_mem>>, %arg22: memref<!tpu.dma_semaphore, #tpu.memory_space<semaphore_mem>>, %arg23: memref<!tpu.dma_semaphore, #tpu.memory_space<semaphore_mem>>, %arg24: memref<!tpu.dma_semaphore, #tpu.memory_space<semaphore_mem>>, %arg25: memref<!tpu.dma_semaphore, #tpu.memory_space<semaphore_mem>>, %arg26: memref<!tpu.dma_semaphore, #tpu.memory_space<semaphore_mem>>, %arg27: memref<!tpu.dma_semaphore, #tpu.memory_space<semaphore_mem>>, %arg28: memref<!tpu.dma_semaphore, #tpu.memory_space<semaphore_mem>>, %arg29: memref<!tpu.dma_semaphore, #tpu.memory_space<semaphore_mem>>, %arg30: memref<!tpu.dma_semaphore, #tpu.memory_space<semaphore_mem>>, %arg31: memref<!tpu.dma_semaphore, #tpu.memory_space<semaphore_mem>>, %arg32: memref<!tpu.dma_semaphore, #tpu.memory_space<semaphore_mem>>, %arg33: memref<!tpu.dma_semaphore, #tpu.memory_space<semaphore_mem>>) attributes {dimension_semantics = [#tpu.dimension_semantics<core_parallel>, #tpu.dimension_semantics<subcore_parallel>], iteration_bounds = array<i64: 2, 16>, scalar_prefetch = 0 : i64, scratch_operands = 25 : i64, tpu.core_type = #tpu.core_type<sc_vector_subcore>, window_params = [{transform_indices = #map}, {transform_indices = #map1}, {transform_indices = #map}, {transform_indices = #map1}, {transform_indices = #map}, {transform_indices = #map1}, {transform_indices = #map}]} {
    "tpu.trace_start"() <{level = 10 : i32, message = "partA"}> : () -> ()
    %mul3A = arith.constant 4096 : i32
    %mul3A_0 = arith.muli %arg0, %mul3A : i32
    %mul3A_1 = arith.constant 256 : i32
    %mul3A_2 = arith.muli %arg1, %mul3A_1 : i32
    %add3A = arith.addi %mul3A_0, %mul3A_2 : i32
    "tpu.region"() ({
      %run_scoped3A_722 = tpu.sem_alloc : memref<!tpu.dma_semaphore, #tpu.memory_space<semaphore_mem>>
      %dma_start3A_723 = tpu.memref_slice %arg2[%add3A] : memref<8192xi32, #tpu.memory_space<hbm>> -> memref<256xi32, #tpu.memory_space<hbm>>
      %dma_start3A_724 = tpu.memref_slice %arg2[%add3A] : memref<8192xi32, #tpu.memory_space<hbm>> -> memref<256xi32, #tpu.memory_space<hbm>>
      tpu.enqueue_dma source(%dma_start3A_724 : memref<256xi32, #tpu.memory_space<hbm>>) target(%arg9 : memref<256xi32, #tpu.memory_space<vmem>>) target_semaphore(%run_scoped3A_722 : memref<!tpu.dma_semaphore, #tpu.memory_space<semaphore_mem>>)
      %dma_wait3A_725 = tpu.memref_slice %arg2[%add3A] : memref<8192xi32, #tpu.memory_space<hbm>> -> memref<256xi32, #tpu.memory_space<hbm>>
      %dma_wait3A_726 = tpu.memref_slice %arg2[%add3A] : memref<8192xi32, #tpu.memory_space<hbm>> -> memref<256xi32, #tpu.memory_space<hbm>>
      tpu.wait_dma2 semaphore(%run_scoped3A_722 : memref<!tpu.dma_semaphore, #tpu.memory_space<semaphore_mem>>) src(%dma_wait3A_726 : memref<256xi32, #tpu.memory_space<hbm>>) dst(%arg9 : memref<256xi32, #tpu.memory_space<vmem>>)
      tpu.yield
    }) : () -> ()
    %get3A = arith.constant 0 : index
    %get3A_3 = tpu.vector_load %arg9[%get3A] {strides = array<i32>} : memref<256xi32, #tpu.memory_space<vmem>>, vector<16xi32>,
    %get3A_4 = vector.shape_cast %get3A_3 : vector<16xi32> to vector<16xi32>
    %swap3A = arith.constant 0 : i32
    %swap3A_5 = arith.constant 0 : i32
    %swap3A_6 = tpu.memref_slice %arg10[%swap3A, %swap3A_5] : memref<2x128xi32, #tpu.memory_space<vmem>> -> memref<1x128xi32, #tpu.memory_space<vmem>>
    %swap3A_7 = tpu.memref_squeeze %swap3A_6 : memref<1x128xi32, #tpu.memory_space<vmem>> -> memref<128xi32, #tpu.memory_space<vmem>>
    %swap3A_8 = arith.constant 0 : index
    %swap3A_9 = tpu.vector_load %swap3A_7[%swap3A_8] {strides = array<i32>} : memref<128xi32, #tpu.memory_space<vmem>>, vector<16xi32>,
    %swap3A_10 = vector.shape_cast %swap3A_9 : vector<16xi32> to vector<16xi32>
    %swap3A_11 = vector.shape_cast %get3A_4 : vector<16xi32> to vector<16xi32>
    tpu.vector_store %swap3A_7[%swap3A_8], %swap3A_11 {strides = array<i32>} : memref<128xi32, #tpu.memory_space<vmem>>, vector<16xi32>,
    %add3A_12 = arith.constant 8192 : i32
    %add3A_13 = arith.addi %add3A_12, %add3A : i32
    %add3A_14 = arith.constant 0 : i32
    %add3A_15 = arith.addi %add3A_13, %add3A_14 : i32
    %add3A_16 = arith.constant 0 : i32
    %add3A_17 = arith.addi %add3A_15, %add3A_16 : i32
    %iota3A = tpu.iota {dimensions = array<i32: 0>} : vector<16xi32>
    %add3A_18 = vector.broadcast %add3A_17 : i32 to vector<16xi32>
    %add3A_19 = arith.addi %add3A_18, %iota3A : vector<16xi32>
    %swap3A_20 = arith.constant 0 : i32
    %swap3A_21 = arith.constant 0 : i32
    %swap3A_22 = tpu.memref_slice %arg11[%swap3A_20, %swap3A_21] : memref<2x128xi32, #tpu.memory_space<vmem>> -> memref<1x128xi32, #tpu.memory_space<vmem>>
    %swap3A_23 = tpu.memref_squeeze %swap3A_22 : memref<1x128xi32, #tpu.memory_space<vmem>> -> memref<128xi32, #tpu.memory_space<vmem>>
    %swap3A_24 = arith.constant 0 : index
    %swap3A_25 = tpu.vector_load %swap3A_23[%swap3A_24] {strides = array<i32>} : memref<128xi32, #tpu.memory_space<vmem>>, vector<16xi32>,
    %swap3A_26 = vector.shape_cast %swap3A_25 : vector<16xi32> to vector<16xi32>
    %swap3A_27 = vector.shape_cast %add3A_19 : vector<16xi32> to vector<16xi32>
    tpu.vector_store %swap3A_23[%swap3A_24], %swap3A_27 {strides = array<i32>} : memref<128xi32, #tpu.memory_space<vmem>>, vector<16xi32>,
    %get3A_28 = arith.constant 16 : index
    %get3A_29 = tpu.vector_load %arg9[%get3A_28] {strides = array<i32>} : memref<256xi32, #tpu.memory_space<vmem>>, vector<16xi32>,
    %get3A_30 = vector.shape_cast %get3A_29 : vector<16xi32> to vector<16xi32>
    %swap3A_31 = arith.constant 0 : i32
    %swap3A_32 = arith.constant 0 : i32
    %swap3A_33 = tpu.memref_slice %arg10[%swap3A_31, %swap3A_32] : memref<2x128xi32, #tpu.memory_space<vmem>> -> memref<1x128xi32, #tpu.memory_space<vmem>>
    %swap3A_34 = tpu.memref_squeeze %swap3A_33 : memref<1x128xi32, #tpu.memory_space<vmem>> -> memref<128xi32, #tpu.memory_space<vmem>>
    %swap3A_35 = arith.constant 16 : index
    %swap3A_36 = tpu.vector_load %swap3A_34[%swap3A_35] {strides = array<i32>} : memref<128xi32, #tpu.memory_space<vmem>>, vector<16xi32>,
    %swap3A_37 = vector.shape_cast %swap3A_36 : vector<16xi32> to vector<16xi32>
    %swap3A_38 = vector.shape_cast %get3A_30 : vector<16xi32> to vector<16xi32>
    tpu.vector_store %swap3A_34[%swap3A_35], %swap3A_38 {strides = array<i32>} : memref<128xi32, #tpu.memory_space<vmem>>, vector<16xi32>,
    %add3A_39 = arith.constant 8192 : i32
    %add3A_40 = arith.addi %add3A_39, %add3A : i32
    %add3A_41 = arith.constant 0 : i32
    %add3A_42 = arith.addi %add3A_40, %add3A_41 : i32
    %add3A_43 = arith.constant 16 : i32
    %add3A_44 = arith.addi %add3A_42, %add3A_43 : i32
    %iota3A_45 = tpu.iota {dimensions = array<i32: 0>} : vector<16xi32>
    %add3A_46 = vector.broadcast %add3A_44 : i32 to vector<16xi32>
    %add3A_47 = arith.addi %add3A_46, %iota3A_45 : vector<16xi32>
    %swap3A_48 = arith.constant 0 : i32
    %swap3A_49 = arith.constant 0 : i32
    %swap3A_50 = tpu.memref_slice %arg11[%swap3A_48, %swap3A_49] : memref<2x128xi32, #tpu.memory_space<vmem>> -> memref<1x128xi32, #tpu.memory_space<vmem>>
    %swap3A_51 = tpu.memref_squeeze %swap3A_50 : memref<1x128xi32, #tpu.memory_space<vmem>> -> memref<128xi32, #tpu.memory_space<vmem>>
    %swap3A_52 = arith.constant 16 : index
    %swap3A_53 = tpu.vector_load %swap3A_51[%swap3A_52] {strides = array<i32>} : memref<128xi32, #tpu.memory_space<vmem>>, vector<16xi32>,
    %swap3A_54 = vector.shape_cast %swap3A_53 : vector<16xi32> to vector<16xi32>
    %swap3A_55 = vector.shape_cast %add3A_47 : vector<16xi32> to vector<16xi32>
    tpu.vector_store %swap3A_51[%swap3A_52], %swap3A_55 {strides = array<i32>} : memref<128xi32, #tpu.memory_space<vmem>>, vector<16xi32>,
    %get3A_56 = arith.constant 32 : index
    %get3A_57 = tpu.vector_load %arg9[%get3A_56] {strides = array<i32>} : memref<256xi32, #tpu.memory_space<vmem>>, vector<16xi32>,
    %get3A_58 = vector.shape_cast %get3A_57 : vector<16xi32> to vector<16xi32>
    %swap3A_59 = arith.constant 0 : i32
    %swap3A_60 = arith.constant 0 : i32
    %swap3A_61 = tpu.memref_slice %arg10[%swap3A_59, %swap3A_60] : memref<2x128xi32, #tpu.memory_space<vmem>> -> memref<1x128xi32, #tpu.memory_space<vmem>>
    %swap3A_62 = tpu.memref_squeeze %swap3A_61 : memref<1x128xi32, #tpu.memory_space<vmem>> -> memref<128xi32, #tpu.memory_space<vmem>>
    %swap3A_63 = arith.constant 32 : index
    %swap3A_64 = tpu.vector_load %swap3A_62[%swap3A_63] {strides = array<i32>} : memref<128xi32, #tpu.memory_space<vmem>>, vector<16xi32>,
    %swap3A_65 = vector.shape_cast %swap3A_64 : vector<16xi32> to vector<16xi32>
    %swap3A_66 = vector.shape_cast %get3A_58 : vector<16xi32> to vector<16xi32>
    tpu.vector_store %swap3A_62[%swap3A_63], %swap3A_66 {strides = array<i32>} : memref<128xi32, #tpu.memory_space<vmem>>, vector<16xi32>,
    %add3A_67 = arith.constant 8192 : i32
    %add3A_68 = arith.addi %add3A_67, %add3A : i32
    %add3A_69 = arith.constant 0 : i32
    %add3A_70 = arith.addi %add3A_68, %add3A_69 : i32
    %add3A_71 = arith.constant 32 : i32
    %add3A_72 = arith.addi %add3A_70, %add3A_71 : i32
    %iota3A_73 = tpu.iota {dimensions = array<i32: 0>} : vector<16xi32>
    %add3A_74 = vector.broadcast %add3A_72 : i32 to vector<16xi32>
    %add3A_75 = arith.addi %add3A_74, %iota3A_73 : vector<16xi32>
    %swap3A_76 = arith.constant 0 : i32
    %swap3A_77 = arith.constant 0 : i32
    %swap3A_78 = tpu.memref_slice %arg11[%swap3A_76, %swap3A_77] : memref<2x128xi32, #tpu.memory_space<vmem>> -> memref<1x128xi32, #tpu.memory_space<vmem>>
    %swap3A_79 = tpu.memref_squeeze %swap3A_78 : memref<1x128xi32, #tpu.memory_space<vmem>> -> memref<128xi32, #tpu.memory_space<vmem>>
    %swap3A_80 = arith.constant 32 : index
    %swap3A_81 = tpu.vector_load %swap3A_79[%swap3A_80] {strides = array<i32>} : memref<128xi32, #tpu.memory_space<vmem>>, vector<16xi32>,
    %swap3A_82 = vector.shape_cast %swap3A_81 : vector<16xi32> to vector<16xi32>
    %swap3A_83 = vector.shape_cast %add3A_75 : vector<16xi32> to vector<16xi32>
    tpu.vector_store %swap3A_79[%swap3A_80], %swap3A_83 {strides = array<i32>} : memref<128xi32, #tpu.memory_space<vmem>>, vector<16xi32>,
    %get3A_84 = arith.constant 48 : index
    %get3A_85 = tpu.vector_load %arg9[%get3A_84] {strides = array<i32>} : memref<256xi32, #tpu.memory_space<vmem>>, vector<16xi32>,
    %get3A_86 = vector.shape_cast %get3A_85 : vector<16xi32> to vector<16xi32>
    %swap3A_87 = arith.constant 0 : i32
    %swap3A_88 = arith.constant 0 : i32
    %swap3A_89 = tpu.memref_slice %arg10[%swap3A_87, %swap3A_88] : memref<2x128xi32, #tpu.memory_space<vmem>> -> memref<1x128xi32, #tpu.memory_space<vmem>>
    %swap3A_90 = tpu.memref_squeeze %swap3A_89 : memref<1x128xi32, #tpu.memory_space<vmem>> -> memref<128xi32, #tpu.memory_space<vmem>>
    %swap3A_91 = arith.constant 48 : index
    %swap3A_92 = tpu.vector_load %swap3A_90[%swap3A_91] {strides = array<i32>} : memref<128xi32, #tpu.memory_space<vmem>>, vector<16xi32>,
    %swap3A_93 = vector.shape_cast %swap3A_92 : vector<16xi32> to vector<16xi32>
    %swap3A_94 = vector.shape_cast %get3A_86 : vector<16xi32> to vector<16xi32>
    tpu.vector_store %swap3A_90[%swap3A_91], %swap3A_94 {strides = array<i32>} : memref<128xi32, #tpu.memory_space<vmem>>, vector<16xi32>,
    %add3A_95 = arith.constant 8192 : i32
    %add3A_96 = arith.addi %add3A_95, %add3A : i32
    %add3A_97 = arith.constant 0 : i32
    %add3A_98 = arith.addi %add3A_96, %add3A_97 : i32
    %add3A_99 = arith.constant 48 : i32
    %add3A_100 = arith.addi %add3A_98, %add3A_99 : i32
    %iota3A_101 = tpu.iota {dimensions = array<i32: 0>} : vector<16xi32>
    %add3A_102 = vector.broadcast %add3A_100 : i32 to vector<16xi32>
    %add3A_103 = arith.addi %add3A_102, %iota3A_101 : vector<16xi32>
    %swap3A_104 = arith.constant 0 : i32
    %swap3A_105 = arith.constant 0 : i32
    %swap3A_106 = tpu.memref_slice %arg11[%swap3A_104, %swap3A_105] : memref<2x128xi32, #tpu.memory_space<vmem>> -> memref<1x128xi32, #tpu.memory_space<vmem>>
    %swap3A_107 = tpu.memref_squeeze %swap3A_106 : memref<1x128xi32, #tpu.memory_space<vmem>> -> memref<128xi32, #tpu.memory_space<vmem>>
    %swap3A_108 = arith.constant 48 : index
    %swap3A_109 = tpu.vector_load %swap3A_107[%swap3A_108] {strides = array<i32>} : memref<128xi32, #tpu.memory_space<vmem>>, vector<16xi32>,
    %swap3A_110 = vector.shape_cast %swap3A_109 : vector<16xi32> to vector<16xi32>
    %swap3A_111 = vector.shape_cast %add3A_103 : vector<16xi32> to vector<16xi32>
    tpu.vector_store %swap3A_107[%swap3A_108], %swap3A_111 {strides = array<i32>} : memref<128xi32, #tpu.memory_space<vmem>>, vector<16xi32>,
    %get3A_112 = arith.constant 64 : index
    %get3A_113 = tpu.vector_load %arg9[%get3A_112] {strides = array<i32>} : memref<256xi32, #tpu.memory_space<vmem>>, vector<16xi32>,
    %get3A_114 = vector.shape_cast %get3A_113 : vector<16xi32> to vector<16xi32>
    %swap3A_115 = arith.constant 0 : i32
    %swap3A_116 = arith.constant 0 : i32
    %swap3A_117 = tpu.memref_slice %arg10[%swap3A_115, %swap3A_116] : memref<2x128xi32, #tpu.memory_space<vmem>> -> memref<1x128xi32, #tpu.memory_space<vmem>>
    %swap3A_118 = tpu.memref_squeeze %swap3A_117 : memref<1x128xi32, #tpu.memory_space<vmem>> -> memref<128xi32, #tpu.memory_space<vmem>>
    %swap3A_119 = arith.constant 64 : index
    %swap3A_120 = tpu.vector_load %swap3A_118[%swap3A_119] {strides = array<i32>} : memref<128xi32, #tpu.memory_space<vmem>>, vector<16xi32>,
    %swap3A_121 = vector.shape_cast %swap3A_120 : vector<16xi32> to vector<16xi32>
    %swap3A_122 = vector.shape_cast %get3A_114 : vector<16xi32> to vector<16xi32>
    tpu.vector_store %swap3A_118[%swap3A_119], %swap3A_122 {strides = array<i32>} : memref<128xi32, #tpu.memory_space<vmem>>, vector<16xi32>,
    %add3A_123 = arith.constant 8192 : i32
    %add3A_124 = arith.addi %add3A_123, %add3A : i32
    %add3A_125 = arith.constant 0 : i32
    %add3A_126 = arith.addi %add3A_124, %add3A_125 : i32
    %add3A_127 = arith.constant 64 : i32
    %add3A_128 = arith.addi %add3A_126, %add3A_127 : i32
    %iota3A_129 = tpu.iota {dimensions = array<i32: 0>} : vector<16xi32>
    %add3A_130 = vector.broadcast %add3A_128 : i32 to vector<16xi32>
    %add3A_131 = arith.addi %add3A_130, %iota3A_129 : vector<16xi32>
    %swap3A_132 = arith.constant 0 : i32
    %swap3A_133 = arith.constant 0 : i32
    %swap3A_134 = tpu.memref_slice %arg11[%swap3A_132, %swap3A_133] : memref<2x128xi32, #tpu.memory_space<vmem>> -> memref<1x128xi32, #tpu.memory_space<vmem>>
    %swap3A_135 = tpu.memref_squeeze %swap3A_134 : memref<1x128xi32, #tpu.memory_space<vmem>> -> memref<128xi32, #tpu.memory_space<vmem>>
    %swap3A_136 = arith.constant 64 : index
    %swap3A_137 = tpu.vector_load %swap3A_135[%swap3A_136] {strides = array<i32>} : memref<128xi32, #tpu.memory_space<vmem>>, vector<16xi32>,
    %swap3A_138 = vector.shape_cast %swap3A_137 : vector<16xi32> to vector<16xi32>
    %swap3A_139 = vector.shape_cast %add3A_131 : vector<16xi32> to vector<16xi32>
    tpu.vector_store %swap3A_135[%swap3A_136], %swap3A_139 {strides = array<i32>} : memref<128xi32, #tpu.memory_space<vmem>>, vector<16xi32>,
    %get3A_140 = arith.constant 80 : index
    %get3A_141 = tpu.vector_load %arg9[%get3A_140] {strides = array<i32>} : memref<256xi32, #tpu.memory_space<vmem>>, vector<16xi32>,
    %get3A_142 = vector.shape_cast %get3A_141 : vector<16xi32> to vector<16xi32>
    %swap3A_143 = arith.constant 0 : i32
    %swap3A_144 = arith.constant 0 : i32
    %swap3A_145 = tpu.memref_slice %arg10[%swap3A_143, %swap3A_144] : memref<2x128xi32, #tpu.memory_space<vmem>> -> memref<1x128xi32, #tpu.memory_space<vmem>>
    %swap3A_146 = tpu.memref_squeeze %swap3A_145 : memref<1x128xi32, #tpu.memory_space<vmem>> -> memref<128xi32, #tpu.memory_space<vmem>>
    %swap3A_147 = arith.constant 80 : index
    %swap3A_148 = tpu.vector_load %swap3A_146[%swap3A_147] {strides = array<i32>} : memref<128xi32, #tpu.memory_space<vmem>>, vector<16xi32>,
    %swap3A_149 = vector.shape_cast %swap3A_148 : vector<16xi32> to vector<16xi32>
    %swap3A_150 = vector.shape_cast %get3A_142 : vector<16xi32> to vector<16xi32>
    tpu.vector_store %swap3A_146[%swap3A_147], %swap3A_150 {strides = array<i32>} : memref<128xi32, #tpu.memory_space<vmem>>, vector<16xi32>,
    %add3A_151 = arith.constant 8192 : i32
    %add3A_152 = arith.addi %add3A_151, %add3A : i32
    %add3A_153 = arith.constant 0 : i32
    %add3A_154 = arith.addi %add3A_152, %add3A_153 : i32
    %add3A_155 = arith.constant 80 : i32
    %add3A_156 = arith.addi %add3A_154, %add3A_155 : i32
    %iota3A_157 = tpu.iota {dimensions = array<i32: 0>} : vector<16xi32>
    %add3A_158 = vector.broadcast %add3A_156 : i32 to vector<16xi32>
    %add3A_159 = arith.addi %add3A_158, %iota3A_157 : vector<16xi32>
    %swap3A_160 = arith.constant 0 : i32
    %swap3A_161 = arith.constant 0 : i32
    %swap3A_162 = tpu.memref_slice %arg11[%swap3A_160, %swap3A_161] : memref<2x128xi32, #tpu.memory_space<vmem>> -> memref<1x128xi32, #tpu.memory_space<vmem>>
    %swap3A_163 = tpu.memref_squeeze %swap3A_162 : memref<1x128xi32, #tpu.memory_space<vmem>> -> memref<128xi32, #tpu.memory_space<vmem>>
    %swap3A_164 = arith.constant 80 : index
    %swap3A_165 = tpu.vector_load %swap3A_163[%swap3A_164] {strides = array<i32>} : memref<128xi32, #tpu.memory_space<vmem>>, vector<16xi32>,
    %swap3A_166 = vector.shape_cast %swap3A_165 : vector<16xi32> to vector<16xi32>
    %swap3A_167 = vector.shape_cast %add3A_159 : vector<16xi32> to vector<16xi32>
    tpu.vector_store %swap3A_163[%swap3A_164], %swap3A_167 {strides = array<i32>} : memref<128xi32, #tpu.memory_space<vmem>>, vector<16xi32>,
    %get3A_168 = arith.constant 96 : index
    %get3A_169 = tpu.vector_load %arg9[%get3A_168] {strides = array<i32>} : memref<256xi32, #tpu.memory_space<vmem>>, vector<16xi32>,
    %get3A_170 = vector.shape_cast %get3A_169 : vector<16xi32> to vector<16xi32>
    %swap3A_171 = arith.constant 0 : i32
    %swap3A_172 = arith.constant 0 : i32
    %swap3A_173 = tpu.memref_slice %arg10[%swap3A_171, %swap3A_172] : memref<2x128xi32, #tpu.memory_space<vmem>> -> memref<1x128xi32, #tpu.memory_space<vmem>>
    %swap3A_174 = tpu.memref_squeeze %swap3A_173 : memref<1x128xi32, #tpu.memory_space<vmem>> -> memref<128xi32, #tpu.memory_space<vmem>>
    %swap3A_175 = arith.constant 96 : index
    %swap3A_176 = tpu.vector_load %swap3A_174[%swap3A_175] {strides = array<i32>} : memref<128xi32, #tpu.memory_space<vmem>>, vector<16xi32>,
    %swap3A_177 = vector.shape_cast %swap3A_176 : vector<16xi32> to vector<16xi32>
    %swap3A_178 = vector.shape_cast %get3A_170 : vector<16xi32> to vector<16xi32>
    tpu.vector_store %swap3A_174[%swap3A_175], %swap3A_178 {strides = array<i32>} : memref<128xi32, #tpu.memory_space<vmem>>, vector<16xi32>,
    %add3A_179 = arith.constant 8192 : i32
    %add3A_180 = arith.addi %add3A_179, %add3A : i32
    %add3A_181 = arith.constant 0 : i32
    %add3A_182 = arith.addi %add3A_180, %add3A_181 : i32
    %add3A_183 = arith.constant 96 : i32
    %add3A_184 = arith.addi %add3A_182, %add3A_183 : i32
    %iota3A_185 = tpu.iota {dimensions = array<i32: 0>} : vector<16xi32>
    %add3A_186 = vector.broadcast %add3A_184 : i32 to vector<16xi32>
    %add3A_187 = arith.addi %add3A_186, %iota3A_185 : vector<16xi32>
    %swap3A_188 = arith.constant 0 : i32
    %swap3A_189 = arith.constant 0 : i32
    %swap3A_190 = tpu.memref_slice %arg11[%swap3A_188, %swap3A_189] : memref<2x128xi32, #tpu.memory_space<vmem>> -> memref<1x128xi32, #tpu.memory_space<vmem>>
    %swap3A_191 = tpu.memref_squeeze %swap3A_190 : memref<1x128xi32, #tpu.memory_space<vmem>> -> memref<128xi32, #tpu.memory_space<vmem>>
    %swap3A_192 = arith.constant 96 : index
    %swap3A_193 = tpu.vector_load %swap3A_191[%swap3A_192] {strides = array<i32>} : memref<128xi32, #tpu.memory_space<vmem>>, vector<16xi32>,
    %swap3A_194 = vector.shape_cast %swap3A_193 : vector<16xi32> to vector<16xi32>
    %swap3A_195 = vector.shape_cast %add3A_187 : vector<16xi32> to vector<16xi32>
    tpu.vector_store %swap3A_191[%swap3A_192], %swap3A_195 {strides = array<i32>} : memref<128xi32, #tpu.memory_space<vmem>>, vector<16xi32>,
    %get3A_196 = arith.constant 112 : index
    %get3A_197 = tpu.vector_load %arg9[%get3A_196] {strides = array<i32>} : memref<256xi32, #tpu.memory_space<vmem>>, vector<16xi32>,
    %get3A_198 = vector.shape_cast %get3A_197 : vector<16xi32> to vector<16xi32>
    %swap3A_199 = arith.constant 0 : i32
    %swap3A_200 = arith.constant 0 : i32
    %swap3A_201 = tpu.memref_slice %arg10[%swap3A_199, %swap3A_200] : memref<2x128xi32, #tpu.memory_space<vmem>> -> memref<1x128xi32, #tpu.memory_space<vmem>>
    %swap3A_202 = tpu.memref_squeeze %swap3A_201 : memref<1x128xi32, #tpu.memory_space<vmem>> -> memref<128xi32, #tpu.memory_space<vmem>>
    %swap3A_203 = arith.constant 112 : index
    %swap3A_204 = tpu.vector_load %swap3A_202[%swap3A_203] {strides = array<i32>} : memref<128xi32, #tpu.memory_space<vmem>>, vector<16xi32>,
    %swap3A_205 = vector.shape_cast %swap3A_204 : vector<16xi32> to vector<16xi32>
    %swap3A_206 = vector.shape_cast %get3A_198 : vector<16xi32> to vector<16xi32>
    tpu.vector_store %swap3A_202[%swap3A_203], %swap3A_206 {strides = array<i32>} : memref<128xi32, #tpu.memory_space<vmem>>, vector<16xi32>,
    %add3A_207 = arith.constant 8192 : i32
    %add3A_208 = arith.addi %add3A_207, %add3A : i32
    %add3A_209 = arith.constant 0 : i32
    %add3A_210 = arith.addi %add3A_208, %add3A_209 : i32
    %add3A_211 = arith.constant 112 : i32
    %add3A_212 = arith.addi %add3A_210, %add3A_211 : i32
    %iota3A_213 = tpu.iota {dimensions = array<i32: 0>} : vector<16xi32>
    %add3A_214 = vector.broadcast %add3A_212 : i32 to vector<16xi32>
    %add3A_215 = arith.addi %add3A_214, %iota3A_213 : vector<16xi32>
    %swap3A_216 = arith.constant 0 : i32
    %swap3A_217 = arith.constant 0 : i32
    %swap3A_218 = tpu.memref_slice %arg11[%swap3A_216, %swap3A_217] : memref<2x128xi32, #tpu.memory_space<vmem>> -> memref<1x128xi32, #tpu.memory_space<vmem>>
    %swap3A_219 = tpu.memref_squeeze %swap3A_218 : memref<1x128xi32, #tpu.memory_space<vmem>> -> memref<128xi32, #tpu.memory_space<vmem>>
    %swap3A_220 = arith.constant 112 : index
    %swap3A_221 = tpu.vector_load %swap3A_219[%swap3A_220] {strides = array<i32>} : memref<128xi32, #tpu.memory_space<vmem>>, vector<16xi32>,
    %swap3A_222 = vector.shape_cast %swap3A_221 : vector<16xi32> to vector<16xi32>
    %swap3A_223 = vector.shape_cast %add3A_215 : vector<16xi32> to vector<16xi32>
    tpu.vector_store %swap3A_219[%swap3A_220], %swap3A_223 {strides = array<i32>} : memref<128xi32, #tpu.memory_space<vmem>>, vector<16xi32>,
    %get3A_224 = arith.constant 128 : index
    %get3A_225 = tpu.vector_load %arg9[%get3A_224] {strides = array<i32>} : memref<256xi32, #tpu.memory_space<vmem>>, vector<16xi32>,
    %get3A_226 = vector.shape_cast %get3A_225 : vector<16xi32> to vector<16xi32>
    %swap3A_227 = arith.constant 1 : i32
    %swap3A_228 = arith.constant 0 : i32
    %swap3A_229 = tpu.memref_slice %arg10[%swap3A_227, %swap3A_228] : memref<2x128xi32, #tpu.memory_space<vmem>> -> memref<1x128xi32, #tpu.memory_space<vmem>>
    %swap3A_230 = tpu.memref_squeeze %swap3A_229 : memref<1x128xi32, #tpu.memory_space<vmem>> -> memref<128xi32, #tpu.memory_space<vmem>>
    %swap3A_231 = arith.constant 0 : index
    %swap3A_232 = tpu.vector_load %swap3A_230[%swap3A_231] {strides = array<i32>} : memref<128xi32, #tpu.memory_space<vmem>>, vector<16xi32>,
    %swap3A_233 = vector.shape_cast %swap3A_232 : vector<16xi32> to vector<16xi32>
    %swap3A_234 = vector.shape_cast %get3A_226 : vector<16xi32> to vector<16xi32>
    tpu.vector_store %swap3A_230[%swap3A_231], %swap3A_234 {strides = array<i32>} : memref<128xi32, #tpu.memory_space<vmem>>, vector<16xi32>,
    %add3A_235 = arith.constant 8192 : i32
    %add3A_236 = arith.addi %add3A_235, %add3A : i32
    %add3A_237 = arith.constant 128 : i32
    %add3A_238 = arith.addi %add3A_236, %add3A_237 : i32
    %add3A_239 = arith.constant 0 : i32
    %add3A_240 = arith.addi %add3A_238, %add3A_239 : i32
    %iota3A_241 = tpu.iota {dimensions = array<i32: 0>} : vector<16xi32>
    %add3A_242 = vector.broadcast %add3A_240 : i32 to vector<16xi32>
    %add3A_243 = arith.addi %add3A_242, %iota3A_241 : vector<16xi32>
    %swap3A_244 = arith.constant 1 : i32
    %swap3A_245 = arith.constant 0 : i32
    %swap3A_246 = tpu.memref_slice %arg11[%swap3A_244, %swap3A_245] : memref<2x128xi32, #tpu.memory_space<vmem>> -> memref<1x128xi32, #tpu.memory_space<vmem>>
    %swap3A_247 = tpu.memref_squeeze %swap3A_246 : memref<1x128xi32, #tpu.memory_space<vmem>> -> memref<128xi32, #tpu.memory_space<vmem>>
    %swap3A_248 = arith.constant 0 : index
    %swap3A_249 = tpu.vector_load %swap3A_247[%swap3A_248] {strides = array<i32>} : memref<128xi32, #tpu.memory_space<vmem>>, vector<16xi32>,
    %swap3A_250 = vector.shape_cast %swap3A_249 : vector<16xi32> to vector<16xi32>
    %swap3A_251 = vector.shape_cast %add3A_243 : vector<16xi32> to vector<16xi32>
    tpu.vector_store %swap3A_247[%swap3A_248], %swap3A_251 {strides = array<i32>} : memref<128xi32, #tpu.memory_space<vmem>>, vector<16xi32>,
    %get3A_252 = arith.constant 144 : index
    %get3A_253 = tpu.vector_load %arg9[%get3A_252] {strides = array<i32>} : memref<256xi32, #tpu.memory_space<vmem>>, vector<16xi32>,
    %get3A_254 = vector.shape_cast %get3A_253 : vector<16xi32> to vector<16xi32>
    %swap3A_255 = arith.constant 1 : i32
    %swap3A_256 = arith.constant 0 : i32
    %swap3A_257 = tpu.memref_slice %arg10[%swap3A_255, %swap3A_256] : memref<2x128xi32, #tpu.memory_space<vmem>> -> memref<1x128xi32, #tpu.memory_space<vmem>>
    %swap3A_258 = tpu.memref_squeeze %swap3A_257 : memref<1x128xi32, #tpu.memory_space<vmem>> -> memref<128xi32, #tpu.memory_space<vmem>>
    %swap3A_259 = arith.constant 16 : index
    %swap3A_260 = tpu.vector_load %swap3A_258[%swap3A_259] {strides = array<i32>} : memref<128xi32, #tpu.memory_space<vmem>>, vector<16xi32>,
    %swap3A_261 = vector.shape_cast %swap3A_260 : vector<16xi32> to vector<16xi32>
    %swap3A_262 = vector.shape_cast %get3A_254 : vector<16xi32> to vector<16xi32>
    tpu.vector_store %swap3A_258[%swap3A_259], %swap3A_262 {strides = array<i32>} : memref<128xi32, #tpu.memory_space<vmem>>, vector<16xi32>,
    %add3A_263 = arith.constant 8192 : i32
    %add3A_264 = arith.addi %add3A_263, %add3A : i32
    %add3A_265 = arith.constant 128 : i32
    %add3A_266 = arith.addi %add3A_264, %add3A_265 : i32
    %add3A_267 = arith.constant 16 : i32
    %add3A_268 = arith.addi %add3A_266, %add3A_267 : i32
    %iota3A_269 = tpu.iota {dimensions = array<i32: 0>} : vector<16xi32>
    %add3A_270 = vector.broadcast %add3A_268 : i32 to vector<16xi32>
    %add3A_271 = arith.addi %add3A_270, %iota3A_269 : vector<16xi32>
    %swap3A_272 = arith.constant 1 : i32
    %swap3A_273 = arith.constant 0 : i32
    %swap3A_274 = tpu.memref_slice %arg11[%swap3A_272, %swap3A_273] : memref<2x128xi32, #tpu.memory_space<vmem>> -> memref<1x128xi32, #tpu.memory_space<vmem>>
    %swap3A_275 = tpu.memref_squeeze %swap3A_274 : memref<1x128xi32, #tpu.memory_space<vmem>> -> memref<128xi32, #tpu.memory_space<vmem>>
    %swap3A_276 = arith.constant 16 : index
    %swap3A_277 = tpu.vector_load %swap3A_275[%swap3A_276] {strides = array<i32>} : memref<128xi32, #tpu.memory_space<vmem>>, vector<16xi32>,
    %swap3A_278 = vector.shape_cast %swap3A_277 : vector<16xi32> to vector<16xi32>
    %swap3A_279 = vector.shape_cast %add3A_271 : vector<16xi32> to vector<16xi32>
    tpu.vector_store %swap3A_275[%swap3A_276], %swap3A_279 {strides = array<i32>} : memref<128xi32, #tpu.memory_space<vmem>>, vector<16xi32>,
    %get3A_280 = arith.constant 160 : index
    %get3A_281 = tpu.vector_load %arg9[%get3A_280] {strides = array<i32>} : memref<256xi32, #tpu.memory_space<vmem>>, vector<16xi32>,
    %get3A_282 = vector.shape_cast %get3A_281 : vector<16xi32> to vector<16xi32>
    %swap3A_283 = arith.constant 1 : i32
    %swap3A_284 = arith.constant 0 : i32
    %swap3A_285 = tpu.memref_slice %arg10[%swap3A_283, %swap3A_284] : memref<2x128xi32, #tpu.memory_space<vmem>> -> memref<1x128xi32, #tpu.memory_space<vmem>>
    %swap3A_286 = tpu.memref_squeeze %swap3A_285 : memref<1x128xi32, #tpu.memory_space<vmem>> -> memref<128xi32, #tpu.memory_space<vmem>>
    %swap3A_287 = arith.constant 32 : index
    %swap3A_288 = tpu.vector_load %swap3A_286[%swap3A_287] {strides = array<i32>} : memref<128xi32, #tpu.memory_space<vmem>>, vector<16xi32>,
    %swap3A_289 = vector.shape_cast %swap3A_288 : vector<16xi32> to vector<16xi32>
    %swap3A_290 = vector.shape_cast %get3A_282 : vector<16xi32> to vector<16xi32>
    tpu.vector_store %swap3A_286[%swap3A_287], %swap3A_290 {strides = array<i32>} : memref<128xi32, #tpu.memory_space<vmem>>, vector<16xi32>,
    %add3A_291 = arith.constant 8192 : i32
    %add3A_292 = arith.addi %add3A_291, %add3A : i32
    %add3A_293 = arith.constant 128 : i32
    %add3A_294 = arith.addi %add3A_292, %add3A_293 : i32
    %add3A_295 = arith.constant 32 : i32
    %add3A_296 = arith.addi %add3A_294, %add3A_295 : i32
    %iota3A_297 = tpu.iota {dimensions = array<i32: 0>} : vector<16xi32>
    %add3A_298 = vector.broadcast %add3A_296 : i32 to vector<16xi32>
    %add3A_299 = arith.addi %add3A_298, %iota3A_297 : vector<16xi32>
    %swap3A_300 = arith.constant 1 : i32
    %swap3A_301 = arith.constant 0 : i32
    %swap3A_302 = tpu.memref_slice %arg11[%swap3A_300, %swap3A_301] : memref<2x128xi32, #tpu.memory_space<vmem>> -> memref<1x128xi32, #tpu.memory_space<vmem>>
    %swap3A_303 = tpu.memref_squeeze %swap3A_302 : memref<1x128xi32, #tpu.memory_space<vmem>> -> memref<128xi32, #tpu.memory_space<vmem>>
    %swap3A_304 = arith.constant 32 : index
    %swap3A_305 = tpu.vector_load %swap3A_303[%swap3A_304] {strides = array<i32>} : memref<128xi32, #tpu.memory_space<vmem>>, vector<16xi32>,
    %swap3A_306 = vector.shape_cast %swap3A_305 : vector<16xi32> to vector<16xi32>
    %swap3A_307 = vector.shape_cast %add3A_299 : vector<16xi32> to vector<16xi32>
    tpu.vector_store %swap3A_303[%swap3A_304], %swap3A_307 {strides = array<i32>} : memref<128xi32, #tpu.memory_space<vmem>>, vector<16xi32>,
    %get3A_308 = arith.constant 176 : index
    %get3A_309 = tpu.vector_load %arg9[%get3A_308] {strides = array<i32>} : memref<256xi32, #tpu.memory_space<vmem>>, vector<16xi32>,
    %get3A_310 = vector.shape_cast %get3A_309 : vector<16xi32> to vector<16xi32>
    %swap3A_311 = arith.constant 1 : i32
    %swap3A_312 = arith.constant 0 : i32
    %swap3A_313 = tpu.memref_slice %arg10[%swap3A_311, %swap3A_312] : memref<2x128xi32, #tpu.memory_space<vmem>> -> memref<1x128xi32, #tpu.memory_space<vmem>>
    %swap3A_314 = tpu.memref_squeeze %swap3A_313 : memref<1x128xi32, #tpu.memory_space<vmem>> -> memref<128xi32, #tpu.memory_space<vmem>>
    %swap3A_315 = arith.constant 48 : index
    %swap3A_316 = tpu.vector_load %swap3A_314[%swap3A_315] {strides = array<i32>} : memref<128xi32, #tpu.memory_space<vmem>>, vector<16xi32>,
    %swap3A_317 = vector.shape_cast %swap3A_316 : vector<16xi32> to vector<16xi32>
    %swap3A_318 = vector.shape_cast %get3A_310 : vector<16xi32> to vector<16xi32>
    tpu.vector_store %swap3A_314[%swap3A_315], %swap3A_318 {strides = array<i32>} : memref<128xi32, #tpu.memory_space<vmem>>, vector<16xi32>,
    %add3A_319 = arith.constant 8192 : i32
    %add3A_320 = arith.addi %add3A_319, %add3A : i32
    %add3A_321 = arith.constant 128 : i32
    %add3A_322 = arith.addi %add3A_320, %add3A_321 : i32
    %add3A_323 = arith.constant 48 : i32
    %add3A_324 = arith.addi %add3A_322, %add3A_323 : i32
    %iota3A_325 = tpu.iota {dimensions = array<i32: 0>} : vector<16xi32>
    %add3A_326 = vector.broadcast %add3A_324 : i32 to vector<16xi32>
    %add3A_327 = arith.addi %add3A_326, %iota3A_325 : vector<16xi32>
    %swap3A_328 = arith.constant 1 : i32
    %swap3A_329 = arith.constant 0 : i32
    %swap3A_330 = tpu.memref_slice %arg11[%swap3A_328, %swap3A_329] : memref<2x128xi32, #tpu.memory_space<vmem>> -> memref<1x128xi32, #tpu.memory_space<vmem>>
    %swap3A_331 = tpu.memref_squeeze %swap3A_330 : memref<1x128xi32, #tpu.memory_space<vmem>> -> memref<128xi32, #tpu.memory_space<vmem>>
    %swap3A_332 = arith.constant 48 : index
    %swap3A_333 = tpu.vector_load %swap3A_331[%swap3A_332] {strides = array<i32>} : memref<128xi32, #tpu.memory_space<vmem>>, vector<16xi32>,
    %swap3A_334 = vector.shape_cast %swap3A_333 : vector<16xi32> to vector<16xi32>
    %swap3A_335 = vector.shape_cast %add3A_327 : vector<16xi32> to vector<16xi32>
    tpu.vector_store %swap3A_331[%swap3A_332], %swap3A_335 {strides = array<i32>} : memref<128xi32, #tpu.memory_space<vmem>>, vector<16xi32>,
    %get3A_336 = arith.constant 192 : index
    %get3A_337 = tpu.vector_load %arg9[%get3A_336] {strides = array<i32>} : memref<256xi32, #tpu.memory_space<vmem>>, vector<16xi32>,
    %get3A_338 = vector.shape_cast %get3A_337 : vector<16xi32> to vector<16xi32>
    %swap3A_339 = arith.constant 1 : i32
    %swap3A_340 = arith.constant 0 : i32
    %swap3A_341 = tpu.memref_slice %arg10[%swap3A_339, %swap3A_340] : memref<2x128xi32, #tpu.memory_space<vmem>> -> memref<1x128xi32, #tpu.memory_space<vmem>>
    %swap3A_342 = tpu.memref_squeeze %swap3A_341 : memref<1x128xi32, #tpu.memory_space<vmem>> -> memref<128xi32, #tpu.memory_space<vmem>>
    %swap3A_343 = arith.constant 64 : index
    %swap3A_344 = tpu.vector_load %swap3A_342[%swap3A_343] {strides = array<i32>} : memref<128xi32, #tpu.memory_space<vmem>>, vector<16xi32>,
    %swap3A_345 = vector.shape_cast %swap3A_344 : vector<16xi32> to vector<16xi32>
    %swap3A_346 = vector.shape_cast %get3A_338 : vector<16xi32> to vector<16xi32>
    tpu.vector_store %swap3A_342[%swap3A_343], %swap3A_346 {strides = array<i32>} : memref<128xi32, #tpu.memory_space<vmem>>, vector<16xi32>,
    %add3A_347 = arith.constant 8192 : i32
    %add3A_348 = arith.addi %add3A_347, %add3A : i32
    %add3A_349 = arith.constant 128 : i32
    %add3A_350 = arith.addi %add3A_348, %add3A_349 : i32
    %add3A_351 = arith.constant 64 : i32
    %add3A_352 = arith.addi %add3A_350, %add3A_351 : i32
    %iota3A_353 = tpu.iota {dimensions = array<i32: 0>} : vector<16xi32>
    %add3A_354 = vector.broadcast %add3A_352 : i32 to vector<16xi32>
    %add3A_355 = arith.addi %add3A_354, %iota3A_353 : vector<16xi32>
    %swap3A_356 = arith.constant 1 : i32
    %swap3A_357 = arith.constant 0 : i32
    %swap3A_358 = tpu.memref_slice %arg11[%swap3A_356, %swap3A_357] : memref<2x128xi32, #tpu.memory_space<vmem>> -> memref<1x128xi32, #tpu.memory_space<vmem>>
    %swap3A_359 = tpu.memref_squeeze %swap3A_358 : memref<1x128xi32, #tpu.memory_space<vmem>> -> memref<128xi32, #tpu.memory_space<vmem>>
    %swap3A_360 = arith.constant 64 : index
    %swap3A_361 = tpu.vector_load %swap3A_359[%swap3A_360] {strides = array<i32>} : memref<128xi32, #tpu.memory_space<vmem>>, vector<16xi32>,
    %swap3A_362 = vector.shape_cast %swap3A_361 : vector<16xi32> to vector<16xi32>
    %swap3A_363 = vector.shape_cast %add3A_355 : vector<16xi32> to vector<16xi32>
    tpu.vector_store %swap3A_359[%swap3A_360], %swap3A_363 {strides = array<i32>} : memref<128xi32, #tpu.memory_space<vmem>>, vector<16xi32>,
    %get3A_364 = arith.constant 208 : index
    %get3A_365 = tpu.vector_load %arg9[%get3A_364] {strides = array<i32>} : memref<256xi32, #tpu.memory_space<vmem>>, vector<16xi32>,
    %get3A_366 = vector.shape_cast %get3A_365 : vector<16xi32> to vector<16xi32>
    %swap3A_367 = arith.constant 1 : i32
    %swap3A_368 = arith.constant 0 : i32
    %swap3A_369 = tpu.memref_slice %arg10[%swap3A_367, %swap3A_368] : memref<2x128xi32, #tpu.memory_space<vmem>> -> memref<1x128xi32, #tpu.memory_space<vmem>>
    %swap3A_370 = tpu.memref_squeeze %swap3A_369 : memref<1x128xi32, #tpu.memory_space<vmem>> -> memref<128xi32, #tpu.memory_space<vmem>>
    %swap3A_371 = arith.constant 80 : index
    %swap3A_372 = tpu.vector_load %swap3A_370[%swap3A_371] {strides = array<i32>} : memref<128xi32, #tpu.memory_space<vmem>>, vector<16xi32>,
    %swap3A_373 = vector.shape_cast %swap3A_372 : vector<16xi32> to vector<16xi32>
    %swap3A_374 = vector.shape_cast %get3A_366 : vector<16xi32> to vector<16xi32>
    tpu.vector_store %swap3A_370[%swap3A_371], %swap3A_374 {strides = array<i32>} : memref<128xi32, #tpu.memory_space<vmem>>, vector<16xi32>,
    %add3A_375 = arith.constant 8192 : i32
    %add3A_376 = arith.addi %add3A_375, %add3A : i32
    %add3A_377 = arith.constant 128 : i32
    %add3A_378 = arith.addi %add3A_376, %add3A_377 : i32
    %add3A_379 = arith.constant 80 : i32
    %add3A_380 = arith.addi %add3A_378, %add3A_379 : i32
    %iota3A_381 = tpu.iota {dimensions = array<i32: 0>} : vector<16xi32>
    %add3A_382 = vector.broadcast %add3A_380 : i32 to vector<16xi32>
    %add3A_383 = arith.addi %add3A_382, %iota3A_381 : vector<16xi32>
    %swap3A_384 = arith.constant 1 : i32
    %swap3A_385 = arith.constant 0 : i32
    %swap3A_386 = tpu.memref_slice %arg11[%swap3A_384, %swap3A_385] : memref<2x128xi32, #tpu.memory_space<vmem>> -> memref<1x128xi32, #tpu.memory_space<vmem>>
    %swap3A_387 = tpu.memref_squeeze %swap3A_386 : memref<1x128xi32, #tpu.memory_space<vmem>> -> memref<128xi32, #tpu.memory_space<vmem>>
    %swap3A_388 = arith.constant 80 : index
    %swap3A_389 = tpu.vector_load %swap3A_387[%swap3A_388] {strides = array<i32>} : memref<128xi32, #tpu.memory_space<vmem>>, vector<16xi32>,
    %swap3A_390 = vector.shape_cast %swap3A_389 : vector<16xi32> to vector<16xi32>
    %swap3A_391 = vector.shape_cast %add3A_383 : vector<16xi32> to vector<16xi32>
    tpu.vector_store %swap3A_387[%swap3A_388], %swap3A_391 {strides = array<i32>} : memref<128xi32, #tpu.memory_space<vmem>>, vector<16xi32>,
    %get3A_392 = arith.constant 224 : index
    %get3A_393 = tpu.vector_load %arg9[%get3A_392] {strides = array<i32>} : memref<256xi32, #tpu.memory_space<vmem>>, vector<16xi32>,
    %get3A_394 = vector.shape_cast %get3A_393 : vector<16xi32> to vector<16xi32>
    %swap3A_395 = arith.constant 1 : i32
    %swap3A_396 = arith.constant 0 : i32
    %swap3A_397 = tpu.memref_slice %arg10[%swap3A_395, %swap3A_396] : memref<2x128xi32, #tpu.memory_space<vmem>> -> memref<1x128xi32, #tpu.memory_space<vmem>>
    %swap3A_398 = tpu.memref_squeeze %swap3A_397 : memref<1x128xi32, #tpu.memory_space<vmem>> -> memref<128xi32, #tpu.memory_space<vmem>>
    %swap3A_399 = arith.constant 96 : index
    %swap3A_400 = tpu.vector_load %swap3A_398[%swap3A_399] {strides = array<i32>} : memref<128xi32, #tpu.memory_space<vmem>>, vector<16xi32>,
    %swap3A_401 = vector.shape_cast %swap3A_400 : vector<16xi32> to vector<16xi32>
    %swap3A_402 = vector.shape_cast %get3A_394 : vector<16xi32> to vector<16xi32>
    tpu.vector_store %swap3A_398[%swap3A_399], %swap3A_402 {strides = array<i32>} : memref<128xi32, #tpu.memory_space<vmem>>, vector<16xi32>,
    %add3A_403 = arith.constant 8192 : i32
    %add3A_404 = arith.addi %add3A_403, %add3A : i32
    %add3A_405 = arith.constant 128 : i32
    %add3A_406 = arith.addi %add3A_404, %add3A_405 : i32
    %add3A_407 = arith.constant 96 : i32
    %add3A_408 = arith.addi %add3A_406, %add3A_407 : i32
    %iota3A_409 = tpu.iota {dimensions = array<i32: 0>} : vector<16xi32>
    %add3A_410 = vector.broadcast %add3A_408 : i32 to vector<16xi32>
    %add3A_411 = arith.addi %add3A_410, %iota3A_409 : vector<16xi32>
    %swap3A_412 = arith.constant 1 : i32
    %swap3A_413 = arith.constant 0 : i32
    %swap3A_414 = tpu.memref_slice %arg11[%swap3A_412, %swap3A_413] : memref<2x128xi32, #tpu.memory_space<vmem>> -> memref<1x128xi32, #tpu.memory_space<vmem>>
    %swap3A_415 = tpu.memref_squeeze %swap3A_414 : memref<1x128xi32, #tpu.memory_space<vmem>> -> memref<128xi32, #tpu.memory_space<vmem>>
    %swap3A_416 = arith.constant 96 : index
    %swap3A_417 = tpu.vector_load %swap3A_415[%swap3A_416] {strides = array<i32>} : memref<128xi32, #tpu.memory_space<vmem>>, vector<16xi32>,
    %swap3A_418 = vector.shape_cast %swap3A_417 : vector<16xi32> to vector<16xi32>
    %swap3A_419 = vector.shape_cast %add3A_411 : vector<16xi32> to vector<16xi32>
    tpu.vector_store %swap3A_415[%swap3A_416], %swap3A_419 {strides = array<i32>} : memref<128xi32, #tpu.memory_space<vmem>>, vector<16xi32>,
    %get3A_420 = arith.constant 240 : index
    %get3A_421 = tpu.vector_load %arg9[%get3A_420] {strides = array<i32>} : memref<256xi32, #tpu.memory_space<vmem>>, vector<16xi32>,
    %get3A_422 = vector.shape_cast %get3A_421 : vector<16xi32> to vector<16xi32>
    %swap3A_423 = arith.constant 1 : i32
    %swap3A_424 = arith.constant 0 : i32
    %swap3A_425 = tpu.memref_slice %arg10[%swap3A_423, %swap3A_424] : memref<2x128xi32, #tpu.memory_space<vmem>> -> memref<1x128xi32, #tpu.memory_space<vmem>>
    %swap3A_426 = tpu.memref_squeeze %swap3A_425 : memref<1x128xi32, #tpu.memory_space<vmem>> -> memref<128xi32, #tpu.memory_space<vmem>>
    %swap3A_427 = arith.constant 112 : index
    %swap3A_428 = tpu.vector_load %swap3A_426[%swap3A_427] {strides = array<i32>} : memref<128xi32, #tpu.memory_space<vmem>>, vector<16xi32>,
    %swap3A_429 = vector.shape_cast %swap3A_428 : vector<16xi32> to vector<16xi32>
    %swap3A_430 = vector.shape_cast %get3A_422 : vector<16xi32> to vector<16xi32>
    tpu.vector_store %swap3A_426[%swap3A_427], %swap3A_430 {strides = array<i32>} : memref<128xi32, #tpu.memory_space<vmem>>, vector<16xi32>,
    %add3A_431 = arith.constant 8192 : i32
    %add3A_432 = arith.addi %add3A_431, %add3A : i32
    %add3A_433 = arith.constant 128 : i32
    %add3A_434 = arith.addi %add3A_432, %add3A_433 : i32
    %add3A_435 = arith.constant 112 : i32
    %add3A_436 = arith.addi %add3A_434, %add3A_435 : i32
    %iota3A_437 = tpu.iota {dimensions = array<i32: 0>} : vector<16xi32>
    %add3A_438 = vector.broadcast %add3A_436 : i32 to vector<16xi32>
    %add3A_439 = arith.addi %add3A_438, %iota3A_437 : vector<16xi32>
    %swap3A_440 = arith.constant 1 : i32
    %swap3A_441 = arith.constant 0 : i32
    %swap3A_442 = tpu.memref_slice %arg11[%swap3A_440, %swap3A_441] : memref<2x128xi32, #tpu.memory_space<vmem>> -> memref<1x128xi32, #tpu.memory_space<vmem>>
    %swap3A_443 = tpu.memref_squeeze %swap3A_442 : memref<1x128xi32, #tpu.memory_space<vmem>> -> memref<128xi32, #tpu.memory_space<vmem>>
    %swap3A_444 = arith.constant 112 : index
    %swap3A_445 = tpu.vector_load %swap3A_443[%swap3A_444] {strides = array<i32>} : memref<128xi32, #tpu.memory_space<vmem>>, vector<16xi32>,
    %swap3A_446 = vector.shape_cast %swap3A_445 : vector<16xi32> to vector<16xi32>
    %swap3A_447 = vector.shape_cast %add3A_439 : vector<16xi32> to vector<16xi32>
    tpu.vector_store %swap3A_443[%swap3A_444], %swap3A_447 {strides = array<i32>} : memref<128xi32, #tpu.memory_space<vmem>>, vector<16xi32>,
    %run_scoped3A = arith.constant 0 : i32
    %run_scoped3A_448 = arith.constant 0 : i32
    "tpu.region"() ({
      %run_scoped3A_722 = tpu.sem_alloc : memref<!tpu.dma_semaphore, #tpu.memory_space<semaphore_mem>>
      %dma_start3A_723 = arith.constant 0 : i32
      %dma_start3A_724 = tpu.memref_slice %arg11[%run_scoped3A, %dma_start3A_723] : memref<2x128xi32, #tpu.memory_space<vmem>> -> memref<1x128xi32, #tpu.memory_space<vmem>>
      %dma_start3A_725 = tpu.memref_squeeze %dma_start3A_724 : memref<1x128xi32, #tpu.memory_space<vmem>> -> memref<128xi32, #tpu.memory_space<vmem>>
      %dma_start3A_726 = arith.constant 0 : i32
      %dma_start3A_727 = tpu.memref_slice %arg10[%run_scoped3A_448, %dma_start3A_726] : memref<2x128xi32, #tpu.memory_space<vmem>> -> memref<1x128xi32, #tpu.memory_space<vmem>>
      %dma_start3A_728 = tpu.memref_squeeze %dma_start3A_727 : memref<1x128xi32, #tpu.memory_space<vmem>> -> memref<128xi32, #tpu.memory_space<vmem>>
      %dma_start3A_729 = arith.constant 0 : i32
      %dma_start3A_730 = tpu.memref_slice %arg12[%dma_start3A_729] : memref<4096xi32, #tpu.memory_space<vmem_shared>> -> memref<4096xi32, #tpu.memory_space<vmem_shared>>
      tpu.enqueue_indirect_dma source(%dma_start3A_725 : memref<128xi32, #tpu.memory_space<vmem>>) target(%dma_start3A_730 : memref<4096xi32, #tpu.memory_space<vmem_shared>>) offsets(%dma_start3A_728 : memref<128xi32, #tpu.memory_space<vmem>>) semaphore(%run_scoped3A_722 : memref<!tpu.dma_semaphore, #tpu.memory_space<semaphore_mem>>)
      %dma_wait3A_731 = arith.constant 0 : i32
      %dma_wait3A_732 = tpu.memref_slice %arg11[%run_scoped3A, %dma_wait3A_731] : memref<2x128xi32, #tpu.memory_space<vmem>> -> memref<1x128xi32, #tpu.memory_space<vmem>>
      %dma_wait3A_733 = tpu.memref_squeeze %dma_wait3A_732 : memref<1x128xi32, #tpu.memory_space<vmem>> -> memref<128xi32, #tpu.memory_space<vmem>>
      %dma_wait3A_734 = arith.constant 0 : i32
      %dma_wait3A_735 = tpu.memref_slice %arg10[%run_scoped3A_448, %dma_wait3A_734] : memref<2x128xi32, #tpu.memory_space<vmem>> -> memref<1x128xi32, #tpu.memory_space<vmem>>
      %dma_wait3A_736 = tpu.memref_squeeze %dma_wait3A_735 : memref<1x128xi32, #tpu.memory_space<vmem>> -> memref<128xi32, #tpu.memory_space<vmem>>
      %dma_wait3A_737 = arith.constant 0 : i32
      %dma_wait3A_738 = tpu.memref_slice %arg12[%dma_wait3A_737] : memref<4096xi32, #tpu.memory_space<vmem_shared>> -> memref<4096xi32, #tpu.memory_space<vmem_shared>>
      tpu.wait_indirect_dma semaphore(%run_scoped3A_722 : memref<!tpu.dma_semaphore, #tpu.memory_space<semaphore_mem>>) src(%dma_wait3A_733 : memref<128xi32, #tpu.memory_space<vmem>>) dst(%dma_wait3A_738 : memref<4096xi32, #tpu.memory_space<vmem_shared>>)
      tpu.yield
    }) : () -> ()
    %run_scoped3A_449 = arith.constant 1 : i32
    %run_scoped3A_450 = arith.constant 1 : i32
    "tpu.region"() ({
      %run_scoped3A_722 = tpu.sem_alloc : memref<!tpu.dma_semaphore, #tpu.memory_space<semaphore_mem>>
      %dma_start3A_723 = arith.constant 0 : i32
      %dma_start3A_724 = tpu.memref_slice %arg11[%run_scoped3A_449, %dma_start3A_723] : memref<2x128xi32, #tpu.memory_space<vmem>> -> memref<1x128xi32, #tpu.memory_space<vmem>>
      %dma_start3A_725 = tpu.memref_squeeze %dma_start3A_724 : memref<1x128xi32, #tpu.memory_space<vmem>> -> memref<128xi32, #tpu.memory_space<vmem>>
      %dma_start3A_726 = arith.constant 0 : i32
      %dma_start3A_727 = tpu.memref_slice %arg10[%run_scoped3A_450, %dma_start3A_726] : memref<2x128xi32, #tpu.memory_space<vmem>> -> memref<1x128xi32, #tpu.memory_space<vmem>>
      %dma_start3A_728 = tpu.memref_squeeze %dma_start3A_727 : memref<1x128xi32, #tpu.memory_space<vmem>> -> memref<128xi32, #tpu.memory_space<vmem>>
      %dma_start3A_729 = arith.constant 0 : i32
      %dma_start3A_730 = tpu.memref_slice %arg12[%dma_start3A_729] : memref<4096xi32, #tpu.memory_space<vmem_shared>> -> memref<4096xi32, #tpu.memory_space<vmem_shared>>
      tpu.enqueue_indirect_dma source(%dma_start3A_725 : memref<128xi32, #tpu.memory_space<vmem>>) target(%dma_start3A_730 : memref<4096xi32, #tpu.memory_space<vmem_shared>>) offsets(%dma_start3A_728 : memref<128xi32, #tpu.memory_space<vmem>>) semaphore(%run_scoped3A_722 : memref<!tpu.dma_semaphore, #tpu.memory_space<semaphore_mem>>)
      %dma_wait3A_731 = arith.constant 0 : i32
      %dma_wait3A_732 = tpu.memref_slice %arg11[%run_scoped3A_449, %dma_wait3A_731] : memref<2x128xi32, #tpu.memory_space<vmem>> -> memref<1x128xi32, #tpu.memory_space<vmem>>
      %dma_wait3A_733 = tpu.memref_squeeze %dma_wait3A_732 : memref<1x128xi32, #tpu.memory_space<vmem>> -> memref<128xi32, #tpu.memory_space<vmem>>
      %dma_wait3A_734 = arith.constant 0 : i32
      %dma_wait3A_735 = tpu.memref_slice %arg10[%run_scoped3A_450, %dma_wait3A_734] : memref<2x128xi32, #tpu.memory_space<vmem>> -> memref<1x128xi32, #tpu.memory_space<vmem>>
      %dma_wait3A_736 = tpu.memref_squeeze %dma_wait3A_735 : memref<1x128xi32, #tpu.memory_space<vmem>> -> memref<128xi32, #tpu.memory_space<vmem>>
      %dma_wait3A_737 = arith.constant 0 : i32
      %dma_wait3A_738 = tpu.memref_slice %arg12[%dma_wait3A_737] : memref<4096xi32, #tpu.memory_space<vmem_shared>> -> memref<4096xi32, #tpu.memory_space<vmem_shared>>
      tpu.wait_indirect_dma semaphore(%run_scoped3A_722 : memref<!tpu.dma_semaphore, #tpu.memory_space<semaphore_mem>>) src(%dma_wait3A_733 : memref<128xi32, #tpu.memory_space<vmem>>) dst(%dma_wait3A_738 : memref<4096xi32, #tpu.memory_space<vmem_shared>>)
      tpu.yield
    }) : () -> ()
    "tpu.trace_stop"() : () -> ()
    "tpu.trace_start"() <{level = 10 : i32, message = "barrier"}> : () -> ()
    %barrier3A = arith.constant 0 : index
    tpu.barrier barrier_id(%barrier3A)
    "tpu.trace_stop"() : () -> ()
    "tpu.trace_start"() <{level = 10 : i32, message = "permload"}> : () -> ()
    %mul3A_451 = arith.constant 192 : i32
    %mul3A_452 = arith.muli %arg1, %mul3A_451 : i32
    "tpu.region"() ({
      %run_scoped3A_722 = tpu.sem_alloc : memref<!tpu.dma_semaphore, #tpu.memory_space<semaphore_mem>>
      %dma_start3A_723 = tpu.memref_slice %arg12[%mul3A_452] : memref<4096xi32, #tpu.memory_space<vmem_shared>> -> memref<192xi32, #tpu.memory_space<vmem_shared>>
      %dma_start3A_724 = tpu.memref_slice %arg12[%mul3A_452] : memref<4096xi32, #tpu.memory_space<vmem_shared>> -> memref<192xi32, #tpu.memory_space<vmem_shared>>
      tpu.enqueue_dma source(%dma_start3A_724 : memref<192xi32, #tpu.memory_space<vmem_shared>>) target(%arg13 : memref<192xi32, #tpu.memory_space<vmem>>) target_semaphore(%run_scoped3A_722 : memref<!tpu.dma_semaphore, #tpu.memory_space<semaphore_mem>>)
      %dma_wait3A_725 = tpu.memref_slice %arg12[%mul3A_452] : memref<4096xi32, #tpu.memory_space<vmem_shared>> -> memref<192xi32, #tpu.memory_space<vmem_shared>>
      %dma_wait3A_726 = tpu.memref_slice %arg12[%mul3A_452] : memref<4096xi32, #tpu.memory_space<vmem_shared>> -> memref<192xi32, #tpu.memory_space<vmem_shared>>
      tpu.wait_dma2 semaphore(%run_scoped3A_722 : memref<!tpu.dma_semaphore, #tpu.memory_space<semaphore_mem>>) src(%dma_wait3A_726 : memref<192xi32, #tpu.memory_space<vmem_shared>>) dst(%arg13 : memref<192xi32, #tpu.memory_space<vmem>>)
      tpu.yield
    }) : () -> ()
    "tpu.trace_stop"() : () -> ()
    %mul3A_453 = arith.constant 3072 : i32
    %mul3A_454 = arith.muli %arg0, %mul3A_453 : i32
    %add3A_455 = arith.constant 6144 : i32
    %add3A_456 = arith.addi %add3A_455, %mul3A_454 : i32
    %mul3A_457 = arith.constant 192 : i32
    %mul3A_458 = arith.muli %arg1, %mul3A_457 : i32
    %add3A_459 = arith.addi %add3A_456, %mul3A_458 : i32
    %dma_start3A = arith.constant 0 : i32
    %dma_start3A_460 = tpu.memref_slice %arg14[%dma_start3A] : memref<192xf32, #tpu.memory_space<vmem>> -> memref<96xf32, #tpu.memory_space<vmem>>
    %dma_start3A_461 = arith.constant 0 : i32
    %dma_start3A_462 = tpu.memref_slice %arg13[%dma_start3A_461] : memref<192xi32, #tpu.memory_space<vmem>> -> memref<96xi32, #tpu.memory_space<vmem>>
    %dma_start3A_463 = arith.constant 0 : i32
    %dma_start3A_464 = tpu.memref_slice %arg4[%dma_start3A_463] : memref<16384xf32, #tpu.memory_space<hbm>> -> memref<16384xf32, #tpu.memory_space<hbm>>
    tpu.enqueue_indirect_dma source(%dma_start3A_464 : memref<16384xf32, #tpu.memory_space<hbm>>) target(%dma_start3A_460 : memref<96xf32, #tpu.memory_space<vmem>>) offsets(%dma_start3A_462 : memref<96xi32, #tpu.memory_space<vmem>>) semaphore(%arg33 : memref<!tpu.dma_semaphore, #tpu.memory_space<semaphore_mem>>)
    %dma_start3A_465 = arith.constant 96 : i32
    %dma_start3A_466 = tpu.memref_slice %arg14[%dma_start3A_465] : memref<192xf32, #tpu.memory_space<vmem>> -> memref<96xf32, #tpu.memory_space<vmem>>
    %dma_start3A_467 = arith.constant 96 : i32
    %dma_start3A_468 = tpu.memref_slice %arg13[%dma_start3A_467] : memref<192xi32, #tpu.memory_space<vmem>> -> memref<96xi32, #tpu.memory_space<vmem>>
    %dma_start3A_469 = arith.constant 0 : i32
    %dma_start3A_470 = tpu.memref_slice %arg4[%dma_start3A_469] : memref<16384xf32, #tpu.memory_space<hbm>> -> memref<16384xf32, #tpu.memory_space<hbm>>
    tpu.enqueue_indirect_dma source(%dma_start3A_470 : memref<16384xf32, #tpu.memory_space<hbm>>) target(%dma_start3A_466 : memref<96xf32, #tpu.memory_space<vmem>>) offsets(%dma_start3A_468 : memref<96xi32, #tpu.memory_space<vmem>>) semaphore(%arg33 : memref<!tpu.dma_semaphore, #tpu.memory_space<semaphore_mem>>)
    "tpu.trace_start"() <{level = 10 : i32, message = "xloop"}> : () -> ()
    %dma_start3A_471 = arith.constant 0 : i32
    %dma_start3A_472 = tpu.memref_slice %arg13[%dma_start3A_471] : memref<192xi32, #tpu.memory_space<vmem>> -> memref<16xi32, #tpu.memory_space<vmem>>
    %dma_start3A_473 = arith.constant 0 : i32
    %dma_start3A_474 = arith.constant 0 : i32
    %dma_start3A_475 = tpu.memref_slice %arg3[%dma_start3A_473, %dma_start3A_474] : memref<16384x1024xf32, #tpu.memory_space<hbm>> -> memref<16384x1024xf32, #tpu.memory_space<hbm>>
    tpu.enqueue_indirect_dma source(%dma_start3A_475 : memref<16384x1024xf32, #tpu.memory_space<hbm>>) target(%arg15 : memref<16x1024xf32, #tpu.memory_space<vmem>>) offsets(%dma_start3A_472 : memref<16xi32, #tpu.memory_space<vmem>>) semaphore(%arg21 : memref<!tpu.dma_semaphore, #tpu.memory_space<semaphore_mem>>)
    %dma_start3A_476 = arith.constant 16 : i32
    %dma_start3A_477 = tpu.memref_slice %arg13[%dma_start3A_476] : memref<192xi32, #tpu.memory_space<vmem>> -> memref<16xi32, #tpu.memory_space<vmem>>
    %dma_start3A_478 = arith.constant 0 : i32
    %dma_start3A_479 = arith.constant 0 : i32
    %dma_start3A_480 = tpu.memref_slice %arg3[%dma_start3A_478, %dma_start3A_479] : memref<16384x1024xf32, #tpu.memory_space<hbm>> -> memref<16384x1024xf32, #tpu.memory_space<hbm>>
    tpu.enqueue_indirect_dma source(%dma_start3A_480 : memref<16384x1024xf32, #tpu.memory_space<hbm>>) target(%arg16 : memref<16x1024xf32, #tpu.memory_space<vmem>>) offsets(%dma_start3A_477 : memref<16xi32, #tpu.memory_space<vmem>>) semaphore(%arg22 : memref<!tpu.dma_semaphore, #tpu.memory_space<semaphore_mem>>)
    %dma_start3A_481 = arith.constant 32 : i32
    %dma_start3A_482 = tpu.memref_slice %arg13[%dma_start3A_481] : memref<192xi32, #tpu.memory_space<vmem>> -> memref<16xi32, #tpu.memory_space<vmem>>
    %dma_start3A_483 = arith.constant 0 : i32
    %dma_start3A_484 = arith.constant 0 : i32
    %dma_start3A_485 = tpu.memref_slice %arg3[%dma_start3A_483, %dma_start3A_484] : memref<16384x1024xf32, #tpu.memory_space<hbm>> -> memref<16384x1024xf32, #tpu.memory_space<hbm>>
    tpu.enqueue_indirect_dma source(%dma_start3A_485 : memref<16384x1024xf32, #tpu.memory_space<hbm>>) target(%arg17 : memref<16x1024xf32, #tpu.memory_space<vmem>>) offsets(%dma_start3A_482 : memref<16xi32, #tpu.memory_space<vmem>>) semaphore(%arg23 : memref<!tpu.dma_semaphore, #tpu.memory_space<semaphore_mem>>)
    %dma_start3A_486 = arith.constant 48 : i32
    %dma_start3A_487 = tpu.memref_slice %arg13[%dma_start3A_486] : memref<192xi32, #tpu.memory_space<vmem>> -> memref<16xi32, #tpu.memory_space<vmem>>
    %dma_start3A_488 = arith.constant 0 : i32
    %dma_start3A_489 = arith.constant 0 : i32
    %dma_start3A_490 = tpu.memref_slice %arg3[%dma_start3A_488, %dma_start3A_489] : memref<16384x1024xf32, #tpu.memory_space<hbm>> -> memref<16384x1024xf32, #tpu.memory_space<hbm>>
    tpu.enqueue_indirect_dma source(%dma_start3A_490 : memref<16384x1024xf32, #tpu.memory_space<hbm>>) target(%arg18 : memref<16x1024xf32, #tpu.memory_space<vmem>>) offsets(%dma_start3A_487 : memref<16xi32, #tpu.memory_space<vmem>>) semaphore(%arg24 : memref<!tpu.dma_semaphore, #tpu.memory_space<semaphore_mem>>)
    %dma_start3A_491 = arith.constant 64 : i32
    %dma_start3A_492 = tpu.memref_slice %arg13[%dma_start3A_491] : memref<192xi32, #tpu.memory_space<vmem>> -> memref<16xi32, #tpu.memory_space<vmem>>
    %dma_start3A_493 = arith.constant 0 : i32
    %dma_start3A_494 = arith.constant 0 : i32
    %dma_start3A_495 = tpu.memref_slice %arg3[%dma_start3A_493, %dma_start3A_494] : memref<16384x1024xf32, #tpu.memory_space<hbm>> -> memref<16384x1024xf32, #tpu.memory_space<hbm>>
    tpu.enqueue_indirect_dma source(%dma_start3A_495 : memref<16384x1024xf32, #tpu.memory_space<hbm>>) target(%arg19 : memref<16x1024xf32, #tpu.memory_space<vmem>>) offsets(%dma_start3A_492 : memref<16xi32, #tpu.memory_space<vmem>>) semaphore(%arg25 : memref<!tpu.dma_semaphore, #tpu.memory_space<semaphore_mem>>)
    %dma_start3A_496 = arith.constant 80 : i32
    %dma_start3A_497 = tpu.memref_slice %arg13[%dma_start3A_496] : memref<192xi32, #tpu.memory_space<vmem>> -> memref<16xi32, #tpu.memory_space<vmem>>
    %dma_start3A_498 = arith.constant 0 : i32
    %dma_start3A_499 = arith.constant 0 : i32
    %dma_start3A_500 = tpu.memref_slice %arg3[%dma_start3A_498, %dma_start3A_499] : memref<16384x1024xf32, #tpu.memory_space<hbm>> -> memref<16384x1024xf32, #tpu.memory_space<hbm>>
    tpu.enqueue_indirect_dma source(%dma_start3A_500 : memref<16384x1024xf32, #tpu.memory_space<hbm>>) target(%arg20 : memref<16x1024xf32, #tpu.memory_space<vmem>>) offsets(%dma_start3A_497 : memref<16xi32, #tpu.memory_space<vmem>>) semaphore(%arg26 : memref<!tpu.dma_semaphore, #tpu.memory_space<semaphore_mem>>)
    %dma_wait3A = arith.constant 0 : i32
    %dma_wait3A_501 = tpu.memref_slice %arg13[%dma_wait3A] : memref<192xi32, #tpu.memory_space<vmem>> -> memref<16xi32, #tpu.memory_space<vmem>>
    %dma_wait3A_502 = arith.constant 0 : i32
    %dma_wait3A_503 = arith.constant 0 : i32
    %dma_wait3A_504 = tpu.memref_slice %arg3[%dma_wait3A_502, %dma_wait3A_503] : memref<16384x1024xf32, #tpu.memory_space<hbm>> -> memref<16384x1024xf32, #tpu.memory_space<hbm>>
    tpu.wait_indirect_dma semaphore(%arg21 : memref<!tpu.dma_semaphore, #tpu.memory_space<semaphore_mem>>) src(%dma_wait3A_504 : memref<16384x1024xf32, #tpu.memory_space<hbm>>) dst(%arg15 : memref<16x1024xf32, #tpu.memory_space<vmem>>)
    %add3A_505 = arith.constant 0 : i32
    %add3A_506 = arith.addi %add3A_459, %add3A_505 : i32
    %dma_start3A_507 = arith.constant 0 : i32
    %dma_start3A_508 = tpu.memref_slice %arg5[%add3A_506, %dma_start3A_507] : memref<12288x1024xf32, #tpu.memory_space<hbm>> -> memref<16x1024xf32, #tpu.memory_space<hbm>>
    %dma_start3A_509 = arith.constant 0 : i32
    %dma_start3A_510 = tpu.memref_slice %arg5[%add3A_506, %dma_start3A_509] : memref<12288x1024xf32, #tpu.memory_space<hbm>> -> memref<16x1024xf32, #tpu.memory_space<hbm>>
    tpu.enqueue_dma source(%arg15 : memref<16x1024xf32, #tpu.memory_space<vmem>>) target(%dma_start3A_510 : memref<16x1024xf32, #tpu.memory_space<hbm>>) target_semaphore(%arg27 : memref<!tpu.dma_semaphore, #tpu.memory_space<semaphore_mem>>)
    %dma_wait3A_511 = arith.constant 0 : i32
    %dma_wait3A_512 = tpu.memref_slice %arg5[%add3A_506, %dma_wait3A_511] : memref<12288x1024xf32, #tpu.memory_space<hbm>> -> memref<16x1024xf32, #tpu.memory_space<hbm>>
    %dma_wait3A_513 = arith.constant 0 : i32
    %dma_wait3A_514 = tpu.memref_slice %arg5[%add3A_506, %dma_wait3A_513] : memref<12288x1024xf32, #tpu.memory_space<hbm>> -> memref<16x1024xf32, #tpu.memory_space<hbm>>
    tpu.wait_dma2 semaphore(%arg27 : memref<!tpu.dma_semaphore, #tpu.memory_space<semaphore_mem>>) src(%arg15 : memref<16x1024xf32, #tpu.memory_space<vmem>>) dst(%dma_wait3A_514 : memref<16x1024xf32, #tpu.memory_space<hbm>>)
    %dma_start3A_515 = arith.constant 96 : i32
    %dma_start3A_516 = tpu.memref_slice %arg13[%dma_start3A_515] : memref<192xi32, #tpu.memory_space<vmem>> -> memref<16xi32, #tpu.memory_space<vmem>>
    %dma_start3A_517 = arith.constant 0 : i32
    %dma_start3A_518 = arith.constant 0 : i32
    %dma_start3A_519 = tpu.memref_slice %arg3[%dma_start3A_517, %dma_start3A_518] : memref<16384x1024xf32, #tpu.memory_space<hbm>> -> memref<16384x1024xf32, #tpu.memory_space<hbm>>
    tpu.enqueue_indirect_dma source(%dma_start3A_519 : memref<16384x1024xf32, #tpu.memory_space<hbm>>) target(%arg15 : memref<16x1024xf32, #tpu.memory_space<vmem>>) offsets(%dma_start3A_516 : memref<16xi32, #tpu.memory_space<vmem>>) semaphore(%arg21 : memref<!tpu.dma_semaphore, #tpu.memory_space<semaphore_mem>>)
    %dma_wait3A_520 = arith.constant 16 : i32
    %dma_wait3A_521 = tpu.memref_slice %arg13[%dma_wait3A_520] : memref<192xi32, #tpu.memory_space<vmem>> -> memref<16xi32, #tpu.memory_space<vmem>>
    %dma_wait3A_522 = arith.constant 0 : i32
    %dma_wait3A_523 = arith.constant 0 : i32
    %dma_wait3A_524 = tpu.memref_slice %arg3[%dma_wait3A_522, %dma_wait3A_523] : memref<16384x1024xf32, #tpu.memory_space<hbm>> -> memref<16384x1024xf32, #tpu.memory_space<hbm>>
    tpu.wait_indirect_dma semaphore(%arg22 : memref<!tpu.dma_semaphore, #tpu.memory_space<semaphore_mem>>) src(%dma_wait3A_524 : memref<16384x1024xf32, #tpu.memory_space<hbm>>) dst(%arg16 : memref<16x1024xf32, #tpu.memory_space<vmem>>)
    %add3A_525 = arith.constant 16 : i32
    %add3A_526 = arith.addi %add3A_459, %add3A_525 : i32
    %dma_start3A_527 = arith.constant 0 : i32
    %dma_start3A_528 = tpu.memref_slice %arg5[%add3A_526, %dma_start3A_527] : memref<12288x1024xf32, #tpu.memory_space<hbm>> -> memref<16x1024xf32, #tpu.memory_space<hbm>>
    %dma_start3A_529 = arith.constant 0 : i32
    %dma_start3A_530 = tpu.memref_slice %arg5[%add3A_526, %dma_start3A_529] : memref<12288x1024xf32, #tpu.memory_space<hbm>> -> memref<16x1024xf32, #tpu.memory_space<hbm>>
    tpu.enqueue_dma source(%arg16 : memref<16x1024xf32, #tpu.memory_space<vmem>>) target(%dma_start3A_530 : memref<16x1024xf32, #tpu.memory_space<hbm>>) target_semaphore(%arg28 : memref<!tpu.dma_semaphore, #tpu.memory_space<semaphore_mem>>)
    %dma_wait3A_531 = arith.constant 0 : i32
    %dma_wait3A_532 = tpu.memref_slice %arg5[%add3A_526, %dma_wait3A_531] : memref<12288x1024xf32, #tpu.memory_space<hbm>> -> memref<16x1024xf32, #tpu.memory_space<hbm>>
    %dma_wait3A_533 = arith.constant 0 : i32
    %dma_wait3A_534 = tpu.memref_slice %arg5[%add3A_526, %dma_wait3A_533] : memref<12288x1024xf32, #tpu.memory_space<hbm>> -> memref<16x1024xf32, #tpu.memory_space<hbm>>
    tpu.wait_dma2 semaphore(%arg28 : memref<!tpu.dma_semaphore, #tpu.memory_space<semaphore_mem>>) src(%arg16 : memref<16x1024xf32, #tpu.memory_space<vmem>>) dst(%dma_wait3A_534 : memref<16x1024xf32, #tpu.memory_space<hbm>>)
    %dma_start3A_535 = arith.constant 112 : i32
    %dma_start3A_536 = tpu.memref_slice %arg13[%dma_start3A_535] : memref<192xi32, #tpu.memory_space<vmem>> -> memref<16xi32, #tpu.memory_space<vmem>>
    %dma_start3A_537 = arith.constant 0 : i32
    %dma_start3A_538 = arith.constant 0 : i32
    %dma_start3A_539 = tpu.memref_slice %arg3[%dma_start3A_537, %dma_start3A_538] : memref<16384x1024xf32, #tpu.memory_space<hbm>> -> memref<16384x1024xf32, #tpu.memory_space<hbm>>
    tpu.enqueue_indirect_dma source(%dma_start3A_539 : memref<16384x1024xf32, #tpu.memory_space<hbm>>) target(%arg16 : memref<16x1024xf32, #tpu.memory_space<vmem>>) offsets(%dma_start3A_536 : memref<16xi32, #tpu.memory_space<vmem>>) semaphore(%arg22 : memref<!tpu.dma_semaphore, #tpu.memory_space<semaphore_mem>>)
    %dma_wait3A_540 = arith.constant 32 : i32
    %dma_wait3A_541 = tpu.memref_slice %arg13[%dma_wait3A_540] : memref<192xi32, #tpu.memory_space<vmem>> -> memref<16xi32, #tpu.memory_space<vmem>>
    %dma_wait3A_542 = arith.constant 0 : i32
    %dma_wait3A_543 = arith.constant 0 : i32
    %dma_wait3A_544 = tpu.memref_slice %arg3[%dma_wait3A_542, %dma_wait3A_543] : memref<16384x1024xf32, #tpu.memory_space<hbm>> -> memref<16384x1024xf32, #tpu.memory_space<hbm>>
    tpu.wait_indirect_dma semaphore(%arg23 : memref<!tpu.dma_semaphore, #tpu.memory_space<semaphore_mem>>) src(%dma_wait3A_544 : memref<16384x1024xf32, #tpu.memory_space<hbm>>) dst(%arg17 : memref<16x1024xf32, #tpu.memory_space<vmem>>)
    %add3A_545 = arith.constant 32 : i32
    %add3A_546 = arith.addi %add3A_459, %add3A_545 : i32
    %dma_start3A_547 = arith.constant 0 : i32
    %dma_start3A_548 = tpu.memref_slice %arg5[%add3A_546, %dma_start3A_547] : memref<12288x1024xf32, #tpu.memory_space<hbm>> -> memref<16x1024xf32, #tpu.memory_space<hbm>>
    %dma_start3A_549 = arith.constant 0 : i32
    %dma_start3A_550 = tpu.memref_slice %arg5[%add3A_546, %dma_start3A_549] : memref<12288x1024xf32, #tpu.memory_space<hbm>> -> memref<16x1024xf32, #tpu.memory_space<hbm>>
    tpu.enqueue_dma source(%arg17 : memref<16x1024xf32, #tpu.memory_space<vmem>>) target(%dma_start3A_550 : memref<16x1024xf32, #tpu.memory_space<hbm>>) target_semaphore(%arg29 : memref<!tpu.dma_semaphore, #tpu.memory_space<semaphore_mem>>)
    %dma_wait3A_551 = arith.constant 0 : i32
    %dma_wait3A_552 = tpu.memref_slice %arg5[%add3A_546, %dma_wait3A_551] : memref<12288x1024xf32, #tpu.memory_space<hbm>> -> memref<16x1024xf32, #tpu.memory_space<hbm>>
    %dma_wait3A_553 = arith.constant 0 : i32
    %dma_wait3A_554 = tpu.memref_slice %arg5[%add3A_546, %dma_wait3A_553] : memref<12288x1024xf32, #tpu.memory_space<hbm>> -> memref<16x1024xf32, #tpu.memory_space<hbm>>
    tpu.wait_dma2 semaphore(%arg29 : memref<!tpu.dma_semaphore, #tpu.memory_space<semaphore_mem>>) src(%arg17 : memref<16x1024xf32, #tpu.memory_space<vmem>>) dst(%dma_wait3A_554 : memref<16x1024xf32, #tpu.memory_space<hbm>>)
    %dma_start3A_555 = arith.constant 128 : i32
    %dma_start3A_556 = tpu.memref_slice %arg13[%dma_start3A_555] : memref<192xi32, #tpu.memory_space<vmem>> -> memref<16xi32, #tpu.memory_space<vmem>>
    %dma_start3A_557 = arith.constant 0 : i32
    %dma_start3A_558 = arith.constant 0 : i32
    %dma_start3A_559 = tpu.memref_slice %arg3[%dma_start3A_557, %dma_start3A_558] : memref<16384x1024xf32, #tpu.memory_space<hbm>> -> memref<16384x1024xf32, #tpu.memory_space<hbm>>
    tpu.enqueue_indirect_dma source(%dma_start3A_559 : memref<16384x1024xf32, #tpu.memory_space<hbm>>) target(%arg17 : memref<16x1024xf32, #tpu.memory_space<vmem>>) offsets(%dma_start3A_556 : memref<16xi32, #tpu.memory_space<vmem>>) semaphore(%arg23 : memref<!tpu.dma_semaphore, #tpu.memory_space<semaphore_mem>>)
    %dma_wait3A_560 = arith.constant 48 : i32
    %dma_wait3A_561 = tpu.memref_slice %arg13[%dma_wait3A_560] : memref<192xi32, #tpu.memory_space<vmem>> -> memref<16xi32, #tpu.memory_space<vmem>>
    %dma_wait3A_562 = arith.constant 0 : i32
    %dma_wait3A_563 = arith.constant 0 : i32
    %dma_wait3A_564 = tpu.memref_slice %arg3[%dma_wait3A_562, %dma_wait3A_563] : memref<16384x1024xf32, #tpu.memory_space<hbm>> -> memref<16384x1024xf32, #tpu.memory_space<hbm>>
    tpu.wait_indirect_dma semaphore(%arg24 : memref<!tpu.dma_semaphore, #tpu.memory_space<semaphore_mem>>) src(%dma_wait3A_564 : memref<16384x1024xf32, #tpu.memory_space<hbm>>) dst(%arg18 : memref<16x1024xf32, #tpu.memory_space<vmem>>)
    %add3A_565 = arith.constant 48 : i32
    %add3A_566 = arith.addi %add3A_459, %add3A_565 : i32
    %dma_start3A_567 = arith.constant 0 : i32
    %dma_start3A_568 = tpu.memref_slice %arg5[%add3A_566, %dma_start3A_567] : memref<12288x1024xf32, #tpu.memory_space<hbm>> -> memref<16x1024xf32, #tpu.memory_space<hbm>>
    %dma_start3A_569 = arith.constant 0 : i32
    %dma_start3A_570 = tpu.memref_slice %arg5[%add3A_566, %dma_start3A_569] : memref<12288x1024xf32, #tpu.memory_space<hbm>> -> memref<16x1024xf32, #tpu.memory_space<hbm>>
    tpu.enqueue_dma source(%arg18 : memref<16x1024xf32, #tpu.memory_space<vmem>>) target(%dma_start3A_570 : memref<16x1024xf32, #tpu.memory_space<hbm>>) target_semaphore(%arg30 : memref<!tpu.dma_semaphore, #tpu.memory_space<semaphore_mem>>)
    %dma_wait3A_571 = arith.constant 0 : i32
    %dma_wait3A_572 = tpu.memref_slice %arg5[%add3A_566, %dma_wait3A_571] : memref<12288x1024xf32, #tpu.memory_space<hbm>> -> memref<16x1024xf32, #tpu.memory_space<hbm>>
    %dma_wait3A_573 = arith.constant 0 : i32
    %dma_wait3A_574 = tpu.memref_slice %arg5[%add3A_566, %dma_wait3A_573] : memref<12288x1024xf32, #tpu.memory_space<hbm>> -> memref<16x1024xf32, #tpu.memory_space<hbm>>
    tpu.wait_dma2 semaphore(%arg30 : memref<!tpu.dma_semaphore, #tpu.memory_space<semaphore_mem>>) src(%arg18 : memref<16x1024xf32, #tpu.memory_space<vmem>>) dst(%dma_wait3A_574 : memref<16x1024xf32, #tpu.memory_space<hbm>>)
    %dma_start3A_575 = arith.constant 144 : i32
    %dma_start3A_576 = tpu.memref_slice %arg13[%dma_start3A_575] : memref<192xi32, #tpu.memory_space<vmem>> -> memref<16xi32, #tpu.memory_space<vmem>>
    %dma_start3A_577 = arith.constant 0 : i32
    %dma_start3A_578 = arith.constant 0 : i32
    %dma_start3A_579 = tpu.memref_slice %arg3[%dma_start3A_577, %dma_start3A_578] : memref<16384x1024xf32, #tpu.memory_space<hbm>> -> memref<16384x1024xf32, #tpu.memory_space<hbm>>
    tpu.enqueue_indirect_dma source(%dma_start3A_579 : memref<16384x1024xf32, #tpu.memory_space<hbm>>) target(%arg18 : memref<16x1024xf32, #tpu.memory_space<vmem>>) offsets(%dma_start3A_576 : memref<16xi32, #tpu.memory_space<vmem>>) semaphore(%arg24 : memref<!tpu.dma_semaphore, #tpu.memory_space<semaphore_mem>>)
    %dma_wait3A_580 = arith.constant 64 : i32
    %dma_wait3A_581 = tpu.memref_slice %arg13[%dma_wait3A_580] : memref<192xi32, #tpu.memory_space<vmem>> -> memref<16xi32, #tpu.memory_space<vmem>>
    %dma_wait3A_582 = arith.constant 0 : i32
    %dma_wait3A_583 = arith.constant 0 : i32
    %dma_wait3A_584 = tpu.memref_slice %arg3[%dma_wait3A_582, %dma_wait3A_583] : memref<16384x1024xf32, #tpu.memory_space<hbm>> -> memref<16384x1024xf32, #tpu.memory_space<hbm>>
    tpu.wait_indirect_dma semaphore(%arg25 : memref<!tpu.dma_semaphore, #tpu.memory_space<semaphore_mem>>) src(%dma_wait3A_584 : memref<16384x1024xf32, #tpu.memory_space<hbm>>) dst(%arg19 : memref<16x1024xf32, #tpu.memory_space<vmem>>)
    %add3A_585 = arith.constant 64 : i32
    %add3A_586 = arith.addi %add3A_459, %add3A_585 : i32
    %dma_start3A_587 = arith.constant 0 : i32
    %dma_start3A_588 = tpu.memref_slice %arg5[%add3A_586, %dma_start3A_587] : memref<12288x1024xf32, #tpu.memory_space<hbm>> -> memref<16x1024xf32, #tpu.memory_space<hbm>>
    %dma_start3A_589 = arith.constant 0 : i32
    %dma_start3A_590 = tpu.memref_slice %arg5[%add3A_586, %dma_start3A_589] : memref<12288x1024xf32, #tpu.memory_space<hbm>> -> memref<16x1024xf32, #tpu.memory_space<hbm>>
    tpu.enqueue_dma source(%arg19 : memref<16x1024xf32, #tpu.memory_space<vmem>>) target(%dma_start3A_590 : memref<16x1024xf32, #tpu.memory_space<hbm>>) target_semaphore(%arg31 : memref<!tpu.dma_semaphore, #tpu.memory_space<semaphore_mem>>)
    %dma_wait3A_591 = arith.constant 0 : i32
    %dma_wait3A_592 = tpu.memref_slice %arg5[%add3A_586, %dma_wait3A_591] : memref<12288x1024xf32, #tpu.memory_space<hbm>> -> memref<16x1024xf32, #tpu.memory_space<hbm>>
    %dma_wait3A_593 = arith.constant 0 : i32
    %dma_wait3A_594 = tpu.memref_slice %arg5[%add3A_586, %dma_wait3A_593] : memref<12288x1024xf32, #tpu.memory_space<hbm>> -> memref<16x1024xf32, #tpu.memory_space<hbm>>
    tpu.wait_dma2 semaphore(%arg31 : memref<!tpu.dma_semaphore, #tpu.memory_space<semaphore_mem>>) src(%arg19 : memref<16x1024xf32, #tpu.memory_space<vmem>>) dst(%dma_wait3A_594 : memref<16x1024xf32, #tpu.memory_space<hbm>>)
    %dma_start3A_595 = arith.constant 160 : i32
    %dma_start3A_596 = tpu.memref_slice %arg13[%dma_start3A_595] : memref<192xi32, #tpu.memory_space<vmem>> -> memref<16xi32, #tpu.memory_space<vmem>>
    %dma_start3A_597 = arith.constant 0 : i32
    %dma_start3A_598 = arith.constant 0 : i32
    %dma_start3A_599 = tpu.memref_slice %arg3[%dma_start3A_597, %dma_start3A_598] : memref<16384x1024xf32, #tpu.memory_space<hbm>> -> memref<16384x1024xf32, #tpu.memory_space<hbm>>
    tpu.enqueue_indirect_dma source(%dma_start3A_599 : memref<16384x1024xf32, #tpu.memory_space<hbm>>) target(%arg19 : memref<16x1024xf32, #tpu.memory_space<vmem>>) offsets(%dma_start3A_596 : memref<16xi32, #tpu.memory_space<vmem>>) semaphore(%arg25 : memref<!tpu.dma_semaphore, #tpu.memory_space<semaphore_mem>>)
    %dma_wait3A_600 = arith.constant 80 : i32
    %dma_wait3A_601 = tpu.memref_slice %arg13[%dma_wait3A_600] : memref<192xi32, #tpu.memory_space<vmem>> -> memref<16xi32, #tpu.memory_space<vmem>>
    %dma_wait3A_602 = arith.constant 0 : i32
    %dma_wait3A_603 = arith.constant 0 : i32
    %dma_wait3A_604 = tpu.memref_slice %arg3[%dma_wait3A_602, %dma_wait3A_603] : memref<16384x1024xf32, #tpu.memory_space<hbm>> -> memref<16384x1024xf32, #tpu.memory_space<hbm>>
    tpu.wait_indirect_dma semaphore(%arg26 : memref<!tpu.dma_semaphore, #tpu.memory_space<semaphore_mem>>) src(%dma_wait3A_604 : memref<16384x1024xf32, #tpu.memory_space<hbm>>) dst(%arg20 : memref<16x1024xf32, #tpu.memory_space<vmem>>)
    %add3A_605 = arith.constant 80 : i32
    %add3A_606 = arith.addi %add3A_459, %add3A_605 : i32
    %dma_start3A_607 = arith.constant 0 : i32
    %dma_start3A_608 = tpu.memref_slice %arg5[%add3A_606, %dma_start3A_607] : memref<12288x1024xf32, #tpu.memory_space<hbm>> -> memref<16x1024xf32, #tpu.memory_space<hbm>>
    %dma_start3A_609 = arith.constant 0 : i32
    %dma_start3A_610 = tpu.memref_slice %arg5[%add3A_606, %dma_start3A_609] : memref<12288x1024xf32, #tpu.memory_space<hbm>> -> memref<16x1024xf32, #tpu.memory_space<hbm>>
    tpu.enqueue_dma source(%arg20 : memref<16x1024xf32, #tpu.memory_space<vmem>>) target(%dma_start3A_610 : memref<16x1024xf32, #tpu.memory_space<hbm>>) target_semaphore(%arg32 : memref<!tpu.dma_semaphore, #tpu.memory_space<semaphore_mem>>)
    %dma_wait3A_611 = arith.constant 0 : i32
    %dma_wait3A_612 = tpu.memref_slice %arg5[%add3A_606, %dma_wait3A_611] : memref<12288x1024xf32, #tpu.memory_space<hbm>> -> memref<16x1024xf32, #tpu.memory_space<hbm>>
    %dma_wait3A_613 = arith.constant 0 : i32
    %dma_wait3A_614 = tpu.memref_slice %arg5[%add3A_606, %dma_wait3A_613] : memref<12288x1024xf32, #tpu.memory_space<hbm>> -> memref<16x1024xf32, #tpu.memory_space<hbm>>
    tpu.wait_dma2 semaphore(%arg32 : memref<!tpu.dma_semaphore, #tpu.memory_space<semaphore_mem>>) src(%arg20 : memref<16x1024xf32, #tpu.memory_space<vmem>>) dst(%dma_wait3A_614 : memref<16x1024xf32, #tpu.memory_space<hbm>>)
    %dma_start3A_615 = arith.constant 176 : i32
    %dma_start3A_616 = tpu.memref_slice %arg13[%dma_start3A_615] : memref<192xi32, #tpu.memory_space<vmem>> -> memref<16xi32, #tpu.memory_space<vmem>>
    %dma_start3A_617 = arith.constant 0 : i32
    %dma_start3A_618 = arith.constant 0 : i32
    %dma_start3A_619 = tpu.memref_slice %arg3[%dma_start3A_617, %dma_start3A_618] : memref<16384x1024xf32, #tpu.memory_space<hbm>> -> memref<16384x1024xf32, #tpu.memory_space<hbm>>
    tpu.enqueue_indirect_dma source(%dma_start3A_619 : memref<16384x1024xf32, #tpu.memory_space<hbm>>) target(%arg20 : memref<16x1024xf32, #tpu.memory_space<vmem>>) offsets(%dma_start3A_616 : memref<16xi32, #tpu.memory_space<vmem>>) semaphore(%arg26 : memref<!tpu.dma_semaphore, #tpu.memory_space<semaphore_mem>>)
    %dma_wait3A_620 = arith.constant 96 : i32
    %dma_wait3A_621 = tpu.memref_slice %arg13[%dma_wait3A_620] : memref<192xi32, #tpu.memory_space<vmem>> -> memref<16xi32, #tpu.memory_space<vmem>>
    %dma_wait3A_622 = arith.constant 0 : i32
    %dma_wait3A_623 = arith.constant 0 : i32
    %dma_wait3A_624 = tpu.memref_slice %arg3[%dma_wait3A_622, %dma_wait3A_623] : memref<16384x1024xf32, #tpu.memory_space<hbm>> -> memref<16384x1024xf32, #tpu.memory_space<hbm>>
    tpu.wait_indirect_dma semaphore(%arg21 : memref<!tpu.dma_semaphore, #tpu.memory_space<semaphore_mem>>) src(%dma_wait3A_624 : memref<16384x1024xf32, #tpu.memory_space<hbm>>) dst(%arg15 : memref<16x1024xf32, #tpu.memory_space<vmem>>)
    %add3A_625 = arith.constant 96 : i32
    %add3A_626 = arith.addi %add3A_459, %add3A_625 : i32
    %dma_start3A_627 = arith.constant 0 : i32
    %dma_start3A_628 = tpu.memref_slice %arg5[%add3A_626, %dma_start3A_627] : memref<12288x1024xf32, #tpu.memory_space<hbm>> -> memref<16x1024xf32, #tpu.memory_space<hbm>>
    %dma_start3A_629 = arith.constant 0 : i32
    %dma_start3A_630 = tpu.memref_slice %arg5[%add3A_626, %dma_start3A_629] : memref<12288x1024xf32, #tpu.memory_space<hbm>> -> memref<16x1024xf32, #tpu.memory_space<hbm>>
    tpu.enqueue_dma source(%arg15 : memref<16x1024xf32, #tpu.memory_space<vmem>>) target(%dma_start3A_630 : memref<16x1024xf32, #tpu.memory_space<hbm>>) target_semaphore(%arg27 : memref<!tpu.dma_semaphore, #tpu.memory_space<semaphore_mem>>)
    %dma_wait3A_631 = arith.constant 112 : i32
    %dma_wait3A_632 = tpu.memref_slice %arg13[%dma_wait3A_631] : memref<192xi32, #tpu.memory_space<vmem>> -> memref<16xi32, #tpu.memory_space<vmem>>
    %dma_wait3A_633 = arith.constant 0 : i32
    %dma_wait3A_634 = arith.constant 0 : i32
    %dma_wait3A_635 = tpu.memref_slice %arg3[%dma_wait3A_633, %dma_wait3A_634] : memref<16384x1024xf32, #tpu.memory_space<hbm>> -> memref<16384x1024xf32, #tpu.memory_space<hbm>>
    tpu.wait_indirect_dma semaphore(%arg22 : memref<!tpu.dma_semaphore, #tpu.memory_space<semaphore_mem>>) src(%dma_wait3A_635 : memref<16384x1024xf32, #tpu.memory_space<hbm>>) dst(%arg16 : memref<16x1024xf32, #tpu.memory_space<vmem>>)
    %add3A_636 = arith.constant 112 : i32
    %add3A_637 = arith.addi %add3A_459, %add3A_636 : i32
    %dma_start3A_638 = arith.constant 0 : i32
    %dma_start3A_639 = tpu.memref_slice %arg5[%add3A_637, %dma_start3A_638] : memref<12288x1024xf32, #tpu.memory_space<hbm>> -> memref<16x1024xf32, #tpu.memory_space<hbm>>
    %dma_start3A_640 = arith.constant 0 : i32
    %dma_start3A_641 = tpu.memref_slice %arg5[%add3A_637, %dma_start3A_640] : memref<12288x1024xf32, #tpu.memory_space<hbm>> -> memref<16x1024xf32, #tpu.memory_space<hbm>>
    tpu.enqueue_dma source(%arg16 : memref<16x1024xf32, #tpu.memory_space<vmem>>) target(%dma_start3A_641 : memref<16x1024xf32, #tpu.memory_space<hbm>>) target_semaphore(%arg28 : memref<!tpu.dma_semaphore, #tpu.memory_space<semaphore_mem>>)
    %dma_wait3A_642 = arith.constant 128 : i32
    %dma_wait3A_643 = tpu.memref_slice %arg13[%dma_wait3A_642] : memref<192xi32, #tpu.memory_space<vmem>> -> memref<16xi32, #tpu.memory_space<vmem>>
    %dma_wait3A_644 = arith.constant 0 : i32
    %dma_wait3A_645 = arith.constant 0 : i32
    %dma_wait3A_646 = tpu.memref_slice %arg3[%dma_wait3A_644, %dma_wait3A_645] : memref<16384x1024xf32, #tpu.memory_space<hbm>> -> memref<16384x1024xf32, #tpu.memory_space<hbm>>
    tpu.wait_indirect_dma semaphore(%arg23 : memref<!tpu.dma_semaphore, #tpu.memory_space<semaphore_mem>>) src(%dma_wait3A_646 : memref<16384x1024xf32, #tpu.memory_space<hbm>>) dst(%arg17 : memref<16x1024xf32, #tpu.memory_space<vmem>>)
    %add3A_647 = arith.constant 128 : i32
    %add3A_648 = arith.addi %add3A_459, %add3A_647 : i32
    %dma_start3A_649 = arith.constant 0 : i32
    %dma_start3A_650 = tpu.memref_slice %arg5[%add3A_648, %dma_start3A_649] : memref<12288x1024xf32, #tpu.memory_space<hbm>> -> memref<16x1024xf32, #tpu.memory_space<hbm>>
    %dma_start3A_651 = arith.constant 0 : i32
    %dma_start3A_652 = tpu.memref_slice %arg5[%add3A_648, %dma_start3A_651] : memref<12288x1024xf32, #tpu.memory_space<hbm>> -> memref<16x1024xf32, #tpu.memory_space<hbm>>
    tpu.enqueue_dma source(%arg17 : memref<16x1024xf32, #tpu.memory_space<vmem>>) target(%dma_start3A_652 : memref<16x1024xf32, #tpu.memory_space<hbm>>) target_semaphore(%arg29 : memref<!tpu.dma_semaphore, #tpu.memory_space<semaphore_mem>>)
    %dma_wait3A_653 = arith.constant 144 : i32
    %dma_wait3A_654 = tpu.memref_slice %arg13[%dma_wait3A_653] : memref<192xi32, #tpu.memory_space<vmem>> -> memref<16xi32, #tpu.memory_space<vmem>>
    %dma_wait3A_655 = arith.constant 0 : i32
    %dma_wait3A_656 = arith.constant 0 : i32
    %dma_wait3A_657 = tpu.memref_slice %arg3[%dma_wait3A_655, %dma_wait3A_656] : memref<16384x1024xf32, #tpu.memory_space<hbm>> -> memref<16384x1024xf32, #tpu.memory_space<hbm>>
    tpu.wait_indirect_dma semaphore(%arg24 : memref<!tpu.dma_semaphore, #tpu.memory_space<semaphore_mem>>) src(%dma_wait3A_657 : memref<16384x1024xf32, #tpu.memory_space<hbm>>) dst(%arg18 : memref<16x1024xf32, #tpu.memory_space<vmem>>)
    %add3A_658 = arith.constant 144 : i32
    %add3A_659 = arith.addi %add3A_459, %add3A_658 : i32
    %dma_start3A_660 = arith.constant 0 : i32
    %dma_start3A_661 = tpu.memref_slice %arg5[%add3A_659, %dma_start3A_660] : memref<12288x1024xf32, #tpu.memory_space<hbm>> -> memref<16x1024xf32, #tpu.memory_space<hbm>>
    %dma_start3A_662 = arith.constant 0 : i32
    %dma_start3A_663 = tpu.memref_slice %arg5[%add3A_659, %dma_start3A_662] : memref<12288x1024xf32, #tpu.memory_space<hbm>> -> memref<16x1024xf32, #tpu.memory_space<hbm>>
    tpu.enqueue_dma source(%arg18 : memref<16x1024xf32, #tpu.memory_space<vmem>>) target(%dma_start3A_663 : memref<16x1024xf32, #tpu.memory_space<hbm>>) target_semaphore(%arg30 : memref<!tpu.dma_semaphore, #tpu.memory_space<semaphore_mem>>)
    %dma_wait3A_664 = arith.constant 160 : i32
    %dma_wait3A_665 = tpu.memref_slice %arg13[%dma_wait3A_664] : memref<192xi32, #tpu.memory_space<vmem>> -> memref<16xi32, #tpu.memory_space<vmem>>
    %dma_wait3A_666 = arith.constant 0 : i32
    %dma_wait3A_667 = arith.constant 0 : i32
    %dma_wait3A_668 = tpu.memref_slice %arg3[%dma_wait3A_666, %dma_wait3A_667] : memref<16384x1024xf32, #tpu.memory_space<hbm>> -> memref<16384x1024xf32, #tpu.memory_space<hbm>>
    tpu.wait_indirect_dma semaphore(%arg25 : memref<!tpu.dma_semaphore, #tpu.memory_space<semaphore_mem>>) src(%dma_wait3A_668 : memref<16384x1024xf32, #tpu.memory_space<hbm>>) dst(%arg19 : memref<16x1024xf32, #tpu.memory_space<vmem>>)
    %add3A_669 = arith.constant 160 : i32
    %add3A_670 = arith.addi %add3A_459, %add3A_669 : i32
    %dma_start3A_671 = arith.constant 0 : i32
    %dma_start3A_672 = tpu.memref_slice %arg5[%add3A_670, %dma_start3A_671] : memref<12288x1024xf32, #tpu.memory_space<hbm>> -> memref<16x1024xf32, #tpu.memory_space<hbm>>
    %dma_start3A_673 = arith.constant 0 : i32
    %dma_start3A_674 = tpu.memref_slice %arg5[%add3A_670, %dma_start3A_673] : memref<12288x1024xf32, #tpu.memory_space<hbm>> -> memref<16x1024xf32, #tpu.memory_space<hbm>>
    tpu.enqueue_dma source(%arg19 : memref<16x1024xf32, #tpu.memory_space<vmem>>) target(%dma_start3A_674 : memref<16x1024xf32, #tpu.memory_space<hbm>>) target_semaphore(%arg31 : memref<!tpu.dma_semaphore, #tpu.memory_space<semaphore_mem>>)
    %dma_wait3A_675 = arith.constant 176 : i32
    %dma_wait3A_676 = tpu.memref_slice %arg13[%dma_wait3A_675] : memref<192xi32, #tpu.memory_space<vmem>> -> memref<16xi32, #tpu.memory_space<vmem>>
    %dma_wait3A_677 = arith.constant 0 : i32
    %dma_wait3A_678 = arith.constant 0 : i32
    %dma_wait3A_679 = tpu.memref_slice %arg3[%dma_wait3A_677, %dma_wait3A_678] : memref<16384x1024xf32, #tpu.memory_space<hbm>> -> memref<16384x1024xf32, #tpu.memory_space<hbm>>
    tpu.wait_indirect_dma semaphore(%arg26 : memref<!tpu.dma_semaphore, #tpu.memory_space<semaphore_mem>>) src(%dma_wait3A_679 : memref<16384x1024xf32, #tpu.memory_space<hbm>>) dst(%arg20 : memref<16x1024xf32, #tpu.memory_space<vmem>>)
    %add3A_680 = arith.constant 176 : i32
    %add3A_681 = arith.addi %add3A_459, %add3A_680 : i32
    %dma_start3A_682 = arith.constant 0 : i32
    %dma_start3A_683 = tpu.memref_slice %arg5[%add3A_681, %dma_start3A_682] : memref<12288x1024xf32, #tpu.memory_space<hbm>> -> memref<16x1024xf32, #tpu.memory_space<hbm>>
    %dma_start3A_684 = arith.constant 0 : i32
    %dma_start3A_685 = tpu.memref_slice %arg5[%add3A_681, %dma_start3A_684] : memref<12288x1024xf32, #tpu.memory_space<hbm>> -> memref<16x1024xf32, #tpu.memory_space<hbm>>
    tpu.enqueue_dma source(%arg20 : memref<16x1024xf32, #tpu.memory_space<vmem>>) target(%dma_start3A_685 : memref<16x1024xf32, #tpu.memory_space<hbm>>) target_semaphore(%arg32 : memref<!tpu.dma_semaphore, #tpu.memory_space<semaphore_mem>>)
    %dma_wait3A_686 = arith.constant 0 : i32
    %dma_wait3A_687 = tpu.memref_slice %arg5[%add3A_626, %dma_wait3A_686] : memref<12288x1024xf32, #tpu.memory_space<hbm>> -> memref<16x1024xf32, #tpu.memory_space<hbm>>
    %dma_wait3A_688 = arith.constant 0 : i32
    %dma_wait3A_689 = tpu.memref_slice %arg5[%add3A_626, %dma_wait3A_688] : memref<12288x1024xf32, #tpu.memory_space<hbm>> -> memref<16x1024xf32, #tpu.memory_space<hbm>>
    tpu.wait_dma2 semaphore(%arg27 : memref<!tpu.dma_semaphore, #tpu.memory_space<semaphore_mem>>) src(%arg15 : memref<16x1024xf32, #tpu.memory_space<vmem>>) dst(%dma_wait3A_689 : memref<16x1024xf32, #tpu.memory_space<hbm>>)
    %dma_wait3A_690 = arith.constant 0 : i32
    %dma_wait3A_691 = tpu.memref_slice %arg5[%add3A_637, %dma_wait3A_690] : memref<12288x1024xf32, #tpu.memory_space<hbm>> -> memref<16x1024xf32, #tpu.memory_space<hbm>>
    %dma_wait3A_692 = arith.constant 0 : i32
    %dma_wait3A_693 = tpu.memref_slice %arg5[%add3A_637, %dma_wait3A_692] : memref<12288x1024xf32, #tpu.memory_space<hbm>> -> memref<16x1024xf32, #tpu.memory_space<hbm>>
    tpu.wait_dma2 semaphore(%arg28 : memref<!tpu.dma_semaphore, #tpu.memory_space<semaphore_mem>>) src(%arg16 : memref<16x1024xf32, #tpu.memory_space<vmem>>) dst(%dma_wait3A_693 : memref<16x1024xf32, #tpu.memory_space<hbm>>)
    %dma_wait3A_694 = arith.constant 0 : i32
    %dma_wait3A_695 = tpu.memref_slice %arg5[%add3A_648, %dma_wait3A_694] : memref<12288x1024xf32, #tpu.memory_space<hbm>> -> memref<16x1024xf32, #tpu.memory_space<hbm>>
    %dma_wait3A_696 = arith.constant 0 : i32
    %dma_wait3A_697 = tpu.memref_slice %arg5[%add3A_648, %dma_wait3A_696] : memref<12288x1024xf32, #tpu.memory_space<hbm>> -> memref<16x1024xf32, #tpu.memory_space<hbm>>
    tpu.wait_dma2 semaphore(%arg29 : memref<!tpu.dma_semaphore, #tpu.memory_space<semaphore_mem>>) src(%arg17 : memref<16x1024xf32, #tpu.memory_space<vmem>>) dst(%dma_wait3A_697 : memref<16x1024xf32, #tpu.memory_space<hbm>>)
    %dma_wait3A_698 = arith.constant 0 : i32
    %dma_wait3A_699 = tpu.memref_slice %arg5[%add3A_659, %dma_wait3A_698] : memref<12288x1024xf32, #tpu.memory_space<hbm>> -> memref<16x1024xf32, #tpu.memory_space<hbm>>
    %dma_wait3A_700 = arith.constant 0 : i32
    %dma_wait3A_701 = tpu.memref_slice %arg5[%add3A_659, %dma_wait3A_700] : memref<12288x1024xf32, #tpu.memory_space<hbm>> -> memref<16x1024xf32, #tpu.memory_space<hbm>>
    tpu.wait_dma2 semaphore(%arg30 : memref<!tpu.dma_semaphore, #tpu.memory_space<semaphore_mem>>) src(%arg18 : memref<16x1024xf32, #tpu.memory_space<vmem>>) dst(%dma_wait3A_701 : memref<16x1024xf32, #tpu.memory_space<hbm>>)
    %dma_wait3A_702 = arith.constant 0 : i32
    %dma_wait3A_703 = tpu.memref_slice %arg5[%add3A_670, %dma_wait3A_702] : memref<12288x1024xf32, #tpu.memory_space<hbm>> -> memref<16x1024xf32, #tpu.memory_space<hbm>>
    %dma_wait3A_704 = arith.constant 0 : i32
    %dma_wait3A_705 = tpu.memref_slice %arg5[%add3A_670, %dma_wait3A_704] : memref<12288x1024xf32, #tpu.memory_space<hbm>> -> memref<16x1024xf32, #tpu.memory_space<hbm>>
    tpu.wait_dma2 semaphore(%arg31 : memref<!tpu.dma_semaphore, #tpu.memory_space<semaphore_mem>>) src(%arg19 : memref<16x1024xf32, #tpu.memory_space<vmem>>) dst(%dma_wait3A_705 : memref<16x1024xf32, #tpu.memory_space<hbm>>)
    %dma_wait3A_706 = arith.constant 0 : i32
    %dma_wait3A_707 = tpu.memref_slice %arg5[%add3A_681, %dma_wait3A_706] : memref<12288x1024xf32, #tpu.memory_space<hbm>> -> memref<16x1024xf32, #tpu.memory_space<hbm>>
    %dma_wait3A_708 = arith.constant 0 : i32
    %dma_wait3A_709 = tpu.memref_slice %arg5[%add3A_681, %dma_wait3A_708] : memref<12288x1024xf32, #tpu.memory_space<hbm>> -> memref<16x1024xf32, #tpu.memory_space<hbm>>
    tpu.wait_dma2 semaphore(%arg32 : memref<!tpu.dma_semaphore, #tpu.memory_space<semaphore_mem>>) src(%arg20 : memref<16x1024xf32, #tpu.memory_space<vmem>>) dst(%dma_wait3A_709 : memref<16x1024xf32, #tpu.memory_space<hbm>>)
    "tpu.trace_stop"() : () -> ()
    "tpu.trace_start"() <{level = 10 : i32, message = "mask"}> : () -> ()
    %dma_wait3A_710 = arith.constant 0 : i32
    %dma_wait3A_711 = tpu.memref_slice %arg14[%dma_wait3A_710] : memref<192xf32, #tpu.memory_space<vmem>> -> memref<96xf32, #tpu.memory_space<vmem>>
    %dma_wait3A_712 = arith.constant 0 : i32
    %dma_wait3A_713 = tpu.memref_slice %arg13[%dma_wait3A_712] : memref<192xi32, #tpu.memory_space<vmem>> -> memref<96xi32, #tpu.memory_space<vmem>>
    %dma_wait3A_714 = arith.constant 0 : i32
    %dma_wait3A_715 = tpu.memref_slice %arg4[%dma_wait3A_714] : memref<16384xf32, #tpu.memory_space<hbm>> -> memref<16384xf32, #tpu.memory_space<hbm>>
    tpu.wait_indirect_dma semaphore(%arg33 : memref<!tpu.dma_semaphore, #tpu.memory_space<semaphore_mem>>) src(%dma_wait3A_715 : memref<16384xf32, #tpu.memory_space<hbm>>) dst(%dma_wait3A_711 : memref<96xf32, #tpu.memory_space<vmem>>)
    %dma_wait3A_716 = arith.constant 96 : i32
    %dma_wait3A_717 = tpu.memref_slice %arg14[%dma_wait3A_716] : memref<192xf32, #tpu.memory_space<vmem>> -> memref<96xf32, #tpu.memory_space<vmem>>
    %dma_wait3A_718 = arith.constant 96 : i32
    %dma_wait3A_719 = tpu.memref_slice %arg13[%dma_wait3A_718] : memref<192xi32, #tpu.memory_space<vmem>> -> memref<96xi32, #tpu.memory_space<vmem>>
    %dma_wait3A_720 = arith.constant 0 : i32
    %dma_wait3A_721 = tpu.memref_slice %arg4[%dma_wait3A_720] : memref<16384xf32, #tpu.memory_space<hbm>> -> memref<16384xf32, #tpu.memory_space<hbm>>
    tpu.wait_indirect_dma semaphore(%arg33 : memref<!tpu.dma_semaphore, #tpu.memory_space<semaphore_mem>>) src(%dma_wait3A_721 : memref<16384xf32, #tpu.memory_space<hbm>>) dst(%dma_wait3A_717 : memref<96xf32, #tpu.memory_space<vmem>>)
    "tpu.region"() ({
      %run_scoped3A_722 = tpu.sem_alloc : memref<!tpu.dma_semaphore, #tpu.memory_space<semaphore_mem>>
      %dma_start3A_723 = tpu.memref_slice %arg6[%add3A_459] : memref<12288xf32, #tpu.memory_space<hbm>> -> memref<192xf32, #tpu.memory_space<hbm>>
      %dma_start3A_724 = tpu.memref_slice %arg6[%add3A_459] : memref<12288xf32, #tpu.memory_space<hbm>> -> memref<192xf32, #tpu.memory_space<hbm>>
      tpu.enqueue_dma source(%arg14 : memref<192xf32, #tpu.memory_space<vmem>>) target(%dma_start3A_724 : memref<192xf32, #tpu.memory_space<hbm>>) target_semaphore(%run_scoped3A_722 : memref<!tpu.dma_semaphore, #tpu.memory_space<semaphore_mem>>)
      %dma_wait3A_725 = tpu.memref_slice %arg6[%add3A_459] : memref<12288xf32, #tpu.memory_space<hbm>> -> memref<192xf32, #tpu.memory_space<hbm>>
      %dma_wait3A_726 = tpu.memref_slice %arg6[%add3A_459] : memref<12288xf32, #tpu.memory_space<hbm>> -> memref<192xf32, #tpu.memory_space<hbm>>
      tpu.wait_dma2 semaphore(%run_scoped3A_722 : memref<!tpu.dma_semaphore, #tpu.memory_space<semaphore_mem>>) src(%arg14 : memref<192xf32, #tpu.memory_space<vmem>>) dst(%dma_wait3A_726 : memref<192xf32, #tpu.memory_space<hbm>>)
      tpu.yield
    }) : () -> ()
    "tpu.trace_stop"() : () -> ()
    return
  }
}

#map = affine_map<(d0, d1) -> (0)>
#map1 = affine_map<(d0, d1) -> (0, 0)>
module attributes {stable_mosaic.version = 14 : i64} {
  func.func @new_body(%arg0: i32, %arg1: i32, %arg2: memref<8192xi32, #tpu.memory_space<hbm>>, %arg3: memref<16384x1024xf32, #tpu.memory_space<hbm>>, %arg4: memref<16384xf32, #tpu.memory_space<hbm>>, %arg5: memref<12288x1024xf32, #tpu.memory_space<hbm>>, %arg6: memref<12288xf32, #tpu.memory_space<hbm>>, %arg7: memref<12288x1024xf32, #tpu.memory_space<hbm>>, %arg8: memref<12288xf32, #tpu.memory_space<hbm>>, %arg9: memref<256xi32, #tpu.memory_space<vmem>>, %arg10: memref<2x128xi32, #tpu.memory_space<vmem>>, %arg11: memref<2x128xi32, #tpu.memory_space<vmem>>, %arg12: memref<4096xi32, #tpu.memory_space<vmem_shared>>, %arg13: memref<192xi32, #tpu.memory_space<vmem>>, %arg14: memref<192xf32, #tpu.memory_space<vmem>>, %arg15: memref<16x1024xf32, #tpu.memory_space<vmem>>, %arg16: memref<16x1024xf32, #tpu.memory_space<vmem>>, %arg17: memref<16x1024xf32, #tpu.memory_space<vmem>>, %arg18: memref<16x1024xf32, #tpu.memory_space<vmem>>, %arg19: memref<16x1024xf32, #tpu.memory_space<vmem>>, %arg20: memref<16x1024xf32, #tpu.memory_space<vmem>>, %arg21: memref<!tpu.dma_semaphore, #tpu.memory_space<semaphore_mem>>, %arg22: memref<!tpu.dma_semaphore, #tpu.memory_space<semaphore_mem>>, %arg23: memref<!tpu.dma_semaphore, #tpu.memory_space<semaphore_mem>>, %arg24: memref<!tpu.dma_semaphore, #tpu.memory_space<semaphore_mem>>, %arg25: memref<!tpu.dma_semaphore, #tpu.memory_space<semaphore_mem>>, %arg26: memref<!tpu.dma_semaphore, #tpu.memory_space<semaphore_mem>>, %arg27: memref<!tpu.dma_semaphore, #tpu.memory_space<semaphore_mem>>, %arg28: memref<!tpu.dma_semaphore, #tpu.memory_space<semaphore_mem>>, %arg29: memref<!tpu.dma_semaphore, #tpu.memory_space<semaphore_mem>>, %arg30: memref<!tpu.dma_semaphore, #tpu.memory_space<semaphore_mem>>, %arg31: memref<!tpu.dma_semaphore, #tpu.memory_space<semaphore_mem>>, %arg32: memref<!tpu.dma_semaphore, #tpu.memory_space<semaphore_mem>>, %arg33: memref<!tpu.dma_semaphore, #tpu.memory_space<semaphore_mem>>) attributes {dimension_semantics = [#tpu.dimension_semantics<core_parallel>, #tpu.dimension_semantics<subcore_parallel>], iteration_bounds = array<i64: 2, 16>, scalar_prefetch = 0 : i64, scratch_operands = 25 : i64, tpu.core_type = #tpu.core_type<sc_vector_subcore>, window_params = [{transform_indices = #map}, {transform_indices = #map1}, {transform_indices = #map}, {transform_indices = #map1}, {transform_indices = #map}, {transform_indices = #map1}, {transform_indices = #map}]} {
    "tpu.trace_start"() <{level = 10 : i32, message = "partA"}> : () -> ()
    %mul3A = arith.constant 4096 : i32
    %mul3A_0 = arith.muli %arg0, %mul3A : i32
    %mul3A_1 = arith.constant 256 : i32
    %mul3A_2 = arith.muli %arg1, %mul3A_1 : i32
    %add3A = arith.addi %mul3A_0, %mul3A_2 : i32
    "tpu.region"() ({
      %run_scoped3A_722 = tpu.sem_alloc : memref<!tpu.dma_semaphore, #tpu.memory_space<semaphore_mem>>
      %dma_start3A_723 = tpu.memref_slice %arg2[%add3A] : memref<8192xi32, #tpu.memory_space<hbm>> -> memref<256xi32, #tpu.memory_space<hbm>>
      %dma_start3A_724 = tpu.memref_slice %arg2[%add3A] : memref<8192xi32, #tpu.memory_space<hbm>> -> memref<256xi32, #tpu.memory_space<hbm>>
      tpu.enqueue_dma source(%dma_start3A_724 : memref<256xi32, #tpu.memory_space<hbm>>) target(%arg9 : memref<256xi32, #tpu.memory_space<vmem>>) target_semaphore(%run_scoped3A_722 : memref<!tpu.dma_semaphore, #tpu.memory_space<semaphore_mem>>)
      %dma_wait3A_725 = tpu.memref_slice %arg2[%add3A] : memref<8192xi32, #tpu.memory_space<hbm>> -> memref<256xi32, #tpu.memory_space<hbm>>
      %dma_wait3A_726 = tpu.memref_slice %arg2[%add3A] : memref<8192xi32, #tpu.memory_space<hbm>> -> memref<256xi32, #tpu.memory_space<hbm>>
      tpu.wait_dma2 semaphore(%run_scoped3A_722 : memref<!tpu.dma_semaphore, #tpu.memory_space<semaphore_mem>>) src(%dma_wait3A_726 : memref<256xi32, #tpu.memory_space<hbm>>) dst(%arg9 : memref<256xi32, #tpu.memory_space<vmem>>)
      tpu.yield
    }) : () -> ()
    %get3A = arith.constant 0 : index
    %get3A_3 = tpu.vector_load %arg9[%get3A] {strides = array<i32>} : memref<256xi32, #tpu.memory_space<vmem>>, vector<16xi32>,
    %get3A_4 = vector.shape_cast %get3A_3 : vector<16xi32> to vector<16xi32>
    %swap3A = arith.constant 0 : i32
    %swap3A_5 = arith.constant 0 : i32
    %swap3A_6 = tpu.memref_slice %arg10[%swap3A, %swap3A_5] : memref<2x128xi32, #tpu.memory_space<vmem>> -> memref<1x128xi32, #tpu.memory_space<vmem>>
    %swap3A_7 = tpu.memref_squeeze %swap3A_6 : memref<1x128xi32, #tpu.memory_space<vmem>> -> memref<128xi32, #tpu.memory_space<vmem>>
    %swap3A_8 = arith.constant 0 : index
    %swap3A_9 = tpu.vector_load %swap3A_7[%swap3A_8] {strides = array<i32>} : memref<128xi32, #tpu.memory_space<vmem>>, vector<16xi32>,
    %swap3A_10 = vector.shape_cast %swap3A_9 : vector<16xi32> to vector<16xi32>
    %swap3A_11 = vector.shape_cast %get3A_4 : vector<16xi32> to vector<16xi32>
    tpu.vector_store %swap3A_7[%swap3A_8], %swap3A_11 {strides = array<i32>} : memref<128xi32, #tpu.memory_space<vmem>>, vector<16xi32>,
    %add3A_12 = arith.constant 0 : i32
    %add3A_13 = arith.addi %add3A_12, %add3A : i32
    %add3A_14 = arith.constant 0 : i32
    %add3A_15 = arith.addi %add3A_13, %add3A_14 : i32
    %add3A_16 = arith.constant 0 : i32
    %add3A_17 = arith.addi %add3A_15, %add3A_16 : i32
    %iota3A = tpu.iota {dimensions = array<i32: 0>} : vector<16xi32>
    %add3A_18 = vector.broadcast %add3A_17 : i32 to vector<16xi32>
    %add3A_19 = arith.addi %add3A_18, %iota3A : vector<16xi32>
    %swap3A_20 = arith.constant 0 : i32
    %swap3A_21 = arith.constant 0 : i32
    %swap3A_22 = tpu.memref_slice %arg11[%swap3A_20, %swap3A_21] : memref<2x128xi32, #tpu.memory_space<vmem>> -> memref<1x128xi32, #tpu.memory_space<vmem>>
    %swap3A_23 = tpu.memref_squeeze %swap3A_22 : memref<1x128xi32, #tpu.memory_space<vmem>> -> memref<128xi32, #tpu.memory_space<vmem>>
    %swap3A_24 = arith.constant 0 : index
    %swap3A_25 = tpu.vector_load %swap3A_23[%swap3A_24] {strides = array<i32>} : memref<128xi32, #tpu.memory_space<vmem>>, vector<16xi32>,
    %swap3A_26 = vector.shape_cast %swap3A_25 : vector<16xi32> to vector<16xi32>
    %swap3A_27 = vector.shape_cast %add3A_19 : vector<16xi32> to vector<16xi32>
    tpu.vector_store %swap3A_23[%swap3A_24], %swap3A_27 {strides = array<i32>} : memref<128xi32, #tpu.memory_space<vmem>>, vector<16xi32>,
    %get3A_28 = arith.constant 16 : index
    %get3A_29 = tpu.vector_load %arg9[%get3A_28] {strides = array<i32>} : memref<256xi32, #tpu.memory_space<vmem>>, vector<16xi32>,
    %get3A_30 = vector.shape_cast %get3A_29 : vector<16xi32> to vector<16xi32>
    %swap3A_31 = arith.constant 0 : i32
    %swap3A_32 = arith.constant 0 : i32
    %swap3A_33 = tpu.memref_slice %arg10[%swap3A_31, %swap3A_32] : memref<2x128xi32, #tpu.memory_space<vmem>> -> memref<1x128xi32, #tpu.memory_space<vmem>>
    %swap3A_34 = tpu.memref_squeeze %swap3A_33 : memref<1x128xi32, #tpu.memory_space<vmem>> -> memref<128xi32, #tpu.memory_space<vmem>>
    %swap3A_35 = arith.constant 16 : index
    %swap3A_36 = tpu.vector_load %swap3A_34[%swap3A_35] {strides = array<i32>} : memref<128xi32, #tpu.memory_space<vmem>>, vector<16xi32>,
    %swap3A_37 = vector.shape_cast %swap3A_36 : vector<16xi32> to vector<16xi32>
    %swap3A_38 = vector.shape_cast %get3A_30 : vector<16xi32> to vector<16xi32>
    tpu.vector_store %swap3A_34[%swap3A_35], %swap3A_38 {strides = array<i32>} : memref<128xi32, #tpu.memory_space<vmem>>, vector<16xi32>,
    %add3A_39 = arith.constant 0 : i32
    %add3A_40 = arith.addi %add3A_39, %add3A : i32
    %add3A_41 = arith.constant 0 : i32
    %add3A_42 = arith.addi %add3A_40, %add3A_41 : i32
    %add3A_43 = arith.constant 16 : i32
    %add3A_44 = arith.addi %add3A_42, %add3A_43 : i32
    %iota3A_45 = tpu.iota {dimensions = array<i32: 0>} : vector<16xi32>
    %add3A_46 = vector.broadcast %add3A_44 : i32 to vector<16xi32>
    %add3A_47 = arith.addi %add3A_46, %iota3A_45 : vector<16xi32>
    %swap3A_48 = arith.constant 0 : i32
    %swap3A_49 = arith.constant 0 : i32
    %swap3A_50 = tpu.memref_slice %arg11[%swap3A_48, %swap3A_49] : memref<2x128xi32, #tpu.memory_space<vmem>> -> memref<1x128xi32, #tpu.memory_space<vmem>>
    %swap3A_51 = tpu.memref_squeeze %swap3A_50 : memref<1x128xi32, #tpu.memory_space<vmem>> -> memref<128xi32, #tpu.memory_space<vmem>>
    %swap3A_52 = arith.constant 16 : index
    %swap3A_53 = tpu.vector_load %swap3A_51[%swap3A_52] {strides = array<i32>} : memref<128xi32, #tpu.memory_space<vmem>>, vector<16xi32>,
    %swap3A_54 = vector.shape_cast %swap3A_53 : vector<16xi32> to vector<16xi32>
    %swap3A_55 = vector.shape_cast %add3A_47 : vector<16xi32> to vector<16xi32>
    tpu.vector_store %swap3A_51[%swap3A_52], %swap3A_55 {strides = array<i32>} : memref<128xi32, #tpu.memory_space<vmem>>, vector<16xi32>,
    %get3A_56 = arith.constant 32 : index
    %get3A_57 = tpu.vector_load %arg9[%get3A_56] {strides = array<i32>} : memref<256xi32, #tpu.memory_space<vmem>>, vector<16xi32>,
    %get3A_58 = vector.shape_cast %get3A_57 : vector<16xi32> to vector<16xi32>
    %swap3A_59 = arith.constant 0 : i32
    %swap3A_60 = arith.constant 0 : i32
    %swap3A_61 = tpu.memref_slice %arg10[%swap3A_59, %swap3A_60] : memref<2x128xi32, #tpu.memory_space<vmem>> -> memref<1x128xi32, #tpu.memory_space<vmem>>
    %swap3A_62 = tpu.memref_squeeze %swap3A_61 : memref<1x128xi32, #tpu.memory_space<vmem>> -> memref<128xi32, #tpu.memory_space<vmem>>
    %swap3A_63 = arith.constant 32 : index
    %swap3A_64 = tpu.vector_load %swap3A_62[%swap3A_63] {strides = array<i32>} : memref<128xi32, #tpu.memory_space<vmem>>, vector<16xi32>,
    %swap3A_65 = vector.shape_cast %swap3A_64 : vector<16xi32> to vector<16xi32>
    %swap3A_66 = vector.shape_cast %get3A_58 : vector<16xi32> to vector<16xi32>
    tpu.vector_store %swap3A_62[%swap3A_63], %swap3A_66 {strides = array<i32>} : memref<128xi32, #tpu.memory_space<vmem>>, vector<16xi32>,
    %add3A_67 = arith.constant 0 : i32
    %add3A_68 = arith.addi %add3A_67, %add3A : i32
    %add3A_69 = arith.constant 0 : i32
    %add3A_70 = arith.addi %add3A_68, %add3A_69 : i32
    %add3A_71 = arith.constant 32 : i32
    %add3A_72 = arith.addi %add3A_70, %add3A_71 : i32
    %iota3A_73 = tpu.iota {dimensions = array<i32: 0>} : vector<16xi32>
    %add3A_74 = vector.broadcast %add3A_72 : i32 to vector<16xi32>
    %add3A_75 = arith.addi %add3A_74, %iota3A_73 : vector<16xi32>
    %swap3A_76 = arith.constant 0 : i32
    %swap3A_77 = arith.constant 0 : i32
    %swap3A_78 = tpu.memref_slice %arg11[%swap3A_76, %swap3A_77] : memref<2x128xi32, #tpu.memory_space<vmem>> -> memref<1x128xi32, #tpu.memory_space<vmem>>
    %swap3A_79 = tpu.memref_squeeze %swap3A_78 : memref<1x128xi32, #tpu.memory_space<vmem>> -> memref<128xi32, #tpu.memory_space<vmem>>
    %swap3A_80 = arith.constant 32 : index
    %swap3A_81 = tpu.vector_load %swap3A_79[%swap3A_80] {strides = array<i32>} : memref<128xi32, #tpu.memory_space<vmem>>, vector<16xi32>,
    %swap3A_82 = vector.shape_cast %swap3A_81 : vector<16xi32> to vector<16xi32>
    %swap3A_83 = vector.shape_cast %add3A_75 : vector<16xi32> to vector<16xi32>
    tpu.vector_store %swap3A_79[%swap3A_80], %swap3A_83 {strides = array<i32>} : memref<128xi32, #tpu.memory_space<vmem>>, vector<16xi32>,
    %get3A_84 = arith.constant 48 : index
    %get3A_85 = tpu.vector_load %arg9[%get3A_84] {strides = array<i32>} : memref<256xi32, #tpu.memory_space<vmem>>, vector<16xi32>,
    %get3A_86 = vector.shape_cast %get3A_85 : vector<16xi32> to vector<16xi32>
    %swap3A_87 = arith.constant 0 : i32
    %swap3A_88 = arith.constant 0 : i32
    %swap3A_89 = tpu.memref_slice %arg10[%swap3A_87, %swap3A_88] : memref<2x128xi32, #tpu.memory_space<vmem>> -> memref<1x128xi32, #tpu.memory_space<vmem>>
    %swap3A_90 = tpu.memref_squeeze %swap3A_89 : memref<1x128xi32, #tpu.memory_space<vmem>> -> memref<128xi32, #tpu.memory_space<vmem>>
    %swap3A_91 = arith.constant 48 : index
    %swap3A_92 = tpu.vector_load %swap3A_90[%swap3A_91] {strides = array<i32>} : memref<128xi32, #tpu.memory_space<vmem>>, vector<16xi32>,
    %swap3A_93 = vector.shape_cast %swap3A_92 : vector<16xi32> to vector<16xi32>
    %swap3A_94 = vector.shape_cast %get3A_86 : vector<16xi32> to vector<16xi32>
    tpu.vector_store %swap3A_90[%swap3A_91], %swap3A_94 {strides = array<i32>} : memref<128xi32, #tpu.memory_space<vmem>>, vector<16xi32>,
    %add3A_95 = arith.constant 0 : i32
    %add3A_96 = arith.addi %add3A_95, %add3A : i32
    %add3A_97 = arith.constant 0 : i32
    %add3A_98 = arith.addi %add3A_96, %add3A_97 : i32
    %add3A_99 = arith.constant 48 : i32
    %add3A_100 = arith.addi %add3A_98, %add3A_99 : i32
    %iota3A_101 = tpu.iota {dimensions = array<i32: 0>} : vector<16xi32>
    %add3A_102 = vector.broadcast %add3A_100 : i32 to vector<16xi32>
    %add3A_103 = arith.addi %add3A_102, %iota3A_101 : vector<16xi32>
    %swap3A_104 = arith.constant 0 : i32
    %swap3A_105 = arith.constant 0 : i32
    %swap3A_106 = tpu.memref_slice %arg11[%swap3A_104, %swap3A_105] : memref<2x128xi32, #tpu.memory_space<vmem>> -> memref<1x128xi32, #tpu.memory_space<vmem>>
    %swap3A_107 = tpu.memref_squeeze %swap3A_106 : memref<1x128xi32, #tpu.memory_space<vmem>> -> memref<128xi32, #tpu.memory_space<vmem>>
    %swap3A_108 = arith.constant 48 : index
    %swap3A_109 = tpu.vector_load %swap3A_107[%swap3A_108] {strides = array<i32>} : memref<128xi32, #tpu.memory_space<vmem>>, vector<16xi32>,
    %swap3A_110 = vector.shape_cast %swap3A_109 : vector<16xi32> to vector<16xi32>
    %swap3A_111 = vector.shape_cast %add3A_103 : vector<16xi32> to vector<16xi32>
    tpu.vector_store %swap3A_107[%swap3A_108], %swap3A_111 {strides = array<i32>} : memref<128xi32, #tpu.memory_space<vmem>>, vector<16xi32>,
    %get3A_112 = arith.constant 64 : index
    %get3A_113 = tpu.vector_load %arg9[%get3A_112] {strides = array<i32>} : memref<256xi32, #tpu.memory_space<vmem>>, vector<16xi32>,
    %get3A_114 = vector.shape_cast %get3A_113 : vector<16xi32> to vector<16xi32>
    %swap3A_115 = arith.constant 0 : i32
    %swap3A_116 = arith.constant 0 : i32
    %swap3A_117 = tpu.memref_slice %arg10[%swap3A_115, %swap3A_116] : memref<2x128xi32, #tpu.memory_space<vmem>> -> memref<1x128xi32, #tpu.memory_space<vmem>>
    %swap3A_118 = tpu.memref_squeeze %swap3A_117 : memref<1x128xi32, #tpu.memory_space<vmem>> -> memref<128xi32, #tpu.memory_space<vmem>>
    %swap3A_119 = arith.constant 64 : index
    %swap3A_120 = tpu.vector_load %swap3A_118[%swap3A_119] {strides = array<i32>} : memref<128xi32, #tpu.memory_space<vmem>>, vector<16xi32>,
    %swap3A_121 = vector.shape_cast %swap3A_120 : vector<16xi32> to vector<16xi32>
    %swap3A_122 = vector.shape_cast %get3A_114 : vector<16xi32> to vector<16xi32>
    tpu.vector_store %swap3A_118[%swap3A_119], %swap3A_122 {strides = array<i32>} : memref<128xi32, #tpu.memory_space<vmem>>, vector<16xi32>,
    %add3A_123 = arith.constant 0 : i32
    %add3A_124 = arith.addi %add3A_123, %add3A : i32
    %add3A_125 = arith.constant 0 : i32
    %add3A_126 = arith.addi %add3A_124, %add3A_125 : i32
    %add3A_127 = arith.constant 64 : i32
    %add3A_128 = arith.addi %add3A_126, %add3A_127 : i32
    %iota3A_129 = tpu.iota {dimensions = array<i32: 0>} : vector<16xi32>
    %add3A_130 = vector.broadcast %add3A_128 : i32 to vector<16xi32>
    %add3A_131 = arith.addi %add3A_130, %iota3A_129 : vector<16xi32>
    %swap3A_132 = arith.constant 0 : i32
    %swap3A_133 = arith.constant 0 : i32
    %swap3A_134 = tpu.memref_slice %arg11[%swap3A_132, %swap3A_133] : memref<2x128xi32, #tpu.memory_space<vmem>> -> memref<1x128xi32, #tpu.memory_space<vmem>>
    %swap3A_135 = tpu.memref_squeeze %swap3A_134 : memref<1x128xi32, #tpu.memory_space<vmem>> -> memref<128xi32, #tpu.memory_space<vmem>>
    %swap3A_136 = arith.constant 64 : index
    %swap3A_137 = tpu.vector_load %swap3A_135[%swap3A_136] {strides = array<i32>} : memref<128xi32, #tpu.memory_space<vmem>>, vector<16xi32>,
    %swap3A_138 = vector.shape_cast %swap3A_137 : vector<16xi32> to vector<16xi32>
    %swap3A_139 = vector.shape_cast %add3A_131 : vector<16xi32> to vector<16xi32>
    tpu.vector_store %swap3A_135[%swap3A_136], %swap3A_139 {strides = array<i32>} : memref<128xi32, #tpu.memory_space<vmem>>, vector<16xi32>,
    %get3A_140 = arith.constant 80 : index
    %get3A_141 = tpu.vector_load %arg9[%get3A_140] {strides = array<i32>} : memref<256xi32, #tpu.memory_space<vmem>>, vector<16xi32>,
    %get3A_142 = vector.shape_cast %get3A_141 : vector<16xi32> to vector<16xi32>
    %swap3A_143 = arith.constant 0 : i32
    %swap3A_144 = arith.constant 0 : i32
    %swap3A_145 = tpu.memref_slice %arg10[%swap3A_143, %swap3A_144] : memref<2x128xi32, #tpu.memory_space<vmem>> -> memref<1x128xi32, #tpu.memory_space<vmem>>
    %swap3A_146 = tpu.memref_squeeze %swap3A_145 : memref<1x128xi32, #tpu.memory_space<vmem>> -> memref<128xi32, #tpu.memory_space<vmem>>
    %swap3A_147 = arith.constant 80 : index
    %swap3A_148 = tpu.vector_load %swap3A_146[%swap3A_147] {strides = array<i32>} : memref<128xi32, #tpu.memory_space<vmem>>, vector<16xi32>,
    %swap3A_149 = vector.shape_cast %swap3A_148 : vector<16xi32> to vector<16xi32>
    %swap3A_150 = vector.shape_cast %get3A_142 : vector<16xi32> to vector<16xi32>
    tpu.vector_store %swap3A_146[%swap3A_147], %swap3A_150 {strides = array<i32>} : memref<128xi32, #tpu.memory_space<vmem>>, vector<16xi32>,
    %add3A_151 = arith.constant 0 : i32
    %add3A_152 = arith.addi %add3A_151, %add3A : i32
    %add3A_153 = arith.constant 0 : i32
    %add3A_154 = arith.addi %add3A_152, %add3A_153 : i32
    %add3A_155 = arith.constant 80 : i32
    %add3A_156 = arith.addi %add3A_154, %add3A_155 : i32
    %iota3A_157 = tpu.iota {dimensions = array<i32: 0>} : vector<16xi32>
    %add3A_158 = vector.broadcast %add3A_156 : i32 to vector<16xi32>
    %add3A_159 = arith.addi %add3A_158, %iota3A_157 : vector<16xi32>
    %swap3A_160 = arith.constant 0 : i32
    %swap3A_161 = arith.constant 0 : i32
    %swap3A_162 = tpu.memref_slice %arg11[%swap3A_160, %swap3A_161] : memref<2x128xi32, #tpu.memory_space<vmem>> -> memref<1x128xi32, #tpu.memory_space<vmem>>
    %swap3A_163 = tpu.memref_squeeze %swap3A_162 : memref<1x128xi32, #tpu.memory_space<vmem>> -> memref<128xi32, #tpu.memory_space<vmem>>
    %swap3A_164 = arith.constant 80 : index
    %swap3A_165 = tpu.vector_load %swap3A_163[%swap3A_164] {strides = array<i32>} : memref<128xi32, #tpu.memory_space<vmem>>, vector<16xi32>,
    %swap3A_166 = vector.shape_cast %swap3A_165 : vector<16xi32> to vector<16xi32>
    %swap3A_167 = vector.shape_cast %add3A_159 : vector<16xi32> to vector<16xi32>
    tpu.vector_store %swap3A_163[%swap3A_164], %swap3A_167 {strides = array<i32>} : memref<128xi32, #tpu.memory_space<vmem>>, vector<16xi32>,
    %get3A_168 = arith.constant 96 : index
    %get3A_169 = tpu.vector_load %arg9[%get3A_168] {strides = array<i32>} : memref<256xi32, #tpu.memory_space<vmem>>, vector<16xi32>,
    %get3A_170 = vector.shape_cast %get3A_169 : vector<16xi32> to vector<16xi32>
    %swap3A_171 = arith.constant 0 : i32
    %swap3A_172 = arith.constant 0 : i32
    %swap3A_173 = tpu.memref_slice %arg10[%swap3A_171, %swap3A_172] : memref<2x128xi32, #tpu.memory_space<vmem>> -> memref<1x128xi32, #tpu.memory_space<vmem>>
    %swap3A_174 = tpu.memref_squeeze %swap3A_173 : memref<1x128xi32, #tpu.memory_space<vmem>> -> memref<128xi32, #tpu.memory_space<vmem>>
    %swap3A_175 = arith.constant 96 : index
    %swap3A_176 = tpu.vector_load %swap3A_174[%swap3A_175] {strides = array<i32>} : memref<128xi32, #tpu.memory_space<vmem>>, vector<16xi32>,
    %swap3A_177 = vector.shape_cast %swap3A_176 : vector<16xi32> to vector<16xi32>
    %swap3A_178 = vector.shape_cast %get3A_170 : vector<16xi32> to vector<16xi32>
    tpu.vector_store %swap3A_174[%swap3A_175], %swap3A_178 {strides = array<i32>} : memref<128xi32, #tpu.memory_space<vmem>>, vector<16xi32>,
    %add3A_179 = arith.constant 0 : i32
    %add3A_180 = arith.addi %add3A_179, %add3A : i32
    %add3A_181 = arith.constant 0 : i32
    %add3A_182 = arith.addi %add3A_180, %add3A_181 : i32
    %add3A_183 = arith.constant 96 : i32
    %add3A_184 = arith.addi %add3A_182, %add3A_183 : i32
    %iota3A_185 = tpu.iota {dimensions = array<i32: 0>} : vector<16xi32>
    %add3A_186 = vector.broadcast %add3A_184 : i32 to vector<16xi32>
    %add3A_187 = arith.addi %add3A_186, %iota3A_185 : vector<16xi32>
    %swap3A_188 = arith.constant 0 : i32
    %swap3A_189 = arith.constant 0 : i32
    %swap3A_190 = tpu.memref_slice %arg11[%swap3A_188, %swap3A_189] : memref<2x128xi32, #tpu.memory_space<vmem>> -> memref<1x128xi32, #tpu.memory_space<vmem>>
    %swap3A_191 = tpu.memref_squeeze %swap3A_190 : memref<1x128xi32, #tpu.memory_space<vmem>> -> memref<128xi32, #tpu.memory_space<vmem>>
    %swap3A_192 = arith.constant 96 : index
    %swap3A_193 = tpu.vector_load %swap3A_191[%swap3A_192] {strides = array<i32>} : memref<128xi32, #tpu.memory_space<vmem>>, vector<16xi32>,
    %swap3A_194 = vector.shape_cast %swap3A_193 : vector<16xi32> to vector<16xi32>
    %swap3A_195 = vector.shape_cast %add3A_187 : vector<16xi32> to vector<16xi32>
    tpu.vector_store %swap3A_191[%swap3A_192], %swap3A_195 {strides = array<i32>} : memref<128xi32, #tpu.memory_space<vmem>>, vector<16xi32>,
    %get3A_196 = arith.constant 112 : index
    %get3A_197 = tpu.vector_load %arg9[%get3A_196] {strides = array<i32>} : memref<256xi32, #tpu.memory_space<vmem>>, vector<16xi32>,
    %get3A_198 = vector.shape_cast %get3A_197 : vector<16xi32> to vector<16xi32>
    %swap3A_199 = arith.constant 0 : i32
    %swap3A_200 = arith.constant 0 : i32
    %swap3A_201 = tpu.memref_slice %arg10[%swap3A_199, %swap3A_200] : memref<2x128xi32, #tpu.memory_space<vmem>> -> memref<1x128xi32, #tpu.memory_space<vmem>>
    %swap3A_202 = tpu.memref_squeeze %swap3A_201 : memref<1x128xi32, #tpu.memory_space<vmem>> -> memref<128xi32, #tpu.memory_space<vmem>>
    %swap3A_203 = arith.constant 112 : index
    %swap3A_204 = tpu.vector_load %swap3A_202[%swap3A_203] {strides = array<i32>} : memref<128xi32, #tpu.memory_space<vmem>>, vector<16xi32>,
    %swap3A_205 = vector.shape_cast %swap3A_204 : vector<16xi32> to vector<16xi32>
    %swap3A_206 = vector.shape_cast %get3A_198 : vector<16xi32> to vector<16xi32>
    tpu.vector_store %swap3A_202[%swap3A_203], %swap3A_206 {strides = array<i32>} : memref<128xi32, #tpu.memory_space<vmem>>, vector<16xi32>,
    %add3A_207 = arith.constant 0 : i32
    %add3A_208 = arith.addi %add3A_207, %add3A : i32
    %add3A_209 = arith.constant 0 : i32
    %add3A_210 = arith.addi %add3A_208, %add3A_209 : i32
    %add3A_211 = arith.constant 112 : i32
    %add3A_212 = arith.addi %add3A_210, %add3A_211 : i32
    %iota3A_213 = tpu.iota {dimensions = array<i32: 0>} : vector<16xi32>
    %add3A_214 = vector.broadcast %add3A_212 : i32 to vector<16xi32>
    %add3A_215 = arith.addi %add3A_214, %iota3A_213 : vector<16xi32>
    %swap3A_216 = arith.constant 0 : i32
    %swap3A_217 = arith.constant 0 : i32
    %swap3A_218 = tpu.memref_slice %arg11[%swap3A_216, %swap3A_217] : memref<2x128xi32, #tpu.memory_space<vmem>> -> memref<1x128xi32, #tpu.memory_space<vmem>>
    %swap3A_219 = tpu.memref_squeeze %swap3A_218 : memref<1x128xi32, #tpu.memory_space<vmem>> -> memref<128xi32, #tpu.memory_space<vmem>>
    %swap3A_220 = arith.constant 112 : index
    %swap3A_221 = tpu.vector_load %swap3A_219[%swap3A_220] {strides = array<i32>} : memref<128xi32, #tpu.memory_space<vmem>>, vector<16xi32>,
    %swap3A_222 = vector.shape_cast %swap3A_221 : vector<16xi32> to vector<16xi32>
    %swap3A_223 = vector.shape_cast %add3A_215 : vector<16xi32> to vector<16xi32>
    tpu.vector_store %swap3A_219[%swap3A_220], %swap3A_223 {strides = array<i32>} : memref<128xi32, #tpu.memory_space<vmem>>, vector<16xi32>,
    %get3A_224 = arith.constant 128 : index
    %get3A_225 = tpu.vector_load %arg9[%get3A_224] {strides = array<i32>} : memref<256xi32, #tpu.memory_space<vmem>>, vector<16xi32>,
    %get3A_226 = vector.shape_cast %get3A_225 : vector<16xi32> to vector<16xi32>
    %swap3A_227 = arith.constant 1 : i32
    %swap3A_228 = arith.constant 0 : i32
    %swap3A_229 = tpu.memref_slice %arg10[%swap3A_227, %swap3A_228] : memref<2x128xi32, #tpu.memory_space<vmem>> -> memref<1x128xi32, #tpu.memory_space<vmem>>
    %swap3A_230 = tpu.memref_squeeze %swap3A_229 : memref<1x128xi32, #tpu.memory_space<vmem>> -> memref<128xi32, #tpu.memory_space<vmem>>
    %swap3A_231 = arith.constant 0 : index
    %swap3A_232 = tpu.vector_load %swap3A_230[%swap3A_231] {strides = array<i32>} : memref<128xi32, #tpu.memory_space<vmem>>, vector<16xi32>,
    %swap3A_233 = vector.shape_cast %swap3A_232 : vector<16xi32> to vector<16xi32>
    %swap3A_234 = vector.shape_cast %get3A_226 : vector<16xi32> to vector<16xi32>
    tpu.vector_store %swap3A_230[%swap3A_231], %swap3A_234 {strides = array<i32>} : memref<128xi32, #tpu.memory_space<vmem>>, vector<16xi32>,
    %add3A_235 = arith.constant 0 : i32
    %add3A_236 = arith.addi %add3A_235, %add3A : i32
    %add3A_237 = arith.constant 128 : i32
    %add3A_238 = arith.addi %add3A_236, %add3A_237 : i32
    %add3A_239 = arith.constant 0 : i32
    %add3A_240 = arith.addi %add3A_238, %add3A_239 : i32
    %iota3A_241 = tpu.iota {dimensions = array<i32: 0>} : vector<16xi32>
    %add3A_242 = vector.broadcast %add3A_240 : i32 to vector<16xi32>
    %add3A_243 = arith.addi %add3A_242, %iota3A_241 : vector<16xi32>
    %swap3A_244 = arith.constant 1 : i32
    %swap3A_245 = arith.constant 0 : i32
    %swap3A_246 = tpu.memref_slice %arg11[%swap3A_244, %swap3A_245] : memref<2x128xi32, #tpu.memory_space<vmem>> -> memref<1x128xi32, #tpu.memory_space<vmem>>
    %swap3A_247 = tpu.memref_squeeze %swap3A_246 : memref<1x128xi32, #tpu.memory_space<vmem>> -> memref<128xi32, #tpu.memory_space<vmem>>
    %swap3A_248 = arith.constant 0 : index
    %swap3A_249 = tpu.vector_load %swap3A_247[%swap3A_248] {strides = array<i32>} : memref<128xi32, #tpu.memory_space<vmem>>, vector<16xi32>,
    %swap3A_250 = vector.shape_cast %swap3A_249 : vector<16xi32> to vector<16xi32>
    %swap3A_251 = vector.shape_cast %add3A_243 : vector<16xi32> to vector<16xi32>
    tpu.vector_store %swap3A_247[%swap3A_248], %swap3A_251 {strides = array<i32>} : memref<128xi32, #tpu.memory_space<vmem>>, vector<16xi32>,
    %get3A_252 = arith.constant 144 : index
    %get3A_253 = tpu.vector_load %arg9[%get3A_252] {strides = array<i32>} : memref<256xi32, #tpu.memory_space<vmem>>, vector<16xi32>,
    %get3A_254 = vector.shape_cast %get3A_253 : vector<16xi32> to vector<16xi32>
    %swap3A_255 = arith.constant 1 : i32
    %swap3A_256 = arith.constant 0 : i32
    %swap3A_257 = tpu.memref_slice %arg10[%swap3A_255, %swap3A_256] : memref<2x128xi32, #tpu.memory_space<vmem>> -> memref<1x128xi32, #tpu.memory_space<vmem>>
    %swap3A_258 = tpu.memref_squeeze %swap3A_257 : memref<1x128xi32, #tpu.memory_space<vmem>> -> memref<128xi32, #tpu.memory_space<vmem>>
    %swap3A_259 = arith.constant 16 : index
    %swap3A_260 = tpu.vector_load %swap3A_258[%swap3A_259] {strides = array<i32>} : memref<128xi32, #tpu.memory_space<vmem>>, vector<16xi32>,
    %swap3A_261 = vector.shape_cast %swap3A_260 : vector<16xi32> to vector<16xi32>
    %swap3A_262 = vector.shape_cast %get3A_254 : vector<16xi32> to vector<16xi32>
    tpu.vector_store %swap3A_258[%swap3A_259], %swap3A_262 {strides = array<i32>} : memref<128xi32, #tpu.memory_space<vmem>>, vector<16xi32>,
    %add3A_263 = arith.constant 0 : i32
    %add3A_264 = arith.addi %add3A_263, %add3A : i32
    %add3A_265 = arith.constant 128 : i32
    %add3A_266 = arith.addi %add3A_264, %add3A_265 : i32
    %add3A_267 = arith.constant 16 : i32
    %add3A_268 = arith.addi %add3A_266, %add3A_267 : i32
    %iota3A_269 = tpu.iota {dimensions = array<i32: 0>} : vector<16xi32>
    %add3A_270 = vector.broadcast %add3A_268 : i32 to vector<16xi32>
    %add3A_271 = arith.addi %add3A_270, %iota3A_269 : vector<16xi32>
    %swap3A_272 = arith.constant 1 : i32
    %swap3A_273 = arith.constant 0 : i32
    %swap3A_274 = tpu.memref_slice %arg11[%swap3A_272, %swap3A_273] : memref<2x128xi32, #tpu.memory_space<vmem>> -> memref<1x128xi32, #tpu.memory_space<vmem>>
    %swap3A_275 = tpu.memref_squeeze %swap3A_274 : memref<1x128xi32, #tpu.memory_space<vmem>> -> memref<128xi32, #tpu.memory_space<vmem>>
    %swap3A_276 = arith.constant 16 : index
    %swap3A_277 = tpu.vector_load %swap3A_275[%swap3A_276] {strides = array<i32>} : memref<128xi32, #tpu.memory_space<vmem>>, vector<16xi32>,
    %swap3A_278 = vector.shape_cast %swap3A_277 : vector<16xi32> to vector<16xi32>
    %swap3A_279 = vector.shape_cast %add3A_271 : vector<16xi32> to vector<16xi32>
    tpu.vector_store %swap3A_275[%swap3A_276], %swap3A_279 {strides = array<i32>} : memref<128xi32, #tpu.memory_space<vmem>>, vector<16xi32>,
    %get3A_280 = arith.constant 160 : index
    %get3A_281 = tpu.vector_load %arg9[%get3A_280] {strides = array<i32>} : memref<256xi32, #tpu.memory_space<vmem>>, vector<16xi32>,
    %get3A_282 = vector.shape_cast %get3A_281 : vector<16xi32> to vector<16xi32>
    %swap3A_283 = arith.constant 1 : i32
    %swap3A_284 = arith.constant 0 : i32
    %swap3A_285 = tpu.memref_slice %arg10[%swap3A_283, %swap3A_284] : memref<2x128xi32, #tpu.memory_space<vmem>> -> memref<1x128xi32, #tpu.memory_space<vmem>>
    %swap3A_286 = tpu.memref_squeeze %swap3A_285 : memref<1x128xi32, #tpu.memory_space<vmem>> -> memref<128xi32, #tpu.memory_space<vmem>>
    %swap3A_287 = arith.constant 32 : index
    %swap3A_288 = tpu.vector_load %swap3A_286[%swap3A_287] {strides = array<i32>} : memref<128xi32, #tpu.memory_space<vmem>>, vector<16xi32>,
    %swap3A_289 = vector.shape_cast %swap3A_288 : vector<16xi32> to vector<16xi32>
    %swap3A_290 = vector.shape_cast %get3A_282 : vector<16xi32> to vector<16xi32>
    tpu.vector_store %swap3A_286[%swap3A_287], %swap3A_290 {strides = array<i32>} : memref<128xi32, #tpu.memory_space<vmem>>, vector<16xi32>,
    %add3A_291 = arith.constant 0 : i32
    %add3A_292 = arith.addi %add3A_291, %add3A : i32
    %add3A_293 = arith.constant 128 : i32
    %add3A_294 = arith.addi %add3A_292, %add3A_293 : i32
    %add3A_295 = arith.constant 32 : i32
    %add3A_296 = arith.addi %add3A_294, %add3A_295 : i32
    %iota3A_297 = tpu.iota {dimensions = array<i32: 0>} : vector<16xi32>
    %add3A_298 = vector.broadcast %add3A_296 : i32 to vector<16xi32>
    %add3A_299 = arith.addi %add3A_298, %iota3A_297 : vector<16xi32>
    %swap3A_300 = arith.constant 1 : i32
    %swap3A_301 = arith.constant 0 : i32
    %swap3A_302 = tpu.memref_slice %arg11[%swap3A_300, %swap3A_301] : memref<2x128xi32, #tpu.memory_space<vmem>> -> memref<1x128xi32, #tpu.memory_space<vmem>>
    %swap3A_303 = tpu.memref_squeeze %swap3A_302 : memref<1x128xi32, #tpu.memory_space<vmem>> -> memref<128xi32, #tpu.memory_space<vmem>>
    %swap3A_304 = arith.constant 32 : index
    %swap3A_305 = tpu.vector_load %swap3A_303[%swap3A_304] {strides = array<i32>} : memref<128xi32, #tpu.memory_space<vmem>>, vector<16xi32>,
    %swap3A_306 = vector.shape_cast %swap3A_305 : vector<16xi32> to vector<16xi32>
    %swap3A_307 = vector.shape_cast %add3A_299 : vector<16xi32> to vector<16xi32>
    tpu.vector_store %swap3A_303[%swap3A_304], %swap3A_307 {strides = array<i32>} : memref<128xi32, #tpu.memory_space<vmem>>, vector<16xi32>,
    %get3A_308 = arith.constant 176 : index
    %get3A_309 = tpu.vector_load %arg9[%get3A_308] {strides = array<i32>} : memref<256xi32, #tpu.memory_space<vmem>>, vector<16xi32>,
    %get3A_310 = vector.shape_cast %get3A_309 : vector<16xi32> to vector<16xi32>
    %swap3A_311 = arith.constant 1 : i32
    %swap3A_312 = arith.constant 0 : i32
    %swap3A_313 = tpu.memref_slice %arg10[%swap3A_311, %swap3A_312] : memref<2x128xi32, #tpu.memory_space<vmem>> -> memref<1x128xi32, #tpu.memory_space<vmem>>
    %swap3A_314 = tpu.memref_squeeze %swap3A_313 : memref<1x128xi32, #tpu.memory_space<vmem>> -> memref<128xi32, #tpu.memory_space<vmem>>
    %swap3A_315 = arith.constant 48 : index
    %swap3A_316 = tpu.vector_load %swap3A_314[%swap3A_315] {strides = array<i32>} : memref<128xi32, #tpu.memory_space<vmem>>, vector<16xi32>,
    %swap3A_317 = vector.shape_cast %swap3A_316 : vector<16xi32> to vector<16xi32>
    %swap3A_318 = vector.shape_cast %get3A_310 : vector<16xi32> to vector<16xi32>
    tpu.vector_store %swap3A_314[%swap3A_315], %swap3A_318 {strides = array<i32>} : memref<128xi32, #tpu.memory_space<vmem>>, vector<16xi32>,
    %add3A_319 = arith.constant 0 : i32
    %add3A_320 = arith.addi %add3A_319, %add3A : i32
    %add3A_321 = arith.constant 128 : i32
    %add3A_322 = arith.addi %add3A_320, %add3A_321 : i32
    %add3A_323 = arith.constant 48 : i32
    %add3A_324 = arith.addi %add3A_322, %add3A_323 : i32
    %iota3A_325 = tpu.iota {dimensions = array<i32: 0>} : vector<16xi32>
    %add3A_326 = vector.broadcast %add3A_324 : i32 to vector<16xi32>
    %add3A_327 = arith.addi %add3A_326, %iota3A_325 : vector<16xi32>
    %swap3A_328 = arith.constant 1 : i32
    %swap3A_329 = arith.constant 0 : i32
    %swap3A_330 = tpu.memref_slice %arg11[%swap3A_328, %swap3A_329] : memref<2x128xi32, #tpu.memory_space<vmem>> -> memref<1x128xi32, #tpu.memory_space<vmem>>
    %swap3A_331 = tpu.memref_squeeze %swap3A_330 : memref<1x128xi32, #tpu.memory_space<vmem>> -> memref<128xi32, #tpu.memory_space<vmem>>
    %swap3A_332 = arith.constant 48 : index
    %swap3A_333 = tpu.vector_load %swap3A_331[%swap3A_332] {strides = array<i32>} : memref<128xi32, #tpu.memory_space<vmem>>, vector<16xi32>,
    %swap3A_334 = vector.shape_cast %swap3A_333 : vector<16xi32> to vector<16xi32>
    %swap3A_335 = vector.shape_cast %add3A_327 : vector<16xi32> to vector<16xi32>
    tpu.vector_store %swap3A_331[%swap3A_332], %swap3A_335 {strides = array<i32>} : memref<128xi32, #tpu.memory_space<vmem>>, vector<16xi32>,
    %get3A_336 = arith.constant 192 : index
    %get3A_337 = tpu.vector_load %arg9[%get3A_336] {strides = array<i32>} : memref<256xi32, #tpu.memory_space<vmem>>, vector<16xi32>,
    %get3A_338 = vector.shape_cast %get3A_337 : vector<16xi32> to vector<16xi32>
    %swap3A_339 = arith.constant 1 : i32
    %swap3A_340 = arith.constant 0 : i32
    %swap3A_341 = tpu.memref_slice %arg10[%swap3A_339, %swap3A_340] : memref<2x128xi32, #tpu.memory_space<vmem>> -> memref<1x128xi32, #tpu.memory_space<vmem>>
    %swap3A_342 = tpu.memref_squeeze %swap3A_341 : memref<1x128xi32, #tpu.memory_space<vmem>> -> memref<128xi32, #tpu.memory_space<vmem>>
    %swap3A_343 = arith.constant 64 : index
    %swap3A_344 = tpu.vector_load %swap3A_342[%swap3A_343] {strides = array<i32>} : memref<128xi32, #tpu.memory_space<vmem>>, vector<16xi32>,
    %swap3A_345 = vector.shape_cast %swap3A_344 : vector<16xi32> to vector<16xi32>
    %swap3A_346 = vector.shape_cast %get3A_338 : vector<16xi32> to vector<16xi32>
    tpu.vector_store %swap3A_342[%swap3A_343], %swap3A_346 {strides = array<i32>} : memref<128xi32, #tpu.memory_space<vmem>>, vector<16xi32>,
    %add3A_347 = arith.constant 0 : i32
    %add3A_348 = arith.addi %add3A_347, %add3A : i32
    %add3A_349 = arith.constant 128 : i32
    %add3A_350 = arith.addi %add3A_348, %add3A_349 : i32
    %add3A_351 = arith.constant 64 : i32
    %add3A_352 = arith.addi %add3A_350, %add3A_351 : i32
    %iota3A_353 = tpu.iota {dimensions = array<i32: 0>} : vector<16xi32>
    %add3A_354 = vector.broadcast %add3A_352 : i32 to vector<16xi32>
    %add3A_355 = arith.addi %add3A_354, %iota3A_353 : vector<16xi32>
    %swap3A_356 = arith.constant 1 : i32
    %swap3A_357 = arith.constant 0 : i32
    %swap3A_358 = tpu.memref_slice %arg11[%swap3A_356, %swap3A_357] : memref<2x128xi32, #tpu.memory_space<vmem>> -> memref<1x128xi32, #tpu.memory_space<vmem>>
    %swap3A_359 = tpu.memref_squeeze %swap3A_358 : memref<1x128xi32, #tpu.memory_space<vmem>> -> memref<128xi32, #tpu.memory_space<vmem>>
    %swap3A_360 = arith.constant 64 : index
    %swap3A_361 = tpu.vector_load %swap3A_359[%swap3A_360] {strides = array<i32>} : memref<128xi32, #tpu.memory_space<vmem>>, vector<16xi32>,
    %swap3A_362 = vector.shape_cast %swap3A_361 : vector<16xi32> to vector<16xi32>
    %swap3A_363 = vector.shape_cast %add3A_355 : vector<16xi32> to vector<16xi32>
    tpu.vector_store %swap3A_359[%swap3A_360], %swap3A_363 {strides = array<i32>} : memref<128xi32, #tpu.memory_space<vmem>>, vector<16xi32>,
    %get3A_364 = arith.constant 208 : index
    %get3A_365 = tpu.vector_load %arg9[%get3A_364] {strides = array<i32>} : memref<256xi32, #tpu.memory_space<vmem>>, vector<16xi32>,
    %get3A_366 = vector.shape_cast %get3A_365 : vector<16xi32> to vector<16xi32>
    %swap3A_367 = arith.constant 1 : i32
    %swap3A_368 = arith.constant 0 : i32
    %swap3A_369 = tpu.memref_slice %arg10[%swap3A_367, %swap3A_368] : memref<2x128xi32, #tpu.memory_space<vmem>> -> memref<1x128xi32, #tpu.memory_space<vmem>>
    %swap3A_370 = tpu.memref_squeeze %swap3A_369 : memref<1x128xi32, #tpu.memory_space<vmem>> -> memref<128xi32, #tpu.memory_space<vmem>>
    %swap3A_371 = arith.constant 80 : index
    %swap3A_372 = tpu.vector_load %swap3A_370[%swap3A_371] {strides = array<i32>} : memref<128xi32, #tpu.memory_space<vmem>>, vector<16xi32>,
    %swap3A_373 = vector.shape_cast %swap3A_372 : vector<16xi32> to vector<16xi32>
    %swap3A_374 = vector.shape_cast %get3A_366 : vector<16xi32> to vector<16xi32>
    tpu.vector_store %swap3A_370[%swap3A_371], %swap3A_374 {strides = array<i32>} : memref<128xi32, #tpu.memory_space<vmem>>, vector<16xi32>,
    %add3A_375 = arith.constant 0 : i32
    %add3A_376 = arith.addi %add3A_375, %add3A : i32
    %add3A_377 = arith.constant 128 : i32
    %add3A_378 = arith.addi %add3A_376, %add3A_377 : i32
    %add3A_379 = arith.constant 80 : i32
    %add3A_380 = arith.addi %add3A_378, %add3A_379 : i32
    %iota3A_381 = tpu.iota {dimensions = array<i32: 0>} : vector<16xi32>
    %add3A_382 = vector.broadcast %add3A_380 : i32 to vector<16xi32>
    %add3A_383 = arith.addi %add3A_382, %iota3A_381 : vector<16xi32>
    %swap3A_384 = arith.constant 1 : i32
    %swap3A_385 = arith.constant 0 : i32
    %swap3A_386 = tpu.memref_slice %arg11[%swap3A_384, %swap3A_385] : memref<2x128xi32, #tpu.memory_space<vmem>> -> memref<1x128xi32, #tpu.memory_space<vmem>>
    %swap3A_387 = tpu.memref_squeeze %swap3A_386 : memref<1x128xi32, #tpu.memory_space<vmem>> -> memref<128xi32, #tpu.memory_space<vmem>>
    %swap3A_388 = arith.constant 80 : index
    %swap3A_389 = tpu.vector_load %swap3A_387[%swap3A_388] {strides = array<i32>} : memref<128xi32, #tpu.memory_space<vmem>>, vector<16xi32>,
    %swap3A_390 = vector.shape_cast %swap3A_389 : vector<16xi32> to vector<16xi32>
    %swap3A_391 = vector.shape_cast %add3A_383 : vector<16xi32> to vector<16xi32>
    tpu.vector_store %swap3A_387[%swap3A_388], %swap3A_391 {strides = array<i32>} : memref<128xi32, #tpu.memory_space<vmem>>, vector<16xi32>,
    %get3A_392 = arith.constant 224 : index
    %get3A_393 = tpu.vector_load %arg9[%get3A_392] {strides = array<i32>} : memref<256xi32, #tpu.memory_space<vmem>>, vector<16xi32>,
    %get3A_394 = vector.shape_cast %get3A_393 : vector<16xi32> to vector<16xi32>
    %swap3A_395 = arith.constant 1 : i32
    %swap3A_396 = arith.constant 0 : i32
    %swap3A_397 = tpu.memref_slice %arg10[%swap3A_395, %swap3A_396] : memref<2x128xi32, #tpu.memory_space<vmem>> -> memref<1x128xi32, #tpu.memory_space<vmem>>
    %swap3A_398 = tpu.memref_squeeze %swap3A_397 : memref<1x128xi32, #tpu.memory_space<vmem>> -> memref<128xi32, #tpu.memory_space<vmem>>
    %swap3A_399 = arith.constant 96 : index
    %swap3A_400 = tpu.vector_load %swap3A_398[%swap3A_399] {strides = array<i32>} : memref<128xi32, #tpu.memory_space<vmem>>, vector<16xi32>,
    %swap3A_401 = vector.shape_cast %swap3A_400 : vector<16xi32> to vector<16xi32>
    %swap3A_402 = vector.shape_cast %get3A_394 : vector<16xi32> to vector<16xi32>
    tpu.vector_store %swap3A_398[%swap3A_399], %swap3A_402 {strides = array<i32>} : memref<128xi32, #tpu.memory_space<vmem>>, vector<16xi32>,
    %add3A_403 = arith.constant 0 : i32
    %add3A_404 = arith.addi %add3A_403, %add3A : i32
    %add3A_405 = arith.constant 128 : i32
    %add3A_406 = arith.addi %add3A_404, %add3A_405 : i32
    %add3A_407 = arith.constant 96 : i32
    %add3A_408 = arith.addi %add3A_406, %add3A_407 : i32
    %iota3A_409 = tpu.iota {dimensions = array<i32: 0>} : vector<16xi32>
    %add3A_410 = vector.broadcast %add3A_408 : i32 to vector<16xi32>
    %add3A_411 = arith.addi %add3A_410, %iota3A_409 : vector<16xi32>
    %swap3A_412 = arith.constant 1 : i32
    %swap3A_413 = arith.constant 0 : i32
    %swap3A_414 = tpu.memref_slice %arg11[%swap3A_412, %swap3A_413] : memref<2x128xi32, #tpu.memory_space<vmem>> -> memref<1x128xi32, #tpu.memory_space<vmem>>
    %swap3A_415 = tpu.memref_squeeze %swap3A_414 : memref<1x128xi32, #tpu.memory_space<vmem>> -> memref<128xi32, #tpu.memory_space<vmem>>
    %swap3A_416 = arith.constant 96 : index
    %swap3A_417 = tpu.vector_load %swap3A_415[%swap3A_416] {strides = array<i32>} : memref<128xi32, #tpu.memory_space<vmem>>, vector<16xi32>,
    %swap3A_418 = vector.shape_cast %swap3A_417 : vector<16xi32> to vector<16xi32>
    %swap3A_419 = vector.shape_cast %add3A_411 : vector<16xi32> to vector<16xi32>
    tpu.vector_store %swap3A_415[%swap3A_416], %swap3A_419 {strides = array<i32>} : memref<128xi32, #tpu.memory_space<vmem>>, vector<16xi32>,
    %get3A_420 = arith.constant 240 : index
    %get3A_421 = tpu.vector_load %arg9[%get3A_420] {strides = array<i32>} : memref<256xi32, #tpu.memory_space<vmem>>, vector<16xi32>,
    %get3A_422 = vector.shape_cast %get3A_421 : vector<16xi32> to vector<16xi32>
    %swap3A_423 = arith.constant 1 : i32
    %swap3A_424 = arith.constant 0 : i32
    %swap3A_425 = tpu.memref_slice %arg10[%swap3A_423, %swap3A_424] : memref<2x128xi32, #tpu.memory_space<vmem>> -> memref<1x128xi32, #tpu.memory_space<vmem>>
    %swap3A_426 = tpu.memref_squeeze %swap3A_425 : memref<1x128xi32, #tpu.memory_space<vmem>> -> memref<128xi32, #tpu.memory_space<vmem>>
    %swap3A_427 = arith.constant 112 : index
    %swap3A_428 = tpu.vector_load %swap3A_426[%swap3A_427] {strides = array<i32>} : memref<128xi32, #tpu.memory_space<vmem>>, vector<16xi32>,
    %swap3A_429 = vector.shape_cast %swap3A_428 : vector<16xi32> to vector<16xi32>
    %swap3A_430 = vector.shape_cast %get3A_422 : vector<16xi32> to vector<16xi32>
    tpu.vector_store %swap3A_426[%swap3A_427], %swap3A_430 {strides = array<i32>} : memref<128xi32, #tpu.memory_space<vmem>>, vector<16xi32>,
    %add3A_431 = arith.constant 0 : i32
    %add3A_432 = arith.addi %add3A_431, %add3A : i32
    %add3A_433 = arith.constant 128 : i32
    %add3A_434 = arith.addi %add3A_432, %add3A_433 : i32
    %add3A_435 = arith.constant 112 : i32
    %add3A_436 = arith.addi %add3A_434, %add3A_435 : i32
    %iota3A_437 = tpu.iota {dimensions = array<i32: 0>} : vector<16xi32>
    %add3A_438 = vector.broadcast %add3A_436 : i32 to vector<16xi32>
    %add3A_439 = arith.addi %add3A_438, %iota3A_437 : vector<16xi32>
    %swap3A_440 = arith.constant 1 : i32
    %swap3A_441 = arith.constant 0 : i32
    %swap3A_442 = tpu.memref_slice %arg11[%swap3A_440, %swap3A_441] : memref<2x128xi32, #tpu.memory_space<vmem>> -> memref<1x128xi32, #tpu.memory_space<vmem>>
    %swap3A_443 = tpu.memref_squeeze %swap3A_442 : memref<1x128xi32, #tpu.memory_space<vmem>> -> memref<128xi32, #tpu.memory_space<vmem>>
    %swap3A_444 = arith.constant 112 : index
    %swap3A_445 = tpu.vector_load %swap3A_443[%swap3A_444] {strides = array<i32>} : memref<128xi32, #tpu.memory_space<vmem>>, vector<16xi32>,
    %swap3A_446 = vector.shape_cast %swap3A_445 : vector<16xi32> to vector<16xi32>
    %swap3A_447 = vector.shape_cast %add3A_439 : vector<16xi32> to vector<16xi32>
    tpu.vector_store %swap3A_443[%swap3A_444], %swap3A_447 {strides = array<i32>} : memref<128xi32, #tpu.memory_space<vmem>>, vector<16xi32>,
    %run_scoped3A = arith.constant 0 : i32
    %run_scoped3A_448 = arith.constant 0 : i32
    "tpu.region"() ({
      %run_scoped3A_722 = tpu.sem_alloc : memref<!tpu.dma_semaphore, #tpu.memory_space<semaphore_mem>>
      %dma_start3A_723 = arith.constant 0 : i32
      %dma_start3A_724 = tpu.memref_slice %arg11[%run_scoped3A, %dma_start3A_723] : memref<2x128xi32, #tpu.memory_space<vmem>> -> memref<1x128xi32, #tpu.memory_space<vmem>>
      %dma_start3A_725 = tpu.memref_squeeze %dma_start3A_724 : memref<1x128xi32, #tpu.memory_space<vmem>> -> memref<128xi32, #tpu.memory_space<vmem>>
      %dma_start3A_726 = arith.constant 0 : i32
      %dma_start3A_727 = tpu.memref_slice %arg10[%run_scoped3A_448, %dma_start3A_726] : memref<2x128xi32, #tpu.memory_space<vmem>> -> memref<1x128xi32, #tpu.memory_space<vmem>>
      %dma_start3A_728 = tpu.memref_squeeze %dma_start3A_727 : memref<1x128xi32, #tpu.memory_space<vmem>> -> memref<128xi32, #tpu.memory_space<vmem>>
      %dma_start3A_729 = arith.constant 0 : i32
      %dma_start3A_730 = tpu.memref_slice %arg12[%dma_start3A_729] : memref<4096xi32, #tpu.memory_space<vmem_shared>> -> memref<4096xi32, #tpu.memory_space<vmem_shared>>
      tpu.enqueue_indirect_dma source(%dma_start3A_725 : memref<128xi32, #tpu.memory_space<vmem>>) target(%dma_start3A_730 : memref<4096xi32, #tpu.memory_space<vmem_shared>>) offsets(%dma_start3A_728 : memref<128xi32, #tpu.memory_space<vmem>>) semaphore(%run_scoped3A_722 : memref<!tpu.dma_semaphore, #tpu.memory_space<semaphore_mem>>)
      %dma_wait3A_731 = arith.constant 0 : i32
      %dma_wait3A_732 = tpu.memref_slice %arg11[%run_scoped3A, %dma_wait3A_731] : memref<2x128xi32, #tpu.memory_space<vmem>> -> memref<1x128xi32, #tpu.memory_space<vmem>>
      %dma_wait3A_733 = tpu.memref_squeeze %dma_wait3A_732 : memref<1x128xi32, #tpu.memory_space<vmem>> -> memref<128xi32, #tpu.memory_space<vmem>>
      %dma_wait3A_734 = arith.constant 0 : i32
      %dma_wait3A_735 = tpu.memref_slice %arg10[%run_scoped3A_448, %dma_wait3A_734] : memref<2x128xi32, #tpu.memory_space<vmem>> -> memref<1x128xi32, #tpu.memory_space<vmem>>
      %dma_wait3A_736 = tpu.memref_squeeze %dma_wait3A_735 : memref<1x128xi32, #tpu.memory_space<vmem>> -> memref<128xi32, #tpu.memory_space<vmem>>
      %dma_wait3A_737 = arith.constant 0 : i32
      %dma_wait3A_738 = tpu.memref_slice %arg12[%dma_wait3A_737] : memref<4096xi32, #tpu.memory_space<vmem_shared>> -> memref<4096xi32, #tpu.memory_space<vmem_shared>>
      tpu.wait_indirect_dma semaphore(%run_scoped3A_722 : memref<!tpu.dma_semaphore, #tpu.memory_space<semaphore_mem>>) src(%dma_wait3A_733 : memref<128xi32, #tpu.memory_space<vmem>>) dst(%dma_wait3A_738 : memref<4096xi32, #tpu.memory_space<vmem_shared>>)
      tpu.yield
    }) : () -> ()
    %run_scoped3A_449 = arith.constant 1 : i32
    %run_scoped3A_450 = arith.constant 1 : i32
    "tpu.region"() ({
      %run_scoped3A_722 = tpu.sem_alloc : memref<!tpu.dma_semaphore, #tpu.memory_space<semaphore_mem>>
      %dma_start3A_723 = arith.constant 0 : i32
      %dma_start3A_724 = tpu.memref_slice %arg11[%run_scoped3A_449, %dma_start3A_723] : memref<2x128xi32, #tpu.memory_space<vmem>> -> memref<1x128xi32, #tpu.memory_space<vmem>>
      %dma_start3A_725 = tpu.memref_squeeze %dma_start3A_724 : memref<1x128xi32, #tpu.memory_space<vmem>> -> memref<128xi32, #tpu.memory_space<vmem>>
      %dma_start3A_726 = arith.constant 0 : i32
      %dma_start3A_727 = tpu.memref_slice %arg10[%run_scoped3A_450, %dma_start3A_726] : memref<2x128xi32, #tpu.memory_space<vmem>> -> memref<1x128xi32, #tpu.memory_space<vmem>>
      %dma_start3A_728 = tpu.memref_squeeze %dma_start3A_727 : memref<1x128xi32, #tpu.memory_space<vmem>> -> memref<128xi32, #tpu.memory_space<vmem>>
      %dma_start3A_729 = arith.constant 0 : i32
      %dma_start3A_730 = tpu.memref_slice %arg12[%dma_start3A_729] : memref<4096xi32, #tpu.memory_space<vmem_shared>> -> memref<4096xi32, #tpu.memory_space<vmem_shared>>
      tpu.enqueue_indirect_dma source(%dma_start3A_725 : memref<128xi32, #tpu.memory_space<vmem>>) target(%dma_start3A_730 : memref<4096xi32, #tpu.memory_space<vmem_shared>>) offsets(%dma_start3A_728 : memref<128xi32, #tpu.memory_space<vmem>>) semaphore(%run_scoped3A_722 : memref<!tpu.dma_semaphore, #tpu.memory_space<semaphore_mem>>)
      %dma_wait3A_731 = arith.constant 0 : i32
      %dma_wait3A_732 = tpu.memref_slice %arg11[%run_scoped3A_449, %dma_wait3A_731] : memref<2x128xi32, #tpu.memory_space<vmem>> -> memref<1x128xi32, #tpu.memory_space<vmem>>
      %dma_wait3A_733 = tpu.memref_squeeze %dma_wait3A_732 : memref<1x128xi32, #tpu.memory_space<vmem>> -> memref<128xi32, #tpu.memory_space<vmem>>
      %dma_wait3A_734 = arith.constant 0 : i32
      %dma_wait3A_735 = tpu.memref_slice %arg10[%run_scoped3A_450, %dma_wait3A_734] : memref<2x128xi32, #tpu.memory_space<vmem>> -> memref<1x128xi32, #tpu.memory_space<vmem>>
      %dma_wait3A_736 = tpu.memref_squeeze %dma_wait3A_735 : memref<1x128xi32, #tpu.memory_space<vmem>> -> memref<128xi32, #tpu.memory_space<vmem>>
      %dma_wait3A_737 = arith.constant 0 : i32
      %dma_wait3A_738 = tpu.memref_slice %arg12[%dma_wait3A_737] : memref<4096xi32, #tpu.memory_space<vmem_shared>> -> memref<4096xi32, #tpu.memory_space<vmem_shared>>
      tpu.wait_indirect_dma semaphore(%run_scoped3A_722 : memref<!tpu.dma_semaphore, #tpu.memory_space<semaphore_mem>>) src(%dma_wait3A_733 : memref<128xi32, #tpu.memory_space<vmem>>) dst(%dma_wait3A_738 : memref<4096xi32, #tpu.memory_space<vmem_shared>>)
      tpu.yield
    }) : () -> ()
    "tpu.trace_stop"() : () -> ()
    "tpu.trace_start"() <{level = 10 : i32, message = "barrier"}> : () -> ()
    %barrier3A = arith.constant 0 : index
    tpu.barrier barrier_id(%barrier3A)
    "tpu.trace_stop"() : () -> ()
    "tpu.trace_start"() <{level = 10 : i32, message = "permload"}> : () -> ()
    %mul3A_451 = arith.constant 192 : i32
    %mul3A_452 = arith.muli %arg1, %mul3A_451 : i32
    "tpu.region"() ({
      %run_scoped3A_722 = tpu.sem_alloc : memref<!tpu.dma_semaphore, #tpu.memory_space<semaphore_mem>>
      %dma_start3A_723 = tpu.memref_slice %arg12[%mul3A_452] : memref<4096xi32, #tpu.memory_space<vmem_shared>> -> memref<192xi32, #tpu.memory_space<vmem_shared>>
      %dma_start3A_724 = tpu.memref_slice %arg12[%mul3A_452] : memref<4096xi32, #tpu.memory_space<vmem_shared>> -> memref<192xi32, #tpu.memory_space<vmem_shared>>
      tpu.enqueue_dma source(%dma_start3A_724 : memref<192xi32, #tpu.memory_space<vmem_shared>>) target(%arg13 : memref<192xi32, #tpu.memory_space<vmem>>) target_semaphore(%run_scoped3A_722 : memref<!tpu.dma_semaphore, #tpu.memory_space<semaphore_mem>>)
      %dma_wait3A_725 = tpu.memref_slice %arg12[%mul3A_452] : memref<4096xi32, #tpu.memory_space<vmem_shared>> -> memref<192xi32, #tpu.memory_space<vmem_shared>>
      %dma_wait3A_726 = tpu.memref_slice %arg12[%mul3A_452] : memref<4096xi32, #tpu.memory_space<vmem_shared>> -> memref<192xi32, #tpu.memory_space<vmem_shared>>
      tpu.wait_dma2 semaphore(%run_scoped3A_722 : memref<!tpu.dma_semaphore, #tpu.memory_space<semaphore_mem>>) src(%dma_wait3A_726 : memref<192xi32, #tpu.memory_space<vmem_shared>>) dst(%arg13 : memref<192xi32, #tpu.memory_space<vmem>>)
      tpu.yield
    }) : () -> ()
    "tpu.trace_stop"() : () -> ()
    %mul3A_453 = arith.constant 3072 : i32
    %mul3A_454 = arith.muli %arg0, %mul3A_453 : i32
    %add3A_455 = arith.constant 0 : i32
    %add3A_456 = arith.addi %add3A_455, %mul3A_454 : i32
    %mul3A_457 = arith.constant 192 : i32
    %mul3A_458 = arith.muli %arg1, %mul3A_457 : i32
    %add3A_459 = arith.addi %add3A_456, %mul3A_458 : i32
    %dma_start3A = arith.constant 0 : i32
    %dma_start3A_460 = tpu.memref_slice %arg14[%dma_start3A] : memref<192xf32, #tpu.memory_space<vmem>> -> memref<96xf32, #tpu.memory_space<vmem>>
    %dma_start3A_461 = arith.constant 0 : i32
    %dma_start3A_462 = tpu.memref_slice %arg13[%dma_start3A_461] : memref<192xi32, #tpu.memory_space<vmem>> -> memref<96xi32, #tpu.memory_space<vmem>>
    %dma_start3A_463 = arith.constant 0 : i32
    %dma_start3A_464 = tpu.memref_slice %arg4[%dma_start3A_463] : memref<16384xf32, #tpu.memory_space<hbm>> -> memref<16384xf32, #tpu.memory_space<hbm>>
    tpu.enqueue_indirect_dma source(%dma_start3A_464 : memref<16384xf32, #tpu.memory_space<hbm>>) target(%dma_start3A_460 : memref<96xf32, #tpu.memory_space<vmem>>) offsets(%dma_start3A_462 : memref<96xi32, #tpu.memory_space<vmem>>) semaphore(%arg33 : memref<!tpu.dma_semaphore, #tpu.memory_space<semaphore_mem>>)
    %dma_start3A_465 = arith.constant 96 : i32
    %dma_start3A_466 = tpu.memref_slice %arg14[%dma_start3A_465] : memref<192xf32, #tpu.memory_space<vmem>> -> memref<96xf32, #tpu.memory_space<vmem>>
    %dma_start3A_467 = arith.constant 96 : i32
    %dma_start3A_468 = tpu.memref_slice %arg13[%dma_start3A_467] : memref<192xi32, #tpu.memory_space<vmem>> -> memref<96xi32, #tpu.memory_space<vmem>>
    %dma_start3A_469 = arith.constant 0 : i32
    %dma_start3A_470 = tpu.memref_slice %arg4[%dma_start3A_469] : memref<16384xf32, #tpu.memory_space<hbm>> -> memref<16384xf32, #tpu.memory_space<hbm>>
    tpu.enqueue_indirect_dma source(%dma_start3A_470 : memref<16384xf32, #tpu.memory_space<hbm>>) target(%dma_start3A_466 : memref<96xf32, #tpu.memory_space<vmem>>) offsets(%dma_start3A_468 : memref<96xi32, #tpu.memory_space<vmem>>) semaphore(%arg33 : memref<!tpu.dma_semaphore, #tpu.memory_space<semaphore_mem>>)
    "tpu.trace_start"() <{level = 10 : i32, message = "xloop"}> : () -> ()
    %dma_start3A_471 = arith.constant 0 : i32
    %dma_start3A_472 = tpu.memref_slice %arg13[%dma_start3A_471] : memref<192xi32, #tpu.memory_space<vmem>> -> memref<16xi32, #tpu.memory_space<vmem>>
    %dma_start3A_473 = arith.constant 0 : i32
    %dma_start3A_474 = arith.constant 0 : i32
    %dma_start3A_475 = tpu.memref_slice %arg3[%dma_start3A_473, %dma_start3A_474] : memref<16384x1024xf32, #tpu.memory_space<hbm>> -> memref<16384x1024xf32, #tpu.memory_space<hbm>>
    tpu.enqueue_indirect_dma source(%dma_start3A_475 : memref<16384x1024xf32, #tpu.memory_space<hbm>>) target(%arg15 : memref<16x1024xf32, #tpu.memory_space<vmem>>) offsets(%dma_start3A_472 : memref<16xi32, #tpu.memory_space<vmem>>) semaphore(%arg21 : memref<!tpu.dma_semaphore, #tpu.memory_space<semaphore_mem>>)
    %dma_start3A_476 = arith.constant 16 : i32
    %dma_start3A_477 = tpu.memref_slice %arg13[%dma_start3A_476] : memref<192xi32, #tpu.memory_space<vmem>> -> memref<16xi32, #tpu.memory_space<vmem>>
    %dma_start3A_478 = arith.constant 0 : i32
    %dma_start3A_479 = arith.constant 0 : i32
    %dma_start3A_480 = tpu.memref_slice %arg3[%dma_start3A_478, %dma_start3A_479] : memref<16384x1024xf32, #tpu.memory_space<hbm>> -> memref<16384x1024xf32, #tpu.memory_space<hbm>>
    tpu.enqueue_indirect_dma source(%dma_start3A_480 : memref<16384x1024xf32, #tpu.memory_space<hbm>>) target(%arg16 : memref<16x1024xf32, #tpu.memory_space<vmem>>) offsets(%dma_start3A_477 : memref<16xi32, #tpu.memory_space<vmem>>) semaphore(%arg22 : memref<!tpu.dma_semaphore, #tpu.memory_space<semaphore_mem>>)
    %dma_start3A_481 = arith.constant 32 : i32
    %dma_start3A_482 = tpu.memref_slice %arg13[%dma_start3A_481] : memref<192xi32, #tpu.memory_space<vmem>> -> memref<16xi32, #tpu.memory_space<vmem>>
    %dma_start3A_483 = arith.constant 0 : i32
    %dma_start3A_484 = arith.constant 0 : i32
    %dma_start3A_485 = tpu.memref_slice %arg3[%dma_start3A_483, %dma_start3A_484] : memref<16384x1024xf32, #tpu.memory_space<hbm>> -> memref<16384x1024xf32, #tpu.memory_space<hbm>>
    tpu.enqueue_indirect_dma source(%dma_start3A_485 : memref<16384x1024xf32, #tpu.memory_space<hbm>>) target(%arg17 : memref<16x1024xf32, #tpu.memory_space<vmem>>) offsets(%dma_start3A_482 : memref<16xi32, #tpu.memory_space<vmem>>) semaphore(%arg23 : memref<!tpu.dma_semaphore, #tpu.memory_space<semaphore_mem>>)
    %dma_start3A_486 = arith.constant 48 : i32
    %dma_start3A_487 = tpu.memref_slice %arg13[%dma_start3A_486] : memref<192xi32, #tpu.memory_space<vmem>> -> memref<16xi32, #tpu.memory_space<vmem>>
    %dma_start3A_488 = arith.constant 0 : i32
    %dma_start3A_489 = arith.constant 0 : i32
    %dma_start3A_490 = tpu.memref_slice %arg3[%dma_start3A_488, %dma_start3A_489] : memref<16384x1024xf32, #tpu.memory_space<hbm>> -> memref<16384x1024xf32, #tpu.memory_space<hbm>>
    tpu.enqueue_indirect_dma source(%dma_start3A_490 : memref<16384x1024xf32, #tpu.memory_space<hbm>>) target(%arg18 : memref<16x1024xf32, #tpu.memory_space<vmem>>) offsets(%dma_start3A_487 : memref<16xi32, #tpu.memory_space<vmem>>) semaphore(%arg24 : memref<!tpu.dma_semaphore, #tpu.memory_space<semaphore_mem>>)
    %dma_start3A_491 = arith.constant 64 : i32
    %dma_start3A_492 = tpu.memref_slice %arg13[%dma_start3A_491] : memref<192xi32, #tpu.memory_space<vmem>> -> memref<16xi32, #tpu.memory_space<vmem>>
    %dma_start3A_493 = arith.constant 0 : i32
    %dma_start3A_494 = arith.constant 0 : i32
    %dma_start3A_495 = tpu.memref_slice %arg3[%dma_start3A_493, %dma_start3A_494] : memref<16384x1024xf32, #tpu.memory_space<hbm>> -> memref<16384x1024xf32, #tpu.memory_space<hbm>>
    tpu.enqueue_indirect_dma source(%dma_start3A_495 : memref<16384x1024xf32, #tpu.memory_space<hbm>>) target(%arg19 : memref<16x1024xf32, #tpu.memory_space<vmem>>) offsets(%dma_start3A_492 : memref<16xi32, #tpu.memory_space<vmem>>) semaphore(%arg25 : memref<!tpu.dma_semaphore, #tpu.memory_space<semaphore_mem>>)
    %dma_start3A_496 = arith.constant 80 : i32
    %dma_start3A_497 = tpu.memref_slice %arg13[%dma_start3A_496] : memref<192xi32, #tpu.memory_space<vmem>> -> memref<16xi32, #tpu.memory_space<vmem>>
    %dma_start3A_498 = arith.constant 0 : i32
    %dma_start3A_499 = arith.constant 0 : i32
    %dma_start3A_500 = tpu.memref_slice %arg3[%dma_start3A_498, %dma_start3A_499] : memref<16384x1024xf32, #tpu.memory_space<hbm>> -> memref<16384x1024xf32, #tpu.memory_space<hbm>>
    tpu.enqueue_indirect_dma source(%dma_start3A_500 : memref<16384x1024xf32, #tpu.memory_space<hbm>>) target(%arg20 : memref<16x1024xf32, #tpu.memory_space<vmem>>) offsets(%dma_start3A_497 : memref<16xi32, #tpu.memory_space<vmem>>) semaphore(%arg26 : memref<!tpu.dma_semaphore, #tpu.memory_space<semaphore_mem>>)
    %dma_wait3A = arith.constant 0 : i32
    %dma_wait3A_501 = tpu.memref_slice %arg13[%dma_wait3A] : memref<192xi32, #tpu.memory_space<vmem>> -> memref<16xi32, #tpu.memory_space<vmem>>
    %dma_wait3A_502 = arith.constant 0 : i32
    %dma_wait3A_503 = arith.constant 0 : i32
    %dma_wait3A_504 = tpu.memref_slice %arg3[%dma_wait3A_502, %dma_wait3A_503] : memref<16384x1024xf32, #tpu.memory_space<hbm>> -> memref<16384x1024xf32, #tpu.memory_space<hbm>>
    tpu.wait_indirect_dma semaphore(%arg21 : memref<!tpu.dma_semaphore, #tpu.memory_space<semaphore_mem>>) src(%dma_wait3A_504 : memref<16384x1024xf32, #tpu.memory_space<hbm>>) dst(%arg15 : memref<16x1024xf32, #tpu.memory_space<vmem>>)
    %add3A_505 = arith.constant 0 : i32
    %add3A_506 = arith.addi %add3A_459, %add3A_505 : i32
    %dma_start3A_507 = arith.constant 0 : i32
    %dma_start3A_508 = tpu.memref_slice %arg5[%add3A_506, %dma_start3A_507] : memref<12288x1024xf32, #tpu.memory_space<hbm>> -> memref<16x1024xf32, #tpu.memory_space<hbm>>
    %dma_start3A_509 = arith.constant 0 : i32
    %dma_start3A_510 = tpu.memref_slice %arg5[%add3A_506, %dma_start3A_509] : memref<12288x1024xf32, #tpu.memory_space<hbm>> -> memref<16x1024xf32, #tpu.memory_space<hbm>>
    tpu.enqueue_dma source(%arg15 : memref<16x1024xf32, #tpu.memory_space<vmem>>) target(%dma_start3A_510 : memref<16x1024xf32, #tpu.memory_space<hbm>>) target_semaphore(%arg27 : memref<!tpu.dma_semaphore, #tpu.memory_space<semaphore_mem>>)
    %dma_wait3A_511 = arith.constant 0 : i32
    %dma_wait3A_512 = tpu.memref_slice %arg5[%add3A_506, %dma_wait3A_511] : memref<12288x1024xf32, #tpu.memory_space<hbm>> -> memref<16x1024xf32, #tpu.memory_space<hbm>>
    %dma_wait3A_513 = arith.constant 0 : i32
    %dma_wait3A_514 = tpu.memref_slice %arg5[%add3A_506, %dma_wait3A_513] : memref<12288x1024xf32, #tpu.memory_space<hbm>> -> memref<16x1024xf32, #tpu.memory_space<hbm>>
    tpu.wait_dma2 semaphore(%arg27 : memref<!tpu.dma_semaphore, #tpu.memory_space<semaphore_mem>>) src(%arg15 : memref<16x1024xf32, #tpu.memory_space<vmem>>) dst(%dma_wait3A_514 : memref<16x1024xf32, #tpu.memory_space<hbm>>)
    %dma_start3A_515 = arith.constant 96 : i32
    %dma_start3A_516 = tpu.memref_slice %arg13[%dma_start3A_515] : memref<192xi32, #tpu.memory_space<vmem>> -> memref<16xi32, #tpu.memory_space<vmem>>
    %dma_start3A_517 = arith.constant 0 : i32
    %dma_start3A_518 = arith.constant 0 : i32
    %dma_start3A_519 = tpu.memref_slice %arg3[%dma_start3A_517, %dma_start3A_518] : memref<16384x1024xf32, #tpu.memory_space<hbm>> -> memref<16384x1024xf32, #tpu.memory_space<hbm>>
    tpu.enqueue_indirect_dma source(%dma_start3A_519 : memref<16384x1024xf32, #tpu.memory_space<hbm>>) target(%arg15 : memref<16x1024xf32, #tpu.memory_space<vmem>>) offsets(%dma_start3A_516 : memref<16xi32, #tpu.memory_space<vmem>>) semaphore(%arg21 : memref<!tpu.dma_semaphore, #tpu.memory_space<semaphore_mem>>)
    %dma_wait3A_520 = arith.constant 16 : i32
    %dma_wait3A_521 = tpu.memref_slice %arg13[%dma_wait3A_520] : memref<192xi32, #tpu.memory_space<vmem>> -> memref<16xi32, #tpu.memory_space<vmem>>
    %dma_wait3A_522 = arith.constant 0 : i32
    %dma_wait3A_523 = arith.constant 0 : i32
    %dma_wait3A_524 = tpu.memref_slice %arg3[%dma_wait3A_522, %dma_wait3A_523] : memref<16384x1024xf32, #tpu.memory_space<hbm>> -> memref<16384x1024xf32, #tpu.memory_space<hbm>>
    tpu.wait_indirect_dma semaphore(%arg22 : memref<!tpu.dma_semaphore, #tpu.memory_space<semaphore_mem>>) src(%dma_wait3A_524 : memref<16384x1024xf32, #tpu.memory_space<hbm>>) dst(%arg16 : memref<16x1024xf32, #tpu.memory_space<vmem>>)
    %add3A_525 = arith.constant 16 : i32
    %add3A_526 = arith.addi %add3A_459, %add3A_525 : i32
    %dma_start3A_527 = arith.constant 0 : i32
    %dma_start3A_528 = tpu.memref_slice %arg5[%add3A_526, %dma_start3A_527] : memref<12288x1024xf32, #tpu.memory_space<hbm>> -> memref<16x1024xf32, #tpu.memory_space<hbm>>
    %dma_start3A_529 = arith.constant 0 : i32
    %dma_start3A_530 = tpu.memref_slice %arg5[%add3A_526, %dma_start3A_529] : memref<12288x1024xf32, #tpu.memory_space<hbm>> -> memref<16x1024xf32, #tpu.memory_space<hbm>>
    tpu.enqueue_dma source(%arg16 : memref<16x1024xf32, #tpu.memory_space<vmem>>) target(%dma_start3A_530 : memref<16x1024xf32, #tpu.memory_space<hbm>>) target_semaphore(%arg28 : memref<!tpu.dma_semaphore, #tpu.memory_space<semaphore_mem>>)
    %dma_wait3A_531 = arith.constant 0 : i32
    %dma_wait3A_532 = tpu.memref_slice %arg5[%add3A_526, %dma_wait3A_531] : memref<12288x1024xf32, #tpu.memory_space<hbm>> -> memref<16x1024xf32, #tpu.memory_space<hbm>>
    %dma_wait3A_533 = arith.constant 0 : i32
    %dma_wait3A_534 = tpu.memref_slice %arg5[%add3A_526, %dma_wait3A_533] : memref<12288x1024xf32, #tpu.memory_space<hbm>> -> memref<16x1024xf32, #tpu.memory_space<hbm>>
    tpu.wait_dma2 semaphore(%arg28 : memref<!tpu.dma_semaphore, #tpu.memory_space<semaphore_mem>>) src(%arg16 : memref<16x1024xf32, #tpu.memory_space<vmem>>) dst(%dma_wait3A_534 : memref<16x1024xf32, #tpu.memory_space<hbm>>)
    %dma_start3A_535 = arith.constant 112 : i32
    %dma_start3A_536 = tpu.memref_slice %arg13[%dma_start3A_535] : memref<192xi32, #tpu.memory_space<vmem>> -> memref<16xi32, #tpu.memory_space<vmem>>
    %dma_start3A_537 = arith.constant 0 : i32
    %dma_start3A_538 = arith.constant 0 : i32
    %dma_start3A_539 = tpu.memref_slice %arg3[%dma_start3A_537, %dma_start3A_538] : memref<16384x1024xf32, #tpu.memory_space<hbm>> -> memref<16384x1024xf32, #tpu.memory_space<hbm>>
    tpu.enqueue_indirect_dma source(%dma_start3A_539 : memref<16384x1024xf32, #tpu.memory_space<hbm>>) target(%arg16 : memref<16x1024xf32, #tpu.memory_space<vmem>>) offsets(%dma_start3A_536 : memref<16xi32, #tpu.memory_space<vmem>>) semaphore(%arg22 : memref<!tpu.dma_semaphore, #tpu.memory_space<semaphore_mem>>)
    %dma_wait3A_540 = arith.constant 32 : i32
    %dma_wait3A_541 = tpu.memref_slice %arg13[%dma_wait3A_540] : memref<192xi32, #tpu.memory_space<vmem>> -> memref<16xi32, #tpu.memory_space<vmem>>
    %dma_wait3A_542 = arith.constant 0 : i32
    %dma_wait3A_543 = arith.constant 0 : i32
    %dma_wait3A_544 = tpu.memref_slice %arg3[%dma_wait3A_542, %dma_wait3A_543] : memref<16384x1024xf32, #tpu.memory_space<hbm>> -> memref<16384x1024xf32, #tpu.memory_space<hbm>>
    tpu.wait_indirect_dma semaphore(%arg23 : memref<!tpu.dma_semaphore, #tpu.memory_space<semaphore_mem>>) src(%dma_wait3A_544 : memref<16384x1024xf32, #tpu.memory_space<hbm>>) dst(%arg17 : memref<16x1024xf32, #tpu.memory_space<vmem>>)
    %add3A_545 = arith.constant 32 : i32
    %add3A_546 = arith.addi %add3A_459, %add3A_545 : i32
    %dma_start3A_547 = arith.constant 0 : i32
    %dma_start3A_548 = tpu.memref_slice %arg5[%add3A_546, %dma_start3A_547] : memref<12288x1024xf32, #tpu.memory_space<hbm>> -> memref<16x1024xf32, #tpu.memory_space<hbm>>
    %dma_start3A_549 = arith.constant 0 : i32
    %dma_start3A_550 = tpu.memref_slice %arg5[%add3A_546, %dma_start3A_549] : memref<12288x1024xf32, #tpu.memory_space<hbm>> -> memref<16x1024xf32, #tpu.memory_space<hbm>>
    tpu.enqueue_dma source(%arg17 : memref<16x1024xf32, #tpu.memory_space<vmem>>) target(%dma_start3A_550 : memref<16x1024xf32, #tpu.memory_space<hbm>>) target_semaphore(%arg29 : memref<!tpu.dma_semaphore, #tpu.memory_space<semaphore_mem>>)
    %dma_wait3A_551 = arith.constant 0 : i32
    %dma_wait3A_552 = tpu.memref_slice %arg5[%add3A_546, %dma_wait3A_551] : memref<12288x1024xf32, #tpu.memory_space<hbm>> -> memref<16x1024xf32, #tpu.memory_space<hbm>>
    %dma_wait3A_553 = arith.constant 0 : i32
    %dma_wait3A_554 = tpu.memref_slice %arg5[%add3A_546, %dma_wait3A_553] : memref<12288x1024xf32, #tpu.memory_space<hbm>> -> memref<16x1024xf32, #tpu.memory_space<hbm>>
    tpu.wait_dma2 semaphore(%arg29 : memref<!tpu.dma_semaphore, #tpu.memory_space<semaphore_mem>>) src(%arg17 : memref<16x1024xf32, #tpu.memory_space<vmem>>) dst(%dma_wait3A_554 : memref<16x1024xf32, #tpu.memory_space<hbm>>)
    %dma_start3A_555 = arith.constant 128 : i32
    %dma_start3A_556 = tpu.memref_slice %arg13[%dma_start3A_555] : memref<192xi32, #tpu.memory_space<vmem>> -> memref<16xi32, #tpu.memory_space<vmem>>
    %dma_start3A_557 = arith.constant 0 : i32
    %dma_start3A_558 = arith.constant 0 : i32
    %dma_start3A_559 = tpu.memref_slice %arg3[%dma_start3A_557, %dma_start3A_558] : memref<16384x1024xf32, #tpu.memory_space<hbm>> -> memref<16384x1024xf32, #tpu.memory_space<hbm>>
    tpu.enqueue_indirect_dma source(%dma_start3A_559 : memref<16384x1024xf32, #tpu.memory_space<hbm>>) target(%arg17 : memref<16x1024xf32, #tpu.memory_space<vmem>>) offsets(%dma_start3A_556 : memref<16xi32, #tpu.memory_space<vmem>>) semaphore(%arg23 : memref<!tpu.dma_semaphore, #tpu.memory_space<semaphore_mem>>)
    %dma_wait3A_560 = arith.constant 48 : i32
    %dma_wait3A_561 = tpu.memref_slice %arg13[%dma_wait3A_560] : memref<192xi32, #tpu.memory_space<vmem>> -> memref<16xi32, #tpu.memory_space<vmem>>
    %dma_wait3A_562 = arith.constant 0 : i32
    %dma_wait3A_563 = arith.constant 0 : i32
    %dma_wait3A_564 = tpu.memref_slice %arg3[%dma_wait3A_562, %dma_wait3A_563] : memref<16384x1024xf32, #tpu.memory_space<hbm>> -> memref<16384x1024xf32, #tpu.memory_space<hbm>>
    tpu.wait_indirect_dma semaphore(%arg24 : memref<!tpu.dma_semaphore, #tpu.memory_space<semaphore_mem>>) src(%dma_wait3A_564 : memref<16384x1024xf32, #tpu.memory_space<hbm>>) dst(%arg18 : memref<16x1024xf32, #tpu.memory_space<vmem>>)
    %add3A_565 = arith.constant 48 : i32
    %add3A_566 = arith.addi %add3A_459, %add3A_565 : i32
    %dma_start3A_567 = arith.constant 0 : i32
    %dma_start3A_568 = tpu.memref_slice %arg5[%add3A_566, %dma_start3A_567] : memref<12288x1024xf32, #tpu.memory_space<hbm>> -> memref<16x1024xf32, #tpu.memory_space<hbm>>
    %dma_start3A_569 = arith.constant 0 : i32
    %dma_start3A_570 = tpu.memref_slice %arg5[%add3A_566, %dma_start3A_569] : memref<12288x1024xf32, #tpu.memory_space<hbm>> -> memref<16x1024xf32, #tpu.memory_space<hbm>>
    tpu.enqueue_dma source(%arg18 : memref<16x1024xf32, #tpu.memory_space<vmem>>) target(%dma_start3A_570 : memref<16x1024xf32, #tpu.memory_space<hbm>>) target_semaphore(%arg30 : memref<!tpu.dma_semaphore, #tpu.memory_space<semaphore_mem>>)
    %dma_wait3A_571 = arith.constant 0 : i32
    %dma_wait3A_572 = tpu.memref_slice %arg5[%add3A_566, %dma_wait3A_571] : memref<12288x1024xf32, #tpu.memory_space<hbm>> -> memref<16x1024xf32, #tpu.memory_space<hbm>>
    %dma_wait3A_573 = arith.constant 0 : i32
    %dma_wait3A_574 = tpu.memref_slice %arg5[%add3A_566, %dma_wait3A_573] : memref<12288x1024xf32, #tpu.memory_space<hbm>> -> memref<16x1024xf32, #tpu.memory_space<hbm>>
    tpu.wait_dma2 semaphore(%arg30 : memref<!tpu.dma_semaphore, #tpu.memory_space<semaphore_mem>>) src(%arg18 : memref<16x1024xf32, #tpu.memory_space<vmem>>) dst(%dma_wait3A_574 : memref<16x1024xf32, #tpu.memory_space<hbm>>)
    %dma_start3A_575 = arith.constant 144 : i32
    %dma_start3A_576 = tpu.memref_slice %arg13[%dma_start3A_575] : memref<192xi32, #tpu.memory_space<vmem>> -> memref<16xi32, #tpu.memory_space<vmem>>
    %dma_start3A_577 = arith.constant 0 : i32
    %dma_start3A_578 = arith.constant 0 : i32
    %dma_start3A_579 = tpu.memref_slice %arg3[%dma_start3A_577, %dma_start3A_578] : memref<16384x1024xf32, #tpu.memory_space<hbm>> -> memref<16384x1024xf32, #tpu.memory_space<hbm>>
    tpu.enqueue_indirect_dma source(%dma_start3A_579 : memref<16384x1024xf32, #tpu.memory_space<hbm>>) target(%arg18 : memref<16x1024xf32, #tpu.memory_space<vmem>>) offsets(%dma_start3A_576 : memref<16xi32, #tpu.memory_space<vmem>>) semaphore(%arg24 : memref<!tpu.dma_semaphore, #tpu.memory_space<semaphore_mem>>)
    %dma_wait3A_580 = arith.constant 64 : i32
    %dma_wait3A_581 = tpu.memref_slice %arg13[%dma_wait3A_580] : memref<192xi32, #tpu.memory_space<vmem>> -> memref<16xi32, #tpu.memory_space<vmem>>
    %dma_wait3A_582 = arith.constant 0 : i32
    %dma_wait3A_583 = arith.constant 0 : i32
    %dma_wait3A_584 = tpu.memref_slice %arg3[%dma_wait3A_582, %dma_wait3A_583] : memref<16384x1024xf32, #tpu.memory_space<hbm>> -> memref<16384x1024xf32, #tpu.memory_space<hbm>>
    tpu.wait_indirect_dma semaphore(%arg25 : memref<!tpu.dma_semaphore, #tpu.memory_space<semaphore_mem>>) src(%dma_wait3A_584 : memref<16384x1024xf32, #tpu.memory_space<hbm>>) dst(%arg19 : memref<16x1024xf32, #tpu.memory_space<vmem>>)
    %add3A_585 = arith.constant 64 : i32
    %add3A_586 = arith.addi %add3A_459, %add3A_585 : i32
    %dma_start3A_587 = arith.constant 0 : i32
    %dma_start3A_588 = tpu.memref_slice %arg5[%add3A_586, %dma_start3A_587] : memref<12288x1024xf32, #tpu.memory_space<hbm>> -> memref<16x1024xf32, #tpu.memory_space<hbm>>
    %dma_start3A_589 = arith.constant 0 : i32
    %dma_start3A_590 = tpu.memref_slice %arg5[%add3A_586, %dma_start3A_589] : memref<12288x1024xf32, #tpu.memory_space<hbm>> -> memref<16x1024xf32, #tpu.memory_space<hbm>>
    tpu.enqueue_dma source(%arg19 : memref<16x1024xf32, #tpu.memory_space<vmem>>) target(%dma_start3A_590 : memref<16x1024xf32, #tpu.memory_space<hbm>>) target_semaphore(%arg31 : memref<!tpu.dma_semaphore, #tpu.memory_space<semaphore_mem>>)
    %dma_wait3A_591 = arith.constant 0 : i32
    %dma_wait3A_592 = tpu.memref_slice %arg5[%add3A_586, %dma_wait3A_591] : memref<12288x1024xf32, #tpu.memory_space<hbm>> -> memref<16x1024xf32, #tpu.memory_space<hbm>>
    %dma_wait3A_593 = arith.constant 0 : i32
    %dma_wait3A_594 = tpu.memref_slice %arg5[%add3A_586, %dma_wait3A_593] : memref<12288x1024xf32, #tpu.memory_space<hbm>> -> memref<16x1024xf32, #tpu.memory_space<hbm>>
    tpu.wait_dma2 semaphore(%arg31 : memref<!tpu.dma_semaphore, #tpu.memory_space<semaphore_mem>>) src(%arg19 : memref<16x1024xf32, #tpu.memory_space<vmem>>) dst(%dma_wait3A_594 : memref<16x1024xf32, #tpu.memory_space<hbm>>)
    %dma_start3A_595 = arith.constant 160 : i32
    %dma_start3A_596 = tpu.memref_slice %arg13[%dma_start3A_595] : memref<192xi32, #tpu.memory_space<vmem>> -> memref<16xi32, #tpu.memory_space<vmem>>
    %dma_start3A_597 = arith.constant 0 : i32
    %dma_start3A_598 = arith.constant 0 : i32
    %dma_start3A_599 = tpu.memref_slice %arg3[%dma_start3A_597, %dma_start3A_598] : memref<16384x1024xf32, #tpu.memory_space<hbm>> -> memref<16384x1024xf32, #tpu.memory_space<hbm>>
    tpu.enqueue_indirect_dma source(%dma_start3A_599 : memref<16384x1024xf32, #tpu.memory_space<hbm>>) target(%arg19 : memref<16x1024xf32, #tpu.memory_space<vmem>>) offsets(%dma_start3A_596 : memref<16xi32, #tpu.memory_space<vmem>>) semaphore(%arg25 : memref<!tpu.dma_semaphore, #tpu.memory_space<semaphore_mem>>)
    %dma_wait3A_600 = arith.constant 80 : i32
    %dma_wait3A_601 = tpu.memref_slice %arg13[%dma_wait3A_600] : memref<192xi32, #tpu.memory_space<vmem>> -> memref<16xi32, #tpu.memory_space<vmem>>
    %dma_wait3A_602 = arith.constant 0 : i32
    %dma_wait3A_603 = arith.constant 0 : i32
    %dma_wait3A_604 = tpu.memref_slice %arg3[%dma_wait3A_602, %dma_wait3A_603] : memref<16384x1024xf32, #tpu.memory_space<hbm>> -> memref<16384x1024xf32, #tpu.memory_space<hbm>>
    tpu.wait_indirect_dma semaphore(%arg26 : memref<!tpu.dma_semaphore, #tpu.memory_space<semaphore_mem>>) src(%dma_wait3A_604 : memref<16384x1024xf32, #tpu.memory_space<hbm>>) dst(%arg20 : memref<16x1024xf32, #tpu.memory_space<vmem>>)
    %add3A_605 = arith.constant 80 : i32
    %add3A_606 = arith.addi %add3A_459, %add3A_605 : i32
    %dma_start3A_607 = arith.constant 0 : i32
    %dma_start3A_608 = tpu.memref_slice %arg5[%add3A_606, %dma_start3A_607] : memref<12288x1024xf32, #tpu.memory_space<hbm>> -> memref<16x1024xf32, #tpu.memory_space<hbm>>
    %dma_start3A_609 = arith.constant 0 : i32
    %dma_start3A_610 = tpu.memref_slice %arg5[%add3A_606, %dma_start3A_609] : memref<12288x1024xf32, #tpu.memory_space<hbm>> -> memref<16x1024xf32, #tpu.memory_space<hbm>>
    tpu.enqueue_dma source(%arg20 : memref<16x1024xf32, #tpu.memory_space<vmem>>) target(%dma_start3A_610 : memref<16x1024xf32, #tpu.memory_space<hbm>>) target_semaphore(%arg32 : memref<!tpu.dma_semaphore, #tpu.memory_space<semaphore_mem>>)
    %dma_wait3A_611 = arith.constant 0 : i32
    %dma_wait3A_612 = tpu.memref_slice %arg5[%add3A_606, %dma_wait3A_611] : memref<12288x1024xf32, #tpu.memory_space<hbm>> -> memref<16x1024xf32, #tpu.memory_space<hbm>>
    %dma_wait3A_613 = arith.constant 0 : i32
    %dma_wait3A_614 = tpu.memref_slice %arg5[%add3A_606, %dma_wait3A_613] : memref<12288x1024xf32, #tpu.memory_space<hbm>> -> memref<16x1024xf32, #tpu.memory_space<hbm>>
    tpu.wait_dma2 semaphore(%arg32 : memref<!tpu.dma_semaphore, #tpu.memory_space<semaphore_mem>>) src(%arg20 : memref<16x1024xf32, #tpu.memory_space<vmem>>) dst(%dma_wait3A_614 : memref<16x1024xf32, #tpu.memory_space<hbm>>)
    %dma_start3A_615 = arith.constant 176 : i32
    %dma_start3A_616 = tpu.memref_slice %arg13[%dma_start3A_615] : memref<192xi32, #tpu.memory_space<vmem>> -> memref<16xi32, #tpu.memory_space<vmem>>
    %dma_start3A_617 = arith.constant 0 : i32
    %dma_start3A_618 = arith.constant 0 : i32
    %dma_start3A_619 = tpu.memref_slice %arg3[%dma_start3A_617, %dma_start3A_618] : memref<16384x1024xf32, #tpu.memory_space<hbm>> -> memref<16384x1024xf32, #tpu.memory_space<hbm>>
    tpu.enqueue_indirect_dma source(%dma_start3A_619 : memref<16384x1024xf32, #tpu.memory_space<hbm>>) target(%arg20 : memref<16x1024xf32, #tpu.memory_space<vmem>>) offsets(%dma_start3A_616 : memref<16xi32, #tpu.memory_space<vmem>>) semaphore(%arg26 : memref<!tpu.dma_semaphore, #tpu.memory_space<semaphore_mem>>)
    %dma_wait3A_620 = arith.constant 96 : i32
    %dma_wait3A_621 = tpu.memref_slice %arg13[%dma_wait3A_620] : memref<192xi32, #tpu.memory_space<vmem>> -> memref<16xi32, #tpu.memory_space<vmem>>
    %dma_wait3A_622 = arith.constant 0 : i32
    %dma_wait3A_623 = arith.constant 0 : i32
    %dma_wait3A_624 = tpu.memref_slice %arg3[%dma_wait3A_622, %dma_wait3A_623] : memref<16384x1024xf32, #tpu.memory_space<hbm>> -> memref<16384x1024xf32, #tpu.memory_space<hbm>>
    tpu.wait_indirect_dma semaphore(%arg21 : memref<!tpu.dma_semaphore, #tpu.memory_space<semaphore_mem>>) src(%dma_wait3A_624 : memref<16384x1024xf32, #tpu.memory_space<hbm>>) dst(%arg15 : memref<16x1024xf32, #tpu.memory_space<vmem>>)
    %add3A_625 = arith.constant 96 : i32
    %add3A_626 = arith.addi %add3A_459, %add3A_625 : i32
    %dma_start3A_627 = arith.constant 0 : i32
    %dma_start3A_628 = tpu.memref_slice %arg5[%add3A_626, %dma_start3A_627] : memref<12288x1024xf32, #tpu.memory_space<hbm>> -> memref<16x1024xf32, #tpu.memory_space<hbm>>
    %dma_start3A_629 = arith.constant 0 : i32
    %dma_start3A_630 = tpu.memref_slice %arg5[%add3A_626, %dma_start3A_629] : memref<12288x1024xf32, #tpu.memory_space<hbm>> -> memref<16x1024xf32, #tpu.memory_space<hbm>>
    tpu.enqueue_dma source(%arg15 : memref<16x1024xf32, #tpu.memory_space<vmem>>) target(%dma_start3A_630 : memref<16x1024xf32, #tpu.memory_space<hbm>>) target_semaphore(%arg27 : memref<!tpu.dma_semaphore, #tpu.memory_space<semaphore_mem>>)
    %dma_wait3A_631 = arith.constant 112 : i32
    %dma_wait3A_632 = tpu.memref_slice %arg13[%dma_wait3A_631] : memref<192xi32, #tpu.memory_space<vmem>> -> memref<16xi32, #tpu.memory_space<vmem>>
    %dma_wait3A_633 = arith.constant 0 : i32
    %dma_wait3A_634 = arith.constant 0 : i32
    %dma_wait3A_635 = tpu.memref_slice %arg3[%dma_wait3A_633, %dma_wait3A_634] : memref<16384x1024xf32, #tpu.memory_space<hbm>> -> memref<16384x1024xf32, #tpu.memory_space<hbm>>
    tpu.wait_indirect_dma semaphore(%arg22 : memref<!tpu.dma_semaphore, #tpu.memory_space<semaphore_mem>>) src(%dma_wait3A_635 : memref<16384x1024xf32, #tpu.memory_space<hbm>>) dst(%arg16 : memref<16x1024xf32, #tpu.memory_space<vmem>>)
    %add3A_636 = arith.constant 112 : i32
    %add3A_637 = arith.addi %add3A_459, %add3A_636 : i32
    %dma_start3A_638 = arith.constant 0 : i32
    %dma_start3A_639 = tpu.memref_slice %arg5[%add3A_637, %dma_start3A_638] : memref<12288x1024xf32, #tpu.memory_space<hbm>> -> memref<16x1024xf32, #tpu.memory_space<hbm>>
    %dma_start3A_640 = arith.constant 0 : i32
    %dma_start3A_641 = tpu.memref_slice %arg5[%add3A_637, %dma_start3A_640] : memref<12288x1024xf32, #tpu.memory_space<hbm>> -> memref<16x1024xf32, #tpu.memory_space<hbm>>
    tpu.enqueue_dma source(%arg16 : memref<16x1024xf32, #tpu.memory_space<vmem>>) target(%dma_start3A_641 : memref<16x1024xf32, #tpu.memory_space<hbm>>) target_semaphore(%arg28 : memref<!tpu.dma_semaphore, #tpu.memory_space<semaphore_mem>>)
    %dma_wait3A_642 = arith.constant 128 : i32
    %dma_wait3A_643 = tpu.memref_slice %arg13[%dma_wait3A_642] : memref<192xi32, #tpu.memory_space<vmem>> -> memref<16xi32, #tpu.memory_space<vmem>>
    %dma_wait3A_644 = arith.constant 0 : i32
    %dma_wait3A_645 = arith.constant 0 : i32
    %dma_wait3A_646 = tpu.memref_slice %arg3[%dma_wait3A_644, %dma_wait3A_645] : memref<16384x1024xf32, #tpu.memory_space<hbm>> -> memref<16384x1024xf32, #tpu.memory_space<hbm>>
    tpu.wait_indirect_dma semaphore(%arg23 : memref<!tpu.dma_semaphore, #tpu.memory_space<semaphore_mem>>) src(%dma_wait3A_646 : memref<16384x1024xf32, #tpu.memory_space<hbm>>) dst(%arg17 : memref<16x1024xf32, #tpu.memory_space<vmem>>)
    %add3A_647 = arith.constant 128 : i32
    %add3A_648 = arith.addi %add3A_459, %add3A_647 : i32
    %dma_start3A_649 = arith.constant 0 : i32
    %dma_start3A_650 = tpu.memref_slice %arg5[%add3A_648, %dma_start3A_649] : memref<12288x1024xf32, #tpu.memory_space<hbm>> -> memref<16x1024xf32, #tpu.memory_space<hbm>>
    %dma_start3A_651 = arith.constant 0 : i32
    %dma_start3A_652 = tpu.memref_slice %arg5[%add3A_648, %dma_start3A_651] : memref<12288x1024xf32, #tpu.memory_space<hbm>> -> memref<16x1024xf32, #tpu.memory_space<hbm>>
    tpu.enqueue_dma source(%arg17 : memref<16x1024xf32, #tpu.memory_space<vmem>>) target(%dma_start3A_652 : memref<16x1024xf32, #tpu.memory_space<hbm>>) target_semaphore(%arg29 : memref<!tpu.dma_semaphore, #tpu.memory_space<semaphore_mem>>)
    %dma_wait3A_653 = arith.constant 144 : i32
    %dma_wait3A_654 = tpu.memref_slice %arg13[%dma_wait3A_653] : memref<192xi32, #tpu.memory_space<vmem>> -> memref<16xi32, #tpu.memory_space<vmem>>
    %dma_wait3A_655 = arith.constant 0 : i32
    %dma_wait3A_656 = arith.constant 0 : i32
    %dma_wait3A_657 = tpu.memref_slice %arg3[%dma_wait3A_655, %dma_wait3A_656] : memref<16384x1024xf32, #tpu.memory_space<hbm>> -> memref<16384x1024xf32, #tpu.memory_space<hbm>>
    tpu.wait_indirect_dma semaphore(%arg24 : memref<!tpu.dma_semaphore, #tpu.memory_space<semaphore_mem>>) src(%dma_wait3A_657 : memref<16384x1024xf32, #tpu.memory_space<hbm>>) dst(%arg18 : memref<16x1024xf32, #tpu.memory_space<vmem>>)
    %add3A_658 = arith.constant 144 : i32
    %add3A_659 = arith.addi %add3A_459, %add3A_658 : i32
    %dma_start3A_660 = arith.constant 0 : i32
    %dma_start3A_661 = tpu.memref_slice %arg5[%add3A_659, %dma_start3A_660] : memref<12288x1024xf32, #tpu.memory_space<hbm>> -> memref<16x1024xf32, #tpu.memory_space<hbm>>
    %dma_start3A_662 = arith.constant 0 : i32
    %dma_start3A_663 = tpu.memref_slice %arg5[%add3A_659, %dma_start3A_662] : memref<12288x1024xf32, #tpu.memory_space<hbm>> -> memref<16x1024xf32, #tpu.memory_space<hbm>>
    tpu.enqueue_dma source(%arg18 : memref<16x1024xf32, #tpu.memory_space<vmem>>) target(%dma_start3A_663 : memref<16x1024xf32, #tpu.memory_space<hbm>>) target_semaphore(%arg30 : memref<!tpu.dma_semaphore, #tpu.memory_space<semaphore_mem>>)
    %dma_wait3A_664 = arith.constant 160 : i32
    %dma_wait3A_665 = tpu.memref_slice %arg13[%dma_wait3A_664] : memref<192xi32, #tpu.memory_space<vmem>> -> memref<16xi32, #tpu.memory_space<vmem>>
    %dma_wait3A_666 = arith.constant 0 : i32
    %dma_wait3A_667 = arith.constant 0 : i32
    %dma_wait3A_668 = tpu.memref_slice %arg3[%dma_wait3A_666, %dma_wait3A_667] : memref<16384x1024xf32, #tpu.memory_space<hbm>> -> memref<16384x1024xf32, #tpu.memory_space<hbm>>
    tpu.wait_indirect_dma semaphore(%arg25 : memref<!tpu.dma_semaphore, #tpu.memory_space<semaphore_mem>>) src(%dma_wait3A_668 : memref<16384x1024xf32, #tpu.memory_space<hbm>>) dst(%arg19 : memref<16x1024xf32, #tpu.memory_space<vmem>>)
    %add3A_669 = arith.constant 160 : i32
    %add3A_670 = arith.addi %add3A_459, %add3A_669 : i32
    %dma_start3A_671 = arith.constant 0 : i32
    %dma_start3A_672 = tpu.memref_slice %arg5[%add3A_670, %dma_start3A_671] : memref<12288x1024xf32, #tpu.memory_space<hbm>> -> memref<16x1024xf32, #tpu.memory_space<hbm>>
    %dma_start3A_673 = arith.constant 0 : i32
    %dma_start3A_674 = tpu.memref_slice %arg5[%add3A_670, %dma_start3A_673] : memref<12288x1024xf32, #tpu.memory_space<hbm>> -> memref<16x1024xf32, #tpu.memory_space<hbm>>
    tpu.enqueue_dma source(%arg19 : memref<16x1024xf32, #tpu.memory_space<vmem>>) target(%dma_start3A_674 : memref<16x1024xf32, #tpu.memory_space<hbm>>) target_semaphore(%arg31 : memref<!tpu.dma_semaphore, #tpu.memory_space<semaphore_mem>>)
    %dma_wait3A_675 = arith.constant 176 : i32
    %dma_wait3A_676 = tpu.memref_slice %arg13[%dma_wait3A_675] : memref<192xi32, #tpu.memory_space<vmem>> -> memref<16xi32, #tpu.memory_space<vmem>>
    %dma_wait3A_677 = arith.constant 0 : i32
    %dma_wait3A_678 = arith.constant 0 : i32
    %dma_wait3A_679 = tpu.memref_slice %arg3[%dma_wait3A_677, %dma_wait3A_678] : memref<16384x1024xf32, #tpu.memory_space<hbm>> -> memref<16384x1024xf32, #tpu.memory_space<hbm>>
    tpu.wait_indirect_dma semaphore(%arg26 : memref<!tpu.dma_semaphore, #tpu.memory_space<semaphore_mem>>) src(%dma_wait3A_679 : memref<16384x1024xf32, #tpu.memory_space<hbm>>) dst(%arg20 : memref<16x1024xf32, #tpu.memory_space<vmem>>)
    %add3A_680 = arith.constant 176 : i32
    %add3A_681 = arith.addi %add3A_459, %add3A_680 : i32
    %dma_start3A_682 = arith.constant 0 : i32
    %dma_start3A_683 = tpu.memref_slice %arg5[%add3A_681, %dma_start3A_682] : memref<12288x1024xf32, #tpu.memory_space<hbm>> -> memref<16x1024xf32, #tpu.memory_space<hbm>>
    %dma_start3A_684 = arith.constant 0 : i32
    %dma_start3A_685 = tpu.memref_slice %arg5[%add3A_681, %dma_start3A_684] : memref<12288x1024xf32, #tpu.memory_space<hbm>> -> memref<16x1024xf32, #tpu.memory_space<hbm>>
    tpu.enqueue_dma source(%arg20 : memref<16x1024xf32, #tpu.memory_space<vmem>>) target(%dma_start3A_685 : memref<16x1024xf32, #tpu.memory_space<hbm>>) target_semaphore(%arg32 : memref<!tpu.dma_semaphore, #tpu.memory_space<semaphore_mem>>)
    %dma_wait3A_686 = arith.constant 0 : i32
    %dma_wait3A_687 = tpu.memref_slice %arg5[%add3A_626, %dma_wait3A_686] : memref<12288x1024xf32, #tpu.memory_space<hbm>> -> memref<16x1024xf32, #tpu.memory_space<hbm>>
    %dma_wait3A_688 = arith.constant 0 : i32
    %dma_wait3A_689 = tpu.memref_slice %arg5[%add3A_626, %dma_wait3A_688] : memref<12288x1024xf32, #tpu.memory_space<hbm>> -> memref<16x1024xf32, #tpu.memory_space<hbm>>
    tpu.wait_dma2 semaphore(%arg27 : memref<!tpu.dma_semaphore, #tpu.memory_space<semaphore_mem>>) src(%arg15 : memref<16x1024xf32, #tpu.memory_space<vmem>>) dst(%dma_wait3A_689 : memref<16x1024xf32, #tpu.memory_space<hbm>>)
    %dma_wait3A_690 = arith.constant 0 : i32
    %dma_wait3A_691 = tpu.memref_slice %arg5[%add3A_637, %dma_wait3A_690] : memref<12288x1024xf32, #tpu.memory_space<hbm>> -> memref<16x1024xf32, #tpu.memory_space<hbm>>
    %dma_wait3A_692 = arith.constant 0 : i32
    %dma_wait3A_693 = tpu.memref_slice %arg5[%add3A_637, %dma_wait3A_692] : memref<12288x1024xf32, #tpu.memory_space<hbm>> -> memref<16x1024xf32, #tpu.memory_space<hbm>>
    tpu.wait_dma2 semaphore(%arg28 : memref<!tpu.dma_semaphore, #tpu.memory_space<semaphore_mem>>) src(%arg16 : memref<16x1024xf32, #tpu.memory_space<vmem>>) dst(%dma_wait3A_693 : memref<16x1024xf32, #tpu.memory_space<hbm>>)
    %dma_wait3A_694 = arith.constant 0 : i32
    %dma_wait3A_695 = tpu.memref_slice %arg5[%add3A_648, %dma_wait3A_694] : memref<12288x1024xf32, #tpu.memory_space<hbm>> -> memref<16x1024xf32, #tpu.memory_space<hbm>>
    %dma_wait3A_696 = arith.constant 0 : i32
    %dma_wait3A_697 = tpu.memref_slice %arg5[%add3A_648, %dma_wait3A_696] : memref<12288x1024xf32, #tpu.memory_space<hbm>> -> memref<16x1024xf32, #tpu.memory_space<hbm>>
    tpu.wait_dma2 semaphore(%arg29 : memref<!tpu.dma_semaphore, #tpu.memory_space<semaphore_mem>>) src(%arg17 : memref<16x1024xf32, #tpu.memory_space<vmem>>) dst(%dma_wait3A_697 : memref<16x1024xf32, #tpu.memory_space<hbm>>)
    %dma_wait3A_698 = arith.constant 0 : i32
    %dma_wait3A_699 = tpu.memref_slice %arg5[%add3A_659, %dma_wait3A_698] : memref<12288x1024xf32, #tpu.memory_space<hbm>> -> memref<16x1024xf32, #tpu.memory_space<hbm>>
    %dma_wait3A_700 = arith.constant 0 : i32
    %dma_wait3A_701 = tpu.memref_slice %arg5[%add3A_659, %dma_wait3A_700] : memref<12288x1024xf32, #tpu.memory_space<hbm>> -> memref<16x1024xf32, #tpu.memory_space<hbm>>
    tpu.wait_dma2 semaphore(%arg30 : memref<!tpu.dma_semaphore, #tpu.memory_space<semaphore_mem>>) src(%arg18 : memref<16x1024xf32, #tpu.memory_space<vmem>>) dst(%dma_wait3A_701 : memref<16x1024xf32, #tpu.memory_space<hbm>>)
    %dma_wait3A_702 = arith.constant 0 : i32
    %dma_wait3A_703 = tpu.memref_slice %arg5[%add3A_670, %dma_wait3A_702] : memref<12288x1024xf32, #tpu.memory_space<hbm>> -> memref<16x1024xf32, #tpu.memory_space<hbm>>
    %dma_wait3A_704 = arith.constant 0 : i32
    %dma_wait3A_705 = tpu.memref_slice %arg5[%add3A_670, %dma_wait3A_704] : memref<12288x1024xf32, #tpu.memory_space<hbm>> -> memref<16x1024xf32, #tpu.memory_space<hbm>>
    tpu.wait_dma2 semaphore(%arg31 : memref<!tpu.dma_semaphore, #tpu.memory_space<semaphore_mem>>) src(%arg19 : memref<16x1024xf32, #tpu.memory_space<vmem>>) dst(%dma_wait3A_705 : memref<16x1024xf32, #tpu.memory_space<hbm>>)
    %dma_wait3A_706 = arith.constant 0 : i32
    %dma_wait3A_707 = tpu.memref_slice %arg5[%add3A_681, %dma_wait3A_706] : memref<12288x1024xf32, #tpu.memory_space<hbm>> -> memref<16x1024xf32, #tpu.memory_space<hbm>>
    %dma_wait3A_708 = arith.constant 0 : i32
    %dma_wait3A_709 = tpu.memref_slice %arg5[%add3A_681, %dma_wait3A_708] : memref<12288x1024xf32, #tpu.memory_space<hbm>> -> memref<16x1024xf32, #tpu.memory_space<hbm>>
    tpu.wait_dma2 semaphore(%arg32 : memref<!tpu.dma_semaphore, #tpu.memory_space<semaphore_mem>>) src(%arg20 : memref<16x1024xf32, #tpu.memory_space<vmem>>) dst(%dma_wait3A_709 : memref<16x1024xf32, #tpu.memory_space<hbm>>)
    "tpu.trace_stop"() : () -> ()
    "tpu.trace_start"() <{level = 10 : i32, message = "mask"}> : () -> ()
    %dma_wait3A_710 = arith.constant 0 : i32
    %dma_wait3A_711 = tpu.memref_slice %arg14[%dma_wait3A_710] : memref<192xf32, #tpu.memory_space<vmem>> -> memref<96xf32, #tpu.memory_space<vmem>>
    %dma_wait3A_712 = arith.constant 0 : i32
    %dma_wait3A_713 = tpu.memref_slice %arg13[%dma_wait3A_712] : memref<192xi32, #tpu.memory_space<vmem>> -> memref<96xi32, #tpu.memory_space<vmem>>
    %dma_wait3A_714 = arith.constant 0 : i32
    %dma_wait3A_715 = tpu.memref_slice %arg4[%dma_wait3A_714] : memref<16384xf32, #tpu.memory_space<hbm>> -> memref<16384xf32, #tpu.memory_space<hbm>>
    tpu.wait_indirect_dma semaphore(%arg33 : memref<!tpu.dma_semaphore, #tpu.memory_space<semaphore_mem>>) src(%dma_wait3A_715 : memref<16384xf32, #tpu.memory_space<hbm>>) dst(%dma_wait3A_711 : memref<96xf32, #tpu.memory_space<vmem>>)
    %dma_wait3A_716 = arith.constant 96 : i32
    %dma_wait3A_717 = tpu.memref_slice %arg14[%dma_wait3A_716] : memref<192xf32, #tpu.memory_space<vmem>> -> memref<96xf32, #tpu.memory_space<vmem>>
    %dma_wait3A_718 = arith.constant 96 : i32
    %dma_wait3A_719 = tpu.memref_slice %arg13[%dma_wait3A_718] : memref<192xi32, #tpu.memory_space<vmem>> -> memref<96xi32, #tpu.memory_space<vmem>>
    %dma_wait3A_720 = arith.constant 0 : i32
    %dma_wait3A_721 = tpu.memref_slice %arg4[%dma_wait3A_720] : memref<16384xf32, #tpu.memory_space<hbm>> -> memref<16384xf32, #tpu.memory_space<hbm>>
    tpu.wait_indirect_dma semaphore(%arg33 : memref<!tpu.dma_semaphore, #tpu.memory_space<semaphore_mem>>) src(%dma_wait3A_721 : memref<16384xf32, #tpu.memory_space<hbm>>) dst(%dma_wait3A_717 : memref<96xf32, #tpu.memory_space<vmem>>)
    "tpu.region"() ({
      %run_scoped3A_722 = tpu.sem_alloc : memref<!tpu.dma_semaphore, #tpu.memory_space<semaphore_mem>>
      %dma_start3A_723 = tpu.memref_slice %arg6[%add3A_459] : memref<12288xf32, #tpu.memory_space<hbm>> -> memref<192xf32, #tpu.memory_space<hbm>>
      %dma_start3A_724 = tpu.memref_slice %arg6[%add3A_459] : memref<12288xf32, #tpu.memory_space<hbm>> -> memref<192xf32, #tpu.memory_space<hbm>>
      tpu.enqueue_dma source(%arg14 : memref<192xf32, #tpu.memory_space<vmem>>) target(%dma_start3A_724 : memref<192xf32, #tpu.memory_space<hbm>>) target_semaphore(%run_scoped3A_722 : memref<!tpu.dma_semaphore, #tpu.memory_space<semaphore_mem>>)
      %dma_wait3A_725 = tpu.memref_slice %arg6[%add3A_459] : memref<12288xf32, #tpu.memory_space<hbm>> -> memref<192xf32, #tpu.memory_space<hbm>>
      %dma_wait3A_726 = tpu.memref_slice %arg6[%add3A_459] : memref<12288xf32, #tpu.memory_space<hbm>> -> memref<192xf32, #tpu.memory_space<hbm>>
      tpu.wait_dma2 semaphore(%run_scoped3A_722 : memref<!tpu.dma_semaphore, #tpu.memory_space<semaphore_mem>>) src(%arg14 : memref<192xf32, #tpu.memory_space<vmem>>) dst(%dma_wait3A_726 : memref<192xf32, #tpu.memory_space<hbm>>)
      tpu.yield
    }) : () -> ()
    "tpu.trace_stop"() : () -> ()
    return
  }
}

module attributes {stable_mosaic.version = 14 : i64} {
  func.func @_rank_body(%arg0: memref<2x1x4096xf32, #tpu.memory_space<vmem>>, %arg1: memref<2x1x4096xi32, #tpu.memory_space<vmem>>) attributes {dimension_semantics = [], scalar_prefetch = 0 : i64, scratch_operands = 0 : i64, tpu.core_type = #tpu.core_type<tc>} {
    %iota3A = tpu.iota {dimensions = array<i32: 0>} : vector<512x512xi32>
    %iota3A_0 = tpu.iota {dimensions = array<i32: 1>} : vector<512x512xi32>
    %lt3A = arith.cmpi slt, %iota3A, %iota3A_0 : vector<512x512xi32>
    %get3A = arith.constant 0 : index
    %get3A_1 = arith.constant 0 : index
    %get3A_2 = arith.constant 0 : index
    %get3A_3 = vector.load %arg0[%get3A, %get3A_1, %get3A_2] : memref<2x1x4096xf32, #tpu.memory_space<vmem>>, vector<1x1x4096xf32>
    %get3A_4 = vector.shape_cast %get3A_3 : vector<1x1x4096xf32> to vector<1x4096xf32>
    %reshape3A = vector.shape_cast %get3A_4 : vector<1x4096xf32> to vector<4096x1xf32>
    %slice3A = vector.extract_strided_slice %get3A_4 {offsets = [0, 0], sizes = [1, 512], strides = [1, 1]} : vector<1x4096xf32> to vector<1x512xf32>
    %broadcast_in_dim3A = arith.constant 0 : i32
    %broadcast_in_dim3A_5 = vector.broadcast %broadcast_in_dim3A : i32 to vector<1x512xi32>
    %slice3A_6 = vector.extract_strided_slice %reshape3A {offsets = [0, 0], sizes = [512, 1], strides = [1, 1]} : vector<4096x1xf32> to vector<512x1xf32>
    %gt3A = vector.broadcast %slice3A_6 : vector<512x1xf32> to vector<512x512xf32>
    %gt3A_7 = vector.broadcast %slice3A : vector<1x512xf32> to vector<512x512xf32>
    %gt3A_8 = arith.cmpf ogt, %gt3A, %gt3A_7 : vector<512x512xf32>
    %eq3A = vector.broadcast %slice3A_6 : vector<512x1xf32> to vector<512x512xf32>
    %eq3A_9 = vector.broadcast %slice3A : vector<1x512xf32> to vector<512x512xf32>
    %eq3A_10 = arith.cmpf oeq, %eq3A, %eq3A_9 : vector<512x512xf32>
    %and3A = arith.andi %eq3A_10, %lt3A : vector<512x512xi1>
    %or3A = arith.ori %gt3A_8, %and3A : vector<512x512xi1>
    %convert_element_type3A = arith.extui %or3A : vector<512x512xi1> to vector<512x512xi32>
    %reduce_sum3A = arith.constant dense<0> : vector<512xi32>
    %reduce_sum3A_11 = vector.multi_reduction <add>, %convert_element_type3A, %reduce_sum3A [0] : vector<512x512xi32> to vector<512xi32>
    %broadcast_in_dim3A_12 = vector.shape_cast %reduce_sum3A_11 : vector<512xi32> to vector<1x512xi32>
    %add3A = arith.addi %broadcast_in_dim3A_5, %broadcast_in_dim3A_12 : vector<1x512xi32>
    %slice3A_13 = vector.extract_strided_slice %reshape3A {offsets = [512, 0], sizes = [512, 1], strides = [1, 1]} : vector<4096x1xf32> to vector<512x1xf32>
    %gt3A_14 = vector.broadcast %slice3A_13 : vector<512x1xf32> to vector<512x512xf32>
    %gt3A_15 = vector.broadcast %slice3A : vector<1x512xf32> to vector<512x512xf32>
    %gt3A_16 = arith.cmpf ogt, %gt3A_14, %gt3A_15 : vector<512x512xf32>
    %convert_element_type3A_17 = arith.extui %gt3A_16 : vector<512x512xi1> to vector<512x512xi32>
    %reduce_sum3A_18 = arith.constant dense<0> : vector<512xi32>
    %reduce_sum3A_19 = vector.multi_reduction <add>, %convert_element_type3A_17, %reduce_sum3A_18 [0] : vector<512x512xi32> to vector<512xi32>
    %broadcast_in_dim3A_20 = vector.shape_cast %reduce_sum3A_19 : vector<512xi32> to vector<1x512xi32>
    %add3A_21 = arith.addi %add3A, %broadcast_in_dim3A_20 : vector<1x512xi32>
    %slice3A_22 = vector.extract_strided_slice %reshape3A {offsets = [1024, 0], sizes = [512, 1], strides = [1, 1]} : vector<4096x1xf32> to vector<512x1xf32>
    %gt3A_23 = vector.broadcast %slice3A_22 : vector<512x1xf32> to vector<512x512xf32>
    %gt3A_24 = vector.broadcast %slice3A : vector<1x512xf32> to vector<512x512xf32>
    %gt3A_25 = arith.cmpf ogt, %gt3A_23, %gt3A_24 : vector<512x512xf32>
    %convert_element_type3A_26 = arith.extui %gt3A_25 : vector<512x512xi1> to vector<512x512xi32>
    %reduce_sum3A_27 = arith.constant dense<0> : vector<512xi32>
    %reduce_sum3A_28 = vector.multi_reduction <add>, %convert_element_type3A_26, %reduce_sum3A_27 [0] : vector<512x512xi32> to vector<512xi32>
    %broadcast_in_dim3A_29 = vector.shape_cast %reduce_sum3A_28 : vector<512xi32> to vector<1x512xi32>
    %add3A_30 = arith.addi %add3A_21, %broadcast_in_dim3A_29 : vector<1x512xi32>
    %slice3A_31 = vector.extract_strided_slice %reshape3A {offsets = [1536, 0], sizes = [512, 1], strides = [1, 1]} : vector<4096x1xf32> to vector<512x1xf32>
    %gt3A_32 = vector.broadcast %slice3A_31 : vector<512x1xf32> to vector<512x512xf32>
    %gt3A_33 = vector.broadcast %slice3A : vector<1x512xf32> to vector<512x512xf32>
    %gt3A_34 = arith.cmpf ogt, %gt3A_32, %gt3A_33 : vector<512x512xf32>
    %convert_element_type3A_35 = arith.extui %gt3A_34 : vector<512x512xi1> to vector<512x512xi32>
    %reduce_sum3A_36 = arith.constant dense<0> : vector<512xi32>
    %reduce_sum3A_37 = vector.multi_reduction <add>, %convert_element_type3A_35, %reduce_sum3A_36 [0] : vector<512x512xi32> to vector<512xi32>
    %broadcast_in_dim3A_38 = vector.shape_cast %reduce_sum3A_37 : vector<512xi32> to vector<1x512xi32>
    %add3A_39 = arith.addi %add3A_30, %broadcast_in_dim3A_38 : vector<1x512xi32>
    %slice3A_40 = vector.extract_strided_slice %reshape3A {offsets = [2048, 0], sizes = [512, 1], strides = [1, 1]} : vector<4096x1xf32> to vector<512x1xf32>
    %gt3A_41 = vector.broadcast %slice3A_40 : vector<512x1xf32> to vector<512x512xf32>
    %gt3A_42 = vector.broadcast %slice3A : vector<1x512xf32> to vector<512x512xf32>
    %gt3A_43 = arith.cmpf ogt, %gt3A_41, %gt3A_42 : vector<512x512xf32>
    %convert_element_type3A_44 = arith.extui %gt3A_43 : vector<512x512xi1> to vector<512x512xi32>
    %reduce_sum3A_45 = arith.constant dense<0> : vector<512xi32>
    %reduce_sum3A_46 = vector.multi_reduction <add>, %convert_element_type3A_44, %reduce_sum3A_45 [0] : vector<512x512xi32> to vector<512xi32>
    %broadcast_in_dim3A_47 = vector.shape_cast %reduce_sum3A_46 : vector<512xi32> to vector<1x512xi32>
    %add3A_48 = arith.addi %add3A_39, %broadcast_in_dim3A_47 : vector<1x512xi32>
    %slice3A_49 = vector.extract_strided_slice %reshape3A {offsets = [2560, 0], sizes = [512, 1], strides = [1, 1]} : vector<4096x1xf32> to vector<512x1xf32>
    %gt3A_50 = vector.broadcast %slice3A_49 : vector<512x1xf32> to vector<512x512xf32>
    %gt3A_51 = vector.broadcast %slice3A : vector<1x512xf32> to vector<512x512xf32>
    %gt3A_52 = arith.cmpf ogt, %gt3A_50, %gt3A_51 : vector<512x512xf32>
    %convert_element_type3A_53 = arith.extui %gt3A_52 : vector<512x512xi1> to vector<512x512xi32>
    %reduce_sum3A_54 = arith.constant dense<0> : vector<512xi32>
    %reduce_sum3A_55 = vector.multi_reduction <add>, %convert_element_type3A_53, %reduce_sum3A_54 [0] : vector<512x512xi32> to vector<512xi32>
    %broadcast_in_dim3A_56 = vector.shape_cast %reduce_sum3A_55 : vector<512xi32> to vector<1x512xi32>
    %add3A_57 = arith.addi %add3A_48, %broadcast_in_dim3A_56 : vector<1x512xi32>
    %slice3A_58 = vector.extract_strided_slice %reshape3A {offsets = [3072, 0], sizes = [512, 1], strides = [1, 1]} : vector<4096x1xf32> to vector<512x1xf32>
    %gt3A_59 = vector.broadcast %slice3A_58 : vector<512x1xf32> to vector<512x512xf32>
    %gt3A_60 = vector.broadcast %slice3A : vector<1x512xf32> to vector<512x512xf32>
    %gt3A_61 = arith.cmpf ogt, %gt3A_59, %gt3A_60 : vector<512x512xf32>
    %convert_element_type3A_62 = arith.extui %gt3A_61 : vector<512x512xi1> to vector<512x512xi32>
    %reduce_sum3A_63 = arith.constant dense<0> : vector<512xi32>
    %reduce_sum3A_64 = vector.multi_reduction <add>, %convert_element_type3A_62, %reduce_sum3A_63 [0] : vector<512x512xi32> to vector<512xi32>
    %broadcast_in_dim3A_65 = vector.shape_cast %reduce_sum3A_64 : vector<512xi32> to vector<1x512xi32>
    %add3A_66 = arith.addi %add3A_57, %broadcast_in_dim3A_65 : vector<1x512xi32>
    %slice3A_67 = vector.extract_strided_slice %reshape3A {offsets = [3584, 0], sizes = [512, 1], strides = [1, 1]} : vector<4096x1xf32> to vector<512x1xf32>
    %gt3A_68 = vector.broadcast %slice3A_67 : vector<512x1xf32> to vector<512x512xf32>
    %gt3A_69 = vector.broadcast %slice3A : vector<1x512xf32> to vector<512x512xf32>
    %gt3A_70 = arith.cmpf ogt, %gt3A_68, %gt3A_69 : vector<512x512xf32>
    %convert_element_type3A_71 = arith.extui %gt3A_70 : vector<512x512xi1> to vector<512x512xi32>
    %reduce_sum3A_72 = arith.constant dense<0> : vector<512xi32>
    %reduce_sum3A_73 = vector.multi_reduction <add>, %convert_element_type3A_71, %reduce_sum3A_72 [0] : vector<512x512xi32> to vector<512xi32>
    %broadcast_in_dim3A_74 = vector.shape_cast %reduce_sum3A_73 : vector<512xi32> to vector<1x512xi32>
    %add3A_75 = arith.addi %add3A_66, %broadcast_in_dim3A_74 : vector<1x512xi32>
    %swap3A = arith.constant 0 : index
    %swap3A_76 = arith.constant 0 : index
    %swap3A_77 = arith.constant 0 : index
    %swap3A_78 = vector.load %arg1[%swap3A, %swap3A_76, %swap3A_77] : memref<2x1x4096xi32, #tpu.memory_space<vmem>>, vector<1x1x512xi32>
    %swap3A_79 = vector.shape_cast %swap3A_78 : vector<1x1x512xi32> to vector<1x512xi32>
    %swap3A_80 = vector.shape_cast %add3A_75 : vector<1x512xi32> to vector<1x1x512xi32>
    tpu.vector_store %arg1[%swap3A, %swap3A_76, %swap3A_77], %swap3A_80 {strides = array<i32>} : memref<2x1x4096xi32, #tpu.memory_space<vmem>>, vector<1x1x512xi32>,
    %slice3A_81 = vector.extract_strided_slice %get3A_4 {offsets = [0, 512], sizes = [1, 512], strides = [1, 1]} : vector<1x4096xf32> to vector<1x512xf32>
    %broadcast_in_dim3A_82 = arith.constant 0 : i32
    %broadcast_in_dim3A_83 = vector.broadcast %broadcast_in_dim3A_82 : i32 to vector<1x512xi32>
    %slice3A_84 = vector.extract_strided_slice %reshape3A {offsets = [0, 0], sizes = [512, 1], strides = [1, 1]} : vector<4096x1xf32> to vector<512x1xf32>
    %ge3A = vector.broadcast %slice3A_84 : vector<512x1xf32> to vector<512x512xf32>
    %ge3A_85 = vector.broadcast %slice3A_81 : vector<1x512xf32> to vector<512x512xf32>
    %ge3A_86 = arith.cmpf oge, %ge3A, %ge3A_85 : vector<512x512xf32>
    %convert_element_type3A_87 = arith.extui %ge3A_86 : vector<512x512xi1> to vector<512x512xi32>
    %reduce_sum3A_88 = arith.constant dense<0> : vector<512xi32>
    %reduce_sum3A_89 = vector.multi_reduction <add>, %convert_element_type3A_87, %reduce_sum3A_88 [0] : vector<512x512xi32> to vector<512xi32>
    %broadcast_in_dim3A_90 = vector.shape_cast %reduce_sum3A_89 : vector<512xi32> to vector<1x512xi32>
    %add3A_91 = arith.addi %broadcast_in_dim3A_83, %broadcast_in_dim3A_90 : vector<1x512xi32>
    %slice3A_92 = vector.extract_strided_slice %reshape3A {offsets = [512, 0], sizes = [512, 1], strides = [1, 1]} : vector<4096x1xf32> to vector<512x1xf32>
    %gt3A_93 = vector.broadcast %slice3A_92 : vector<512x1xf32> to vector<512x512xf32>
    %gt3A_94 = vector.broadcast %slice3A_81 : vector<1x512xf32> to vector<512x512xf32>
    %gt3A_95 = arith.cmpf ogt, %gt3A_93, %gt3A_94 : vector<512x512xf32>
    %eq3A_96 = vector.broadcast %slice3A_92 : vector<512x1xf32> to vector<512x512xf32>
    %eq3A_97 = vector.broadcast %slice3A_81 : vector<1x512xf32> to vector<512x512xf32>
    %eq3A_98 = arith.cmpf oeq, %eq3A_96, %eq3A_97 : vector<512x512xf32>
    %and3A_99 = arith.andi %eq3A_98, %lt3A : vector<512x512xi1>
    %or3A_100 = arith.ori %gt3A_95, %and3A_99 : vector<512x512xi1>
    %convert_element_type3A_101 = arith.extui %or3A_100 : vector<512x512xi1> to vector<512x512xi32>
    %reduce_sum3A_102 = arith.constant dense<0> : vector<512xi32>
    %reduce_sum3A_103 = vector.multi_reduction <add>, %convert_element_type3A_101, %reduce_sum3A_102 [0] : vector<512x512xi32> to vector<512xi32>
    %broadcast_in_dim3A_104 = vector.shape_cast %reduce_sum3A_103 : vector<512xi32> to vector<1x512xi32>
    %add3A_105 = arith.addi %add3A_91, %broadcast_in_dim3A_104 : vector<1x512xi32>
    %slice3A_106 = vector.extract_strided_slice %reshape3A {offsets = [1024, 0], sizes = [512, 1], strides = [1, 1]} : vector<4096x1xf32> to vector<512x1xf32>
    %gt3A_107 = vector.broadcast %slice3A_106 : vector<512x1xf32> to vector<512x512xf32>
    %gt3A_108 = vector.broadcast %slice3A_81 : vector<1x512xf32> to vector<512x512xf32>
    %gt3A_109 = arith.cmpf ogt, %gt3A_107, %gt3A_108 : vector<512x512xf32>
    %convert_element_type3A_110 = arith.extui %gt3A_109 : vector<512x512xi1> to vector<512x512xi32>
    %reduce_sum3A_111 = arith.constant dense<0> : vector<512xi32>
    %reduce_sum3A_112 = vector.multi_reduction <add>, %convert_element_type3A_110, %reduce_sum3A_111 [0] : vector<512x512xi32> to vector<512xi32>
    %broadcast_in_dim3A_113 = vector.shape_cast %reduce_sum3A_112 : vector<512xi32> to vector<1x512xi32>
    %add3A_114 = arith.addi %add3A_105, %broadcast_in_dim3A_113 : vector<1x512xi32>
    %slice3A_115 = vector.extract_strided_slice %reshape3A {offsets = [1536, 0], sizes = [512, 1], strides = [1, 1]} : vector<4096x1xf32> to vector<512x1xf32>
    %gt3A_116 = vector.broadcast %slice3A_115 : vector<512x1xf32> to vector<512x512xf32>
    %gt3A_117 = vector.broadcast %slice3A_81 : vector<1x512xf32> to vector<512x512xf32>
    %gt3A_118 = arith.cmpf ogt, %gt3A_116, %gt3A_117 : vector<512x512xf32>
    %convert_element_type3A_119 = arith.extui %gt3A_118 : vector<512x512xi1> to vector<512x512xi32>
    %reduce_sum3A_120 = arith.constant dense<0> : vector<512xi32>
    %reduce_sum3A_121 = vector.multi_reduction <add>, %convert_element_type3A_119, %reduce_sum3A_120 [0] : vector<512x512xi32> to vector<512xi32>
    %broadcast_in_dim3A_122 = vector.shape_cast %reduce_sum3A_121 : vector<512xi32> to vector<1x512xi32>
    %add3A_123 = arith.addi %add3A_114, %broadcast_in_dim3A_122 : vector<1x512xi32>
    %slice3A_124 = vector.extract_strided_slice %reshape3A {offsets = [2048, 0], sizes = [512, 1], strides = [1, 1]} : vector<4096x1xf32> to vector<512x1xf32>
    %gt3A_125 = vector.broadcast %slice3A_124 : vector<512x1xf32> to vector<512x512xf32>
    %gt3A_126 = vector.broadcast %slice3A_81 : vector<1x512xf32> to vector<512x512xf32>
    %gt3A_127 = arith.cmpf ogt, %gt3A_125, %gt3A_126 : vector<512x512xf32>
    %convert_element_type3A_128 = arith.extui %gt3A_127 : vector<512x512xi1> to vector<512x512xi32>
    %reduce_sum3A_129 = arith.constant dense<0> : vector<512xi32>
    %reduce_sum3A_130 = vector.multi_reduction <add>, %convert_element_type3A_128, %reduce_sum3A_129 [0] : vector<512x512xi32> to vector<512xi32>
    %broadcast_in_dim3A_131 = vector.shape_cast %reduce_sum3A_130 : vector<512xi32> to vector<1x512xi32>
    %add3A_132 = arith.addi %add3A_123, %broadcast_in_dim3A_131 : vector<1x512xi32>
    %slice3A_133 = vector.extract_strided_slice %reshape3A {offsets = [2560, 0], sizes = [512, 1], strides = [1, 1]} : vector<4096x1xf32> to vector<512x1xf32>
    %gt3A_134 = vector.broadcast %slice3A_133 : vector<512x1xf32> to vector<512x512xf32>
    %gt3A_135 = vector.broadcast %slice3A_81 : vector<1x512xf32> to vector<512x512xf32>
    %gt3A_136 = arith.cmpf ogt, %gt3A_134, %gt3A_135 : vector<512x512xf32>
    %convert_element_type3A_137 = arith.extui %gt3A_136 : vector<512x512xi1> to vector<512x512xi32>
    %reduce_sum3A_138 = arith.constant dense<0> : vector<512xi32>
    %reduce_sum3A_139 = vector.multi_reduction <add>, %convert_element_type3A_137, %reduce_sum3A_138 [0] : vector<512x512xi32> to vector<512xi32>
    %broadcast_in_dim3A_140 = vector.shape_cast %reduce_sum3A_139 : vector<512xi32> to vector<1x512xi32>
    %add3A_141 = arith.addi %add3A_132, %broadcast_in_dim3A_140 : vector<1x512xi32>
    %slice3A_142 = vector.extract_strided_slice %reshape3A {offsets = [3072, 0], sizes = [512, 1], strides = [1, 1]} : vector<4096x1xf32> to vector<512x1xf32>
    %gt3A_143 = vector.broadcast %slice3A_142 : vector<512x1xf32> to vector<512x512xf32>
    %gt3A_144 = vector.broadcast %slice3A_81 : vector<1x512xf32> to vector<512x512xf32>
    %gt3A_145 = arith.cmpf ogt, %gt3A_143, %gt3A_144 : vector<512x512xf32>
    %convert_element_type3A_146 = arith.extui %gt3A_145 : vector<512x512xi1> to vector<512x512xi32>
    %reduce_sum3A_147 = arith.constant dense<0> : vector<512xi32>
    %reduce_sum3A_148 = vector.multi_reduction <add>, %convert_element_type3A_146, %reduce_sum3A_147 [0] : vector<512x512xi32> to vector<512xi32>
    %broadcast_in_dim3A_149 = vector.shape_cast %reduce_sum3A_148 : vector<512xi32> to vector<1x512xi32>
    %add3A_150 = arith.addi %add3A_141, %broadcast_in_dim3A_149 : vector<1x512xi32>
    %slice3A_151 = vector.extract_strided_slice %reshape3A {offsets = [3584, 0], sizes = [512, 1], strides = [1, 1]} : vector<4096x1xf32> to vector<512x1xf32>
    %gt3A_152 = vector.broadcast %slice3A_151 : vector<512x1xf32> to vector<512x512xf32>
    %gt3A_153 = vector.broadcast %slice3A_81 : vector<1x512xf32> to vector<512x512xf32>
    %gt3A_154 = arith.cmpf ogt, %gt3A_152, %gt3A_153 : vector<512x512xf32>
    %convert_element_type3A_155 = arith.extui %gt3A_154 : vector<512x512xi1> to vector<512x512xi32>
    %reduce_sum3A_156 = arith.constant dense<0> : vector<512xi32>
    %reduce_sum3A_157 = vector.multi_reduction <add>, %convert_element_type3A_155, %reduce_sum3A_156 [0] : vector<512x512xi32> to vector<512xi32>
    %broadcast_in_dim3A_158 = vector.shape_cast %reduce_sum3A_157 : vector<512xi32> to vector<1x512xi32>
    %add3A_159 = arith.addi %add3A_150, %broadcast_in_dim3A_158 : vector<1x512xi32>
    %swap3A_160 = arith.constant 0 : index
    %swap3A_161 = arith.constant 0 : index
    %swap3A_162 = arith.constant 512 : index
    %swap3A_163 = vector.load %arg1[%swap3A_160, %swap3A_161, %swap3A_162] : memref<2x1x4096xi32, #tpu.memory_space<vmem>>, vector<1x1x512xi32>
    %swap3A_164 = vector.shape_cast %swap3A_163 : vector<1x1x512xi32> to vector<1x512xi32>
    %swap3A_165 = vector.shape_cast %add3A_159 : vector<1x512xi32> to vector<1x1x512xi32>
    tpu.vector_store %arg1[%swap3A_160, %swap3A_161, %swap3A_162], %swap3A_165 {strides = array<i32>} : memref<2x1x4096xi32, #tpu.memory_space<vmem>>, vector<1x1x512xi32>,
    %slice3A_166 = vector.extract_strided_slice %get3A_4 {offsets = [0, 1024], sizes = [1, 512], strides = [1, 1]} : vector<1x4096xf32> to vector<1x512xf32>
    %broadcast_in_dim3A_167 = arith.constant 0 : i32
    %broadcast_in_dim3A_168 = vector.broadcast %broadcast_in_dim3A_167 : i32 to vector<1x512xi32>
    %slice3A_169 = vector.extract_strided_slice %reshape3A {offsets = [0, 0], sizes = [512, 1], strides = [1, 1]} : vector<4096x1xf32> to vector<512x1xf32>
    %ge3A_170 = vector.broadcast %slice3A_169 : vector<512x1xf32> to vector<512x512xf32>
    %ge3A_171 = vector.broadcast %slice3A_166 : vector<1x512xf32> to vector<512x512xf32>
    %ge3A_172 = arith.cmpf oge, %ge3A_170, %ge3A_171 : vector<512x512xf32>
    %convert_element_type3A_173 = arith.extui %ge3A_172 : vector<512x512xi1> to vector<512x512xi32>
    %reduce_sum3A_174 = arith.constant dense<0> : vector<512xi32>
    %reduce_sum3A_175 = vector.multi_reduction <add>, %convert_element_type3A_173, %reduce_sum3A_174 [0] : vector<512x512xi32> to vector<512xi32>
    %broadcast_in_dim3A_176 = vector.shape_cast %reduce_sum3A_175 : vector<512xi32> to vector<1x512xi32>
    %add3A_177 = arith.addi %broadcast_in_dim3A_168, %broadcast_in_dim3A_176 : vector<1x512xi32>
    %slice3A_178 = vector.extract_strided_slice %reshape3A {offsets = [512, 0], sizes = [512, 1], strides = [1, 1]} : vector<4096x1xf32> to vector<512x1xf32>
    %ge3A_179 = vector.broadcast %slice3A_178 : vector<512x1xf32> to vector<512x512xf32>
    %ge3A_180 = vector.broadcast %slice3A_166 : vector<1x512xf32> to vector<512x512xf32>
    %ge3A_181 = arith.cmpf oge, %ge3A_179, %ge3A_180 : vector<512x512xf32>
    %convert_element_type3A_182 = arith.extui %ge3A_181 : vector<512x512xi1> to vector<512x512xi32>
    %reduce_sum3A_183 = arith.constant dense<0> : vector<512xi32>
    %reduce_sum3A_184 = vector.multi_reduction <add>, %convert_element_type3A_182, %reduce_sum3A_183 [0] : vector<512x512xi32> to vector<512xi32>
    %broadcast_in_dim3A_185 = vector.shape_cast %reduce_sum3A_184 : vector<512xi32> to vector<1x512xi32>
    %add3A_186 = arith.addi %add3A_177, %broadcast_in_dim3A_185 : vector<1x512xi32>
    %slice3A_187 = vector.extract_strided_slice %reshape3A {offsets = [1024, 0], sizes = [512, 1], strides = [1, 1]} : vector<4096x1xf32> to vector<512x1xf32>
    %gt3A_188 = vector.broadcast %slice3A_187 : vector<512x1xf32> to vector<512x512xf32>
    %gt3A_189 = vector.broadcast %slice3A_166 : vector<1x512xf32> to vector<512x512xf32>
    %gt3A_190 = arith.cmpf ogt, %gt3A_188, %gt3A_189 : vector<512x512xf32>
    %eq3A_191 = vector.broadcast %slice3A_187 : vector<512x1xf32> to vector<512x512xf32>
    %eq3A_192 = vector.broadcast %slice3A_166 : vector<1x512xf32> to vector<512x512xf32>
    %eq3A_193 = arith.cmpf oeq, %eq3A_191, %eq3A_192 : vector<512x512xf32>
    %and3A_194 = arith.andi %eq3A_193, %lt3A : vector<512x512xi1>
    %or3A_195 = arith.ori %gt3A_190, %and3A_194 : vector<512x512xi1>
    %convert_element_type3A_196 = arith.extui %or3A_195 : vector<512x512xi1> to vector<512x512xi32>
    %reduce_sum3A_197 = arith.constant dense<0> : vector<512xi32>
    %reduce_sum3A_198 = vector.multi_reduction <add>, %convert_element_type3A_196, %reduce_sum3A_197 [0] : vector<512x512xi32> to vector<512xi32>
    %broadcast_in_dim3A_199 = vector.shape_cast %reduce_sum3A_198 : vector<512xi32> to vector<1x512xi32>
    %add3A_200 = arith.addi %add3A_186, %broadcast_in_dim3A_199 : vector<1x512xi32>
    %slice3A_201 = vector.extract_strided_slice %reshape3A {offsets = [1536, 0], sizes = [512, 1], strides = [1, 1]} : vector<4096x1xf32> to vector<512x1xf32>
    %gt3A_202 = vector.broadcast %slice3A_201 : vector<512x1xf32> to vector<512x512xf32>
    %gt3A_203 = vector.broadcast %slice3A_166 : vector<1x512xf32> to vector<512x512xf32>
    %gt3A_204 = arith.cmpf ogt, %gt3A_202, %gt3A_203 : vector<512x512xf32>
    %convert_element_type3A_205 = arith.extui %gt3A_204 : vector<512x512xi1> to vector<512x512xi32>
    %reduce_sum3A_206 = arith.constant dense<0> : vector<512xi32>
    %reduce_sum3A_207 = vector.multi_reduction <add>, %convert_element_type3A_205, %reduce_sum3A_206 [0] : vector<512x512xi32> to vector<512xi32>
    %broadcast_in_dim3A_208 = vector.shape_cast %reduce_sum3A_207 : vector<512xi32> to vector<1x512xi32>
    %add3A_209 = arith.addi %add3A_200, %broadcast_in_dim3A_208 : vector<1x512xi32>
    %slice3A_210 = vector.extract_strided_slice %reshape3A {offsets = [2048, 0], sizes = [512, 1], strides = [1, 1]} : vector<4096x1xf32> to vector<512x1xf32>
    %gt3A_211 = vector.broadcast %slice3A_210 : vector<512x1xf32> to vector<512x512xf32>
    %gt3A_212 = vector.broadcast %slice3A_166 : vector<1x512xf32> to vector<512x512xf32>
    %gt3A_213 = arith.cmpf ogt, %gt3A_211, %gt3A_212 : vector<512x512xf32>
    %convert_element_type3A_214 = arith.extui %gt3A_213 : vector<512x512xi1> to vector<512x512xi32>
    %reduce_sum3A_215 = arith.constant dense<0> : vector<512xi32>
    %reduce_sum3A_216 = vector.multi_reduction <add>, %convert_element_type3A_214, %reduce_sum3A_215 [0] : vector<512x512xi32> to vector<512xi32>
    %broadcast_in_dim3A_217 = vector.shape_cast %reduce_sum3A_216 : vector<512xi32> to vector<1x512xi32>
    %add3A_218 = arith.addi %add3A_209, %broadcast_in_dim3A_217 : vector<1x512xi32>
    %slice3A_219 = vector.extract_strided_slice %reshape3A {offsets = [2560, 0], sizes = [512, 1], strides = [1, 1]} : vector<4096x1xf32> to vector<512x1xf32>
    %gt3A_220 = vector.broadcast %slice3A_219 : vector<512x1xf32> to vector<512x512xf32>
    %gt3A_221 = vector.broadcast %slice3A_166 : vector<1x512xf32> to vector<512x512xf32>
    %gt3A_222 = arith.cmpf ogt, %gt3A_220, %gt3A_221 : vector<512x512xf32>
    %convert_element_type3A_223 = arith.extui %gt3A_222 : vector<512x512xi1> to vector<512x512xi32>
    %reduce_sum3A_224 = arith.constant dense<0> : vector<512xi32>
    %reduce_sum3A_225 = vector.multi_reduction <add>, %convert_element_type3A_223, %reduce_sum3A_224 [0] : vector<512x512xi32> to vector<512xi32>
    %broadcast_in_dim3A_226 = vector.shape_cast %reduce_sum3A_225 : vector<512xi32> to vector<1x512xi32>
    %add3A_227 = arith.addi %add3A_218, %broadcast_in_dim3A_226 : vector<1x512xi32>
    %slice3A_228 = vector.extract_strided_slice %reshape3A {offsets = [3072, 0], sizes = [512, 1], strides = [1, 1]} : vector<4096x1xf32> to vector<512x1xf32>
    %gt3A_229 = vector.broadcast %slice3A_228 : vector<512x1xf32> to vector<512x512xf32>
    %gt3A_230 = vector.broadcast %slice3A_166 : vector<1x512xf32> to vector<512x512xf32>
    %gt3A_231 = arith.cmpf ogt, %gt3A_229, %gt3A_230 : vector<512x512xf32>
    %convert_element_type3A_232 = arith.extui %gt3A_231 : vector<512x512xi1> to vector<512x512xi32>
    %reduce_sum3A_233 = arith.constant dense<0> : vector<512xi32>
    %reduce_sum3A_234 = vector.multi_reduction <add>, %convert_element_type3A_232, %reduce_sum3A_233 [0] : vector<512x512xi32> to vector<512xi32>
    %broadcast_in_dim3A_235 = vector.shape_cast %reduce_sum3A_234 : vector<512xi32> to vector<1x512xi32>
    %add3A_236 = arith.addi %add3A_227, %broadcast_in_dim3A_235 : vector<1x512xi32>
    %slice3A_237 = vector.extract_strided_slice %reshape3A {offsets = [3584, 0], sizes = [512, 1], strides = [1, 1]} : vector<4096x1xf32> to vector<512x1xf32>
    %gt3A_238 = vector.broadcast %slice3A_237 : vector<512x1xf32> to vector<512x512xf32>
    %gt3A_239 = vector.broadcast %slice3A_166 : vector<1x512xf32> to vector<512x512xf32>
    %gt3A_240 = arith.cmpf ogt, %gt3A_238, %gt3A_239 : vector<512x512xf32>
    %convert_element_type3A_241 = arith.extui %gt3A_240 : vector<512x512xi1> to vector<512x512xi32>
    %reduce_sum3A_242 = arith.constant dense<0> : vector<512xi32>
    %reduce_sum3A_243 = vector.multi_reduction <add>, %convert_element_type3A_241, %reduce_sum3A_242 [0] : vector<512x512xi32> to vector<512xi32>
    %broadcast_in_dim3A_244 = vector.shape_cast %reduce_sum3A_243 : vector<512xi32> to vector<1x512xi32>
    %add3A_245 = arith.addi %add3A_236, %broadcast_in_dim3A_244 : vector<1x512xi32>
    %swap3A_246 = arith.constant 0 : index
    %swap3A_247 = arith.constant 0 : index
    %swap3A_248 = arith.constant 1024 : index
    %swap3A_249 = vector.load %arg1[%swap3A_246, %swap3A_247, %swap3A_248] : memref<2x1x4096xi32, #tpu.memory_space<vmem>>, vector<1x1x512xi32>
    %swap3A_250 = vector.shape_cast %swap3A_249 : vector<1x1x512xi32> to vector<1x512xi32>
    %swap3A_251 = vector.shape_cast %add3A_245 : vector<1x512xi32> to vector<1x1x512xi32>
    tpu.vector_store %arg1[%swap3A_246, %swap3A_247, %swap3A_248], %swap3A_251 {strides = array<i32>} : memref<2x1x4096xi32, #tpu.memory_space<vmem>>, vector<1x1x512xi32>,
    %slice3A_252 = vector.extract_strided_slice %get3A_4 {offsets = [0, 1536], sizes = [1, 512], strides = [1, 1]} : vector<1x4096xf32> to vector<1x512xf32>
    %broadcast_in_dim3A_253 = arith.constant 0 : i32
    %broadcast_in_dim3A_254 = vector.broadcast %broadcast_in_dim3A_253 : i32 to vector<1x512xi32>
    %slice3A_255 = vector.extract_strided_slice %reshape3A {offsets = [0, 0], sizes = [512, 1], strides = [1, 1]} : vector<4096x1xf32> to vector<512x1xf32>
    %ge3A_256 = vector.broadcast %slice3A_255 : vector<512x1xf32> to vector<512x512xf32>
    %ge3A_257 = vector.broadcast %slice3A_252 : vector<1x512xf32> to vector<512x512xf32>
    %ge3A_258 = arith.cmpf oge, %ge3A_256, %ge3A_257 : vector<512x512xf32>
    %convert_element_type3A_259 = arith.extui %ge3A_258 : vector<512x512xi1> to vector<512x512xi32>
    %reduce_sum3A_260 = arith.constant dense<0> : vector<512xi32>
    %reduce_sum3A_261 = vector.multi_reduction <add>, %convert_element_type3A_259, %reduce_sum3A_260 [0] : vector<512x512xi32> to vector<512xi32>
    %broadcast_in_dim3A_262 = vector.shape_cast %reduce_sum3A_261 : vector<512xi32> to vector<1x512xi32>
    %add3A_263 = arith.addi %broadcast_in_dim3A_254, %broadcast_in_dim3A_262 : vector<1x512xi32>
    %slice3A_264 = vector.extract_strided_slice %reshape3A {offsets = [512, 0], sizes = [512, 1], strides = [1, 1]} : vector<4096x1xf32> to vector<512x1xf32>
    %ge3A_265 = vector.broadcast %slice3A_264 : vector<512x1xf32> to vector<512x512xf32>
    %ge3A_266 = vector.broadcast %slice3A_252 : vector<1x512xf32> to vector<512x512xf32>
    %ge3A_267 = arith.cmpf oge, %ge3A_265, %ge3A_266 : vector<512x512xf32>
    %convert_element_type3A_268 = arith.extui %ge3A_267 : vector<512x512xi1> to vector<512x512xi32>
    %reduce_sum3A_269 = arith.constant dense<0> : vector<512xi32>
    %reduce_sum3A_270 = vector.multi_reduction <add>, %convert_element_type3A_268, %reduce_sum3A_269 [0] : vector<512x512xi32> to vector<512xi32>
    %broadcast_in_dim3A_271 = vector.shape_cast %reduce_sum3A_270 : vector<512xi32> to vector<1x512xi32>
    %add3A_272 = arith.addi %add3A_263, %broadcast_in_dim3A_271 : vector<1x512xi32>
    %slice3A_273 = vector.extract_strided_slice %reshape3A {offsets = [1024, 0], sizes = [512, 1], strides = [1, 1]} : vector<4096x1xf32> to vector<512x1xf32>
    %ge3A_274 = vector.broadcast %slice3A_273 : vector<512x1xf32> to vector<512x512xf32>
    %ge3A_275 = vector.broadcast %slice3A_252 : vector<1x512xf32> to vector<512x512xf32>
    %ge3A_276 = arith.cmpf oge, %ge3A_274, %ge3A_275 : vector<512x512xf32>
    %convert_element_type3A_277 = arith.extui %ge3A_276 : vector<512x512xi1> to vector<512x512xi32>
    %reduce_sum3A_278 = arith.constant dense<0> : vector<512xi32>
    %reduce_sum3A_279 = vector.multi_reduction <add>, %convert_element_type3A_277, %reduce_sum3A_278 [0] : vector<512x512xi32> to vector<512xi32>
    %broadcast_in_dim3A_280 = vector.shape_cast %reduce_sum3A_279 : vector<512xi32> to vector<1x512xi32>
    %add3A_281 = arith.addi %add3A_272, %broadcast_in_dim3A_280 : vector<1x512xi32>
    %slice3A_282 = vector.extract_strided_slice %reshape3A {offsets = [1536, 0], sizes = [512, 1], strides = [1, 1]} : vector<4096x1xf32> to vector<512x1xf32>
    %gt3A_283 = vector.broadcast %slice3A_282 : vector<512x1xf32> to vector<512x512xf32>
    %gt3A_284 = vector.broadcast %slice3A_252 : vector<1x512xf32> to vector<512x512xf32>
    %gt3A_285 = arith.cmpf ogt, %gt3A_283, %gt3A_284 : vector<512x512xf32>
    %eq3A_286 = vector.broadcast %slice3A_282 : vector<512x1xf32> to vector<512x512xf32>
    %eq3A_287 = vector.broadcast %slice3A_252 : vector<1x512xf32> to vector<512x512xf32>
    %eq3A_288 = arith.cmpf oeq, %eq3A_286, %eq3A_287 : vector<512x512xf32>
    %and3A_289 = arith.andi %eq3A_288, %lt3A : vector<512x512xi1>
    %or3A_290 = arith.ori %gt3A_285, %and3A_289 : vector<512x512xi1>
    %convert_element_type3A_291 = arith.extui %or3A_290 : vector<512x512xi1> to vector<512x512xi32>
    %reduce_sum3A_292 = arith.constant dense<0> : vector<512xi32>
    %reduce_sum3A_293 = vector.multi_reduction <add>, %convert_element_type3A_291, %reduce_sum3A_292 [0] : vector<512x512xi32> to vector<512xi32>
    %broadcast_in_dim3A_294 = vector.shape_cast %reduce_sum3A_293 : vector<512xi32> to vector<1x512xi32>
    %add3A_295 = arith.addi %add3A_281, %broadcast_in_dim3A_294 : vector<1x512xi32>
    %slice3A_296 = vector.extract_strided_slice %reshape3A {offsets = [2048, 0], sizes = [512, 1], strides = [1, 1]} : vector<4096x1xf32> to vector<512x1xf32>
    %gt3A_297 = vector.broadcast %slice3A_296 : vector<512x1xf32> to vector<512x512xf32>
    %gt3A_298 = vector.broadcast %slice3A_252 : vector<1x512xf32> to vector<512x512xf32>
    %gt3A_299 = arith.cmpf ogt, %gt3A_297, %gt3A_298 : vector<512x512xf32>
    %convert_element_type3A_300 = arith.extui %gt3A_299 : vector<512x512xi1> to vector<512x512xi32>
    %reduce_sum3A_301 = arith.constant dense<0> : vector<512xi32>
    %reduce_sum3A_302 = vector.multi_reduction <add>, %convert_element_type3A_300, %reduce_sum3A_301 [0] : vector<512x512xi32> to vector<512xi32>
    %broadcast_in_dim3A_303 = vector.shape_cast %reduce_sum3A_302 : vector<512xi32> to vector<1x512xi32>
    %add3A_304 = arith.addi %add3A_295, %broadcast_in_dim3A_303 : vector<1x512xi32>
    %slice3A_305 = vector.extract_strided_slice %reshape3A {offsets = [2560, 0], sizes = [512, 1], strides = [1, 1]} : vector<4096x1xf32> to vector<512x1xf32>
    %gt3A_306 = vector.broadcast %slice3A_305 : vector<512x1xf32> to vector<512x512xf32>
    %gt3A_307 = vector.broadcast %slice3A_252 : vector<1x512xf32> to vector<512x512xf32>
    %gt3A_308 = arith.cmpf ogt, %gt3A_306, %gt3A_307 : vector<512x512xf32>
    %convert_element_type3A_309 = arith.extui %gt3A_308 : vector<512x512xi1> to vector<512x512xi32>
    %reduce_sum3A_310 = arith.constant dense<0> : vector<512xi32>
    %reduce_sum3A_311 = vector.multi_reduction <add>, %convert_element_type3A_309, %reduce_sum3A_310 [0] : vector<512x512xi32> to vector<512xi32>
    %broadcast_in_dim3A_312 = vector.shape_cast %reduce_sum3A_311 : vector<512xi32> to vector<1x512xi32>
    %add3A_313 = arith.addi %add3A_304, %broadcast_in_dim3A_312 : vector<1x512xi32>
    %slice3A_314 = vector.extract_strided_slice %reshape3A {offsets = [3072, 0], sizes = [512, 1], strides = [1, 1]} : vector<4096x1xf32> to vector<512x1xf32>
    %gt3A_315 = vector.broadcast %slice3A_314 : vector<512x1xf32> to vector<512x512xf32>
    %gt3A_316 = vector.broadcast %slice3A_252 : vector<1x512xf32> to vector<512x512xf32>
    %gt3A_317 = arith.cmpf ogt, %gt3A_315, %gt3A_316 : vector<512x512xf32>
    %convert_element_type3A_318 = arith.extui %gt3A_317 : vector<512x512xi1> to vector<512x512xi32>
    %reduce_sum3A_319 = arith.constant dense<0> : vector<512xi32>
    %reduce_sum3A_320 = vector.multi_reduction <add>, %convert_element_type3A_318, %reduce_sum3A_319 [0] : vector<512x512xi32> to vector<512xi32>
    %broadcast_in_dim3A_321 = vector.shape_cast %reduce_sum3A_320 : vector<512xi32> to vector<1x512xi32>
    %add3A_322 = arith.addi %add3A_313, %broadcast_in_dim3A_321 : vector<1x512xi32>
    %slice3A_323 = vector.extract_strided_slice %reshape3A {offsets = [3584, 0], sizes = [512, 1], strides = [1, 1]} : vector<4096x1xf32> to vector<512x1xf32>
    %gt3A_324 = vector.broadcast %slice3A_323 : vector<512x1xf32> to vector<512x512xf32>
    %gt3A_325 = vector.broadcast %slice3A_252 : vector<1x512xf32> to vector<512x512xf32>
    %gt3A_326 = arith.cmpf ogt, %gt3A_324, %gt3A_325 : vector<512x512xf32>
    %convert_element_type3A_327 = arith.extui %gt3A_326 : vector<512x512xi1> to vector<512x512xi32>
    %reduce_sum3A_328 = arith.constant dense<0> : vector<512xi32>
    %reduce_sum3A_329 = vector.multi_reduction <add>, %convert_element_type3A_327, %reduce_sum3A_328 [0] : vector<512x512xi32> to vector<512xi32>
    %broadcast_in_dim3A_330 = vector.shape_cast %reduce_sum3A_329 : vector<512xi32> to vector<1x512xi32>
    %add3A_331 = arith.addi %add3A_322, %broadcast_in_dim3A_330 : vector<1x512xi32>
    %swap3A_332 = arith.constant 0 : index
    %swap3A_333 = arith.constant 0 : index
    %swap3A_334 = arith.constant 1536 : index
    %swap3A_335 = vector.load %arg1[%swap3A_332, %swap3A_333, %swap3A_334] : memref<2x1x4096xi32, #tpu.memory_space<vmem>>, vector<1x1x512xi32>
    %swap3A_336 = vector.shape_cast %swap3A_335 : vector<1x1x512xi32> to vector<1x512xi32>
    %swap3A_337 = vector.shape_cast %add3A_331 : vector<1x512xi32> to vector<1x1x512xi32>
    tpu.vector_store %arg1[%swap3A_332, %swap3A_333, %swap3A_334], %swap3A_337 {strides = array<i32>} : memref<2x1x4096xi32, #tpu.memory_space<vmem>>, vector<1x1x512xi32>,
    %slice3A_338 = vector.extract_strided_slice %get3A_4 {offsets = [0, 2048], sizes = [1, 512], strides = [1, 1]} : vector<1x4096xf32> to vector<1x512xf32>
    %broadcast_in_dim3A_339 = arith.constant 0 : i32
    %broadcast_in_dim3A_340 = vector.broadcast %broadcast_in_dim3A_339 : i32 to vector<1x512xi32>
    %slice3A_341 = vector.extract_strided_slice %reshape3A {offsets = [0, 0], sizes = [512, 1], strides = [1, 1]} : vector<4096x1xf32> to vector<512x1xf32>
    %ge3A_342 = vector.broadcast %slice3A_341 : vector<512x1xf32> to vector<512x512xf32>
    %ge3A_343 = vector.broadcast %slice3A_338 : vector<1x512xf32> to vector<512x512xf32>
    %ge3A_344 = arith.cmpf oge, %ge3A_342, %ge3A_343 : vector<512x512xf32>
    %convert_element_type3A_345 = arith.extui %ge3A_344 : vector<512x512xi1> to vector<512x512xi32>
    %reduce_sum3A_346 = arith.constant dense<0> : vector<512xi32>
    %reduce_sum3A_347 = vector.multi_reduction <add>, %convert_element_type3A_345, %reduce_sum3A_346 [0] : vector<512x512xi32> to vector<512xi32>
    %broadcast_in_dim3A_348 = vector.shape_cast %reduce_sum3A_347 : vector<512xi32> to vector<1x512xi32>
    %add3A_349 = arith.addi %broadcast_in_dim3A_340, %broadcast_in_dim3A_348 : vector<1x512xi32>
    %slice3A_350 = vector.extract_strided_slice %reshape3A {offsets = [512, 0], sizes = [512, 1], strides = [1, 1]} : vector<4096x1xf32> to vector<512x1xf32>
    %ge3A_351 = vector.broadcast %slice3A_350 : vector<512x1xf32> to vector<512x512xf32>
    %ge3A_352 = vector.broadcast %slice3A_338 : vector<1x512xf32> to vector<512x512xf32>
    %ge3A_353 = arith.cmpf oge, %ge3A_351, %ge3A_352 : vector<512x512xf32>
    %convert_element_type3A_354 = arith.extui %ge3A_353 : vector<512x512xi1> to vector<512x512xi32>
    %reduce_sum3A_355 = arith.constant dense<0> : vector<512xi32>
    %reduce_sum3A_356 = vector.multi_reduction <add>, %convert_element_type3A_354, %reduce_sum3A_355 [0] : vector<512x512xi32> to vector<512xi32>
    %broadcast_in_dim3A_357 = vector.shape_cast %reduce_sum3A_356 : vector<512xi32> to vector<1x512xi32>
    %add3A_358 = arith.addi %add3A_349, %broadcast_in_dim3A_357 : vector<1x512xi32>
    %slice3A_359 = vector.extract_strided_slice %reshape3A {offsets = [1024, 0], sizes = [512, 1], strides = [1, 1]} : vector<4096x1xf32> to vector<512x1xf32>
    %ge3A_360 = vector.broadcast %slice3A_359 : vector<512x1xf32> to vector<512x512xf32>
    %ge3A_361 = vector.broadcast %slice3A_338 : vector<1x512xf32> to vector<512x512xf32>
    %ge3A_362 = arith.cmpf oge, %ge3A_360, %ge3A_361 : vector<512x512xf32>
    %convert_element_type3A_363 = arith.extui %ge3A_362 : vector<512x512xi1> to vector<512x512xi32>
    %reduce_sum3A_364 = arith.constant dense<0> : vector<512xi32>
    %reduce_sum3A_365 = vector.multi_reduction <add>, %convert_element_type3A_363, %reduce_sum3A_364 [0] : vector<512x512xi32> to vector<512xi32>
    %broadcast_in_dim3A_366 = vector.shape_cast %reduce_sum3A_365 : vector<512xi32> to vector<1x512xi32>
    %add3A_367 = arith.addi %add3A_358, %broadcast_in_dim3A_366 : vector<1x512xi32>
    %slice3A_368 = vector.extract_strided_slice %reshape3A {offsets = [1536, 0], sizes = [512, 1], strides = [1, 1]} : vector<4096x1xf32> to vector<512x1xf32>
    %ge3A_369 = vector.broadcast %slice3A_368 : vector<512x1xf32> to vector<512x512xf32>
    %ge3A_370 = vector.broadcast %slice3A_338 : vector<1x512xf32> to vector<512x512xf32>
    %ge3A_371 = arith.cmpf oge, %ge3A_369, %ge3A_370 : vector<512x512xf32>
    %convert_element_type3A_372 = arith.extui %ge3A_371 : vector<512x512xi1> to vector<512x512xi32>
    %reduce_sum3A_373 = arith.constant dense<0> : vector<512xi32>
    %reduce_sum3A_374 = vector.multi_reduction <add>, %convert_element_type3A_372, %reduce_sum3A_373 [0] : vector<512x512xi32> to vector<512xi32>
    %broadcast_in_dim3A_375 = vector.shape_cast %reduce_sum3A_374 : vector<512xi32> to vector<1x512xi32>
    %add3A_376 = arith.addi %add3A_367, %broadcast_in_dim3A_375 : vector<1x512xi32>
    %slice3A_377 = vector.extract_strided_slice %reshape3A {offsets = [2048, 0], sizes = [512, 1], strides = [1, 1]} : vector<4096x1xf32> to vector<512x1xf32>
    %gt3A_378 = vector.broadcast %slice3A_377 : vector<512x1xf32> to vector<512x512xf32>
    %gt3A_379 = vector.broadcast %slice3A_338 : vector<1x512xf32> to vector<512x512xf32>
    %gt3A_380 = arith.cmpf ogt, %gt3A_378, %gt3A_379 : vector<512x512xf32>
    %eq3A_381 = vector.broadcast %slice3A_377 : vector<512x1xf32> to vector<512x512xf32>
    %eq3A_382 = vector.broadcast %slice3A_338 : vector<1x512xf32> to vector<512x512xf32>
    %eq3A_383 = arith.cmpf oeq, %eq3A_381, %eq3A_382 : vector<512x512xf32>
    %and3A_384 = arith.andi %eq3A_383, %lt3A : vector<512x512xi1>
    %or3A_385 = arith.ori %gt3A_380, %and3A_384 : vector<512x512xi1>
    %convert_element_type3A_386 = arith.extui %or3A_385 : vector<512x512xi1> to vector<512x512xi32>
    %reduce_sum3A_387 = arith.constant dense<0> : vector<512xi32>
    %reduce_sum3A_388 = vector.multi_reduction <add>, %convert_element_type3A_386, %reduce_sum3A_387 [0] : vector<512x512xi32> to vector<512xi32>
    %broadcast_in_dim3A_389 = vector.shape_cast %reduce_sum3A_388 : vector<512xi32> to vector<1x512xi32>
    %add3A_390 = arith.addi %add3A_376, %broadcast_in_dim3A_389 : vector<1x512xi32>
    %slice3A_391 = vector.extract_strided_slice %reshape3A {offsets = [2560, 0], sizes = [512, 1], strides = [1, 1]} : vector<4096x1xf32> to vector<512x1xf32>
    %gt3A_392 = vector.broadcast %slice3A_391 : vector<512x1xf32> to vector<512x512xf32>
    %gt3A_393 = vector.broadcast %slice3A_338 : vector<1x512xf32> to vector<512x512xf32>
    %gt3A_394 = arith.cmpf ogt, %gt3A_392, %gt3A_393 : vector<512x512xf32>
    %convert_element_type3A_395 = arith.extui %gt3A_394 : vector<512x512xi1> to vector<512x512xi32>
    %reduce_sum3A_396 = arith.constant dense<0> : vector<512xi32>
    %reduce_sum3A_397 = vector.multi_reduction <add>, %convert_element_type3A_395, %reduce_sum3A_396 [0] : vector<512x512xi32> to vector<512xi32>
    %broadcast_in_dim3A_398 = vector.shape_cast %reduce_sum3A_397 : vector<512xi32> to vector<1x512xi32>
    %add3A_399 = arith.addi %add3A_390, %broadcast_in_dim3A_398 : vector<1x512xi32>
    %slice3A_400 = vector.extract_strided_slice %reshape3A {offsets = [3072, 0], sizes = [512, 1], strides = [1, 1]} : vector<4096x1xf32> to vector<512x1xf32>
    %gt3A_401 = vector.broadcast %slice3A_400 : vector<512x1xf32> to vector<512x512xf32>
    %gt3A_402 = vector.broadcast %slice3A_338 : vector<1x512xf32> to vector<512x512xf32>
    %gt3A_403 = arith.cmpf ogt, %gt3A_401, %gt3A_402 : vector<512x512xf32>
    %convert_element_type3A_404 = arith.extui %gt3A_403 : vector<512x512xi1> to vector<512x512xi32>
    %reduce_sum3A_405 = arith.constant dense<0> : vector<512xi32>
    %reduce_sum3A_406 = vector.multi_reduction <add>, %convert_element_type3A_404, %reduce_sum3A_405 [0] : vector<512x512xi32> to vector<512xi32>
    %broadcast_in_dim3A_407 = vector.shape_cast %reduce_sum3A_406 : vector<512xi32> to vector<1x512xi32>
    %add3A_408 = arith.addi %add3A_399, %broadcast_in_dim3A_407 : vector<1x512xi32>
    %slice3A_409 = vector.extract_strided_slice %reshape3A {offsets = [3584, 0], sizes = [512, 1], strides = [1, 1]} : vector<4096x1xf32> to vector<512x1xf32>
    %gt3A_410 = vector.broadcast %slice3A_409 : vector<512x1xf32> to vector<512x512xf32>
    %gt3A_411 = vector.broadcast %slice3A_338 : vector<1x512xf32> to vector<512x512xf32>
    %gt3A_412 = arith.cmpf ogt, %gt3A_410, %gt3A_411 : vector<512x512xf32>
    %convert_element_type3A_413 = arith.extui %gt3A_412 : vector<512x512xi1> to vector<512x512xi32>
    %reduce_sum3A_414 = arith.constant dense<0> : vector<512xi32>
    %reduce_sum3A_415 = vector.multi_reduction <add>, %convert_element_type3A_413, %reduce_sum3A_414 [0] : vector<512x512xi32> to vector<512xi32>
    %broadcast_in_dim3A_416 = vector.shape_cast %reduce_sum3A_415 : vector<512xi32> to vector<1x512xi32>
    %add3A_417 = arith.addi %add3A_408, %broadcast_in_dim3A_416 : vector<1x512xi32>
    %swap3A_418 = arith.constant 0 : index
    %swap3A_419 = arith.constant 0 : index
    %swap3A_420 = arith.constant 2048 : index
    %swap3A_421 = vector.load %arg1[%swap3A_418, %swap3A_419, %swap3A_420] : memref<2x1x4096xi32, #tpu.memory_space<vmem>>, vector<1x1x512xi32>
    %swap3A_422 = vector.shape_cast %swap3A_421 : vector<1x1x512xi32> to vector<1x512xi32>
    %swap3A_423 = vector.shape_cast %add3A_417 : vector<1x512xi32> to vector<1x1x512xi32>
    tpu.vector_store %arg1[%swap3A_418, %swap3A_419, %swap3A_420], %swap3A_423 {strides = array<i32>} : memref<2x1x4096xi32, #tpu.memory_space<vmem>>, vector<1x1x512xi32>,
    %slice3A_424 = vector.extract_strided_slice %get3A_4 {offsets = [0, 2560], sizes = [1, 512], strides = [1, 1]} : vector<1x4096xf32> to vector<1x512xf32>
    %broadcast_in_dim3A_425 = arith.constant 0 : i32
    %broadcast_in_dim3A_426 = vector.broadcast %broadcast_in_dim3A_425 : i32 to vector<1x512xi32>
    %slice3A_427 = vector.extract_strided_slice %reshape3A {offsets = [0, 0], sizes = [512, 1], strides = [1, 1]} : vector<4096x1xf32> to vector<512x1xf32>
    %ge3A_428 = vector.broadcast %slice3A_427 : vector<512x1xf32> to vector<512x512xf32>
    %ge3A_429 = vector.broadcast %slice3A_424 : vector<1x512xf32> to vector<512x512xf32>
    %ge3A_430 = arith.cmpf oge, %ge3A_428, %ge3A_429 : vector<512x512xf32>
    %convert_element_type3A_431 = arith.extui %ge3A_430 : vector<512x512xi1> to vector<512x512xi32>
    %reduce_sum3A_432 = arith.constant dense<0> : vector<512xi32>
    %reduce_sum3A_433 = vector.multi_reduction <add>, %convert_element_type3A_431, %reduce_sum3A_432 [0] : vector<512x512xi32> to vector<512xi32>
    %broadcast_in_dim3A_434 = vector.shape_cast %reduce_sum3A_433 : vector<512xi32> to vector<1x512xi32>
    %add3A_435 = arith.addi %broadcast_in_dim3A_426, %broadcast_in_dim3A_434 : vector<1x512xi32>
    %slice3A_436 = vector.extract_strided_slice %reshape3A {offsets = [512, 0], sizes = [512, 1], strides = [1, 1]} : vector<4096x1xf32> to vector<512x1xf32>
    %ge3A_437 = vector.broadcast %slice3A_436 : vector<512x1xf32> to vector<512x512xf32>
    %ge3A_438 = vector.broadcast %slice3A_424 : vector<1x512xf32> to vector<512x512xf32>
    %ge3A_439 = arith.cmpf oge, %ge3A_437, %ge3A_438 : vector<512x512xf32>
    %convert_element_type3A_440 = arith.extui %ge3A_439 : vector<512x512xi1> to vector<512x512xi32>
    %reduce_sum3A_441 = arith.constant dense<0> : vector<512xi32>
    %reduce_sum3A_442 = vector.multi_reduction <add>, %convert_element_type3A_440, %reduce_sum3A_441 [0] : vector<512x512xi32> to vector<512xi32>
    %broadcast_in_dim3A_443 = vector.shape_cast %reduce_sum3A_442 : vector<512xi32> to vector<1x512xi32>
    %add3A_444 = arith.addi %add3A_435, %broadcast_in_dim3A_443 : vector<1x512xi32>
    %slice3A_445 = vector.extract_strided_slice %reshape3A {offsets = [1024, 0], sizes = [512, 1], strides = [1, 1]} : vector<4096x1xf32> to vector<512x1xf32>
    %ge3A_446 = vector.broadcast %slice3A_445 : vector<512x1xf32> to vector<512x512xf32>
    %ge3A_447 = vector.broadcast %slice3A_424 : vector<1x512xf32> to vector<512x512xf32>
    %ge3A_448 = arith.cmpf oge, %ge3A_446, %ge3A_447 : vector<512x512xf32>
    %convert_element_type3A_449 = arith.extui %ge3A_448 : vector<512x512xi1> to vector<512x512xi32>
    %reduce_sum3A_450 = arith.constant dense<0> : vector<512xi32>
    %reduce_sum3A_451 = vector.multi_reduction <add>, %convert_element_type3A_449, %reduce_sum3A_450 [0] : vector<512x512xi32> to vector<512xi32>
    %broadcast_in_dim3A_452 = vector.shape_cast %reduce_sum3A_451 : vector<512xi32> to vector<1x512xi32>
    %add3A_453 = arith.addi %add3A_444, %broadcast_in_dim3A_452 : vector<1x512xi32>
    %slice3A_454 = vector.extract_strided_slice %reshape3A {offsets = [1536, 0], sizes = [512, 1], strides = [1, 1]} : vector<4096x1xf32> to vector<512x1xf32>
    %ge3A_455 = vector.broadcast %slice3A_454 : vector<512x1xf32> to vector<512x512xf32>
    %ge3A_456 = vector.broadcast %slice3A_424 : vector<1x512xf32> to vector<512x512xf32>
    %ge3A_457 = arith.cmpf oge, %ge3A_455, %ge3A_456 : vector<512x512xf32>
    %convert_element_type3A_458 = arith.extui %ge3A_457 : vector<512x512xi1> to vector<512x512xi32>
    %reduce_sum3A_459 = arith.constant dense<0> : vector<512xi32>
    %reduce_sum3A_460 = vector.multi_reduction <add>, %convert_element_type3A_458, %reduce_sum3A_459 [0] : vector<512x512xi32> to vector<512xi32>
    %broadcast_in_dim3A_461 = vector.shape_cast %reduce_sum3A_460 : vector<512xi32> to vector<1x512xi32>
    %add3A_462 = arith.addi %add3A_453, %broadcast_in_dim3A_461 : vector<1x512xi32>
    %slice3A_463 = vector.extract_strided_slice %reshape3A {offsets = [2048, 0], sizes = [512, 1], strides = [1, 1]} : vector<4096x1xf32> to vector<512x1xf32>
    %ge3A_464 = vector.broadcast %slice3A_463 : vector<512x1xf32> to vector<512x512xf32>
    %ge3A_465 = vector.broadcast %slice3A_424 : vector<1x512xf32> to vector<512x512xf32>
    %ge3A_466 = arith.cmpf oge, %ge3A_464, %ge3A_465 : vector<512x512xf32>
    %convert_element_type3A_467 = arith.extui %ge3A_466 : vector<512x512xi1> to vector<512x512xi32>
    %reduce_sum3A_468 = arith.constant dense<0> : vector<512xi32>
    %reduce_sum3A_469 = vector.multi_reduction <add>, %convert_element_type3A_467, %reduce_sum3A_468 [0] : vector<512x512xi32> to vector<512xi32>
    %broadcast_in_dim3A_470 = vector.shape_cast %reduce_sum3A_469 : vector<512xi32> to vector<1x512xi32>
    %add3A_471 = arith.addi %add3A_462, %broadcast_in_dim3A_470 : vector<1x512xi32>
    %slice3A_472 = vector.extract_strided_slice %reshape3A {offsets = [2560, 0], sizes = [512, 1], strides = [1, 1]} : vector<4096x1xf32> to vector<512x1xf32>
    %gt3A_473 = vector.broadcast %slice3A_472 : vector<512x1xf32> to vector<512x512xf32>
    %gt3A_474 = vector.broadcast %slice3A_424 : vector<1x512xf32> to vector<512x512xf32>
    %gt3A_475 = arith.cmpf ogt, %gt3A_473, %gt3A_474 : vector<512x512xf32>
    %eq3A_476 = vector.broadcast %slice3A_472 : vector<512x1xf32> to vector<512x512xf32>
    %eq3A_477 = vector.broadcast %slice3A_424 : vector<1x512xf32> to vector<512x512xf32>
    %eq3A_478 = arith.cmpf oeq, %eq3A_476, %eq3A_477 : vector<512x512xf32>
    %and3A_479 = arith.andi %eq3A_478, %lt3A : vector<512x512xi1>
    %or3A_480 = arith.ori %gt3A_475, %and3A_479 : vector<512x512xi1>
    %convert_element_type3A_481 = arith.extui %or3A_480 : vector<512x512xi1> to vector<512x512xi32>
    %reduce_sum3A_482 = arith.constant dense<0> : vector<512xi32>
    %reduce_sum3A_483 = vector.multi_reduction <add>, %convert_element_type3A_481, %reduce_sum3A_482 [0] : vector<512x512xi32> to vector<512xi32>
    %broadcast_in_dim3A_484 = vector.shape_cast %reduce_sum3A_483 : vector<512xi32> to vector<1x512xi32>
    %add3A_485 = arith.addi %add3A_471, %broadcast_in_dim3A_484 : vector<1x512xi32>
    %slice3A_486 = vector.extract_strided_slice %reshape3A {offsets = [3072, 0], sizes = [512, 1], strides = [1, 1]} : vector<4096x1xf32> to vector<512x1xf32>
    %gt3A_487 = vector.broadcast %slice3A_486 : vector<512x1xf32> to vector<512x512xf32>
    %gt3A_488 = vector.broadcast %slice3A_424 : vector<1x512xf32> to vector<512x512xf32>
    %gt3A_489 = arith.cmpf ogt, %gt3A_487, %gt3A_488 : vector<512x512xf32>
    %convert_element_type3A_490 = arith.extui %gt3A_489 : vector<512x512xi1> to vector<512x512xi32>
    %reduce_sum3A_491 = arith.constant dense<0> : vector<512xi32>
    %reduce_sum3A_492 = vector.multi_reduction <add>, %convert_element_type3A_490, %reduce_sum3A_491 [0] : vector<512x512xi32> to vector<512xi32>
    %broadcast_in_dim3A_493 = vector.shape_cast %reduce_sum3A_492 : vector<512xi32> to vector<1x512xi32>
    %add3A_494 = arith.addi %add3A_485, %broadcast_in_dim3A_493 : vector<1x512xi32>
    %slice3A_495 = vector.extract_strided_slice %reshape3A {offsets = [3584, 0], sizes = [512, 1], strides = [1, 1]} : vector<4096x1xf32> to vector<512x1xf32>
    %gt3A_496 = vector.broadcast %slice3A_495 : vector<512x1xf32> to vector<512x512xf32>
    %gt3A_497 = vector.broadcast %slice3A_424 : vector<1x512xf32> to vector<512x512xf32>
    %gt3A_498 = arith.cmpf ogt, %gt3A_496, %gt3A_497 : vector<512x512xf32>
    %convert_element_type3A_499 = arith.extui %gt3A_498 : vector<512x512xi1> to vector<512x512xi32>
    %reduce_sum3A_500 = arith.constant dense<0> : vector<512xi32>
    %reduce_sum3A_501 = vector.multi_reduction <add>, %convert_element_type3A_499, %reduce_sum3A_500 [0] : vector<512x512xi32> to vector<512xi32>
    %broadcast_in_dim3A_502 = vector.shape_cast %reduce_sum3A_501 : vector<512xi32> to vector<1x512xi32>
    %add3A_503 = arith.addi %add3A_494, %broadcast_in_dim3A_502 : vector<1x512xi32>
    %swap3A_504 = arith.constant 0 : index
    %swap3A_505 = arith.constant 0 : index
    %swap3A_506 = arith.constant 2560 : index
    %swap3A_507 = vector.load %arg1[%swap3A_504, %swap3A_505, %swap3A_506] : memref<2x1x4096xi32, #tpu.memory_space<vmem>>, vector<1x1x512xi32>
    %swap3A_508 = vector.shape_cast %swap3A_507 : vector<1x1x512xi32> to vector<1x512xi32>
    %swap3A_509 = vector.shape_cast %add3A_503 : vector<1x512xi32> to vector<1x1x512xi32>
    tpu.vector_store %arg1[%swap3A_504, %swap3A_505, %swap3A_506], %swap3A_509 {strides = array<i32>} : memref<2x1x4096xi32, #tpu.memory_space<vmem>>, vector<1x1x512xi32>,
    %slice3A_510 = vector.extract_strided_slice %get3A_4 {offsets = [0, 3072], sizes = [1, 512], strides = [1, 1]} : vector<1x4096xf32> to vector<1x512xf32>
    %broadcast_in_dim3A_511 = arith.constant 0 : i32
    %broadcast_in_dim3A_512 = vector.broadcast %broadcast_in_dim3A_511 : i32 to vector<1x512xi32>
    %slice3A_513 = vector.extract_strided_slice %reshape3A {offsets = [0, 0], sizes = [512, 1], strides = [1, 1]} : vector<4096x1xf32> to vector<512x1xf32>
    %ge3A_514 = vector.broadcast %slice3A_513 : vector<512x1xf32> to vector<512x512xf32>
    %ge3A_515 = vector.broadcast %slice3A_510 : vector<1x512xf32> to vector<512x512xf32>
    %ge3A_516 = arith.cmpf oge, %ge3A_514, %ge3A_515 : vector<512x512xf32>
    %convert_element_type3A_517 = arith.extui %ge3A_516 : vector<512x512xi1> to vector<512x512xi32>
    %reduce_sum3A_518 = arith.constant dense<0> : vector<512xi32>
    %reduce_sum3A_519 = vector.multi_reduction <add>, %convert_element_type3A_517, %reduce_sum3A_518 [0] : vector<512x512xi32> to vector<512xi32>
    %broadcast_in_dim3A_520 = vector.shape_cast %reduce_sum3A_519 : vector<512xi32> to vector<1x512xi32>
    %add3A_521 = arith.addi %broadcast_in_dim3A_512, %broadcast_in_dim3A_520 : vector<1x512xi32>
    %slice3A_522 = vector.extract_strided_slice %reshape3A {offsets = [512, 0], sizes = [512, 1], strides = [1, 1]} : vector<4096x1xf32> to vector<512x1xf32>
    %ge3A_523 = vector.broadcast %slice3A_522 : vector<512x1xf32> to vector<512x512xf32>
    %ge3A_524 = vector.broadcast %slice3A_510 : vector<1x512xf32> to vector<512x512xf32>
    %ge3A_525 = arith.cmpf oge, %ge3A_523, %ge3A_524 : vector<512x512xf32>
    %convert_element_type3A_526 = arith.extui %ge3A_525 : vector<512x512xi1> to vector<512x512xi32>
    %reduce_sum3A_527 = arith.constant dense<0> : vector<512xi32>
    %reduce_sum3A_528 = vector.multi_reduction <add>, %convert_element_type3A_526, %reduce_sum3A_527 [0] : vector<512x512xi32> to vector<512xi32>
    %broadcast_in_dim3A_529 = vector.shape_cast %reduce_sum3A_528 : vector<512xi32> to vector<1x512xi32>
    %add3A_530 = arith.addi %add3A_521, %broadcast_in_dim3A_529 : vector<1x512xi32>
    %slice3A_531 = vector.extract_strided_slice %reshape3A {offsets = [1024, 0], sizes = [512, 1], strides = [1, 1]} : vector<4096x1xf32> to vector<512x1xf32>
    %ge3A_532 = vector.broadcast %slice3A_531 : vector<512x1xf32> to vector<512x512xf32>
    %ge3A_533 = vector.broadcast %slice3A_510 : vector<1x512xf32> to vector<512x512xf32>
    %ge3A_534 = arith.cmpf oge, %ge3A_532, %ge3A_533 : vector<512x512xf32>
    %convert_element_type3A_535 = arith.extui %ge3A_534 : vector<512x512xi1> to vector<512x512xi32>
    %reduce_sum3A_536 = arith.constant dense<0> : vector<512xi32>
    %reduce_sum3A_537 = vector.multi_reduction <add>, %convert_element_type3A_535, %reduce_sum3A_536 [0] : vector<512x512xi32> to vector<512xi32>
    %broadcast_in_dim3A_538 = vector.shape_cast %reduce_sum3A_537 : vector<512xi32> to vector<1x512xi32>
    %add3A_539 = arith.addi %add3A_530, %broadcast_in_dim3A_538 : vector<1x512xi32>
    %slice3A_540 = vector.extract_strided_slice %reshape3A {offsets = [1536, 0], sizes = [512, 1], strides = [1, 1]} : vector<4096x1xf32> to vector<512x1xf32>
    %ge3A_541 = vector.broadcast %slice3A_540 : vector<512x1xf32> to vector<512x512xf32>
    %ge3A_542 = vector.broadcast %slice3A_510 : vector<1x512xf32> to vector<512x512xf32>
    %ge3A_543 = arith.cmpf oge, %ge3A_541, %ge3A_542 : vector<512x512xf32>
    %convert_element_type3A_544 = arith.extui %ge3A_543 : vector<512x512xi1> to vector<512x512xi32>
    %reduce_sum3A_545 = arith.constant dense<0> : vector<512xi32>
    %reduce_sum3A_546 = vector.multi_reduction <add>, %convert_element_type3A_544, %reduce_sum3A_545 [0] : vector<512x512xi32> to vector<512xi32>
    %broadcast_in_dim3A_547 = vector.shape_cast %reduce_sum3A_546 : vector<512xi32> to vector<1x512xi32>
    %add3A_548 = arith.addi %add3A_539, %broadcast_in_dim3A_547 : vector<1x512xi32>
    %slice3A_549 = vector.extract_strided_slice %reshape3A {offsets = [2048, 0], sizes = [512, 1], strides = [1, 1]} : vector<4096x1xf32> to vector<512x1xf32>
    %ge3A_550 = vector.broadcast %slice3A_549 : vector<512x1xf32> to vector<512x512xf32>
    %ge3A_551 = vector.broadcast %slice3A_510 : vector<1x512xf32> to vector<512x512xf32>
    %ge3A_552 = arith.cmpf oge, %ge3A_550, %ge3A_551 : vector<512x512xf32>
    %convert_element_type3A_553 = arith.extui %ge3A_552 : vector<512x512xi1> to vector<512x512xi32>
    %reduce_sum3A_554 = arith.constant dense<0> : vector<512xi32>
    %reduce_sum3A_555 = vector.multi_reduction <add>, %convert_element_type3A_553, %reduce_sum3A_554 [0] : vector<512x512xi32> to vector<512xi32>
    %broadcast_in_dim3A_556 = vector.shape_cast %reduce_sum3A_555 : vector<512xi32> to vector<1x512xi32>
    %add3A_557 = arith.addi %add3A_548, %broadcast_in_dim3A_556 : vector<1x512xi32>
    %slice3A_558 = vector.extract_strided_slice %reshape3A {offsets = [2560, 0], sizes = [512, 1], strides = [1, 1]} : vector<4096x1xf32> to vector<512x1xf32>
    %ge3A_559 = vector.broadcast %slice3A_558 : vector<512x1xf32> to vector<512x512xf32>
    %ge3A_560 = vector.broadcast %slice3A_510 : vector<1x512xf32> to vector<512x512xf32>
    %ge3A_561 = arith.cmpf oge, %ge3A_559, %ge3A_560 : vector<512x512xf32>
    %convert_element_type3A_562 = arith.extui %ge3A_561 : vector<512x512xi1> to vector<512x512xi32>
    %reduce_sum3A_563 = arith.constant dense<0> : vector<512xi32>
    %reduce_sum3A_564 = vector.multi_reduction <add>, %convert_element_type3A_562, %reduce_sum3A_563 [0] : vector<512x512xi32> to vector<512xi32>
    %broadcast_in_dim3A_565 = vector.shape_cast %reduce_sum3A_564 : vector<512xi32> to vector<1x512xi32>
    %add3A_566 = arith.addi %add3A_557, %broadcast_in_dim3A_565 : vector<1x512xi32>
    %slice3A_567 = vector.extract_strided_slice %reshape3A {offsets = [3072, 0], sizes = [512, 1], strides = [1, 1]} : vector<4096x1xf32> to vector<512x1xf32>
    %gt3A_568 = vector.broadcast %slice3A_567 : vector<512x1xf32> to vector<512x512xf32>
    %gt3A_569 = vector.broadcast %slice3A_510 : vector<1x512xf32> to vector<512x512xf32>
    %gt3A_570 = arith.cmpf ogt, %gt3A_568, %gt3A_569 : vector<512x512xf32>
    %eq3A_571 = vector.broadcast %slice3A_567 : vector<512x1xf32> to vector<512x512xf32>
    %eq3A_572 = vector.broadcast %slice3A_510 : vector<1x512xf32> to vector<512x512xf32>
    %eq3A_573 = arith.cmpf oeq, %eq3A_571, %eq3A_572 : vector<512x512xf32>
    %and3A_574 = arith.andi %eq3A_573, %lt3A : vector<512x512xi1>
    %or3A_575 = arith.ori %gt3A_570, %and3A_574 : vector<512x512xi1>
    %convert_element_type3A_576 = arith.extui %or3A_575 : vector<512x512xi1> to vector<512x512xi32>
    %reduce_sum3A_577 = arith.constant dense<0> : vector<512xi32>
    %reduce_sum3A_578 = vector.multi_reduction <add>, %convert_element_type3A_576, %reduce_sum3A_577 [0] : vector<512x512xi32> to vector<512xi32>
    %broadcast_in_dim3A_579 = vector.shape_cast %reduce_sum3A_578 : vector<512xi32> to vector<1x512xi32>
    %add3A_580 = arith.addi %add3A_566, %broadcast_in_dim3A_579 : vector<1x512xi32>
    %slice3A_581 = vector.extract_strided_slice %reshape3A {offsets = [3584, 0], sizes = [512, 1], strides = [1, 1]} : vector<4096x1xf32> to vector<512x1xf32>
    %gt3A_582 = vector.broadcast %slice3A_581 : vector<512x1xf32> to vector<512x512xf32>
    %gt3A_583 = vector.broadcast %slice3A_510 : vector<1x512xf32> to vector<512x512xf32>
    %gt3A_584 = arith.cmpf ogt, %gt3A_582, %gt3A_583 : vector<512x512xf32>
    %convert_element_type3A_585 = arith.extui %gt3A_584 : vector<512x512xi1> to vector<512x512xi32>
    %reduce_sum3A_586 = arith.constant dense<0> : vector<512xi32>
    %reduce_sum3A_587 = vector.multi_reduction <add>, %convert_element_type3A_585, %reduce_sum3A_586 [0] : vector<512x512xi32> to vector<512xi32>
    %broadcast_in_dim3A_588 = vector.shape_cast %reduce_sum3A_587 : vector<512xi32> to vector<1x512xi32>
    %add3A_589 = arith.addi %add3A_580, %broadcast_in_dim3A_588 : vector<1x512xi32>
    %swap3A_590 = arith.constant 0 : index
    %swap3A_591 = arith.constant 0 : index
    %swap3A_592 = arith.constant 3072 : index
    %swap3A_593 = vector.load %arg1[%swap3A_590, %swap3A_591, %swap3A_592] : memref<2x1x4096xi32, #tpu.memory_space<vmem>>, vector<1x1x512xi32>
    %swap3A_594 = vector.shape_cast %swap3A_593 : vector<1x1x512xi32> to vector<1x512xi32>
    %swap3A_595 = vector.shape_cast %add3A_589 : vector<1x512xi32> to vector<1x1x512xi32>
    tpu.vector_store %arg1[%swap3A_590, %swap3A_591, %swap3A_592], %swap3A_595 {strides = array<i32>} : memref<2x1x4096xi32, #tpu.memory_space<vmem>>, vector<1x1x512xi32>,
    %slice3A_596 = vector.extract_strided_slice %get3A_4 {offsets = [0, 3584], sizes = [1, 512], strides = [1, 1]} : vector<1x4096xf32> to vector<1x512xf32>
    %broadcast_in_dim3A_597 = arith.constant 0 : i32
    %broadcast_in_dim3A_598 = vector.broadcast %broadcast_in_dim3A_597 : i32 to vector<1x512xi32>
    %slice3A_599 = vector.extract_strided_slice %reshape3A {offsets = [0, 0], sizes = [512, 1], strides = [1, 1]} : vector<4096x1xf32> to vector<512x1xf32>
    %ge3A_600 = vector.broadcast %slice3A_599 : vector<512x1xf32> to vector<512x512xf32>
    %ge3A_601 = vector.broadcast %slice3A_596 : vector<1x512xf32> to vector<512x512xf32>
    %ge3A_602 = arith.cmpf oge, %ge3A_600, %ge3A_601 : vector<512x512xf32>
    %convert_element_type3A_603 = arith.extui %ge3A_602 : vector<512x512xi1> to vector<512x512xi32>
    %reduce_sum3A_604 = arith.constant dense<0> : vector<512xi32>
    %reduce_sum3A_605 = vector.multi_reduction <add>, %convert_element_type3A_603, %reduce_sum3A_604 [0] : vector<512x512xi32> to vector<512xi32>
    %broadcast_in_dim3A_606 = vector.shape_cast %reduce_sum3A_605 : vector<512xi32> to vector<1x512xi32>
    %add3A_607 = arith.addi %broadcast_in_dim3A_598, %broadcast_in_dim3A_606 : vector<1x512xi32>
    %slice3A_608 = vector.extract_strided_slice %reshape3A {offsets = [512, 0], sizes = [512, 1], strides = [1, 1]} : vector<4096x1xf32> to vector<512x1xf32>
    %ge3A_609 = vector.broadcast %slice3A_608 : vector<512x1xf32> to vector<512x512xf32>
    %ge3A_610 = vector.broadcast %slice3A_596 : vector<1x512xf32> to vector<512x512xf32>
    %ge3A_611 = arith.cmpf oge, %ge3A_609, %ge3A_610 : vector<512x512xf32>
    %convert_element_type3A_612 = arith.extui %ge3A_611 : vector<512x512xi1> to vector<512x512xi32>
    %reduce_sum3A_613 = arith.constant dense<0> : vector<512xi32>
    %reduce_sum3A_614 = vector.multi_reduction <add>, %convert_element_type3A_612, %reduce_sum3A_613 [0] : vector<512x512xi32> to vector<512xi32>
    %broadcast_in_dim3A_615 = vector.shape_cast %reduce_sum3A_614 : vector<512xi32> to vector<1x512xi32>
    %add3A_616 = arith.addi %add3A_607, %broadcast_in_dim3A_615 : vector<1x512xi32>
    %slice3A_617 = vector.extract_strided_slice %reshape3A {offsets = [1024, 0], sizes = [512, 1], strides = [1, 1]} : vector<4096x1xf32> to vector<512x1xf32>
    %ge3A_618 = vector.broadcast %slice3A_617 : vector<512x1xf32> to vector<512x512xf32>
    %ge3A_619 = vector.broadcast %slice3A_596 : vector<1x512xf32> to vector<512x512xf32>
    %ge3A_620 = arith.cmpf oge, %ge3A_618, %ge3A_619 : vector<512x512xf32>
    %convert_element_type3A_621 = arith.extui %ge3A_620 : vector<512x512xi1> to vector<512x512xi32>
    %reduce_sum3A_622 = arith.constant dense<0> : vector<512xi32>
    %reduce_sum3A_623 = vector.multi_reduction <add>, %convert_element_type3A_621, %reduce_sum3A_622 [0] : vector<512x512xi32> to vector<512xi32>
    %broadcast_in_dim3A_624 = vector.shape_cast %reduce_sum3A_623 : vector<512xi32> to vector<1x512xi32>
    %add3A_625 = arith.addi %add3A_616, %broadcast_in_dim3A_624 : vector<1x512xi32>
    %slice3A_626 = vector.extract_strided_slice %reshape3A {offsets = [1536, 0], sizes = [512, 1], strides = [1, 1]} : vector<4096x1xf32> to vector<512x1xf32>
    %ge3A_627 = vector.broadcast %slice3A_626 : vector<512x1xf32> to vector<512x512xf32>
    %ge3A_628 = vector.broadcast %slice3A_596 : vector<1x512xf32> to vector<512x512xf32>
    %ge3A_629 = arith.cmpf oge, %ge3A_627, %ge3A_628 : vector<512x512xf32>
    %convert_element_type3A_630 = arith.extui %ge3A_629 : vector<512x512xi1> to vector<512x512xi32>
    %reduce_sum3A_631 = arith.constant dense<0> : vector<512xi32>
    %reduce_sum3A_632 = vector.multi_reduction <add>, %convert_element_type3A_630, %reduce_sum3A_631 [0] : vector<512x512xi32> to vector<512xi32>
    %broadcast_in_dim3A_633 = vector.shape_cast %reduce_sum3A_632 : vector<512xi32> to vector<1x512xi32>
    %add3A_634 = arith.addi %add3A_625, %broadcast_in_dim3A_633 : vector<1x512xi32>
    %slice3A_635 = vector.extract_strided_slice %reshape3A {offsets = [2048, 0], sizes = [512, 1], strides = [1, 1]} : vector<4096x1xf32> to vector<512x1xf32>
    %ge3A_636 = vector.broadcast %slice3A_635 : vector<512x1xf32> to vector<512x512xf32>
    %ge3A_637 = vector.broadcast %slice3A_596 : vector<1x512xf32> to vector<512x512xf32>
    %ge3A_638 = arith.cmpf oge, %ge3A_636, %ge3A_637 : vector<512x512xf32>
    %convert_element_type3A_639 = arith.extui %ge3A_638 : vector<512x512xi1> to vector<512x512xi32>
    %reduce_sum3A_640 = arith.constant dense<0> : vector<512xi32>
    %reduce_sum3A_641 = vector.multi_reduction <add>, %convert_element_type3A_639, %reduce_sum3A_640 [0] : vector<512x512xi32> to vector<512xi32>
    %broadcast_in_dim3A_642 = vector.shape_cast %reduce_sum3A_641 : vector<512xi32> to vector<1x512xi32>
    %add3A_643 = arith.addi %add3A_634, %broadcast_in_dim3A_642 : vector<1x512xi32>
    %slice3A_644 = vector.extract_strided_slice %reshape3A {offsets = [2560, 0], sizes = [512, 1], strides = [1, 1]} : vector<4096x1xf32> to vector<512x1xf32>
    %ge3A_645 = vector.broadcast %slice3A_644 : vector<512x1xf32> to vector<512x512xf32>
    %ge3A_646 = vector.broadcast %slice3A_596 : vector<1x512xf32> to vector<512x512xf32>
    %ge3A_647 = arith.cmpf oge, %ge3A_645, %ge3A_646 : vector<512x512xf32>
    %convert_element_type3A_648 = arith.extui %ge3A_647 : vector<512x512xi1> to vector<512x512xi32>
    %reduce_sum3A_649 = arith.constant dense<0> : vector<512xi32>
    %reduce_sum3A_650 = vector.multi_reduction <add>, %convert_element_type3A_648, %reduce_sum3A_649 [0] : vector<512x512xi32> to vector<512xi32>
    %broadcast_in_dim3A_651 = vector.shape_cast %reduce_sum3A_650 : vector<512xi32> to vector<1x512xi32>
    %add3A_652 = arith.addi %add3A_643, %broadcast_in_dim3A_651 : vector<1x512xi32>
    %slice3A_653 = vector.extract_strided_slice %reshape3A {offsets = [3072, 0], sizes = [512, 1], strides = [1, 1]} : vector<4096x1xf32> to vector<512x1xf32>
    %ge3A_654 = vector.broadcast %slice3A_653 : vector<512x1xf32> to vector<512x512xf32>
    %ge3A_655 = vector.broadcast %slice3A_596 : vector<1x512xf32> to vector<512x512xf32>
    %ge3A_656 = arith.cmpf oge, %ge3A_654, %ge3A_655 : vector<512x512xf32>
    %convert_element_type3A_657 = arith.extui %ge3A_656 : vector<512x512xi1> to vector<512x512xi32>
    %reduce_sum3A_658 = arith.constant dense<0> : vector<512xi32>
    %reduce_sum3A_659 = vector.multi_reduction <add>, %convert_element_type3A_657, %reduce_sum3A_658 [0] : vector<512x512xi32> to vector<512xi32>
    %broadcast_in_dim3A_660 = vector.shape_cast %reduce_sum3A_659 : vector<512xi32> to vector<1x512xi32>
    %add3A_661 = arith.addi %add3A_652, %broadcast_in_dim3A_660 : vector<1x512xi32>
    %slice3A_662 = vector.extract_strided_slice %reshape3A {offsets = [3584, 0], sizes = [512, 1], strides = [1, 1]} : vector<4096x1xf32> to vector<512x1xf32>
    %gt3A_663 = vector.broadcast %slice3A_662 : vector<512x1xf32> to vector<512x512xf32>
    %gt3A_664 = vector.broadcast %slice3A_596 : vector<1x512xf32> to vector<512x512xf32>
    %gt3A_665 = arith.cmpf ogt, %gt3A_663, %gt3A_664 : vector<512x512xf32>
    %eq3A_666 = vector.broadcast %slice3A_662 : vector<512x1xf32> to vector<512x512xf32>
    %eq3A_667 = vector.broadcast %slice3A_596 : vector<1x512xf32> to vector<512x512xf32>
    %eq3A_668 = arith.cmpf oeq, %eq3A_666, %eq3A_667 : vector<512x512xf32>
    %and3A_669 = arith.andi %eq3A_668, %lt3A : vector<512x512xi1>
    %or3A_670 = arith.ori %gt3A_665, %and3A_669 : vector<512x512xi1>
    %convert_element_type3A_671 = arith.extui %or3A_670 : vector<512x512xi1> to vector<512x512xi32>
    %reduce_sum3A_672 = arith.constant dense<0> : vector<512xi32>
    %reduce_sum3A_673 = vector.multi_reduction <add>, %convert_element_type3A_671, %reduce_sum3A_672 [0] : vector<512x512xi32> to vector<512xi32>
    %broadcast_in_dim3A_674 = vector.shape_cast %reduce_sum3A_673 : vector<512xi32> to vector<1x512xi32>
    %add3A_675 = arith.addi %add3A_661, %broadcast_in_dim3A_674 : vector<1x512xi32>
    %swap3A_676 = arith.constant 0 : index
    %swap3A_677 = arith.constant 0 : index
    %swap3A_678 = arith.constant 3584 : index
    %swap3A_679 = vector.load %arg1[%swap3A_676, %swap3A_677, %swap3A_678] : memref<2x1x4096xi32, #tpu.memory_space<vmem>>, vector<1x1x512xi32>
    %swap3A_680 = vector.shape_cast %swap3A_679 : vector<1x1x512xi32> to vector<1x512xi32>
    %swap3A_681 = vector.shape_cast %add3A_675 : vector<1x512xi32> to vector<1x1x512xi32>
    tpu.vector_store %arg1[%swap3A_676, %swap3A_677, %swap3A_678], %swap3A_681 {strides = array<i32>} : memref<2x1x4096xi32, #tpu.memory_space<vmem>>, vector<1x1x512xi32>,
    %get3A_682 = arith.constant 1 : index
    %get3A_683 = arith.constant 0 : index
    %get3A_684 = arith.constant 0 : index
    %get3A_685 = vector.load %arg0[%get3A_682, %get3A_683, %get3A_684] : memref<2x1x4096xf32, #tpu.memory_space<vmem>>, vector<1x1x4096xf32>
    %get3A_686 = vector.shape_cast %get3A_685 : vector<1x1x4096xf32> to vector<1x4096xf32>
    %reshape3A_687 = vector.shape_cast %get3A_686 : vector<1x4096xf32> to vector<4096x1xf32>
    %slice3A_688 = vector.extract_strided_slice %get3A_686 {offsets = [0, 0], sizes = [1, 512], strides = [1, 1]} : vector<1x4096xf32> to vector<1x512xf32>
    %broadcast_in_dim3A_689 = arith.constant 0 : i32
    %broadcast_in_dim3A_690 = vector.broadcast %broadcast_in_dim3A_689 : i32 to vector<1x512xi32>
    %slice3A_691 = vector.extract_strided_slice %reshape3A_687 {offsets = [0, 0], sizes = [512, 1], strides = [1, 1]} : vector<4096x1xf32> to vector<512x1xf32>
    %gt3A_692 = vector.broadcast %slice3A_691 : vector<512x1xf32> to vector<512x512xf32>
    %gt3A_693 = vector.broadcast %slice3A_688 : vector<1x512xf32> to vector<512x512xf32>
    %gt3A_694 = arith.cmpf ogt, %gt3A_692, %gt3A_693 : vector<512x512xf32>
    %eq3A_695 = vector.broadcast %slice3A_691 : vector<512x1xf32> to vector<512x512xf32>
    %eq3A_696 = vector.broadcast %slice3A_688 : vector<1x512xf32> to vector<512x512xf32>
    %eq3A_697 = arith.cmpf oeq, %eq3A_695, %eq3A_696 : vector<512x512xf32>
    %and3A_698 = arith.andi %eq3A_697, %lt3A : vector<512x512xi1>
    %or3A_699 = arith.ori %gt3A_694, %and3A_698 : vector<512x512xi1>
    %convert_element_type3A_700 = arith.extui %or3A_699 : vector<512x512xi1> to vector<512x512xi32>
    %reduce_sum3A_701 = arith.constant dense<0> : vector<512xi32>
    %reduce_sum3A_702 = vector.multi_reduction <add>, %convert_element_type3A_700, %reduce_sum3A_701 [0] : vector<512x512xi32> to vector<512xi32>
    %broadcast_in_dim3A_703 = vector.shape_cast %reduce_sum3A_702 : vector<512xi32> to vector<1x512xi32>
    %add3A_704 = arith.addi %broadcast_in_dim3A_690, %broadcast_in_dim3A_703 : vector<1x512xi32>
    %slice3A_705 = vector.extract_strided_slice %reshape3A_687 {offsets = [512, 0], sizes = [512, 1], strides = [1, 1]} : vector<4096x1xf32> to vector<512x1xf32>
    %gt3A_706 = vector.broadcast %slice3A_705 : vector<512x1xf32> to vector<512x512xf32>
    %gt3A_707 = vector.broadcast %slice3A_688 : vector<1x512xf32> to vector<512x512xf32>
    %gt3A_708 = arith.cmpf ogt, %gt3A_706, %gt3A_707 : vector<512x512xf32>
    %convert_element_type3A_709 = arith.extui %gt3A_708 : vector<512x512xi1> to vector<512x512xi32>
    %reduce_sum3A_710 = arith.constant dense<0> : vector<512xi32>
    %reduce_sum3A_711 = vector.multi_reduction <add>, %convert_element_type3A_709, %reduce_sum3A_710 [0] : vector<512x512xi32> to vector<512xi32>
    %broadcast_in_dim3A_712 = vector.shape_cast %reduce_sum3A_711 : vector<512xi32> to vector<1x512xi32>
    %add3A_713 = arith.addi %add3A_704, %broadcast_in_dim3A_712 : vector<1x512xi32>
    %slice3A_714 = vector.extract_strided_slice %reshape3A_687 {offsets = [1024, 0], sizes = [512, 1], strides = [1, 1]} : vector<4096x1xf32> to vector<512x1xf32>
    %gt3A_715 = vector.broadcast %slice3A_714 : vector<512x1xf32> to vector<512x512xf32>
    %gt3A_716 = vector.broadcast %slice3A_688 : vector<1x512xf32> to vector<512x512xf32>
    %gt3A_717 = arith.cmpf ogt, %gt3A_715, %gt3A_716 : vector<512x512xf32>
    %convert_element_type3A_718 = arith.extui %gt3A_717 : vector<512x512xi1> to vector<512x512xi32>
    %reduce_sum3A_719 = arith.constant dense<0> : vector<512xi32>
    %reduce_sum3A_720 = vector.multi_reduction <add>, %convert_element_type3A_718, %reduce_sum3A_719 [0] : vector<512x512xi32> to vector<512xi32>
    %broadcast_in_dim3A_721 = vector.shape_cast %reduce_sum3A_720 : vector<512xi32> to vector<1x512xi32>
    %add3A_722 = arith.addi %add3A_713, %broadcast_in_dim3A_721 : vector<1x512xi32>
    %slice3A_723 = vector.extract_strided_slice %reshape3A_687 {offsets = [1536, 0], sizes = [512, 1], strides = [1, 1]} : vector<4096x1xf32> to vector<512x1xf32>
    %gt3A_724 = vector.broadcast %slice3A_723 : vector<512x1xf32> to vector<512x512xf32>
    %gt3A_725 = vector.broadcast %slice3A_688 : vector<1x512xf32> to vector<512x512xf32>
    %gt3A_726 = arith.cmpf ogt, %gt3A_724, %gt3A_725 : vector<512x512xf32>
    %convert_element_type3A_727 = arith.extui %gt3A_726 : vector<512x512xi1> to vector<512x512xi32>
    %reduce_sum3A_728 = arith.constant dense<0> : vector<512xi32>
    %reduce_sum3A_729 = vector.multi_reduction <add>, %convert_element_type3A_727, %reduce_sum3A_728 [0] : vector<512x512xi32> to vector<512xi32>
    %broadcast_in_dim3A_730 = vector.shape_cast %reduce_sum3A_729 : vector<512xi32> to vector<1x512xi32>
    %add3A_731 = arith.addi %add3A_722, %broadcast_in_dim3A_730 : vector<1x512xi32>
    %slice3A_732 = vector.extract_strided_slice %reshape3A_687 {offsets = [2048, 0], sizes = [512, 1], strides = [1, 1]} : vector<4096x1xf32> to vector<512x1xf32>
    %gt3A_733 = vector.broadcast %slice3A_732 : vector<512x1xf32> to vector<512x512xf32>
    %gt3A_734 = vector.broadcast %slice3A_688 : vector<1x512xf32> to vector<512x512xf32>
    %gt3A_735 = arith.cmpf ogt, %gt3A_733, %gt3A_734 : vector<512x512xf32>
    %convert_element_type3A_736 = arith.extui %gt3A_735 : vector<512x512xi1> to vector<512x512xi32>
    %reduce_sum3A_737 = arith.constant dense<0> : vector<512xi32>
    %reduce_sum3A_738 = vector.multi_reduction <add>, %convert_element_type3A_736, %reduce_sum3A_737 [0] : vector<512x512xi32> to vector<512xi32>
    %broadcast_in_dim3A_739 = vector.shape_cast %reduce_sum3A_738 : vector<512xi32> to vector<1x512xi32>
    %add3A_740 = arith.addi %add3A_731, %broadcast_in_dim3A_739 : vector<1x512xi32>
    %slice3A_741 = vector.extract_strided_slice %reshape3A_687 {offsets = [2560, 0], sizes = [512, 1], strides = [1, 1]} : vector<4096x1xf32> to vector<512x1xf32>
    %gt3A_742 = vector.broadcast %slice3A_741 : vector<512x1xf32> to vector<512x512xf32>
    %gt3A_743 = vector.broadcast %slice3A_688 : vector<1x512xf32> to vector<512x512xf32>
    %gt3A_744 = arith.cmpf ogt, %gt3A_742, %gt3A_743 : vector<512x512xf32>
    %convert_element_type3A_745 = arith.extui %gt3A_744 : vector<512x512xi1> to vector<512x512xi32>
    %reduce_sum3A_746 = arith.constant dense<0> : vector<512xi32>
    %reduce_sum3A_747 = vector.multi_reduction <add>, %convert_element_type3A_745, %reduce_sum3A_746 [0] : vector<512x512xi32> to vector<512xi32>
    %broadcast_in_dim3A_748 = vector.shape_cast %reduce_sum3A_747 : vector<512xi32> to vector<1x512xi32>
    %add3A_749 = arith.addi %add3A_740, %broadcast_in_dim3A_748 : vector<1x512xi32>
    %slice3A_750 = vector.extract_strided_slice %reshape3A_687 {offsets = [3072, 0], sizes = [512, 1], strides = [1, 1]} : vector<4096x1xf32> to vector<512x1xf32>
    %gt3A_751 = vector.broadcast %slice3A_750 : vector<512x1xf32> to vector<512x512xf32>
    %gt3A_752 = vector.broadcast %slice3A_688 : vector<1x512xf32> to vector<512x512xf32>
    %gt3A_753 = arith.cmpf ogt, %gt3A_751, %gt3A_752 : vector<512x512xf32>
    %convert_element_type3A_754 = arith.extui %gt3A_753 : vector<512x512xi1> to vector<512x512xi32>
    %reduce_sum3A_755 = arith.constant dense<0> : vector<512xi32>
    %reduce_sum3A_756 = vector.multi_reduction <add>, %convert_element_type3A_754, %reduce_sum3A_755 [0] : vector<512x512xi32> to vector<512xi32>
    %broadcast_in_dim3A_757 = vector.shape_cast %reduce_sum3A_756 : vector<512xi32> to vector<1x512xi32>
    %add3A_758 = arith.addi %add3A_749, %broadcast_in_dim3A_757 : vector<1x512xi32>
    %slice3A_759 = vector.extract_strided_slice %reshape3A_687 {offsets = [3584, 0], sizes = [512, 1], strides = [1, 1]} : vector<4096x1xf32> to vector<512x1xf32>
    %gt3A_760 = vector.broadcast %slice3A_759 : vector<512x1xf32> to vector<512x512xf32>
    %gt3A_761 = vector.broadcast %slice3A_688 : vector<1x512xf32> to vector<512x512xf32>
    %gt3A_762 = arith.cmpf ogt, %gt3A_760, %gt3A_761 : vector<512x512xf32>
    %convert_element_type3A_763 = arith.extui %gt3A_762 : vector<512x512xi1> to vector<512x512xi32>
    %reduce_sum3A_764 = arith.constant dense<0> : vector<512xi32>
    %reduce_sum3A_765 = vector.multi_reduction <add>, %convert_element_type3A_763, %reduce_sum3A_764 [0] : vector<512x512xi32> to vector<512xi32>
    %broadcast_in_dim3A_766 = vector.shape_cast %reduce_sum3A_765 : vector<512xi32> to vector<1x512xi32>
    %add3A_767 = arith.addi %add3A_758, %broadcast_in_dim3A_766 : vector<1x512xi32>
    %swap3A_768 = arith.constant 1 : index
    %swap3A_769 = arith.constant 0 : index
    %swap3A_770 = arith.constant 0 : index
    %swap3A_771 = vector.load %arg1[%swap3A_768, %swap3A_769, %swap3A_770] : memref<2x1x4096xi32, #tpu.memory_space<vmem>>, vector<1x1x512xi32>
    %swap3A_772 = vector.shape_cast %swap3A_771 : vector<1x1x512xi32> to vector<1x512xi32>
    %swap3A_773 = vector.shape_cast %add3A_767 : vector<1x512xi32> to vector<1x1x512xi32>
    tpu.vector_store %arg1[%swap3A_768, %swap3A_769, %swap3A_770], %swap3A_773 {strides = array<i32>} : memref<2x1x4096xi32, #tpu.memory_space<vmem>>, vector<1x1x512xi32>,
    %slice3A_774 = vector.extract_strided_slice %get3A_686 {offsets = [0, 512], sizes = [1, 512], strides = [1, 1]} : vector<1x4096xf32> to vector<1x512xf32>
    %broadcast_in_dim3A_775 = arith.constant 0 : i32
    %broadcast_in_dim3A_776 = vector.broadcast %broadcast_in_dim3A_775 : i32 to vector<1x512xi32>
    %slice3A_777 = vector.extract_strided_slice %reshape3A_687 {offsets = [0, 0], sizes = [512, 1], strides = [1, 1]} : vector<4096x1xf32> to vector<512x1xf32>
    %ge3A_778 = vector.broadcast %slice3A_777 : vector<512x1xf32> to vector<512x512xf32>
    %ge3A_779 = vector.broadcast %slice3A_774 : vector<1x512xf32> to vector<512x512xf32>
    %ge3A_780 = arith.cmpf oge, %ge3A_778, %ge3A_779 : vector<512x512xf32>
    %convert_element_type3A_781 = arith.extui %ge3A_780 : vector<512x512xi1> to vector<512x512xi32>
    %reduce_sum3A_782 = arith.constant dense<0> : vector<512xi32>
    %reduce_sum3A_783 = vector.multi_reduction <add>, %convert_element_type3A_781, %reduce_sum3A_782 [0] : vector<512x512xi32> to vector<512xi32>
    %broadcast_in_dim3A_784 = vector.shape_cast %reduce_sum3A_783 : vector<512xi32> to vector<1x512xi32>
    %add3A_785 = arith.addi %broadcast_in_dim3A_776, %broadcast_in_dim3A_784 : vector<1x512xi32>
    %slice3A_786 = vector.extract_strided_slice %reshape3A_687 {offsets = [512, 0], sizes = [512, 1], strides = [1, 1]} : vector<4096x1xf32> to vector<512x1xf32>
    %gt3A_787 = vector.broadcast %slice3A_786 : vector<512x1xf32> to vector<512x512xf32>
    %gt3A_788 = vector.broadcast %slice3A_774 : vector<1x512xf32> to vector<512x512xf32>
    %gt3A_789 = arith.cmpf ogt, %gt3A_787, %gt3A_788 : vector<512x512xf32>
    %eq3A_790 = vector.broadcast %slice3A_786 : vector<512x1xf32> to vector<512x512xf32>
    %eq3A_791 = vector.broadcast %slice3A_774 : vector<1x512xf32> to vector<512x512xf32>
    %eq3A_792 = arith.cmpf oeq, %eq3A_790, %eq3A_791 : vector<512x512xf32>
    %and3A_793 = arith.andi %eq3A_792, %lt3A : vector<512x512xi1>
    %or3A_794 = arith.ori %gt3A_789, %and3A_793 : vector<512x512xi1>
    %convert_element_type3A_795 = arith.extui %or3A_794 : vector<512x512xi1> to vector<512x512xi32>
    %reduce_sum3A_796 = arith.constant dense<0> : vector<512xi32>
    %reduce_sum3A_797 = vector.multi_reduction <add>, %convert_element_type3A_795, %reduce_sum3A_796 [0] : vector<512x512xi32> to vector<512xi32>
    %broadcast_in_dim3A_798 = vector.shape_cast %reduce_sum3A_797 : vector<512xi32> to vector<1x512xi32>
    %add3A_799 = arith.addi %add3A_785, %broadcast_in_dim3A_798 : vector<1x512xi32>
    %slice3A_800 = vector.extract_strided_slice %reshape3A_687 {offsets = [1024, 0], sizes = [512, 1], strides = [1, 1]} : vector<4096x1xf32> to vector<512x1xf32>
    %gt3A_801 = vector.broadcast %slice3A_800 : vector<512x1xf32> to vector<512x512xf32>
    %gt3A_802 = vector.broadcast %slice3A_774 : vector<1x512xf32> to vector<512x512xf32>
    %gt3A_803 = arith.cmpf ogt, %gt3A_801, %gt3A_802 : vector<512x512xf32>
    %convert_element_type3A_804 = arith.extui %gt3A_803 : vector<512x512xi1> to vector<512x512xi32>
    %reduce_sum3A_805 = arith.constant dense<0> : vector<512xi32>
    %reduce_sum3A_806 = vector.multi_reduction <add>, %convert_element_type3A_804, %reduce_sum3A_805 [0] : vector<512x512xi32> to vector<512xi32>
    %broadcast_in_dim3A_807 = vector.shape_cast %reduce_sum3A_806 : vector<512xi32> to vector<1x512xi32>
    %add3A_808 = arith.addi %add3A_799, %broadcast_in_dim3A_807 : vector<1x512xi32>
    %slice3A_809 = vector.extract_strided_slice %reshape3A_687 {offsets = [1536, 0], sizes = [512, 1], strides = [1, 1]} : vector<4096x1xf32> to vector<512x1xf32>
    %gt3A_810 = vector.broadcast %slice3A_809 : vector<512x1xf32> to vector<512x512xf32>
    %gt3A_811 = vector.broadcast %slice3A_774 : vector<1x512xf32> to vector<512x512xf32>
    %gt3A_812 = arith.cmpf ogt, %gt3A_810, %gt3A_811 : vector<512x512xf32>
    %convert_element_type3A_813 = arith.extui %gt3A_812 : vector<512x512xi1> to vector<512x512xi32>
    %reduce_sum3A_814 = arith.constant dense<0> : vector<512xi32>
    %reduce_sum3A_815 = vector.multi_reduction <add>, %convert_element_type3A_813, %reduce_sum3A_814 [0] : vector<512x512xi32> to vector<512xi32>
    %broadcast_in_dim3A_816 = vector.shape_cast %reduce_sum3A_815 : vector<512xi32> to vector<1x512xi32>
    %add3A_817 = arith.addi %add3A_808, %broadcast_in_dim3A_816 : vector<1x512xi32>
    %slice3A_818 = vector.extract_strided_slice %reshape3A_687 {offsets = [2048, 0], sizes = [512, 1], strides = [1, 1]} : vector<4096x1xf32> to vector<512x1xf32>
    %gt3A_819 = vector.broadcast %slice3A_818 : vector<512x1xf32> to vector<512x512xf32>
    %gt3A_820 = vector.broadcast %slice3A_774 : vector<1x512xf32> to vector<512x512xf32>
    %gt3A_821 = arith.cmpf ogt, %gt3A_819, %gt3A_820 : vector<512x512xf32>
    %convert_element_type3A_822 = arith.extui %gt3A_821 : vector<512x512xi1> to vector<512x512xi32>
    %reduce_sum3A_823 = arith.constant dense<0> : vector<512xi32>
    %reduce_sum3A_824 = vector.multi_reduction <add>, %convert_element_type3A_822, %reduce_sum3A_823 [0] : vector<512x512xi32> to vector<512xi32>
    %broadcast_in_dim3A_825 = vector.shape_cast %reduce_sum3A_824 : vector<512xi32> to vector<1x512xi32>
    %add3A_826 = arith.addi %add3A_817, %broadcast_in_dim3A_825 : vector<1x512xi32>
    %slice3A_827 = vector.extract_strided_slice %reshape3A_687 {offsets = [2560, 0], sizes = [512, 1], strides = [1, 1]} : vector<4096x1xf32> to vector<512x1xf32>
    %gt3A_828 = vector.broadcast %slice3A_827 : vector<512x1xf32> to vector<512x512xf32>
    %gt3A_829 = vector.broadcast %slice3A_774 : vector<1x512xf32> to vector<512x512xf32>
    %gt3A_830 = arith.cmpf ogt, %gt3A_828, %gt3A_829 : vector<512x512xf32>
    %convert_element_type3A_831 = arith.extui %gt3A_830 : vector<512x512xi1> to vector<512x512xi32>
    %reduce_sum3A_832 = arith.constant dense<0> : vector<512xi32>
    %reduce_sum3A_833 = vector.multi_reduction <add>, %convert_element_type3A_831, %reduce_sum3A_832 [0] : vector<512x512xi32> to vector<512xi32>
    %broadcast_in_dim3A_834 = vector.shape_cast %reduce_sum3A_833 : vector<512xi32> to vector<1x512xi32>
    %add3A_835 = arith.addi %add3A_826, %broadcast_in_dim3A_834 : vector<1x512xi32>
    %slice3A_836 = vector.extract_strided_slice %reshape3A_687 {offsets = [3072, 0], sizes = [512, 1], strides = [1, 1]} : vector<4096x1xf32> to vector<512x1xf32>
    %gt3A_837 = vector.broadcast %slice3A_836 : vector<512x1xf32> to vector<512x512xf32>
    %gt3A_838 = vector.broadcast %slice3A_774 : vector<1x512xf32> to vector<512x512xf32>
    %gt3A_839 = arith.cmpf ogt, %gt3A_837, %gt3A_838 : vector<512x512xf32>
    %convert_element_type3A_840 = arith.extui %gt3A_839 : vector<512x512xi1> to vector<512x512xi32>
    %reduce_sum3A_841 = arith.constant dense<0> : vector<512xi32>
    %reduce_sum3A_842 = vector.multi_reduction <add>, %convert_element_type3A_840, %reduce_sum3A_841 [0] : vector<512x512xi32> to vector<512xi32>
    %broadcast_in_dim3A_843 = vector.shape_cast %reduce_sum3A_842 : vector<512xi32> to vector<1x512xi32>
    %add3A_844 = arith.addi %add3A_835, %broadcast_in_dim3A_843 : vector<1x512xi32>
    %slice3A_845 = vector.extract_strided_slice %reshape3A_687 {offsets = [3584, 0], sizes = [512, 1], strides = [1, 1]} : vector<4096x1xf32> to vector<512x1xf32>
    %gt3A_846 = vector.broadcast %slice3A_845 : vector<512x1xf32> to vector<512x512xf32>
    %gt3A_847 = vector.broadcast %slice3A_774 : vector<1x512xf32> to vector<512x512xf32>
    %gt3A_848 = arith.cmpf ogt, %gt3A_846, %gt3A_847 : vector<512x512xf32>
    %convert_element_type3A_849 = arith.extui %gt3A_848 : vector<512x512xi1> to vector<512x512xi32>
    %reduce_sum3A_850 = arith.constant dense<0> : vector<512xi32>
    %reduce_sum3A_851 = vector.multi_reduction <add>, %convert_element_type3A_849, %reduce_sum3A_850 [0] : vector<512x512xi32> to vector<512xi32>
    %broadcast_in_dim3A_852 = vector.shape_cast %reduce_sum3A_851 : vector<512xi32> to vector<1x512xi32>
    %add3A_853 = arith.addi %add3A_844, %broadcast_in_dim3A_852 : vector<1x512xi32>
    %swap3A_854 = arith.constant 1 : index
    %swap3A_855 = arith.constant 0 : index
    %swap3A_856 = arith.constant 512 : index
    %swap3A_857 = vector.load %arg1[%swap3A_854, %swap3A_855, %swap3A_856] : memref<2x1x4096xi32, #tpu.memory_space<vmem>>, vector<1x1x512xi32>
    %swap3A_858 = vector.shape_cast %swap3A_857 : vector<1x1x512xi32> to vector<1x512xi32>
    %swap3A_859 = vector.shape_cast %add3A_853 : vector<1x512xi32> to vector<1x1x512xi32>
    tpu.vector_store %arg1[%swap3A_854, %swap3A_855, %swap3A_856], %swap3A_859 {strides = array<i32>} : memref<2x1x4096xi32, #tpu.memory_space<vmem>>, vector<1x1x512xi32>,
    %slice3A_860 = vector.extract_strided_slice %get3A_686 {offsets = [0, 1024], sizes = [1, 512], strides = [1, 1]} : vector<1x4096xf32> to vector<1x512xf32>
    %broadcast_in_dim3A_861 = arith.constant 0 : i32
    %broadcast_in_dim3A_862 = vector.broadcast %broadcast_in_dim3A_861 : i32 to vector<1x512xi32>
    %slice3A_863 = vector.extract_strided_slice %reshape3A_687 {offsets = [0, 0], sizes = [512, 1], strides = [1, 1]} : vector<4096x1xf32> to vector<512x1xf32>
    %ge3A_864 = vector.broadcast %slice3A_863 : vector<512x1xf32> to vector<512x512xf32>
    %ge3A_865 = vector.broadcast %slice3A_860 : vector<1x512xf32> to vector<512x512xf32>
    %ge3A_866 = arith.cmpf oge, %ge3A_864, %ge3A_865 : vector<512x512xf32>
    %convert_element_type3A_867 = arith.extui %ge3A_866 : vector<512x512xi1> to vector<512x512xi32>
    %reduce_sum3A_868 = arith.constant dense<0> : vector<512xi32>
    %reduce_sum3A_869 = vector.multi_reduction <add>, %convert_element_type3A_867, %reduce_sum3A_868 [0] : vector<512x512xi32> to vector<512xi32>
    %broadcast_in_dim3A_870 = vector.shape_cast %reduce_sum3A_869 : vector<512xi32> to vector<1x512xi32>
    %add3A_871 = arith.addi %broadcast_in_dim3A_862, %broadcast_in_dim3A_870 : vector<1x512xi32>
    %slice3A_872 = vector.extract_strided_slice %reshape3A_687 {offsets = [512, 0], sizes = [512, 1], strides = [1, 1]} : vector<4096x1xf32> to vector<512x1xf32>
    %ge3A_873 = vector.broadcast %slice3A_872 : vector<512x1xf32> to vector<512x512xf32>
    %ge3A_874 = vector.broadcast %slice3A_860 : vector<1x512xf32> to vector<512x512xf32>
    %ge3A_875 = arith.cmpf oge, %ge3A_873, %ge3A_874 : vector<512x512xf32>
    %convert_element_type3A_876 = arith.extui %ge3A_875 : vector<512x512xi1> to vector<512x512xi32>
    %reduce_sum3A_877 = arith.constant dense<0> : vector<512xi32>
    %reduce_sum3A_878 = vector.multi_reduction <add>, %convert_element_type3A_876, %reduce_sum3A_877 [0] : vector<512x512xi32> to vector<512xi32>
    %broadcast_in_dim3A_879 = vector.shape_cast %reduce_sum3A_878 : vector<512xi32> to vector<1x512xi32>
    %add3A_880 = arith.addi %add3A_871, %broadcast_in_dim3A_879 : vector<1x512xi32>
    %slice3A_881 = vector.extract_strided_slice %reshape3A_687 {offsets = [1024, 0], sizes = [512, 1], strides = [1, 1]} : vector<4096x1xf32> to vector<512x1xf32>
    %gt3A_882 = vector.broadcast %slice3A_881 : vector<512x1xf32> to vector<512x512xf32>
    %gt3A_883 = vector.broadcast %slice3A_860 : vector<1x512xf32> to vector<512x512xf32>
    %gt3A_884 = arith.cmpf ogt, %gt3A_882, %gt3A_883 : vector<512x512xf32>
    %eq3A_885 = vector.broadcast %slice3A_881 : vector<512x1xf32> to vector<512x512xf32>
    %eq3A_886 = vector.broadcast %slice3A_860 : vector<1x512xf32> to vector<512x512xf32>
    %eq3A_887 = arith.cmpf oeq, %eq3A_885, %eq3A_886 : vector<512x512xf32>
    %and3A_888 = arith.andi %eq3A_887, %lt3A : vector<512x512xi1>
    %or3A_889 = arith.ori %gt3A_884, %and3A_888 : vector<512x512xi1>
    %convert_element_type3A_890 = arith.extui %or3A_889 : vector<512x512xi1> to vector<512x512xi32>
    %reduce_sum3A_891 = arith.constant dense<0> : vector<512xi32>
    %reduce_sum3A_892 = vector.multi_reduction <add>, %convert_element_type3A_890, %reduce_sum3A_891 [0] : vector<512x512xi32> to vector<512xi32>
    %broadcast_in_dim3A_893 = vector.shape_cast %reduce_sum3A_892 : vector<512xi32> to vector<1x512xi32>
    %add3A_894 = arith.addi %add3A_880, %broadcast_in_dim3A_893 : vector<1x512xi32>
    %slice3A_895 = vector.extract_strided_slice %reshape3A_687 {offsets = [1536, 0], sizes = [512, 1], strides = [1, 1]} : vector<4096x1xf32> to vector<512x1xf32>
    %gt3A_896 = vector.broadcast %slice3A_895 : vector<512x1xf32> to vector<512x512xf32>
    %gt3A_897 = vector.broadcast %slice3A_860 : vector<1x512xf32> to vector<512x512xf32>
    %gt3A_898 = arith.cmpf ogt, %gt3A_896, %gt3A_897 : vector<512x512xf32>
    %convert_element_type3A_899 = arith.extui %gt3A_898 : vector<512x512xi1> to vector<512x512xi32>
    %reduce_sum3A_900 = arith.constant dense<0> : vector<512xi32>
    %reduce_sum3A_901 = vector.multi_reduction <add>, %convert_element_type3A_899, %reduce_sum3A_900 [0] : vector<512x512xi32> to vector<512xi32>
    %broadcast_in_dim3A_902 = vector.shape_cast %reduce_sum3A_901 : vector<512xi32> to vector<1x512xi32>
    %add3A_903 = arith.addi %add3A_894, %broadcast_in_dim3A_902 : vector<1x512xi32>
    %slice3A_904 = vector.extract_strided_slice %reshape3A_687 {offsets = [2048, 0], sizes = [512, 1], strides = [1, 1]} : vector<4096x1xf32> to vector<512x1xf32>
    %gt3A_905 = vector.broadcast %slice3A_904 : vector<512x1xf32> to vector<512x512xf32>
    %gt3A_906 = vector.broadcast %slice3A_860 : vector<1x512xf32> to vector<512x512xf32>
    %gt3A_907 = arith.cmpf ogt, %gt3A_905, %gt3A_906 : vector<512x512xf32>
    %convert_element_type3A_908 = arith.extui %gt3A_907 : vector<512x512xi1> to vector<512x512xi32>
    %reduce_sum3A_909 = arith.constant dense<0> : vector<512xi32>
    %reduce_sum3A_910 = vector.multi_reduction <add>, %convert_element_type3A_908, %reduce_sum3A_909 [0] : vector<512x512xi32> to vector<512xi32>
    %broadcast_in_dim3A_911 = vector.shape_cast %reduce_sum3A_910 : vector<512xi32> to vector<1x512xi32>
    %add3A_912 = arith.addi %add3A_903, %broadcast_in_dim3A_911 : vector<1x512xi32>
    %slice3A_913 = vector.extract_strided_slice %reshape3A_687 {offsets = [2560, 0], sizes = [512, 1], strides = [1, 1]} : vector<4096x1xf32> to vector<512x1xf32>
    %gt3A_914 = vector.broadcast %slice3A_913 : vector<512x1xf32> to vector<512x512xf32>
    %gt3A_915 = vector.broadcast %slice3A_860 : vector<1x512xf32> to vector<512x512xf32>
    %gt3A_916 = arith.cmpf ogt, %gt3A_914, %gt3A_915 : vector<512x512xf32>
    %convert_element_type3A_917 = arith.extui %gt3A_916 : vector<512x512xi1> to vector<512x512xi32>
    %reduce_sum3A_918 = arith.constant dense<0> : vector<512xi32>
    %reduce_sum3A_919 = vector.multi_reduction <add>, %convert_element_type3A_917, %reduce_sum3A_918 [0] : vector<512x512xi32> to vector<512xi32>
    %broadcast_in_dim3A_920 = vector.shape_cast %reduce_sum3A_919 : vector<512xi32> to vector<1x512xi32>
    %add3A_921 = arith.addi %add3A_912, %broadcast_in_dim3A_920 : vector<1x512xi32>
    %slice3A_922 = vector.extract_strided_slice %reshape3A_687 {offsets = [3072, 0], sizes = [512, 1], strides = [1, 1]} : vector<4096x1xf32> to vector<512x1xf32>
    %gt3A_923 = vector.broadcast %slice3A_922 : vector<512x1xf32> to vector<512x512xf32>
    %gt3A_924 = vector.broadcast %slice3A_860 : vector<1x512xf32> to vector<512x512xf32>
    %gt3A_925 = arith.cmpf ogt, %gt3A_923, %gt3A_924 : vector<512x512xf32>
    %convert_element_type3A_926 = arith.extui %gt3A_925 : vector<512x512xi1> to vector<512x512xi32>
    %reduce_sum3A_927 = arith.constant dense<0> : vector<512xi32>
    %reduce_sum3A_928 = vector.multi_reduction <add>, %convert_element_type3A_926, %reduce_sum3A_927 [0] : vector<512x512xi32> to vector<512xi32>
    %broadcast_in_dim3A_929 = vector.shape_cast %reduce_sum3A_928 : vector<512xi32> to vector<1x512xi32>
    %add3A_930 = arith.addi %add3A_921, %broadcast_in_dim3A_929 : vector<1x512xi32>
    %slice3A_931 = vector.extract_strided_slice %reshape3A_687 {offsets = [3584, 0], sizes = [512, 1], strides = [1, 1]} : vector<4096x1xf32> to vector<512x1xf32>
    %gt3A_932 = vector.broadcast %slice3A_931 : vector<512x1xf32> to vector<512x512xf32>
    %gt3A_933 = vector.broadcast %slice3A_860 : vector<1x512xf32> to vector<512x512xf32>
    %gt3A_934 = arith.cmpf ogt, %gt3A_932, %gt3A_933 : vector<512x512xf32>
    %convert_element_type3A_935 = arith.extui %gt3A_934 : vector<512x512xi1> to vector<512x512xi32>
    %reduce_sum3A_936 = arith.constant dense<0> : vector<512xi32>
    %reduce_sum3A_937 = vector.multi_reduction <add>, %convert_element_type3A_935, %reduce_sum3A_936 [0] : vector<512x512xi32> to vector<512xi32>
    %broadcast_in_dim3A_938 = vector.shape_cast %reduce_sum3A_937 : vector<512xi32> to vector<1x512xi32>
    %add3A_939 = arith.addi %add3A_930, %broadcast_in_dim3A_938 : vector<1x512xi32>
    %swap3A_940 = arith.constant 1 : index
    %swap3A_941 = arith.constant 0 : index
    %swap3A_942 = arith.constant 1024 : index
    %swap3A_943 = vector.load %arg1[%swap3A_940, %swap3A_941, %swap3A_942] : memref<2x1x4096xi32, #tpu.memory_space<vmem>>, vector<1x1x512xi32>
    %swap3A_944 = vector.shape_cast %swap3A_943 : vector<1x1x512xi32> to vector<1x512xi32>
    %swap3A_945 = vector.shape_cast %add3A_939 : vector<1x512xi32> to vector<1x1x512xi32>
    tpu.vector_store %arg1[%swap3A_940, %swap3A_941, %swap3A_942], %swap3A_945 {strides = array<i32>} : memref<2x1x4096xi32, #tpu.memory_space<vmem>>, vector<1x1x512xi32>,
    %slice3A_946 = vector.extract_strided_slice %get3A_686 {offsets = [0, 1536], sizes = [1, 512], strides = [1, 1]} : vector<1x4096xf32> to vector<1x512xf32>
    %broadcast_in_dim3A_947 = arith.constant 0 : i32
    %broadcast_in_dim3A_948 = vector.broadcast %broadcast_in_dim3A_947 : i32 to vector<1x512xi32>
    %slice3A_949 = vector.extract_strided_slice %reshape3A_687 {offsets = [0, 0], sizes = [512, 1], strides = [1, 1]} : vector<4096x1xf32> to vector<512x1xf32>
    %ge3A_950 = vector.broadcast %slice3A_949 : vector<512x1xf32> to vector<512x512xf32>
    %ge3A_951 = vector.broadcast %slice3A_946 : vector<1x512xf32> to vector<512x512xf32>
    %ge3A_952 = arith.cmpf oge, %ge3A_950, %ge3A_951 : vector<512x512xf32>
    %convert_element_type3A_953 = arith.extui %ge3A_952 : vector<512x512xi1> to vector<512x512xi32>
    %reduce_sum3A_954 = arith.constant dense<0> : vector<512xi32>
    %reduce_sum3A_955 = vector.multi_reduction <add>, %convert_element_type3A_953, %reduce_sum3A_954 [0] : vector<512x512xi32> to vector<512xi32>
    %broadcast_in_dim3A_956 = vector.shape_cast %reduce_sum3A_955 : vector<512xi32> to vector<1x512xi32>
    %add3A_957 = arith.addi %broadcast_in_dim3A_948, %broadcast_in_dim3A_956 : vector<1x512xi32>
    %slice3A_958 = vector.extract_strided_slice %reshape3A_687 {offsets = [512, 0], sizes = [512, 1], strides = [1, 1]} : vector<4096x1xf32> to vector<512x1xf32>
    %ge3A_959 = vector.broadcast %slice3A_958 : vector<512x1xf32> to vector<512x512xf32>
    %ge3A_960 = vector.broadcast %slice3A_946 : vector<1x512xf32> to vector<512x512xf32>
    %ge3A_961 = arith.cmpf oge, %ge3A_959, %ge3A_960 : vector<512x512xf32>
    %convert_element_type3A_962 = arith.extui %ge3A_961 : vector<512x512xi1> to vector<512x512xi32>
    %reduce_sum3A_963 = arith.constant dense<0> : vector<512xi32>
    %reduce_sum3A_964 = vector.multi_reduction <add>, %convert_element_type3A_962, %reduce_sum3A_963 [0] : vector<512x512xi32> to vector<512xi32>
    %broadcast_in_dim3A_965 = vector.shape_cast %reduce_sum3A_964 : vector<512xi32> to vector<1x512xi32>
    %add3A_966 = arith.addi %add3A_957, %broadcast_in_dim3A_965 : vector<1x512xi32>
    %slice3A_967 = vector.extract_strided_slice %reshape3A_687 {offsets = [1024, 0], sizes = [512, 1], strides = [1, 1]} : vector<4096x1xf32> to vector<512x1xf32>
    %ge3A_968 = vector.broadcast %slice3A_967 : vector<512x1xf32> to vector<512x512xf32>
    %ge3A_969 = vector.broadcast %slice3A_946 : vector<1x512xf32> to vector<512x512xf32>
    %ge3A_970 = arith.cmpf oge, %ge3A_968, %ge3A_969 : vector<512x512xf32>
    %convert_element_type3A_971 = arith.extui %ge3A_970 : vector<512x512xi1> to vector<512x512xi32>
    %reduce_sum3A_972 = arith.constant dense<0> : vector<512xi32>
    %reduce_sum3A_973 = vector.multi_reduction <add>, %convert_element_type3A_971, %reduce_sum3A_972 [0] : vector<512x512xi32> to vector<512xi32>
    %broadcast_in_dim3A_974 = vector.shape_cast %reduce_sum3A_973 : vector<512xi32> to vector<1x512xi32>
    %add3A_975 = arith.addi %add3A_966, %broadcast_in_dim3A_974 : vector<1x512xi32>
    %slice3A_976 = vector.extract_strided_slice %reshape3A_687 {offsets = [1536, 0], sizes = [512, 1], strides = [1, 1]} : vector<4096x1xf32> to vector<512x1xf32>
    %gt3A_977 = vector.broadcast %slice3A_976 : vector<512x1xf32> to vector<512x512xf32>
    %gt3A_978 = vector.broadcast %slice3A_946 : vector<1x512xf32> to vector<512x512xf32>
    %gt3A_979 = arith.cmpf ogt, %gt3A_977, %gt3A_978 : vector<512x512xf32>
    %eq3A_980 = vector.broadcast %slice3A_976 : vector<512x1xf32> to vector<512x512xf32>
    %eq3A_981 = vector.broadcast %slice3A_946 : vector<1x512xf32> to vector<512x512xf32>
    %eq3A_982 = arith.cmpf oeq, %eq3A_980, %eq3A_981 : vector<512x512xf32>
    %and3A_983 = arith.andi %eq3A_982, %lt3A : vector<512x512xi1>
    %or3A_984 = arith.ori %gt3A_979, %and3A_983 : vector<512x512xi1>
    %convert_element_type3A_985 = arith.extui %or3A_984 : vector<512x512xi1> to vector<512x512xi32>
    %reduce_sum3A_986 = arith.constant dense<0> : vector<512xi32>
    %reduce_sum3A_987 = vector.multi_reduction <add>, %convert_element_type3A_985, %reduce_sum3A_986 [0] : vector<512x512xi32> to vector<512xi32>
    %broadcast_in_dim3A_988 = vector.shape_cast %reduce_sum3A_987 : vector<512xi32> to vector<1x512xi32>
    %add3A_989 = arith.addi %add3A_975, %broadcast_in_dim3A_988 : vector<1x512xi32>
    %slice3A_990 = vector.extract_strided_slice %reshape3A_687 {offsets = [2048, 0], sizes = [512, 1], strides = [1, 1]} : vector<4096x1xf32> to vector<512x1xf32>
    %gt3A_991 = vector.broadcast %slice3A_990 : vector<512x1xf32> to vector<512x512xf32>
    %gt3A_992 = vector.broadcast %slice3A_946 : vector<1x512xf32> to vector<512x512xf32>
    %gt3A_993 = arith.cmpf ogt, %gt3A_991, %gt3A_992 : vector<512x512xf32>
    %convert_element_type3A_994 = arith.extui %gt3A_993 : vector<512x512xi1> to vector<512x512xi32>
    %reduce_sum3A_995 = arith.constant dense<0> : vector<512xi32>
    %reduce_sum3A_996 = vector.multi_reduction <add>, %convert_element_type3A_994, %reduce_sum3A_995 [0] : vector<512x512xi32> to vector<512xi32>
    %broadcast_in_dim3A_997 = vector.shape_cast %reduce_sum3A_996 : vector<512xi32> to vector<1x512xi32>
    %add3A_998 = arith.addi %add3A_989, %broadcast_in_dim3A_997 : vector<1x512xi32>
    %slice3A_999 = vector.extract_strided_slice %reshape3A_687 {offsets = [2560, 0], sizes = [512, 1], strides = [1, 1]} : vector<4096x1xf32> to vector<512x1xf32>
    %gt3A_1000 = vector.broadcast %slice3A_999 : vector<512x1xf32> to vector<512x512xf32>
    %gt3A_1001 = vector.broadcast %slice3A_946 : vector<1x512xf32> to vector<512x512xf32>
    %gt3A_1002 = arith.cmpf ogt, %gt3A_1000, %gt3A_1001 : vector<512x512xf32>
    %convert_element_type3A_1003 = arith.extui %gt3A_1002 : vector<512x512xi1> to vector<512x512xi32>
    %reduce_sum3A_1004 = arith.constant dense<0> : vector<512xi32>
    %reduce_sum3A_1005 = vector.multi_reduction <add>, %convert_element_type3A_1003, %reduce_sum3A_1004 [0] : vector<512x512xi32> to vector<512xi32>
    %broadcast_in_dim3A_1006 = vector.shape_cast %reduce_sum3A_1005 : vector<512xi32> to vector<1x512xi32>
    %add3A_1007 = arith.addi %add3A_998, %broadcast_in_dim3A_1006 : vector<1x512xi32>
    %slice3A_1008 = vector.extract_strided_slice %reshape3A_687 {offsets = [3072, 0], sizes = [512, 1], strides = [1, 1]} : vector<4096x1xf32> to vector<512x1xf32>
    %gt3A_1009 = vector.broadcast %slice3A_1008 : vector<512x1xf32> to vector<512x512xf32>
    %gt3A_1010 = vector.broadcast %slice3A_946 : vector<1x512xf32> to vector<512x512xf32>
    %gt3A_1011 = arith.cmpf ogt, %gt3A_1009, %gt3A_1010 : vector<512x512xf32>
    %convert_element_type3A_1012 = arith.extui %gt3A_1011 : vector<512x512xi1> to vector<512x512xi32>
    %reduce_sum3A_1013 = arith.constant dense<0> : vector<512xi32>
    %reduce_sum3A_1014 = vector.multi_reduction <add>, %convert_element_type3A_1012, %reduce_sum3A_1013 [0] : vector<512x512xi32> to vector<512xi32>
    %broadcast_in_dim3A_1015 = vector.shape_cast %reduce_sum3A_1014 : vector<512xi32> to vector<1x512xi32>
    %add3A_1016 = arith.addi %add3A_1007, %broadcast_in_dim3A_1015 : vector<1x512xi32>
    %slice3A_1017 = vector.extract_strided_slice %reshape3A_687 {offsets = [3584, 0], sizes = [512, 1], strides = [1, 1]} : vector<4096x1xf32> to vector<512x1xf32>
    %gt3A_1018 = vector.broadcast %slice3A_1017 : vector<512x1xf32> to vector<512x512xf32>
    %gt3A_1019 = vector.broadcast %slice3A_946 : vector<1x512xf32> to vector<512x512xf32>
    %gt3A_1020 = arith.cmpf ogt, %gt3A_1018, %gt3A_1019 : vector<512x512xf32>
    %convert_element_type3A_1021 = arith.extui %gt3A_1020 : vector<512x512xi1> to vector<512x512xi32>
    %reduce_sum3A_1022 = arith.constant dense<0> : vector<512xi32>
    %reduce_sum3A_1023 = vector.multi_reduction <add>, %convert_element_type3A_1021, %reduce_sum3A_1022 [0] : vector<512x512xi32> to vector<512xi32>
    %broadcast_in_dim3A_1024 = vector.shape_cast %reduce_sum3A_1023 : vector<512xi32> to vector<1x512xi32>
    %add3A_1025 = arith.addi %add3A_1016, %broadcast_in_dim3A_1024 : vector<1x512xi32>
    %swap3A_1026 = arith.constant 1 : index
    %swap3A_1027 = arith.constant 0 : index
    %swap3A_1028 = arith.constant 1536 : index
    %swap3A_1029 = vector.load %arg1[%swap3A_1026, %swap3A_1027, %swap3A_1028] : memref<2x1x4096xi32, #tpu.memory_space<vmem>>, vector<1x1x512xi32>
    %swap3A_1030 = vector.shape_cast %swap3A_1029 : vector<1x1x512xi32> to vector<1x512xi32>
    %swap3A_1031 = vector.shape_cast %add3A_1025 : vector<1x512xi32> to vector<1x1x512xi32>
    tpu.vector_store %arg1[%swap3A_1026, %swap3A_1027, %swap3A_1028], %swap3A_1031 {strides = array<i32>} : memref<2x1x4096xi32, #tpu.memory_space<vmem>>, vector<1x1x512xi32>,
    %slice3A_1032 = vector.extract_strided_slice %get3A_686 {offsets = [0, 2048], sizes = [1, 512], strides = [1, 1]} : vector<1x4096xf32> to vector<1x512xf32>
    %broadcast_in_dim3A_1033 = arith.constant 0 : i32
    %broadcast_in_dim3A_1034 = vector.broadcast %broadcast_in_dim3A_1033 : i32 to vector<1x512xi32>
    %slice3A_1035 = vector.extract_strided_slice %reshape3A_687 {offsets = [0, 0], sizes = [512, 1], strides = [1, 1]} : vector<4096x1xf32> to vector<512x1xf32>
    %ge3A_1036 = vector.broadcast %slice3A_1035 : vector<512x1xf32> to vector<512x512xf32>
    %ge3A_1037 = vector.broadcast %slice3A_1032 : vector<1x512xf32> to vector<512x512xf32>
    %ge3A_1038 = arith.cmpf oge, %ge3A_1036, %ge3A_1037 : vector<512x512xf32>
    %convert_element_type3A_1039 = arith.extui %ge3A_1038 : vector<512x512xi1> to vector<512x512xi32>
    %reduce_sum3A_1040 = arith.constant dense<0> : vector<512xi32>
    %reduce_sum3A_1041 = vector.multi_reduction <add>, %convert_element_type3A_1039, %reduce_sum3A_1040 [0] : vector<512x512xi32> to vector<512xi32>
    %broadcast_in_dim3A_1042 = vector.shape_cast %reduce_sum3A_1041 : vector<512xi32> to vector<1x512xi32>
    %add3A_1043 = arith.addi %broadcast_in_dim3A_1034, %broadcast_in_dim3A_1042 : vector<1x512xi32>
    %slice3A_1044 = vector.extract_strided_slice %reshape3A_687 {offsets = [512, 0], sizes = [512, 1], strides = [1, 1]} : vector<4096x1xf32> to vector<512x1xf32>
    %ge3A_1045 = vector.broadcast %slice3A_1044 : vector<512x1xf32> to vector<512x512xf32>
    %ge3A_1046 = vector.broadcast %slice3A_1032 : vector<1x512xf32> to vector<512x512xf32>
    %ge3A_1047 = arith.cmpf oge, %ge3A_1045, %ge3A_1046 : vector<512x512xf32>
    %convert_element_type3A_1048 = arith.extui %ge3A_1047 : vector<512x512xi1> to vector<512x512xi32>
    %reduce_sum3A_1049 = arith.constant dense<0> : vector<512xi32>
    %reduce_sum3A_1050 = vector.multi_reduction <add>, %convert_element_type3A_1048, %reduce_sum3A_1049 [0] : vector<512x512xi32> to vector<512xi32>
    %broadcast_in_dim3A_1051 = vector.shape_cast %reduce_sum3A_1050 : vector<512xi32> to vector<1x512xi32>
    %add3A_1052 = arith.addi %add3A_1043, %broadcast_in_dim3A_1051 : vector<1x512xi32>
    %slice3A_1053 = vector.extract_strided_slice %reshape3A_687 {offsets = [1024, 0], sizes = [512, 1], strides = [1, 1]} : vector<4096x1xf32> to vector<512x1xf32>
    %ge3A_1054 = vector.broadcast %slice3A_1053 : vector<512x1xf32> to vector<512x512xf32>
    %ge3A_1055 = vector.broadcast %slice3A_1032 : vector<1x512xf32> to vector<512x512xf32>
    %ge3A_1056 = arith.cmpf oge, %ge3A_1054, %ge3A_1055 : vector<512x512xf32>
    %convert_element_type3A_1057 = arith.extui %ge3A_1056 : vector<512x512xi1> to vector<512x512xi32>
    %reduce_sum3A_1058 = arith.constant dense<0> : vector<512xi32>
    %reduce_sum3A_1059 = vector.multi_reduction <add>, %convert_element_type3A_1057, %reduce_sum3A_1058 [0] : vector<512x512xi32> to vector<512xi32>
    %broadcast_in_dim3A_1060 = vector.shape_cast %reduce_sum3A_1059 : vector<512xi32> to vector<1x512xi32>
    %add3A_1061 = arith.addi %add3A_1052, %broadcast_in_dim3A_1060 : vector<1x512xi32>
    %slice3A_1062 = vector.extract_strided_slice %reshape3A_687 {offsets = [1536, 0], sizes = [512, 1], strides = [1, 1]} : vector<4096x1xf32> to vector<512x1xf32>
    %ge3A_1063 = vector.broadcast %slice3A_1062 : vector<512x1xf32> to vector<512x512xf32>
    %ge3A_1064 = vector.broadcast %slice3A_1032 : vector<1x512xf32> to vector<512x512xf32>
    %ge3A_1065 = arith.cmpf oge, %ge3A_1063, %ge3A_1064 : vector<512x512xf32>
    %convert_element_type3A_1066 = arith.extui %ge3A_1065 : vector<512x512xi1> to vector<512x512xi32>
    %reduce_sum3A_1067 = arith.constant dense<0> : vector<512xi32>
    %reduce_sum3A_1068 = vector.multi_reduction <add>, %convert_element_type3A_1066, %reduce_sum3A_1067 [0] : vector<512x512xi32> to vector<512xi32>
    %broadcast_in_dim3A_1069 = vector.shape_cast %reduce_sum3A_1068 : vector<512xi32> to vector<1x512xi32>
    %add3A_1070 = arith.addi %add3A_1061, %broadcast_in_dim3A_1069 : vector<1x512xi32>
    %slice3A_1071 = vector.extract_strided_slice %reshape3A_687 {offsets = [2048, 0], sizes = [512, 1], strides = [1, 1]} : vector<4096x1xf32> to vector<512x1xf32>
    %gt3A_1072 = vector.broadcast %slice3A_1071 : vector<512x1xf32> to vector<512x512xf32>
    %gt3A_1073 = vector.broadcast %slice3A_1032 : vector<1x512xf32> to vector<512x512xf32>
    %gt3A_1074 = arith.cmpf ogt, %gt3A_1072, %gt3A_1073 : vector<512x512xf32>
    %eq3A_1075 = vector.broadcast %slice3A_1071 : vector<512x1xf32> to vector<512x512xf32>
    %eq3A_1076 = vector.broadcast %slice3A_1032 : vector<1x512xf32> to vector<512x512xf32>
    %eq3A_1077 = arith.cmpf oeq, %eq3A_1075, %eq3A_1076 : vector<512x512xf32>
    %and3A_1078 = arith.andi %eq3A_1077, %lt3A : vector<512x512xi1>
    %or3A_1079 = arith.ori %gt3A_1074, %and3A_1078 : vector<512x512xi1>
    %convert_element_type3A_1080 = arith.extui %or3A_1079 : vector<512x512xi1> to vector<512x512xi32>
    %reduce_sum3A_1081 = arith.constant dense<0> : vector<512xi32>
    %reduce_sum3A_1082 = vector.multi_reduction <add>, %convert_element_type3A_1080, %reduce_sum3A_1081 [0] : vector<512x512xi32> to vector<512xi32>
    %broadcast_in_dim3A_1083 = vector.shape_cast %reduce_sum3A_1082 : vector<512xi32> to vector<1x512xi32>
    %add3A_1084 = arith.addi %add3A_1070, %broadcast_in_dim3A_1083 : vector<1x512xi32>
    %slice3A_1085 = vector.extract_strided_slice %reshape3A_687 {offsets = [2560, 0], sizes = [512, 1], strides = [1, 1]} : vector<4096x1xf32> to vector<512x1xf32>
    %gt3A_1086 = vector.broadcast %slice3A_1085 : vector<512x1xf32> to vector<512x512xf32>
    %gt3A_1087 = vector.broadcast %slice3A_1032 : vector<1x512xf32> to vector<512x512xf32>
    %gt3A_1088 = arith.cmpf ogt, %gt3A_1086, %gt3A_1087 : vector<512x512xf32>
    %convert_element_type3A_1089 = arith.extui %gt3A_1088 : vector<512x512xi1> to vector<512x512xi32>
    %reduce_sum3A_1090 = arith.constant dense<0> : vector<512xi32>
    %reduce_sum3A_1091 = vector.multi_reduction <add>, %convert_element_type3A_1089, %reduce_sum3A_1090 [0] : vector<512x512xi32> to vector<512xi32>
    %broadcast_in_dim3A_1092 = vector.shape_cast %reduce_sum3A_1091 : vector<512xi32> to vector<1x512xi32>
    %add3A_1093 = arith.addi %add3A_1084, %broadcast_in_dim3A_1092 : vector<1x512xi32>
    %slice3A_1094 = vector.extract_strided_slice %reshape3A_687 {offsets = [3072, 0], sizes = [512, 1], strides = [1, 1]} : vector<4096x1xf32> to vector<512x1xf32>
    %gt3A_1095 = vector.broadcast %slice3A_1094 : vector<512x1xf32> to vector<512x512xf32>
    %gt3A_1096 = vector.broadcast %slice3A_1032 : vector<1x512xf32> to vector<512x512xf32>
    %gt3A_1097 = arith.cmpf ogt, %gt3A_1095, %gt3A_1096 : vector<512x512xf32>
    %convert_element_type3A_1098 = arith.extui %gt3A_1097 : vector<512x512xi1> to vector<512x512xi32>
    %reduce_sum3A_1099 = arith.constant dense<0> : vector<512xi32>
    %reduce_sum3A_1100 = vector.multi_reduction <add>, %convert_element_type3A_1098, %reduce_sum3A_1099 [0] : vector<512x512xi32> to vector<512xi32>
    %broadcast_in_dim3A_1101 = vector.shape_cast %reduce_sum3A_1100 : vector<512xi32> to vector<1x512xi32>
    %add3A_1102 = arith.addi %add3A_1093, %broadcast_in_dim3A_1101 : vector<1x512xi32>
    %slice3A_1103 = vector.extract_strided_slice %reshape3A_687 {offsets = [3584, 0], sizes = [512, 1], strides = [1, 1]} : vector<4096x1xf32> to vector<512x1xf32>
    %gt3A_1104 = vector.broadcast %slice3A_1103 : vector<512x1xf32> to vector<512x512xf32>
    %gt3A_1105 = vector.broadcast %slice3A_1032 : vector<1x512xf32> to vector<512x512xf32>
    %gt3A_1106 = arith.cmpf ogt, %gt3A_1104, %gt3A_1105 : vector<512x512xf32>
    %convert_element_type3A_1107 = arith.extui %gt3A_1106 : vector<512x512xi1> to vector<512x512xi32>
    %reduce_sum3A_1108 = arith.constant dense<0> : vector<512xi32>
    %reduce_sum3A_1109 = vector.multi_reduction <add>, %convert_element_type3A_1107, %reduce_sum3A_1108 [0] : vector<512x512xi32> to vector<512xi32>
    %broadcast_in_dim3A_1110 = vector.shape_cast %reduce_sum3A_1109 : vector<512xi32> to vector<1x512xi32>
    %add3A_1111 = arith.addi %add3A_1102, %broadcast_in_dim3A_1110 : vector<1x512xi32>
    %swap3A_1112 = arith.constant 1 : index
    %swap3A_1113 = arith.constant 0 : index
    %swap3A_1114 = arith.constant 2048 : index
    %swap3A_1115 = vector.load %arg1[%swap3A_1112, %swap3A_1113, %swap3A_1114] : memref<2x1x4096xi32, #tpu.memory_space<vmem>>, vector<1x1x512xi32>
    %swap3A_1116 = vector.shape_cast %swap3A_1115 : vector<1x1x512xi32> to vector<1x512xi32>
    %swap3A_1117 = vector.shape_cast %add3A_1111 : vector<1x512xi32> to vector<1x1x512xi32>
    tpu.vector_store %arg1[%swap3A_1112, %swap3A_1113, %swap3A_1114], %swap3A_1117 {strides = array<i32>} : memref<2x1x4096xi32, #tpu.memory_space<vmem>>, vector<1x1x512xi32>,
    %slice3A_1118 = vector.extract_strided_slice %get3A_686 {offsets = [0, 2560], sizes = [1, 512], strides = [1, 1]} : vector<1x4096xf32> to vector<1x512xf32>
    %broadcast_in_dim3A_1119 = arith.constant 0 : i32
    %broadcast_in_dim3A_1120 = vector.broadcast %broadcast_in_dim3A_1119 : i32 to vector<1x512xi32>
    %slice3A_1121 = vector.extract_strided_slice %reshape3A_687 {offsets = [0, 0], sizes = [512, 1], strides = [1, 1]} : vector<4096x1xf32> to vector<512x1xf32>
    %ge3A_1122 = vector.broadcast %slice3A_1121 : vector<512x1xf32> to vector<512x512xf32>
    %ge3A_1123 = vector.broadcast %slice3A_1118 : vector<1x512xf32> to vector<512x512xf32>
    %ge3A_1124 = arith.cmpf oge, %ge3A_1122, %ge3A_1123 : vector<512x512xf32>
    %convert_element_type3A_1125 = arith.extui %ge3A_1124 : vector<512x512xi1> to vector<512x512xi32>
    %reduce_sum3A_1126 = arith.constant dense<0> : vector<512xi32>
    %reduce_sum3A_1127 = vector.multi_reduction <add>, %convert_element_type3A_1125, %reduce_sum3A_1126 [0] : vector<512x512xi32> to vector<512xi32>
    %broadcast_in_dim3A_1128 = vector.shape_cast %reduce_sum3A_1127 : vector<512xi32> to vector<1x512xi32>
    %add3A_1129 = arith.addi %broadcast_in_dim3A_1120, %broadcast_in_dim3A_1128 : vector<1x512xi32>
    %slice3A_1130 = vector.extract_strided_slice %reshape3A_687 {offsets = [512, 0], sizes = [512, 1], strides = [1, 1]} : vector<4096x1xf32> to vector<512x1xf32>
    %ge3A_1131 = vector.broadcast %slice3A_1130 : vector<512x1xf32> to vector<512x512xf32>
    %ge3A_1132 = vector.broadcast %slice3A_1118 : vector<1x512xf32> to vector<512x512xf32>
    %ge3A_1133 = arith.cmpf oge, %ge3A_1131, %ge3A_1132 : vector<512x512xf32>
    %convert_element_type3A_1134 = arith.extui %ge3A_1133 : vector<512x512xi1> to vector<512x512xi32>
    %reduce_sum3A_1135 = arith.constant dense<0> : vector<512xi32>
    %reduce_sum3A_1136 = vector.multi_reduction <add>, %convert_element_type3A_1134, %reduce_sum3A_1135 [0] : vector<512x512xi32> to vector<512xi32>
    %broadcast_in_dim3A_1137 = vector.shape_cast %reduce_sum3A_1136 : vector<512xi32> to vector<1x512xi32>
    %add3A_1138 = arith.addi %add3A_1129, %broadcast_in_dim3A_1137 : vector<1x512xi32>
    %slice3A_1139 = vector.extract_strided_slice %reshape3A_687 {offsets = [1024, 0], sizes = [512, 1], strides = [1, 1]} : vector<4096x1xf32> to vector<512x1xf32>
    %ge3A_1140 = vector.broadcast %slice3A_1139 : vector<512x1xf32> to vector<512x512xf32>
    %ge3A_1141 = vector.broadcast %slice3A_1118 : vector<1x512xf32> to vector<512x512xf32>
    %ge3A_1142 = arith.cmpf oge, %ge3A_1140, %ge3A_1141 : vector<512x512xf32>
    %convert_element_type3A_1143 = arith.extui %ge3A_1142 : vector<512x512xi1> to vector<512x512xi32>
    %reduce_sum3A_1144 = arith.constant dense<0> : vector<512xi32>
    %reduce_sum3A_1145 = vector.multi_reduction <add>, %convert_element_type3A_1143, %reduce_sum3A_1144 [0] : vector<512x512xi32> to vector<512xi32>
    %broadcast_in_dim3A_1146 = vector.shape_cast %reduce_sum3A_1145 : vector<512xi32> to vector<1x512xi32>
    %add3A_1147 = arith.addi %add3A_1138, %broadcast_in_dim3A_1146 : vector<1x512xi32>
    %slice3A_1148 = vector.extract_strided_slice %reshape3A_687 {offsets = [1536, 0], sizes = [512, 1], strides = [1, 1]} : vector<4096x1xf32> to vector<512x1xf32>
    %ge3A_1149 = vector.broadcast %slice3A_1148 : vector<512x1xf32> to vector<512x512xf32>
    %ge3A_1150 = vector.broadcast %slice3A_1118 : vector<1x512xf32> to vector<512x512xf32>
    %ge3A_1151 = arith.cmpf oge, %ge3A_1149, %ge3A_1150 : vector<512x512xf32>
    %convert_element_type3A_1152 = arith.extui %ge3A_1151 : vector<512x512xi1> to vector<512x512xi32>
    %reduce_sum3A_1153 = arith.constant dense<0> : vector<512xi32>
    %reduce_sum3A_1154 = vector.multi_reduction <add>, %convert_element_type3A_1152, %reduce_sum3A_1153 [0] : vector<512x512xi32> to vector<512xi32>
    %broadcast_in_dim3A_1155 = vector.shape_cast %reduce_sum3A_1154 : vector<512xi32> to vector<1x512xi32>
    %add3A_1156 = arith.addi %add3A_1147, %broadcast_in_dim3A_1155 : vector<1x512xi32>
    %slice3A_1157 = vector.extract_strided_slice %reshape3A_687 {offsets = [2048, 0], sizes = [512, 1], strides = [1, 1]} : vector<4096x1xf32> to vector<512x1xf32>
    %ge3A_1158 = vector.broadcast %slice3A_1157 : vector<512x1xf32> to vector<512x512xf32>
    %ge3A_1159 = vector.broadcast %slice3A_1118 : vector<1x512xf32> to vector<512x512xf32>
    %ge3A_1160 = arith.cmpf oge, %ge3A_1158, %ge3A_1159 : vector<512x512xf32>
    %convert_element_type3A_1161 = arith.extui %ge3A_1160 : vector<512x512xi1> to vector<512x512xi32>
    %reduce_sum3A_1162 = arith.constant dense<0> : vector<512xi32>
    %reduce_sum3A_1163 = vector.multi_reduction <add>, %convert_element_type3A_1161, %reduce_sum3A_1162 [0] : vector<512x512xi32> to vector<512xi32>
    %broadcast_in_dim3A_1164 = vector.shape_cast %reduce_sum3A_1163 : vector<512xi32> to vector<1x512xi32>
    %add3A_1165 = arith.addi %add3A_1156, %broadcast_in_dim3A_1164 : vector<1x512xi32>
    %slice3A_1166 = vector.extract_strided_slice %reshape3A_687 {offsets = [2560, 0], sizes = [512, 1], strides = [1, 1]} : vector<4096x1xf32> to vector<512x1xf32>
    %gt3A_1167 = vector.broadcast %slice3A_1166 : vector<512x1xf32> to vector<512x512xf32>
    %gt3A_1168 = vector.broadcast %slice3A_1118 : vector<1x512xf32> to vector<512x512xf32>
    %gt3A_1169 = arith.cmpf ogt, %gt3A_1167, %gt3A_1168 : vector<512x512xf32>
    %eq3A_1170 = vector.broadcast %slice3A_1166 : vector<512x1xf32> to vector<512x512xf32>
    %eq3A_1171 = vector.broadcast %slice3A_1118 : vector<1x512xf32> to vector<512x512xf32>
    %eq3A_1172 = arith.cmpf oeq, %eq3A_1170, %eq3A_1171 : vector<512x512xf32>
    %and3A_1173 = arith.andi %eq3A_1172, %lt3A : vector<512x512xi1>
    %or3A_1174 = arith.ori %gt3A_1169, %and3A_1173 : vector<512x512xi1>
    %convert_element_type3A_1175 = arith.extui %or3A_1174 : vector<512x512xi1> to vector<512x512xi32>
    %reduce_sum3A_1176 = arith.constant dense<0> : vector<512xi32>
    %reduce_sum3A_1177 = vector.multi_reduction <add>, %convert_element_type3A_1175, %reduce_sum3A_1176 [0] : vector<512x512xi32> to vector<512xi32>
    %broadcast_in_dim3A_1178 = vector.shape_cast %reduce_sum3A_1177 : vector<512xi32> to vector<1x512xi32>
    %add3A_1179 = arith.addi %add3A_1165, %broadcast_in_dim3A_1178 : vector<1x512xi32>
    %slice3A_1180 = vector.extract_strided_slice %reshape3A_687 {offsets = [3072, 0], sizes = [512, 1], strides = [1, 1]} : vector<4096x1xf32> to vector<512x1xf32>
    %gt3A_1181 = vector.broadcast %slice3A_1180 : vector<512x1xf32> to vector<512x512xf32>
    %gt3A_1182 = vector.broadcast %slice3A_1118 : vector<1x512xf32> to vector<512x512xf32>
    %gt3A_1183 = arith.cmpf ogt, %gt3A_1181, %gt3A_1182 : vector<512x512xf32>
    %convert_element_type3A_1184 = arith.extui %gt3A_1183 : vector<512x512xi1> to vector<512x512xi32>
    %reduce_sum3A_1185 = arith.constant dense<0> : vector<512xi32>
    %reduce_sum3A_1186 = vector.multi_reduction <add>, %convert_element_type3A_1184, %reduce_sum3A_1185 [0] : vector<512x512xi32> to vector<512xi32>
    %broadcast_in_dim3A_1187 = vector.shape_cast %reduce_sum3A_1186 : vector<512xi32> to vector<1x512xi32>
    %add3A_1188 = arith.addi %add3A_1179, %broadcast_in_dim3A_1187 : vector<1x512xi32>
    %slice3A_1189 = vector.extract_strided_slice %reshape3A_687 {offsets = [3584, 0], sizes = [512, 1], strides = [1, 1]} : vector<4096x1xf32> to vector<512x1xf32>
    %gt3A_1190 = vector.broadcast %slice3A_1189 : vector<512x1xf32> to vector<512x512xf32>
    %gt3A_1191 = vector.broadcast %slice3A_1118 : vector<1x512xf32> to vector<512x512xf32>
    %gt3A_1192 = arith.cmpf ogt, %gt3A_1190, %gt3A_1191 : vector<512x512xf32>
    %convert_element_type3A_1193 = arith.extui %gt3A_1192 : vector<512x512xi1> to vector<512x512xi32>
    %reduce_sum3A_1194 = arith.constant dense<0> : vector<512xi32>
    %reduce_sum3A_1195 = vector.multi_reduction <add>, %convert_element_type3A_1193, %reduce_sum3A_1194 [0] : vector<512x512xi32> to vector<512xi32>
    %broadcast_in_dim3A_1196 = vector.shape_cast %reduce_sum3A_1195 : vector<512xi32> to vector<1x512xi32>
    %add3A_1197 = arith.addi %add3A_1188, %broadcast_in_dim3A_1196 : vector<1x512xi32>
    %swap3A_1198 = arith.constant 1 : index
    %swap3A_1199 = arith.constant 0 : index
    %swap3A_1200 = arith.constant 2560 : index
    %swap3A_1201 = vector.load %arg1[%swap3A_1198, %swap3A_1199, %swap3A_1200] : memref<2x1x4096xi32, #tpu.memory_space<vmem>>, vector<1x1x512xi32>
    %swap3A_1202 = vector.shape_cast %swap3A_1201 : vector<1x1x512xi32> to vector<1x512xi32>
    %swap3A_1203 = vector.shape_cast %add3A_1197 : vector<1x512xi32> to vector<1x1x512xi32>
    tpu.vector_store %arg1[%swap3A_1198, %swap3A_1199, %swap3A_1200], %swap3A_1203 {strides = array<i32>} : memref<2x1x4096xi32, #tpu.memory_space<vmem>>, vector<1x1x512xi32>,
    %slice3A_1204 = vector.extract_strided_slice %get3A_686 {offsets = [0, 3072], sizes = [1, 512], strides = [1, 1]} : vector<1x4096xf32> to vector<1x512xf32>
    %broadcast_in_dim3A_1205 = arith.constant 0 : i32
    %broadcast_in_dim3A_1206 = vector.broadcast %broadcast_in_dim3A_1205 : i32 to vector<1x512xi32>
    %slice3A_1207 = vector.extract_strided_slice %reshape3A_687 {offsets = [0, 0], sizes = [512, 1], strides = [1, 1]} : vector<4096x1xf32> to vector<512x1xf32>
    %ge3A_1208 = vector.broadcast %slice3A_1207 : vector<512x1xf32> to vector<512x512xf32>
    %ge3A_1209 = vector.broadcast %slice3A_1204 : vector<1x512xf32> to vector<512x512xf32>
    %ge3A_1210 = arith.cmpf oge, %ge3A_1208, %ge3A_1209 : vector<512x512xf32>
    %convert_element_type3A_1211 = arith.extui %ge3A_1210 : vector<512x512xi1> to vector<512x512xi32>
    %reduce_sum3A_1212 = arith.constant dense<0> : vector<512xi32>
    %reduce_sum3A_1213 = vector.multi_reduction <add>, %convert_element_type3A_1211, %reduce_sum3A_1212 [0] : vector<512x512xi32> to vector<512xi32>
    %broadcast_in_dim3A_1214 = vector.shape_cast %reduce_sum3A_1213 : vector<512xi32> to vector<1x512xi32>
    %add3A_1215 = arith.addi %broadcast_in_dim3A_1206, %broadcast_in_dim3A_1214 : vector<1x512xi32>
    %slice3A_1216 = vector.extract_strided_slice %reshape3A_687 {offsets = [512, 0], sizes = [512, 1], strides = [1, 1]} : vector<4096x1xf32> to vector<512x1xf32>
    %ge3A_1217 = vector.broadcast %slice3A_1216 : vector<512x1xf32> to vector<512x512xf32>
    %ge3A_1218 = vector.broadcast %slice3A_1204 : vector<1x512xf32> to vector<512x512xf32>
    %ge3A_1219 = arith.cmpf oge, %ge3A_1217, %ge3A_1218 : vector<512x512xf32>
    %convert_element_type3A_1220 = arith.extui %ge3A_1219 : vector<512x512xi1> to vector<512x512xi32>
    %reduce_sum3A_1221 = arith.constant dense<0> : vector<512xi32>
    %reduce_sum3A_1222 = vector.multi_reduction <add>, %convert_element_type3A_1220, %reduce_sum3A_1221 [0] : vector<512x512xi32> to vector<512xi32>
    %broadcast_in_dim3A_1223 = vector.shape_cast %reduce_sum3A_1222 : vector<512xi32> to vector<1x512xi32>
    %add3A_1224 = arith.addi %add3A_1215, %broadcast_in_dim3A_1223 : vector<1x512xi32>
    %slice3A_1225 = vector.extract_strided_slice %reshape3A_687 {offsets = [1024, 0], sizes = [512, 1], strides = [1, 1]} : vector<4096x1xf32> to vector<512x1xf32>
    %ge3A_1226 = vector.broadcast %slice3A_1225 : vector<512x1xf32> to vector<512x512xf32>
    %ge3A_1227 = vector.broadcast %slice3A_1204 : vector<1x512xf32> to vector<512x512xf32>
    %ge3A_1228 = arith.cmpf oge, %ge3A_1226, %ge3A_1227 : vector<512x512xf32>
    %convert_element_type3A_1229 = arith.extui %ge3A_1228 : vector<512x512xi1> to vector<512x512xi32>
    %reduce_sum3A_1230 = arith.constant dense<0> : vector<512xi32>
    %reduce_sum3A_1231 = vector.multi_reduction <add>, %convert_element_type3A_1229, %reduce_sum3A_1230 [0] : vector<512x512xi32> to vector<512xi32>
    %broadcast_in_dim3A_1232 = vector.shape_cast %reduce_sum3A_1231 : vector<512xi32> to vector<1x512xi32>
    %add3A_1233 = arith.addi %add3A_1224, %broadcast_in_dim3A_1232 : vector<1x512xi32>
    %slice3A_1234 = vector.extract_strided_slice %reshape3A_687 {offsets = [1536, 0], sizes = [512, 1], strides = [1, 1]} : vector<4096x1xf32> to vector<512x1xf32>
    %ge3A_1235 = vector.broadcast %slice3A_1234 : vector<512x1xf32> to vector<512x512xf32>
    %ge3A_1236 = vector.broadcast %slice3A_1204 : vector<1x512xf32> to vector<512x512xf32>
    %ge3A_1237 = arith.cmpf oge, %ge3A_1235, %ge3A_1236 : vector<512x512xf32>
    %convert_element_type3A_1238 = arith.extui %ge3A_1237 : vector<512x512xi1> to vector<512x512xi32>
    %reduce_sum3A_1239 = arith.constant dense<0> : vector<512xi32>
    %reduce_sum3A_1240 = vector.multi_reduction <add>, %convert_element_type3A_1238, %reduce_sum3A_1239 [0] : vector<512x512xi32> to vector<512xi32>
    %broadcast_in_dim3A_1241 = vector.shape_cast %reduce_sum3A_1240 : vector<512xi32> to vector<1x512xi32>
    %add3A_1242 = arith.addi %add3A_1233, %broadcast_in_dim3A_1241 : vector<1x512xi32>
    %slice3A_1243 = vector.extract_strided_slice %reshape3A_687 {offsets = [2048, 0], sizes = [512, 1], strides = [1, 1]} : vector<4096x1xf32> to vector<512x1xf32>
    %ge3A_1244 = vector.broadcast %slice3A_1243 : vector<512x1xf32> to vector<512x512xf32>
    %ge3A_1245 = vector.broadcast %slice3A_1204 : vector<1x512xf32> to vector<512x512xf32>
    %ge3A_1246 = arith.cmpf oge, %ge3A_1244, %ge3A_1245 : vector<512x512xf32>
    %convert_element_type3A_1247 = arith.extui %ge3A_1246 : vector<512x512xi1> to vector<512x512xi32>
    %reduce_sum3A_1248 = arith.constant dense<0> : vector<512xi32>
    %reduce_sum3A_1249 = vector.multi_reduction <add>, %convert_element_type3A_1247, %reduce_sum3A_1248 [0] : vector<512x512xi32> to vector<512xi32>
    %broadcast_in_dim3A_1250 = vector.shape_cast %reduce_sum3A_1249 : vector<512xi32> to vector<1x512xi32>
    %add3A_1251 = arith.addi %add3A_1242, %broadcast_in_dim3A_1250 : vector<1x512xi32>
    %slice3A_1252 = vector.extract_strided_slice %reshape3A_687 {offsets = [2560, 0], sizes = [512, 1], strides = [1, 1]} : vector<4096x1xf32> to vector<512x1xf32>
    %ge3A_1253 = vector.broadcast %slice3A_1252 : vector<512x1xf32> to vector<512x512xf32>
    %ge3A_1254 = vector.broadcast %slice3A_1204 : vector<1x512xf32> to vector<512x512xf32>
    %ge3A_1255 = arith.cmpf oge, %ge3A_1253, %ge3A_1254 : vector<512x512xf32>
    %convert_element_type3A_1256 = arith.extui %ge3A_1255 : vector<512x512xi1> to vector<512x512xi32>
    %reduce_sum3A_1257 = arith.constant dense<0> : vector<512xi32>
    %reduce_sum3A_1258 = vector.multi_reduction <add>, %convert_element_type3A_1256, %reduce_sum3A_1257 [0] : vector<512x512xi32> to vector<512xi32>
    %broadcast_in_dim3A_1259 = vector.shape_cast %reduce_sum3A_1258 : vector<512xi32> to vector<1x512xi32>
    %add3A_1260 = arith.addi %add3A_1251, %broadcast_in_dim3A_1259 : vector<1x512xi32>
    %slice3A_1261 = vector.extract_strided_slice %reshape3A_687 {offsets = [3072, 0], sizes = [512, 1], strides = [1, 1]} : vector<4096x1xf32> to vector<512x1xf32>
    %gt3A_1262 = vector.broadcast %slice3A_1261 : vector<512x1xf32> to vector<512x512xf32>
    %gt3A_1263 = vector.broadcast %slice3A_1204 : vector<1x512xf32> to vector<512x512xf32>
    %gt3A_1264 = arith.cmpf ogt, %gt3A_1262, %gt3A_1263 : vector<512x512xf32>
    %eq3A_1265 = vector.broadcast %slice3A_1261 : vector<512x1xf32> to vector<512x512xf32>
    %eq3A_1266 = vector.broadcast %slice3A_1204 : vector<1x512xf32> to vector<512x512xf32>
    %eq3A_1267 = arith.cmpf oeq, %eq3A_1265, %eq3A_1266 : vector<512x512xf32>
    %and3A_1268 = arith.andi %eq3A_1267, %lt3A : vector<512x512xi1>
    %or3A_1269 = arith.ori %gt3A_1264, %and3A_1268 : vector<512x512xi1>
    %convert_element_type3A_1270 = arith.extui %or3A_1269 : vector<512x512xi1> to vector<512x512xi32>
    %reduce_sum3A_1271 = arith.constant dense<0> : vector<512xi32>
    %reduce_sum3A_1272 = vector.multi_reduction <add>, %convert_element_type3A_1270, %reduce_sum3A_1271 [0] : vector<512x512xi32> to vector<512xi32>
    %broadcast_in_dim3A_1273 = vector.shape_cast %reduce_sum3A_1272 : vector<512xi32> to vector<1x512xi32>
    %add3A_1274 = arith.addi %add3A_1260, %broadcast_in_dim3A_1273 : vector<1x512xi32>
    %slice3A_1275 = vector.extract_strided_slice %reshape3A_687 {offsets = [3584, 0], sizes = [512, 1], strides = [1, 1]} : vector<4096x1xf32> to vector<512x1xf32>
    %gt3A_1276 = vector.broadcast %slice3A_1275 : vector<512x1xf32> to vector<512x512xf32>
    %gt3A_1277 = vector.broadcast %slice3A_1204 : vector<1x512xf32> to vector<512x512xf32>
    %gt3A_1278 = arith.cmpf ogt, %gt3A_1276, %gt3A_1277 : vector<512x512xf32>
    %convert_element_type3A_1279 = arith.extui %gt3A_1278 : vector<512x512xi1> to vector<512x512xi32>
    %reduce_sum3A_1280 = arith.constant dense<0> : vector<512xi32>
    %reduce_sum3A_1281 = vector.multi_reduction <add>, %convert_element_type3A_1279, %reduce_sum3A_1280 [0] : vector<512x512xi32> to vector<512xi32>
    %broadcast_in_dim3A_1282 = vector.shape_cast %reduce_sum3A_1281 : vector<512xi32> to vector<1x512xi32>
    %add3A_1283 = arith.addi %add3A_1274, %broadcast_in_dim3A_1282 : vector<1x512xi32>
    %swap3A_1284 = arith.constant 1 : index
    %swap3A_1285 = arith.constant 0 : index
    %swap3A_1286 = arith.constant 3072 : index
    %swap3A_1287 = vector.load %arg1[%swap3A_1284, %swap3A_1285, %swap3A_1286] : memref<2x1x4096xi32, #tpu.memory_space<vmem>>, vector<1x1x512xi32>
    %swap3A_1288 = vector.shape_cast %swap3A_1287 : vector<1x1x512xi32> to vector<1x512xi32>
    %swap3A_1289 = vector.shape_cast %add3A_1283 : vector<1x512xi32> to vector<1x1x512xi32>
    tpu.vector_store %arg1[%swap3A_1284, %swap3A_1285, %swap3A_1286], %swap3A_1289 {strides = array<i32>} : memref<2x1x4096xi32, #tpu.memory_space<vmem>>, vector<1x1x512xi32>,
    %slice3A_1290 = vector.extract_strided_slice %get3A_686 {offsets = [0, 3584], sizes = [1, 512], strides = [1, 1]} : vector<1x4096xf32> to vector<1x512xf32>
    %broadcast_in_dim3A_1291 = arith.constant 0 : i32
    %broadcast_in_dim3A_1292 = vector.broadcast %broadcast_in_dim3A_1291 : i32 to vector<1x512xi32>
    %slice3A_1293 = vector.extract_strided_slice %reshape3A_687 {offsets = [0, 0], sizes = [512, 1], strides = [1, 1]} : vector<4096x1xf32> to vector<512x1xf32>
    %ge3A_1294 = vector.broadcast %slice3A_1293 : vector<512x1xf32> to vector<512x512xf32>
    %ge3A_1295 = vector.broadcast %slice3A_1290 : vector<1x512xf32> to vector<512x512xf32>
    %ge3A_1296 = arith.cmpf oge, %ge3A_1294, %ge3A_1295 : vector<512x512xf32>
    %convert_element_type3A_1297 = arith.extui %ge3A_1296 : vector<512x512xi1> to vector<512x512xi32>
    %reduce_sum3A_1298 = arith.constant dense<0> : vector<512xi32>
    %reduce_sum3A_1299 = vector.multi_reduction <add>, %convert_element_type3A_1297, %reduce_sum3A_1298 [0] : vector<512x512xi32> to vector<512xi32>
    %broadcast_in_dim3A_1300 = vector.shape_cast %reduce_sum3A_1299 : vector<512xi32> to vector<1x512xi32>
    %add3A_1301 = arith.addi %broadcast_in_dim3A_1292, %broadcast_in_dim3A_1300 : vector<1x512xi32>
    %slice3A_1302 = vector.extract_strided_slice %reshape3A_687 {offsets = [512, 0], sizes = [512, 1], strides = [1, 1]} : vector<4096x1xf32> to vector<512x1xf32>
    %ge3A_1303 = vector.broadcast %slice3A_1302 : vector<512x1xf32> to vector<512x512xf32>
    %ge3A_1304 = vector.broadcast %slice3A_1290 : vector<1x512xf32> to vector<512x512xf32>
    %ge3A_1305 = arith.cmpf oge, %ge3A_1303, %ge3A_1304 : vector<512x512xf32>
    %convert_element_type3A_1306 = arith.extui %ge3A_1305 : vector<512x512xi1> to vector<512x512xi32>
    %reduce_sum3A_1307 = arith.constant dense<0> : vector<512xi32>
    %reduce_sum3A_1308 = vector.multi_reduction <add>, %convert_element_type3A_1306, %reduce_sum3A_1307 [0] : vector<512x512xi32> to vector<512xi32>
    %broadcast_in_dim3A_1309 = vector.shape_cast %reduce_sum3A_1308 : vector<512xi32> to vector<1x512xi32>
    %add3A_1310 = arith.addi %add3A_1301, %broadcast_in_dim3A_1309 : vector<1x512xi32>
    %slice3A_1311 = vector.extract_strided_slice %reshape3A_687 {offsets = [1024, 0], sizes = [512, 1], strides = [1, 1]} : vector<4096x1xf32> to vector<512x1xf32>
    %ge3A_1312 = vector.broadcast %slice3A_1311 : vector<512x1xf32> to vector<512x512xf32>
    %ge3A_1313 = vector.broadcast %slice3A_1290 : vector<1x512xf32> to vector<512x512xf32>
    %ge3A_1314 = arith.cmpf oge, %ge3A_1312, %ge3A_1313 : vector<512x512xf32>
    %convert_element_type3A_1315 = arith.extui %ge3A_1314 : vector<512x512xi1> to vector<512x512xi32>
    %reduce_sum3A_1316 = arith.constant dense<0> : vector<512xi32>
    %reduce_sum3A_1317 = vector.multi_reduction <add>, %convert_element_type3A_1315, %reduce_sum3A_1316 [0] : vector<512x512xi32> to vector<512xi32>
    %broadcast_in_dim3A_1318 = vector.shape_cast %reduce_sum3A_1317 : vector<512xi32> to vector<1x512xi32>
    %add3A_1319 = arith.addi %add3A_1310, %broadcast_in_dim3A_1318 : vector<1x512xi32>
    %slice3A_1320 = vector.extract_strided_slice %reshape3A_687 {offsets = [1536, 0], sizes = [512, 1], strides = [1, 1]} : vector<4096x1xf32> to vector<512x1xf32>
    %ge3A_1321 = vector.broadcast %slice3A_1320 : vector<512x1xf32> to vector<512x512xf32>
    %ge3A_1322 = vector.broadcast %slice3A_1290 : vector<1x512xf32> to vector<512x512xf32>
    %ge3A_1323 = arith.cmpf oge, %ge3A_1321, %ge3A_1322 : vector<512x512xf32>
    %convert_element_type3A_1324 = arith.extui %ge3A_1323 : vector<512x512xi1> to vector<512x512xi32>
    %reduce_sum3A_1325 = arith.constant dense<0> : vector<512xi32>
    %reduce_sum3A_1326 = vector.multi_reduction <add>, %convert_element_type3A_1324, %reduce_sum3A_1325 [0] : vector<512x512xi32> to vector<512xi32>
    %broadcast_in_dim3A_1327 = vector.shape_cast %reduce_sum3A_1326 : vector<512xi32> to vector<1x512xi32>
    %add3A_1328 = arith.addi %add3A_1319, %broadcast_in_dim3A_1327 : vector<1x512xi32>
    %slice3A_1329 = vector.extract_strided_slice %reshape3A_687 {offsets = [2048, 0], sizes = [512, 1], strides = [1, 1]} : vector<4096x1xf32> to vector<512x1xf32>
    %ge3A_1330 = vector.broadcast %slice3A_1329 : vector<512x1xf32> to vector<512x512xf32>
    %ge3A_1331 = vector.broadcast %slice3A_1290 : vector<1x512xf32> to vector<512x512xf32>
    %ge3A_1332 = arith.cmpf oge, %ge3A_1330, %ge3A_1331 : vector<512x512xf32>
    %convert_element_type3A_1333 = arith.extui %ge3A_1332 : vector<512x512xi1> to vector<512x512xi32>
    %reduce_sum3A_1334 = arith.constant dense<0> : vector<512xi32>
    %reduce_sum3A_1335 = vector.multi_reduction <add>, %convert_element_type3A_1333, %reduce_sum3A_1334 [0] : vector<512x512xi32> to vector<512xi32>
    %broadcast_in_dim3A_1336 = vector.shape_cast %reduce_sum3A_1335 : vector<512xi32> to vector<1x512xi32>
    %add3A_1337 = arith.addi %add3A_1328, %broadcast_in_dim3A_1336 : vector<1x512xi32>
    %slice3A_1338 = vector.extract_strided_slice %reshape3A_687 {offsets = [2560, 0], sizes = [512, 1], strides = [1, 1]} : vector<4096x1xf32> to vector<512x1xf32>
    %ge3A_1339 = vector.broadcast %slice3A_1338 : vector<512x1xf32> to vector<512x512xf32>
    %ge3A_1340 = vector.broadcast %slice3A_1290 : vector<1x512xf32> to vector<512x512xf32>
    %ge3A_1341 = arith.cmpf oge, %ge3A_1339, %ge3A_1340 : vector<512x512xf32>
    %convert_element_type3A_1342 = arith.extui %ge3A_1341 : vector<512x512xi1> to vector<512x512xi32>
    %reduce_sum3A_1343 = arith.constant dense<0> : vector<512xi32>
    %reduce_sum3A_1344 = vector.multi_reduction <add>, %convert_element_type3A_1342, %reduce_sum3A_1343 [0] : vector<512x512xi32> to vector<512xi32>
    %broadcast_in_dim3A_1345 = vector.shape_cast %reduce_sum3A_1344 : vector<512xi32> to vector<1x512xi32>
    %add3A_1346 = arith.addi %add3A_1337, %broadcast_in_dim3A_1345 : vector<1x512xi32>
    %slice3A_1347 = vector.extract_strided_slice %reshape3A_687 {offsets = [3072, 0], sizes = [512, 1], strides = [1, 1]} : vector<4096x1xf32> to vector<512x1xf32>
    %ge3A_1348 = vector.broadcast %slice3A_1347 : vector<512x1xf32> to vector<512x512xf32>
    %ge3A_1349 = vector.broadcast %slice3A_1290 : vector<1x512xf32> to vector<512x512xf32>
    %ge3A_1350 = arith.cmpf oge, %ge3A_1348, %ge3A_1349 : vector<512x512xf32>
    %convert_element_type3A_1351 = arith.extui %ge3A_1350 : vector<512x512xi1> to vector<512x512xi32>
    %reduce_sum3A_1352 = arith.constant dense<0> : vector<512xi32>
    %reduce_sum3A_1353 = vector.multi_reduction <add>, %convert_element_type3A_1351, %reduce_sum3A_1352 [0] : vector<512x512xi32> to vector<512xi32>
    %broadcast_in_dim3A_1354 = vector.shape_cast %reduce_sum3A_1353 : vector<512xi32> to vector<1x512xi32>
    %add3A_1355 = arith.addi %add3A_1346, %broadcast_in_dim3A_1354 : vector<1x512xi32>
    %slice3A_1356 = vector.extract_strided_slice %reshape3A_687 {offsets = [3584, 0], sizes = [512, 1], strides = [1, 1]} : vector<4096x1xf32> to vector<512x1xf32>
    %gt3A_1357 = vector.broadcast %slice3A_1356 : vector<512x1xf32> to vector<512x512xf32>
    %gt3A_1358 = vector.broadcast %slice3A_1290 : vector<1x512xf32> to vector<512x512xf32>
    %gt3A_1359 = arith.cmpf ogt, %gt3A_1357, %gt3A_1358 : vector<512x512xf32>
    %eq3A_1360 = vector.broadcast %slice3A_1356 : vector<512x1xf32> to vector<512x512xf32>
    %eq3A_1361 = vector.broadcast %slice3A_1290 : vector<1x512xf32> to vector<512x512xf32>
    %eq3A_1362 = arith.cmpf oeq, %eq3A_1360, %eq3A_1361 : vector<512x512xf32>
    %and3A_1363 = arith.andi %eq3A_1362, %lt3A : vector<512x512xi1>
    %or3A_1364 = arith.ori %gt3A_1359, %and3A_1363 : vector<512x512xi1>
    %convert_element_type3A_1365 = arith.extui %or3A_1364 : vector<512x512xi1> to vector<512x512xi32>
    %reduce_sum3A_1366 = arith.constant dense<0> : vector<512xi32>
    %reduce_sum3A_1367 = vector.multi_reduction <add>, %convert_element_type3A_1365, %reduce_sum3A_1366 [0] : vector<512x512xi32> to vector<512xi32>
    %broadcast_in_dim3A_1368 = vector.shape_cast %reduce_sum3A_1367 : vector<512xi32> to vector<1x512xi32>
    %add3A_1369 = arith.addi %add3A_1355, %broadcast_in_dim3A_1368 : vector<1x512xi32>
    %swap3A_1370 = arith.constant 1 : index
    %swap3A_1371 = arith.constant 0 : index
    %swap3A_1372 = arith.constant 3584 : index
    %swap3A_1373 = vector.load %arg1[%swap3A_1370, %swap3A_1371, %swap3A_1372] : memref<2x1x4096xi32, #tpu.memory_space<vmem>>, vector<1x1x512xi32>
    %swap3A_1374 = vector.shape_cast %swap3A_1373 : vector<1x1x512xi32> to vector<1x512xi32>
    %swap3A_1375 = vector.shape_cast %add3A_1369 : vector<1x512xi32> to vector<1x1x512xi32>
    tpu.vector_store %arg1[%swap3A_1370, %swap3A_1371, %swap3A_1372], %swap3A_1375 {strides = array<i32>} : memref<2x1x4096xi32, #tpu.memory_space<vmem>>, vector<1x1x512xi32>,
    return
  }
}

</mosaic_0001>

<sc_bundles>
// kernel: kernel.6.cloned.1.call-start
scs
__scs_entry_jumppad:
0x0: {  	(pc) =	sbr.rel $0x88, $3  }
0x1: {  	(tag) =	ssettag $0x0;
	lr =	simm.s32 $0x1  }
0x2: {  	[smem:$0x3F9E] =	sst lr;
	_ =	strace $0xD0000000  }
0x3: {  	_ = 	snop  }
0x4: {  	_ = 	snop  }
0x5: {  	_ = 	snop  }
0x6: {  	_ = 	snop  }
0x7: {  	_ = 	snop  }
__scs_overlays_trampoline_lowered:
0x8: {  	[smem:$0x3FAD] =	sst s0  }
0x9: {  	[smem:$0x3FAE] =	sst s1  }
0xa: {  	[smem:$0x3FAF] =	sst s2  }
0xb: {  	[smem:$0x3FB0] =	sst s3  }
0xc: {  	[smem:$0x3FB1] =	sst s4  }
0xd: {  	[smem:$0x3FB2] =	sst s5  }
0xe: {  	[smem:$0x3FB3] =	sst s6  }
0xf: {  	[smem:$0x3FB4] =	sst s7  }
0x10: {  	[smem:$0x3FB5] =	sst s8  }
0x11: {  	[smem:$0x3FB6] =	sst s9;
	s0 =	simm.s32 @!p0 $0x0  }
0x12: {  	s1 =	sld [smem:$0x3F9C];
	s0 =	simm.s32 @p0 $0x1  }
0x13: {  	[smem:$0x3FB7] =	sst s0;
	s0 =	simm.s32 @!p1 $0x0  }
0x14: {  	s2 =	sld [smem:$0x3F9B];
	s0 =	simm.s32 @p1 $0x1  }
0x15: {  	[smem:$0x3FB8] =	sst s0;
	s0 =	simm.s32 @!p2 $0x0  }
0x16: {  	s3 =	sld [smem:$0x3FDB];
	s0 =	simm.s32 @p2 $0x1  }
0x17: {  	s4 =	simm.s32 $0x1BF5;
	[smem:$0x3FBA] =	sst s0  }
0x18: {  	s0 =	sld [smem:$0x3F9D];
	_ =	swait.ge [sflag:s4], $0x0  }
0x19: {  	s7 =	sld [smem:$0x3F9E]  }
0x1a: {  	s8 =	sadd.s32 $0xFFFFE003, lr  }
0x1b: {  	s9 =	sadd.s32 $0xFFFFFEF7, lr;
	s5 =	simm.s32 $0xFFFFFFFF;
	p2 =	slt.u32 s8, $0xFFFFF086  }
0x1c: {  	p1 =	slt.u32 s9, $0xF7A;
	s5 =	simm.s32 @!p2 $0x0  }
0x1d: {  	s5 =	simm.s32 @p1 $0x1;
	p0 =	seq.s32 s7, s2  }
0x1e: {  	s7 =	smul.u32 @!p0 $0xF7A, s2;
	p2 =	seq.s32 @!p0 s5, $0x0  }
0x1f: {  	s9 =	smul.u32 $0xF7A, s1;
	s8 =	simm.s32 @!p0 $0x1BF5;
	p2 =	por !p2, p0  }
0x20: {  	[sflag:s8] =	ssyncset.s32 @!p0 $0xFFFFF086;
	s6 =	sadd.s32 @!p0 s3, s7;
	s7 =	simm.s32 @!p0 $0x108  }
0x21: {  	s3 =	sadd.s32 s3, s9;
	s6 =	sadd.s32 @!p0 $0x88, s6;
	s7 =	simm.s32 @p2 $0x1082  }
0x22: {  	[simem:s7], [sflag:s8] =	dma.local @!p0 [hbm:s6], $0xF7A  }
0x23: {  	s9 =	sor.u32 $0xD0000000, s2;
	s6 =	simm.s32 $0x108;
	_ =	swait.ge @!p0 [sflag:s8], $0x0  }
0x24: {  	s3 =	sadd.s32 $0x88, s3;
	s6 =	simm.s32 @!p1 $0x1082;
	[sflag:s4] =	ssyncset.s32 $0xFFFFF086  }
0x25: {  	[simem:s6], [sflag:s4] =	dma.local [hbm:s3], $0xF7A  }
0x26: {  	[smem:$0x3F9E] =	sst s1;
	(tag) =	ssettag s2;
	_ =	strace s9  }
0x27: {  	s1 =	sld [smem:$0x3FAE]  }
0x28: {  	s2 =	sld [smem:$0x3FAF]  }
0x29: {  	s4 =	sld [smem:$0x3FB1]  }
0x2a: {  	p0 =	seq.s32 s5, $0x0;
	s5 =	sld [smem:$0x3FB2]  }
0x2b: {  	s6 =	sld [smem:$0x3FB3]  }
0x2c: {  	s7 =	sld [smem:$0x3FB4]  }
0x2d: {  	s3 =	simm.s32 $0x108;
	s8 =	sld [smem:$0x3FB5]  }
0x2e: {  	s3 =	simm.s32 @!p0 $0x1082;
	s9 =	sld [smem:$0x3FB6]  }
0x2f: {  	lr =	sadd.s32 s0, s3;
	s0 =	sld [smem:$0x3FAD]  }
0x30: {  	s3 =	sld [smem:$0x3FB0]  }
0x31: {  	[smem:$0x3FB9] =	sst s10  }
0x32: {  	s10 =	sld [smem:$0x3FB7];
	_ =	sdelay $0x3  }
0x33: {  	p0 =	seq.s32 s10, $0x1;
	s10 =	sld [smem:$0x3FB9];
	_ =	sdelay $0x3  }
0x34: {  	[smem:$0x3FB9] =	sst s10  }
0x35: {  	s10 =	sld [smem:$0x3FB8];
	_ =	sdelay $0x3  }
0x36: {  	p1 =	seq.s32 s10, $0x1;
	s10 =	sld [smem:$0x3FB9];
	_ =	sdelay $0x3  }
0x37: {  	[smem:$0x3FB9] =	sst s10  }
0x38: {  	s10 =	sld [smem:$0x3FBA]  }
0x39: {  	_ = 	snop;
	(pc) =	sbr.ind lr, $3  }
0x3a: {  	_ = 	snop  }
0x3b: {  	_ = 	snop  }
0x3c: {  	p2 =	seq.s32 s10, $0x1;
	s10 =	sld [smem:$0x3FB9]  }
0x3d: {  	_ =	shalt  }
0x3e: {  	_ =	shalt  }
0x3f: {  	_ =	shalt  }
0x40: {  	_ =	shalt  }
0x41: {  	_ =	shalt  }
0x42: {  	_ =	shalt  }
0x43: {  	_ =	shalt  }
0x44: {  	_ =	shalt  }
0x45: {  	_ =	shalt  }
0x46: {  	_ =	shalt  }
0x47: {  	_ =	shalt  }
0x48: {  	_ =	shalt  }
0x49: {  	_ =	shalt  }
0x4a: {  	_ =	shalt  }
0x4b: {  	_ =	shalt  }
0x4c: {  	_ =	shalt  }
0x4d: {  	_ =	shalt  }
0x4e: {  	_ =	shalt  }
0x4f: {  	_ =	shalt  }
0x50: {  	_ =	shalt  }
0x51: {  	_ =	shalt  }
0x52: {  	_ =	shalt  }
0x53: {  	_ =	shalt  }
0x54: {  	_ =	shalt  }
0x55: {  	_ =	shalt  }
0x56: {  	_ =	shalt  }
0x57: {  	_ =	shalt  }
0x58: {  	_ =	shalt  }
0x59: {  	_ =	shalt  }
0x5a: {  	_ =	shalt  }
0x5b: {  	_ =	shalt  }
0x5c: {  	_ =	shalt  }
0x5d: {  	_ =	shalt  }
0x5e: {  	_ =	shalt  }
0x5f: {  	_ =	shalt  }
0x60: {  	_ =	shalt  }
0x61: {  	_ =	shalt  }
0x62: {  	_ =	shalt  }
0x63: {  	_ =	shalt  }
0x64: {  	_ =	shalt  }
0x65: {  	_ =	shalt  }
0x66: {  	_ =	shalt  }
0x67: {  	_ =	shalt  }
0x68: {  	_ =	shalt  }
0x69: {  	_ =	shalt  }
0x6a: {  	_ =	shalt  }
0x6b: {  	_ =	shalt  }
0x6c: {  	_ =	shalt  }
0x6d: {  	_ =	shalt  }
0x6e: {  	_ =	shalt  }
0x6f: {  	_ =	shalt  }
0x70: {  	_ =	shalt  }
0x71: {  	_ =	shalt  }
0x72: {  	_ =	shalt  }
0x73: {  	_ =	shalt  }
0x74: {  	_ =	shalt  }
0x75: {  	_ =	shalt  }
0x76: {  	_ =	shalt  }
0x77: {  	_ =	shalt  }
0x78: {  	_ =	shalt  }
0x79: {  	_ =	shalt  }
0x7a: {  	_ =	shalt  }
0x7b: {  	_ =	shalt  }
0x7c: {  	_ =	shalt  }
0x7d: {  	_ =	shalt  }
0x7e: {  	_ =	shalt  }
0x7f: {  	_ =	shalt  }
0x80: {  	_ =	shalt  }
0x81: {  	_ =	shalt  }
0x82: {  	_ =	shalt  }
0x83: {  	_ =	shalt  }
0x84: {  	_ =	shalt  }
0x85: {  	_ =	shalt  }
0x86: {  	_ =	shalt  }
0x87: {  	_ =	shalt  }
.Lfunc_end0:
.L_simem_size_0:
called_computation_lowered:
.L_overlay_start_0:
0x88: {  	s2 =	sld [smem:$0x3FD9]  }
0x89: {  	s3 =	sld [smem:$0x3FFE];
	_ =	sdelay $0x1  }
0x8a: {  	s1 =	srdreg.scid  }
0x8b: {  	s0 =	sand.u32 $0x1, s1  }
0x8c: {  	s14 =	sshll.u32 s0, $0xA;
	s2 =	sadd.s32 s3, s2  }
0x8d: {  	s2 =	sadd.s32 s2, s14  }
0x8e: {  	[smem:$0x3FC5] =	sst s2  }
0x8f: {  	_ = 	snop  }
0x90: {  	s2 =	sld [smem:$0x3FD0];
	_ =	sdelay $0x1  }
0x91: {  	s15 =	sld [smem:$0x3FC9]  }
0x92: {  	s5 =	simm.s32 $0xA;
	s6 =	simm.s32 $0x10;
	s4 =	sld [smem:$0x3FC8]  }
0x93: {  	[smem:s6], [sflag:s5] =	dma.local [hbm:s2], $0x1  }
0x94: {  	_ =	swait.eq [sflag:s5], $0x1  }
0x95: {  	[sflag:s5] =	ssyncset.done $0x0  }
0x96: {  	s16 =	sld [smem:$0x10];
	[sflag:s5] =	ssyncadd.s32 $0xFFFFFFFF  }
0x97: {  	s17 =	sld [smem:$0x11];
	(tm) =	ssettm $0x1  }
0x98: {  	s18 =	sld [smem:$0x3FFB];
	_ =	sdelay $0x3  }
0x99: {  	_ =	strace s18  }
0x9a: {  	s6 =	sld [smem:$0x3FFC];
	_ =	sdelay $0x3  }
0x9b: {  	_ =	strace s6  }
0x9c: {  	s6 =	sld [smem:$0x3FFD];
	_ =	sdelay $0x3  }
0x9d: {  	_ =	strace s6  }
0x9e: {  	_ =	strace $0x8FFFFFFF  }
0x9f: {  	s19 =	sld [smem:$0x3FDB];
	_ =	sdelay $0x1  }
0xa0: {  	s7 =	simm.s32 $_scs_section_size  }
0xa1: {  	s8 =	simm.s32 $_size__tile_overlayer_lowered;
	s9 =	simm.s32 $_tile_overlayer_lowered  }
0xa2: {  	s22 =	simm.s32 $0x1BFF;
	s21 =	sshll.u32 s9, $0x1;
	s6 =	sadd.s32 s7, s19  }
0xa3: {  	s10 =	simm.s32 $0x0;
	s20 =	sshll.u32 s8, $0x1;
	s8 =	sadd.s32 s21, s6  }
0xa4: {  	[timem:s10], [sflag:s22] =	dma.local [hbm:s8], s20  }
0xa5: {  	_ =	swait.ge [sflag:s22], s20  }
0xa6: {  	s7 =	ssub.s32 $0x0, s20;
	[sflag:s22] =	ssyncset.done $0x0  }
0xa7: {  	[sflag:s22] =	ssyncadd.s32 s7;
	_ =	sdelay $0x1  }
0xa8: {  	s23 =	simm.s32 $0x1B8B  }
0xa9: {  	_ =	swait.ge [sflag:s23], $0x1  }
0xaa: {  	[sflag:s23] =	ssyncset.done $0x0  }
0xab: {  	s25 =	simm.s32 $0x1B8E;
	s24 =	sld [smem:$0x3FFE];
	[sflag:s23] =	ssyncadd.s32 $0xFFFFFFFF  }
0xac: {  	s26 =	simm.s32 $execute0_lowered;
	[smem:$0x3FD2] =	sst s25  }
0xad: {  	s8 =	sshll.u32 s26, $0x1;
	_ =	strace $0x80000046;
	[dreg:$0x1] =	wrdreg $0xFFFFFFFF  }
0xae: {  	s28 =	simm.s32 $_size_execute0_lowered;
	s6 =	sadd.s32 s6, s8;
	[dreg:$0x0] =	wrdreg $0x0  }
0xaf: {  	s8 =	sshll.u32 s28, $0x1;
	[dreg:$0x2] =	wrdreg s6  }
0xb0: {  	[dreg:$0x3] =	wrdreg s8  }
0xb1: {  	[dreg:$0x4] =	wrdreg $0xC0  }
0xb2: {  	_ =	task [dreg:s10], $0x5FFFF  }
0xb3: {  	[dreg:$0x1] =	wrdreg $0xFFFFFFFF  }
0xb4: {  	[dreg:$0x0] =	wrdreg $0x60  }
0xb5: {  	[dreg:$0x2] =	wrdreg s24  }
0xb6: {  	[dreg:$0x3] =	wrdreg s15  }
0xb7: {  	[dreg:$0x4] =	wrdreg s4  }
0xb8: {  	[dreg:$0x5] =	wrdreg s16  }
0xb9: {  	[dreg:$0x6] =	wrdreg s17  }
0xba: {  	[dreg:$0x7] =	wrdreg $0x3000  }
0xbb: {  	[dreg:$0x8] =	wrdreg $0x9  }
0xbc: {  	_ =	task.clear_ibuf [dreg:s10], $0x9FFFF;
	_ =	strace $0x90000046  }
0xbd: {  	s29 =	simm.s32 $0x9;
	_ =	strace $0x8000004D  }
0xbe: {  	_ =	swait.ge [sflag:s29], $0x1  }
0xbf: {  	[sflag:s29] =	ssyncadd.s32 $0xFFFFFFFF  }
0xc0: {  	_ =	strace $0x9000004D  }
0xc1: {  	_ =	sfence  }
0xc2: {  	s30 =	sld [smem:$0x0];
	_ =	sdelay $0x2  }
0xc3: {  	s31 =	sshll.u32 s1, $0xD;
	s1 =	sshrl.u32 s1, $0x2  }
0xc4: {  	s3 =	sand.u32 $0x4000, s31;
	s1 =	sadd.s32 s1, s30  }
0xc5: {  	s0 =	sor.u32 s3, s0;
	s1 =	sshll.u32 s1, $0x11  }
0xc6: {  	s0 =	sor.u32 s1, s0  }
0xc7: {  	s0 =	sadd.s32 $0x8F2B, s0  }
0xc8: {  	[sflag:s0] =	ssyncadd.remote.s32 $0x1  }
0xc9: {  	_ =	sfence.sel $0xFFFF  }
0xca: {  	[dreg:$0x0] =	wrdreg $0xFFFFFFFF;
	(pc) =	sbr.abs _section_cstart, $3  }
0xcb: {  	[dreg:$0x1] =	wrdreg $0xFFFFFFFF  }
0xcc: {  	_ =	task.clear_ibuf [dreg:s10], $0x2FFFF;
	_ =	strace $0x9FFFFFFF  }
0xcd: {  	(tm) =	ssettm $0x7FFFFFFF  }
tec
execute0_lowered:
.L_overlay_start_1:
0x0: {  	(tag) =	ssettag $0x1  }
0x1: {  	s1 =	rddreg [dreg:$0x0]  }
0x2: {  	s0 =	rddreg [dreg:$0x1]  }
0x3: {  	s3 =	rddreg [dreg:$0x3]  }
0x4: {  	s2 =	srdreg.scid;
	s4 =	rddreg [dreg:$0x4]  }
0x5: {  	s6 =	stileid.u32;
	s10 =	rddreg [dreg:$0x5];
	s28 =	simm.s32 $0x3E00  }
0x6: {  	s7 =	sand.u32 $0x1, s2;
	s5 =	sshll.u32 s6, $0x8;
	s6 =	smul.u32 $0xC0, s6  }
0x7: {  	s2 =	sshll.u32 s7, $0xC;
	s8 =	smul.u32 $0xC00, s7;
	s16 =	ssub.s32 $0x2, s7  }
0x8: {  	s2 =	sor.u32 s5, s2;
	s5 =	simm.s32 $0x0;
	s12 =	sadd.s32 s6, s10  }
0x9: {  	s7 =	sshrl.u32 s16, $0x1;
	s10 =	simm.s32 $0x200;
	s9 =	sshrl.u32 s2, $0x3  }
0xa: {  	[smem:$0x7FF] =	sst s5;
	s8 =	sadd.s32 s6, s8;
	s14 =	sor.u32 $0x40, s2  }
0xb: {  	s15 =	sor.u32 $0x60, s2;
	s29 =	sor.u32 $0xB0, s2;
	s30 =	sor.u32 $0xC0, s2  }
0xc: {  	s31 =	sor.u32 $0xD0, s2;
	s1 =	sadd.s32 s9, s1;
	_ =	strace $0x80000047  }
0xd: {  	s11 =	sshll.u32 s8, $0x7;
	[dreg:$0x8] =	wrdreg s12;
	s9 =	ssub.s32 s16, s7  }
0xe: {  	s6 =	sshrl.u32 s8, $0x3;
	s8 =	simm.s32 $0x100;
	[dreg:$0x16] =	wrdreg s10  }
0xf: {  	s16 =	sor.u32 $0x10, s2;
	s1 =	sadd.s32 $0x1600, s1;
	[dreg:$0x15] =	wrdreg s8  }
0x10: {  	s12 =	sor.u32 $0x20, s2;
	s13 =	sadd.s32 s3, s11;
	[dreg:$0x7] =	wrdreg s1  }
0x11: {  	v18 =	vlaneseq.u32;
	s10 =	sadd.s32 $0x300, s0;
	s7 =	sadd.s32 s4, s6;
	[dreg:$0x1b] =	wrdreg s13  }
0x12: {  	v11 =	vor.u32 s29, v18;
	s29 =	simm.s32 $0x6E00;
	s11 =	simm.s32 $0x180;
	[dreg:$0x14] =	wrdreg s7  }
0x13: {  	v12 =	vor.u32 s30, v18;
	s30 =	simm.s32 $0x7600;
	s17 =	sadd.s32 $0x800, s13;
	[dreg:$0x17] =	wrdreg s11  }
0x14: {  	v13 =	vor.u32 s31, v18;
	s31 =	simm.s32 $0x7E00;
	s18 =	sadd.s32 $0x1000, s13;
	[dreg:$0x9] =	wrdreg s17  }
0x15: {  	s8 =	sadd.s32 $0x200, s0;
	s19 =	sadd.s32 $0x1800, s13;
	[dreg:$0xa] =	wrdreg s18  }
0x16: {  	v2 =	vor.u32 s12, v18;
	s12 =	simm.s32 $0xC600;
	s20 =	sadd.s32 $0x2000, s13;
	[dreg:$0xb] =	wrdreg s19  }
0x17: {  	s4 =	simm.s32 $0x10600;
	s21 =	sadd.s32 $0x2800, s13;
	[dreg:$0xc] =	wrdreg s20  }
0x18: {  	s22 =	sadd.s32 $0x3000, s13;
	s23 =	sadd.s32 $0x3800, s13;
	[dreg:$0xd] =	wrdreg s21  }
0x19: {  	s24 =	sadd.s32 $0x4000, s13;
	s25 =	sadd.s32 $0x4800, s13;
	[dreg:$0xe] =	wrdreg s22  }
0x1a: {  	s26 =	sadd.s32 $0x5000, s13;
	s3 =	sadd.s32 $0x5800, s13;
	[dreg:$0xf] =	wrdreg s23  }
0x1b: {  	s13 =	simm.s32 $0x280;
	s7 =	sadd.s32 $0x100, s0;
	[dreg:$0x10] =	wrdreg s24  }
0x1c: {  	s11 =	simm.s32 $0xE;
	s19 =	sor.u32 $0x30, s2;
	[dreg:$0x11] =	wrdreg s25  }
0x1d: {  	vm0 =	vmmov $0xffff;
	v17 =	vshrl.u32 v18, $0x3;
	s17 =	sor.u32 $0x50, s2;
	s21 =	sor.u32 $0x70, s2;
	[dreg:$0x12] =	wrdreg s26  }
0x1e: {  	v16 =	vand.u32 $0x7, v18;
	v17 =	vmul.u32 $0x8, v17;
	v0 =	vor.u32 s2, v18;
	s22 =	sor.u32 $0x80, s2;
	[dreg:$0x13] =	wrdreg s3;
	s25 =	sor.u32 $0x90, s2  }
0x1f: {  	v4 =	vor.u32 s14, v18;
	v6 =	vor.u32 s15, v18;
	v1 =	vor.u32 s16, v18;
	s26 =	sor.u32 $0xA0, s2;
	[dreg:$0x18] =	wrdreg s13;
	s18 =	simm.s32 $0x460  }
0x20: {  	s20 =	sor.u32 $0xE0, s2;
	s23 =	simm.s32 $0x560;
	s24 =	sor.u32 $0xF0, s2;
	v3 =	vor.u32 s19, v18;
	v5 =	vor.u32 s17, v18;
	v7 =	vor.u32 s21, v18  }
0x21: {  	s13 =	smax.u32 s9, $0x1;
	s2 =	simm.s32 $0x14600;
	[dreg:$0x19] =	wrdreg s18;
	v8 =	vor.u32 s22, v18;
	v9 =	vor.u32 s25, v18;
	v10 =	vor.u32 s26, v18  }
0x22: {  	[dreg:$0x1a] =	wrdreg s23;
	v14 =	vor.u32 s20, v18;
	v15 =	vor.u32 s24, v18;
	v18 =	vor.u32 $0x8, v18;
	s25 =	simm.s32 $0x5E00;
	s26 =	simm.s32 $0x6600  }
.LBB2_1:
0x23: {  	_ =	strace $0x80000048  }
0x24: {  	s19 =	rddreg [dreg:$0x7]  }
0x25: {  	[tilespmem:s5], [sflag:$0xE] =	stream.linear.gather [hbm4b:s19+s5], $0x100, $0x200038;
	[tilespmem:$0x18600] =	vst v63  }
0x26: {  	_ =	swait.ge [sflag:s11], $0x100  }
0x27: {  	[sflag:s11] =	ssyncset.done $0x0  }
0x28: {  	[sflag:s11] =	ssyncadd.s32 $0xFFFFFF00  }
0x29: {  	v19 =	vld [tilespmem:$0x0];
	_ =	sdelay $0x3  }
0x2a: {  	v20 =	vld [tilespmem:$0x10];
	[tilespmem:$0x200] =	vst v0  }
0x2b: {  	[tilespmem:$0x100] =	vst v19;
	v19 =	vld [tilespmem:$0x50]  }
0x2c: {  	[tilespmem:$0x210] =	vst v1  }
0x2d: {  	[tilespmem:$0x220] =	vst v2  }
0x2e: {  	[tilespmem:$0x230] =	vst v3  }
0x2f: {  	[tilespmem:$0x110] =	vst v20;
	v20 =	vld [tilespmem:$0x60]  }
0x30: {  	[tilespmem:$0x150] =	vst v19;
	v19 =	vld [tilespmem:$0x70]  }
0x31: {  	[tilespmem:$0x240] =	vst v4  }
0x32: {  	[tilespmem:$0x250] =	vst v5  }
0x33: {  	[tilespmem:$0x260] =	vst v6  }
0x34: {  	[tilespmem:$0x160] =	vst v20;
	v20 =	vld [tilespmem:$0x80]  }
0x35: {  	[tilespmem:$0x170] =	vst v19;
	v19 =	vld [tilespmem:$0x90]  }
0x36: {  	[tilespmem:$0x270] =	vst v7  }
0x37: {  	[tilespmem:$0x280] =	vst v8  }
0x38: {  	[tilespmem:$0x290] =	vst v9  }
0x39: {  	[tilespmem:$0x180] =	vst v20;
	v20 =	vld [tilespmem:$0xA0]  }
0x3a: {  	[tilespmem:$0x190] =	vst v19;
	v19 =	vld [tilespmem:$0xB0]  }
0x3b: {  	[tilespmem:$0x2A0] =	vst v10  }
0x3c: {  	[tilespmem:$0x2B0] =	vst v11  }
0x3d: {  	[tilespmem:$0x2C0] =	vst v12  }
0x3e: {  	[tilespmem:$0x1A0] =	vst v20;
	v20 =	vld [tilespmem:$0xC0]  }
0x3f: {  	[tilespmem:$0x1B0] =	vst v19;
	v19 =	vld [tilespmem:$0xD0]  }
0x40: {  	v21 =	vld [tilespmem:$0x20];
	[tilespmem:$0x2D0] =	vst v13  }
0x41: {  	v22 =	vld [tilespmem:$0x30];
	[tilespmem:$0x2E0] =	vst v14  }
0x42: {  	v23 =	vld [tilespmem:$0x40];
	[tilespmem:$0x2F0] =	vst v15  }
0x43: {  	[tilespmem:$0x1C0] =	vst v20;
	v20 =	vld [tilespmem:$0xE0]  }
0x44: {  	[tilespmem:$0x1D0] =	vst v19;
	v19 =	vld [tilespmem:$0xF0]  }
0x45: {  	[tilespmem:$0x120] =	vst v21  }
0x46: {  	[tilespmem:$0x130] =	vst v22  }
0x47: {  	s16 =	rddreg [dreg:$0x15];
	[tilespmem:$0x140] =	vst v23  }
0x48: {  	s20 =	rddreg [dreg:$0x16];
	[tilespmem:$0x1E0] =	vst v20  }
0x49: {  	s22 =	simm.s32 $0x80;
	s21 =	rddreg [dreg:$0x5];
	[tilespmem:$0x1F0] =	vst v19  }
0x4a: {  	[spmem:s21] =	stream.indirect.scatter [tilespmem:s20], [sflag:$0xE], $0x1, s16, s22, $0x2000b8;
	[tilespmem:$0x18600] =	vst v63  }
0x4b: {  	_ =	swait.ge [sflag:s11], $0x80  }
0x4c: {  	s17 =	rddreg [dreg:$0x17];
	[sflag:s11] =	ssyncset.done $0x0  }
0x4d: {  	s18 =	rddreg [dreg:$0x18];
	[sflag:s11] =	ssyncadd.s32 $0xFFFFFF80  }
0x4e: {  	[spmem:s21] =	stream.indirect.scatter [tilespmem:s18], [sflag:$0xE], $0x1, s17, s22, $0x2000b8;
	[tilespmem:$0x18600] =	vst v63  }
0x4f: {  	_ =	swait.ge [sflag:s11], $0x80  }
0x50: {  	[sflag:s11] =	ssyncset.done $0x0  }
0x51: {  	[sflag:s11] =	ssyncadd.s32 $0xFFFFFF80  }
0x52: {  	_ =	strace $0x90000048  }
0x53: {  	_ =	strace $0x80000049  }
0x54: {  	[bflag:$0x0] =	sbarrier.arrive $0xFFFF  }
0x55: {  	_ =	strace $0x90000049  }
0x56: {  	_ =	strace $0x8000004A  }
0x57: {  	s21 =	simm.s32 $0x400;
	s20 =	rddreg [dreg:$0x8]  }
0x58: {  	[tilespmem:s21], [sflag:$0xE] =	stream.linear.gather [spmem:s20], $0xC0, $0x200038;
	[tilespmem:$0x18600] =	vst v63  }
0x59: {  	_ =	swait.ge [sflag:s11], $0xC0  }
0x5a: {  	[sflag:s11] =	ssyncset.done $0x0  }
0x5b: {  	[sflag:s11] =	ssyncadd.s32 $0xFFFFFF40  }
0x5c: {  	_ =	strace $0x9000004A  }
0x5d: {  	s23 =	rddreg [dreg:$0x19]  }
0x5e: {  	s6 =	simm.s32 $0x60;
	s1 =	simm.s32 $0x500;
	s3 =	rddreg [dreg:$0x2]  }
0x5f: {  	[tilespmem:s1], [sflag:$0xD] =	stream.indirect.gather [hbm4b:s3+s6], $0x1, s21, s6, $0xb8;
	[tilespmem:$0x18600] =	vst v63  }
0x60: {  	s24 =	rddreg [dreg:$0x1a]  }
0x61: {  	[tilespmem:s24], [sflag:$0xD] =	stream.indirect.gather [hbm4b:s3+s6], $0x1, s23, s6, $0xb8;
	[tilespmem:$0x18600] =	vst v63  }
0x62: {  	_ =	strace $0x8000004B  }
0x63: {  	v19 =	vld [tilespmem:$0x400];
	_ =	sdelay $0x4  }
0x64: {  	v20 =	vshll.u32 v19, $0x3  }
0x65: {  	v19 =	vand.u32 $0x7, v19;
	v20 =	vand.u32 $0xFFFFFFC0, v20  }
0x66: {  	v19 =	vor.u32 v19, v20  }
0x67: {  	v20 =	vperm.xlane v19, v16;
	_ =	sdelay $0x1  }
0x68: {  	v20 =	vadd.s32 v17, v20;
	_ =	sdelay $0x3  }
0x69: {  	s6 =	simm.s32 $0x600  }
0x6a: {  	[tilespmem:s6], [sflag:$0x1] =	stream.indirect_vreg.gather [hbm4b:s0+s5], $0x80, v20, vm0, $0x2000b8;
	[tilespmem:$0x18600] =	vst v63  }
0x6b: {  	s19 =	simm.s32 $0xE00;
	v19 =	vperm.xlane v19, v18  }
0x6c: {  	[tilespmem:s19], [sflag:$0x1] =	stream.indirect_vreg.gather [hbm4b:s7+s5], $0x80, v20, vm0, $0x2000b8;
	[tilespmem:$0x18600] =	vst v63  }
0x6d: {  	s21 =	simm.s32 $0x1600;
	v19 =	vadd.s32 v17, v19  }
0x6e: {  	[tilespmem:s21], [sflag:$0x1] =	stream.indirect_vreg.gather [hbm4b:s8+s5], $0x80, v20, vm0, $0x2000b8;
	[tilespmem:$0x18600] =	vst v63  }
0x6f: {  	s22 =	simm.s32 $0x1E00  }
0x70: {  	[tilespmem:s22], [sflag:$0x1] =	stream.indirect_vreg.gather [hbm4b:s10+s5], $0x80, v20, vm0, $0x2000b8;
	[tilespmem:$0x18600] =	vst v63  }
0x71: {  	s24 =	simm.s32 $0x2600  }
0x72: {  	[tilespmem:s24], [sflag:$0x1] =	stream.indirect_vreg.gather [hbm4b:s0+s5], $0x80, v19, vm0, $0x2000b8;
	[tilespmem:$0x18600] =	vst v63  }
0x73: {  	s3 =	simm.s32 $0x2E00  }
0x74: {  	[tilespmem:s3], [sflag:$0x1] =	stream.indirect_vreg.gather [hbm4b:s7+s5], $0x80, v19, vm0, $0x2000b8;
	[tilespmem:$0x18600] =	vst v63  }
0x75: {  	s18 =	simm.s32 $0x3600  }
0x76: {  	[tilespmem:s18], [sflag:$0x1] =	stream.indirect_vreg.gather [hbm4b:s8+s5], $0x80, v19, vm0, $0x2000b8;
	[tilespmem:$0x18600] =	vst v63  }
0x77: {  	_ = 	snop  }
0x78: {  	[tilespmem:s28], [sflag:$0x1] =	stream.indirect_vreg.gather [hbm4b:s10+s5], $0x80, v19, vm0, $0x2000b8;
	[tilespmem:$0x18600] =	vst v63  }
0x79: {  	v19 =	vld [tilespmem:$0x410];
	_ =	sdelay $0x4  }
0x7a: {  	v20 =	vshll.u32 v19, $0x3  }
0x7b: {  	v19 =	vand.u32 $0x7, v19;
	v20 =	vand.u32 $0xFFFFFFC0, v20  }
0x7c: {  	v19 =	vor.u32 v19, v20  }
0x7d: {  	v20 =	vperm.xlane v19, v16;
	_ =	sdelay $0x1  }
0x7e: {  	v20 =	vadd.s32 v17, v20;
	_ =	sdelay $0x3  }
0x7f: {  	s9 =	simm.s32 $0x4600  }
0x80: {  	[tilespmem:s9], [sflag:$0x2] =	stream.indirect_vreg.gather [hbm4b:s0+s5], $0x80, v20, vm0, $0x2000b8;
	[tilespmem:$0x18600] =	vst v63  }
0x81: {  	s23 =	simm.s32 $0x4E00;
	v19 =	vperm.xlane v19, v18  }
0x82: {  	[tilespmem:s23], [sflag:$0x2] =	stream.indirect_vreg.gather [hbm4b:s7+s5], $0x80, v20, vm0, $0x2000b8;
	[tilespmem:$0x18600] =	vst v63  }
0x83: {  	s16 =	simm.s32 $0x5600;
	v19 =	vadd.s32 v17, v19  }
0x84: {  	[tilespmem:s16], [sflag:$0x2] =	stream.indirect_vreg.gather [hbm4b:s8+s5], $0x80, v20, vm0, $0x2000b8;
	[tilespmem:$0x18600] =	vst v63  }
0x85: {  	_ = 	snop  }
0x86: {  	[tilespmem:s25], [sflag:$0x2] =	stream.indirect_vreg.gather [hbm4b:s10+s5], $0x80, v20, vm0, $0x2000b8;
	[tilespmem:$0x18600] =	vst v63  }
0x87: {  	_ = 	snop  }
0x88: {  	[tilespmem:s26], [sflag:$0x2] =	stream.indirect_vreg.gather [hbm4b:s0+s5], $0x80, v19, vm0, $0x2000b8;
	[tilespmem:$0x18600] =	vst v63  }
0x89: {  	_ = 	snop  }
0x8a: {  	[tilespmem:s29], [sflag:$0x2] =	stream.indirect_vreg.gather [hbm4b:s7+s5], $0x80, v19, vm0, $0x2000b8;
	[tilespmem:$0x18600] =	vst v63  }
0x8b: {  	_ = 	snop  }
0x8c: {  	[tilespmem:s30], [sflag:$0x2] =	stream.indirect_vreg.gather [hbm4b:s8+s5], $0x80, v19, vm0, $0x2000b8;
	[tilespmem:$0x18600] =	vst v63  }
0x8d: {  	_ = 	snop  }
0x8e: {  	[tilespmem:s31], [sflag:$0x2] =	stream.indirect_vreg.gather [hbm4b:s10+s5], $0x80, v19, vm0, $0x2000b8;
	[tilespmem:$0x18600] =	vst v63  }
0x8f: {  	v19 =	vld [tilespmem:$0x420];
	_ =	sdelay $0x4  }
0x90: {  	v20 =	vshll.u32 v19, $0x3  }
0x91: {  	v19 =	vand.u32 $0x7, v19;
	v20 =	vand.u32 $0xFFFFFFC0, v20  }
0x92: {  	v19 =	vor.u32 v19, v20  }
0x93: {  	v20 =	vperm.xlane v19, v16;
	_ =	sdelay $0x1  }
0x94: {  	v20 =	vadd.s32 v17, v20;
	_ =	sdelay $0x3  }
0x95: {  	s14 =	simm.s32 $0x8600  }
0x96: {  	[tilespmem:s14], [sflag:$0x3] =	stream.indirect_vreg.gather [hbm4b:s0+s5], $0x80, v20, vm0, $0x2000b8;
	[tilespmem:$0x18600] =	vst v63  }
0x97: {  	s20 =	simm.s32 $0x8E00;
	v19 =	vperm.xlane v19, v18  }
0x98: {  	[tilespmem:s20], [sflag:$0x3] =	stream.indirect_vreg.gather [hbm4b:s7+s5], $0x80, v20, vm0, $0x2000b8;
	[tilespmem:$0x18600] =	vst v63  }
0x99: {  	s15 =	simm.s32 $0x9600;
	v19 =	vadd.s32 v17, v19  }
0x9a: {  	[tilespmem:s15], [sflag:$0x3] =	stream.indirect_vreg.gather [hbm4b:s8+s5], $0x80, v20, vm0, $0x2000b8;
	[tilespmem:$0x18600] =	vst v63  }
0x9b: {  	s17 =	simm.s32 $0x9E00  }
0x9c: {  	[tilespmem:s17], [sflag:$0x3] =	stream.indirect_vreg.gather [hbm4b:s10+s5], $0x80, v20, vm0, $0x2000b8;
	[tilespmem:$0x18600] =	vst v63  }
0x9d: {  	s14 =	simm.s32 $0xA600  }
0x9e: {  	[tilespmem:s14], [sflag:$0x3] =	stream.indirect_vreg.gather [hbm4b:s0+s5], $0x80, v19, vm0, $0x2000b8;
	[tilespmem:$0x18600] =	vst v63  }
0x9f: {  	s15 =	simm.s32 $0xAE00  }
0xa0: {  	[tilespmem:s15], [sflag:$0x3] =	stream.indirect_vreg.gather [hbm4b:s7+s5], $0x80, v19, vm0, $0x2000b8;
	[tilespmem:$0x18600] =	vst v63  }
0xa1: {  	s17 =	simm.s32 $0xB600  }
0xa2: {  	[tilespmem:s17], [sflag:$0x3] =	stream.indirect_vreg.gather [hbm4b:s8+s5], $0x80, v19, vm0, $0x2000b8;
	[tilespmem:$0x18600] =	vst v63  }
0xa3: {  	s6 =	simm.s32 $0xBE00  }
0xa4: {  	[tilespmem:s6], [sflag:$0x3] =	stream.indirect_vreg.gather [hbm4b:s10+s5], $0x80, v19, vm0, $0x2000b8;
	[tilespmem:$0x18600] =	vst v63  }
0xa5: {  	v19 =	vld [tilespmem:$0x430];
	_ =	sdelay $0x4  }
0xa6: {  	v20 =	vshll.u32 v19, $0x3  }
0xa7: {  	v19 =	vand.u32 $0x7, v19;
	v20 =	vand.u32 $0xFFFFFFC0, v20  }
0xa8: {  	v19 =	vor.u32 v19, v20  }
0xa9: {  	v20 =	vperm.xlane v19, v16;
	_ =	sdelay $0x1  }
0xaa: {  	v20 =	vadd.s32 v17, v20;
	_ =	sdelay $0x4  }
0xab: {  	[tilespmem:s12], [sflag:$0x4] =	stream.indirect_vreg.gather [hbm4b:s0+s5], $0x80, v20, vm0, $0x2000b8;
	[tilespmem:$0x18600] =	vst v63  }
0xac: {  	s9 =	simm.s32 $0xCE00;
	v19 =	vperm.xlane v19, v18  }
0xad: {  	[tilespmem:s9], [sflag:$0x4] =	stream.indirect_vreg.gather [hbm4b:s7+s5], $0x80, v20, vm0, $0x2000b8;
	[tilespmem:$0x18600] =	vst v63  }
0xae: {  	s6 =	simm.s32 $0xD600;
	v19 =	vadd.s32 v17, v19  }
0xaf: {  	[tilespmem:s6], [sflag:$0x4] =	stream.indirect_vreg.gather [hbm4b:s8+s5], $0x80, v20, vm0, $0x2000b8;
	[tilespmem:$0x18600] =	vst v63  }
0xb0: {  	s9 =	simm.s32 $0xDE00  }
0xb1: {  	[tilespmem:s9], [sflag:$0x4] =	stream.indirect_vreg.gather [hbm4b:s10+s5], $0x80, v20, vm0, $0x2000b8;
	[tilespmem:$0x18600] =	vst v63  }
0xb2: {  	s6 =	simm.s32 $0xE600  }
0xb3: {  	[tilespmem:s6], [sflag:$0x4] =	stream.indirect_vreg.gather [hbm4b:s0+s5], $0x80, v19, vm0, $0x2000b8;
	[tilespmem:$0x18600] =	vst v63  }
0xb4: {  	s9 =	simm.s32 $0xEE00  }
0xb5: {  	[tilespmem:s9], [sflag:$0x4] =	stream.indirect_vreg.gather [hbm4b:s7+s5], $0x80, v19, vm0, $0x2000b8;
	[tilespmem:$0x18600] =	vst v63  }
0xb6: {  	s6 =	simm.s32 $0xF600  }
0xb7: {  	[tilespmem:s6], [sflag:$0x4] =	stream.indirect_vreg.gather [hbm4b:s8+s5], $0x80, v19, vm0, $0x2000b8;
	[tilespmem:$0x18600] =	vst v63  }
0xb8: {  	s9 =	simm.s32 $0xFE00  }
0xb9: {  	[tilespmem:s9], [sflag:$0x4] =	stream.indirect_vreg.gather [hbm4b:s10+s5], $0x80, v19, vm0, $0x2000b8;
	[tilespmem:$0x18600] =	vst v63  }
0xba: {  	v19 =	vld [tilespmem:$0x440];
	_ =	sdelay $0x4  }
0xbb: {  	v20 =	vshll.u32 v19, $0x3  }
0xbc: {  	v19 =	vand.u32 $0x7, v19;
	v20 =	vand.u32 $0xFFFFFFC0, v20  }
0xbd: {  	v19 =	vor.u32 v19, v20  }
0xbe: {  	v20 =	vperm.xlane v19, v16;
	_ =	sdelay $0x1  }
0xbf: {  	v20 =	vadd.s32 v17, v20;
	_ =	sdelay $0x4  }
0xc0: {  	[tilespmem:s4], [sflag:$0x5] =	stream.indirect_vreg.gather [hbm4b:s0+s5], $0x80, v20, vm0, $0x2000b8;
	[tilespmem:$0x18600] =	vst v63  }
0xc1: {  	s6 =	simm.s32 $0x10E00;
	v19 =	vperm.xlane v19, v18  }
0xc2: {  	[tilespmem:s6], [sflag:$0x5] =	stream.indirect_vreg.gather [hbm4b:s7+s5], $0x80, v20, vm0, $0x2000b8;
	[tilespmem:$0x18600] =	vst v63  }
0xc3: {  	s9 =	simm.s32 $0x11600;
	v19 =	vadd.s32 v17, v19  }
0xc4: {  	[tilespmem:s9], [sflag:$0x5] =	stream.indirect_vreg.gather [hbm4b:s8+s5], $0x80, v20, vm0, $0x2000b8;
	[tilespmem:$0x18600] =	vst v63  }
0xc5: {  	s6 =	simm.s32 $0x11E00  }
0xc6: {  	[tilespmem:s6], [sflag:$0x5] =	stream.indirect_vreg.gather [hbm4b:s10+s5], $0x80, v20, vm0, $0x2000b8;
	[tilespmem:$0x18600] =	vst v63  }
0xc7: {  	s9 =	simm.s32 $0x12600  }
0xc8: {  	[tilespmem:s9], [sflag:$0x5] =	stream.indirect_vreg.gather [hbm4b:s0+s5], $0x80, v19, vm0, $0x2000b8;
	[tilespmem:$0x18600] =	vst v63  }
0xc9: {  	s6 =	simm.s32 $0x12E00  }
0xca: {  	[tilespmem:s6], [sflag:$0x5] =	stream.indirect_vreg.gather [hbm4b:s7+s5], $0x80, v19, vm0, $0x2000b8;
	[tilespmem:$0x18600] =	vst v63  }
0xcb: {  	s9 =	simm.s32 $0x13600  }
0xcc: {  	[tilespmem:s9], [sflag:$0x5] =	stream.indirect_vreg.gather [hbm4b:s8+s5], $0x80, v19, vm0, $0x2000b8;
	[tilespmem:$0x18600] =	vst v63  }
0xcd: {  	s6 =	simm.s32 $0x13E00  }
0xce: {  	[tilespmem:s6], [sflag:$0x5] =	stream.indirect_vreg.gather [hbm4b:s10+s5], $0x80, v19, vm0, $0x2000b8;
	[tilespmem:$0x18600] =	vst v63  }
0xcf: {  	v19 =	vld [tilespmem:$0x450];
	_ =	sdelay $0x4  }
0xd0: {  	v20 =	vshll.u32 v19, $0x3  }
0xd1: {  	v19 =	vand.u32 $0x7, v19;
	v20 =	vand.u32 $0xFFFFFFC0, v20  }
0xd2: {  	v19 =	vor.u32 v19, v20  }
0xd3: {  	v20 =	vperm.xlane v19, v16;
	_ =	sdelay $0x1  }
0xd4: {  	v20 =	vadd.s32 v17, v20;
	_ =	sdelay $0x4  }
0xd5: {  	[tilespmem:s2], [sflag:$0x6] =	stream.indirect_vreg.gather [hbm4b:s0+s5], $0x80, v20, vm0, $0x2000b8;
	[tilespmem:$0x18600] =	vst v63  }
0xd6: {  	s9 =	simm.s32 $0x14E00;
	v19 =	vperm.xlane v19, v18  }
0xd7: {  	[tilespmem:s9], [sflag:$0x6] =	stream.indirect_vreg.gather [hbm4b:s7+s5], $0x80, v20, vm0, $0x2000b8;
	[tilespmem:$0x18600] =	vst v63  }
0xd8: {  	s6 =	simm.s32 $0x15600;
	v19 =	vadd.s32 v17, v19  }
0xd9: {  	[tilespmem:s6], [sflag:$0x6] =	stream.indirect_vreg.gather [hbm4b:s8+s5], $0x80, v20, vm0, $0x2000b8;
	[tilespmem:$0x18600] =	vst v63  }
0xda: {  	s9 =	simm.s32 $0x15E00  }
0xdb: {  	[tilespmem:s9], [sflag:$0x6] =	stream.indirect_vreg.gather [hbm4b:s10+s5], $0x80, v20, vm0, $0x2000b8;
	[tilespmem:$0x18600] =	vst v63  }
0xdc: {  	s6 =	simm.s32 $0x16600  }
0xdd: {  	[tilespmem:s6], [sflag:$0x6] =	stream.indirect_vreg.gather [hbm4b:s0+s5], $0x80, v19, vm0, $0x2000b8;
	[tilespmem:$0x18600] =	vst v63  }
0xde: {  	s9 =	simm.s32 $0x16E00  }
0xdf: {  	[tilespmem:s9], [sflag:$0x6] =	stream.indirect_vreg.gather [hbm4b:s7+s5], $0x80, v19, vm0, $0x2000b8;
	[tilespmem:$0x18600] =	vst v63  }
0xe0: {  	s6 =	simm.s32 $0x17600  }
0xe1: {  	[tilespmem:s6], [sflag:$0x6] =	stream.indirect_vreg.gather [hbm4b:s8+s5], $0x80, v19, vm0, $0x2000b8;
	[tilespmem:$0x18600] =	vst v63  }
0xe2: {  	s1 =	simm.s32 $0x1;
	s9 =	simm.s32 $0x17E00  }
0xe3: {  	[tilespmem:s9], [sflag:$0x6] =	stream.indirect_vreg.gather [hbm4b:s10+s5], $0x80, v19, vm0, $0x2000b8;
	[tilespmem:$0x18600] =	vst v63  }
0xe4: {  	_ =	swait.ge [sflag:s1], $0x4000  }
0xe5: {  	[sflag:s1] =	ssyncset.done $0x0  }
0xe6: {  	s9 =	simm.s32 $0x600;
	s6 =	rddreg [dreg:$0x1b];
	[sflag:s1] =	ssyncadd.s32 $0xFFFFC000  }
0xe7: {  	[hbm4b:s6+s5] =	stream.linear.scatter [tilespmem:s9], [sflag:$0x7], $0x4000, $0x200038;
	[tilespmem:$0x18600] =	vst v63  }
0xe8: {  	s6 =	simm.s32 $0x7  }
0xe9: {  	_ =	swait.ge [sflag:s6], $0x4000  }
0xea: {  	[sflag:s6] =	ssyncset.done $0x0  }
0xeb: {  	[sflag:s6] =	ssyncadd.s32 $0xFFFFC000  }
0xec: {  	v19 =	vld [tilespmem:$0x460];
	_ =	sdelay $0x4  }
0xed: {  	v20 =	vshll.u32 v19, $0x3  }
0xee: {  	v19 =	vand.u32 $0x7, v19;
	v20 =	vand.u32 $0xFFFFFFC0, v20  }
0xef: {  	v19 =	vor.u32 v19, v20  }
0xf0: {  	v20 =	vperm.xlane v19, v16;
	_ =	sdelay $0x1  }
0xf1: {  	v20 =	vadd.s32 v17, v20;
	_ =	sdelay $0x4  }
0xf2: {  	[tilespmem:s9], [sflag:$0x1] =	stream.indirect_vreg.gather [hbm4b:s0+s5], $0x80, v20, vm0, $0x2000b8;
	[tilespmem:$0x18600] =	vst v63  }
0xf3: {  	v19 =	vperm.xlane v19, v18  }
0xf4: {  	[tilespmem:s19], [sflag:$0x1] =	stream.indirect_vreg.gather [hbm4b:s7+s5], $0x80, v20, vm0, $0x2000b8;
	[tilespmem:$0x18600] =	vst v63  }
0xf5: {  	v19 =	vadd.s32 v17, v19  }
0xf6: {  	[tilespmem:s21], [sflag:$0x1] =	stream.indirect_vreg.gather [hbm4b:s8+s5], $0x80, v20, vm0, $0x2000b8;
	[tilespmem:$0x18600] =	vst v63  }
0xf7: {  	_ = 	snop  }
0xf8: {  	[tilespmem:s22], [sflag:$0x1] =	stream.indirect_vreg.gather [hbm4b:s10+s5], $0x80, v20, vm0, $0x2000b8;
	[tilespmem:$0x18600] =	vst v63  }
0xf9: {  	_ = 	snop  }
0xfa: {  	[tilespmem:s24], [sflag:$0x1] =	stream.indirect_vreg.gather [hbm4b:s0+s5], $0x80, v19, vm0, $0x2000b8;
	[tilespmem:$0x18600] =	vst v63  }
0xfb: {  	_ = 	snop  }
0xfc: {  	[tilespmem:s3], [sflag:$0x1] =	stream.indirect_vreg.gather [hbm4b:s7+s5], $0x80, v19, vm0, $0x2000b8;
	[tilespmem:$0x18600] =	vst v63  }
0xfd: {  	_ = 	snop  }
0xfe: {  	[tilespmem:s18], [sflag:$0x1] =	stream.indirect_vreg.gather [hbm4b:s8+s5], $0x80, v19, vm0, $0x2000b8;
	[tilespmem:$0x18600] =	vst v63  }
0xff: {  	s3 =	simm.s32 $0x2  }
0x100: {  	[tilespmem:s28], [sflag:$0x1] =	stream.indirect_vreg.gather [hbm4b:s10+s5], $0x80, v19, vm0, $0x2000b8;
	[tilespmem:$0x18600] =	vst v63  }
0x101: {  	_ =	swait.ge [sflag:s3], $0x4000  }
0x102: {  	s22 =	simm.s32 $0x4600;
	[sflag:s3] =	ssyncset.done $0x0  }
0x103: {  	s18 =	simm.s32 $0x8;
	s21 =	rddreg [dreg:$0x9];
	[sflag:s3] =	ssyncadd.s32 $0xFFFFC000  }
0x104: {  	[hbm4b:s21+s5] =	stream.linear.scatter [tilespmem:s22], [sflag:$0x8], $0x4000, $0x200038;
	[tilespmem:$0x18600] =	vst v63  }
0x105: {  	_ =	swait.ge [sflag:s18], $0x4000  }
0x106: {  	[sflag:s18] =	ssyncset.done $0x0  }
0x107: {  	[sflag:s18] =	ssyncadd.s32 $0xFFFFC000  }
0x108: {  	v19 =	vld [tilespmem:$0x470];
	_ =	sdelay $0x4  }
0x109: {  	v20 =	vshll.u32 v19, $0x3  }
0x10a: {  	v19 =	vand.u32 $0x7, v19;
	v20 =	vand.u32 $0xFFFFFFC0, v20  }
0x10b: {  	v19 =	vor.u32 v19, v20  }
0x10c: {  	v20 =	vperm.xlane v19, v16;
	_ =	sdelay $0x1  }
0x10d: {  	v20 =	vadd.s32 v17, v20;
	_ =	sdelay $0x4  }
0x10e: {  	[tilespmem:s22], [sflag:$0x2] =	stream.indirect_vreg.gather [hbm4b:s0+s5], $0x80, v20, vm0, $0x2000b8;
	[tilespmem:$0x18600] =	vst v63  }
0x10f: {  	v19 =	vperm.xlane v19, v18  }
0x110: {  	[tilespmem:s23], [sflag:$0x2] =	stream.indirect_vreg.gather [hbm4b:s7+s5], $0x80, v20, vm0, $0x2000b8;
	[tilespmem:$0x18600] =	vst v63  }
0x111: {  	v19 =	vadd.s32 v17, v19  }
0x112: {  	[tilespmem:s16], [sflag:$0x2] =	stream.indirect_vreg.gather [hbm4b:s8+s5], $0x80, v20, vm0, $0x2000b8;
	[tilespmem:$0x18600] =	vst v63  }
0x113: {  	_ = 	snop  }
0x114: {  	[tilespmem:s25], [sflag:$0x2] =	stream.indirect_vreg.gather [hbm4b:s10+s5], $0x80, v20, vm0, $0x2000b8;
	[tilespmem:$0x18600] =	vst v63  }
0x115: {  	_ = 	snop  }
0x116: {  	[tilespmem:s26], [sflag:$0x2] =	stream.indirect_vreg.gather [hbm4b:s0+s5], $0x80, v19, vm0, $0x2000b8;
	[tilespmem:$0x18600] =	vst v63  }
0x117: {  	_ = 	snop  }
0x118: {  	[tilespmem:s29], [sflag:$0x2] =	stream.indirect_vreg.gather [hbm4b:s7+s5], $0x80, v19, vm0, $0x2000b8;
	[tilespmem:$0x18600] =	vst v63  }
0x119: {  	_ = 	snop  }
0x11a: {  	[tilespmem:s30], [sflag:$0x2] =	stream.indirect_vreg.gather [hbm4b:s8+s5], $0x80, v19, vm0, $0x2000b8;
	[tilespmem:$0x18600] =	vst v63  }
0x11b: {  	s16 =	simm.s32 $0x3  }
0x11c: {  	[tilespmem:s31], [sflag:$0x2] =	stream.indirect_vreg.gather [hbm4b:s10+s5], $0x80, v19, vm0, $0x2000b8;
	[tilespmem:$0x18600] =	vst v63  }
0x11d: {  	_ =	swait.ge [sflag:s16], $0x4000  }
0x11e: {  	s24 =	simm.s32 $0x8600;
	[sflag:s16] =	ssyncset.done $0x0  }
0x11f: {  	s21 =	simm.s32 $0x9;
	s23 =	rddreg [dreg:$0xa];
	[sflag:s16] =	ssyncadd.s32 $0xFFFFC000  }
0x120: {  	[hbm4b:s23+s5] =	stream.linear.scatter [tilespmem:s24], [sflag:$0x9], $0x4000, $0x200038;
	[tilespmem:$0x18600] =	vst v63  }
0x121: {  	_ =	swait.ge [sflag:s21], $0x4000  }
0x122: {  	[sflag:s21] =	ssyncset.done $0x0  }
0x123: {  	[sflag:s21] =	ssyncadd.s32 $0xFFFFC000  }
0x124: {  	v19 =	vld [tilespmem:$0x480];
	_ =	sdelay $0x4  }
0x125: {  	v20 =	vshll.u32 v19, $0x3  }
0x126: {  	v19 =	vand.u32 $0x7, v19;
	v20 =	vand.u32 $0xFFFFFFC0, v20  }
0x127: {  	v19 =	vor.u32 v19, v20  }
0x128: {  	v20 =	vperm.xlane v19, v16;
	_ =	sdelay $0x1  }
0x129: {  	v20 =	vadd.s32 v17, v20;
	_ =	sdelay $0x4  }
0x12a: {  	[tilespmem:s24], [sflag:$0x3] =	stream.indirect_vreg.gather [hbm4b:s0+s5], $0x80, v20, vm0, $0x2000b8;
	[tilespmem:$0x18600] =	vst v63  }
0x12b: {  	v19 =	vperm.xlane v19, v18  }
0x12c: {  	[tilespmem:s20], [sflag:$0x3] =	stream.indirect_vreg.gather [hbm4b:s7+s5], $0x80, v20, vm0, $0x2000b8;
	[tilespmem:$0x18600] =	vst v63  }
0x12d: {  	s22 =	simm.s32 $0x9600;
	v19 =	vadd.s32 v17, v19  }
0x12e: {  	[tilespmem:s22], [sflag:$0x3] =	stream.indirect_vreg.gather [hbm4b:s8+s5], $0x80, v20, vm0, $0x2000b8;
	[tilespmem:$0x18600] =	vst v63  }
0x12f: {  	s23 =	simm.s32 $0x9E00  }
0x130: {  	[tilespmem:s23], [sflag:$0x3] =	stream.indirect_vreg.gather [hbm4b:s10+s5], $0x80, v20, vm0, $0x2000b8;
	[tilespmem:$0x18600] =	vst v63  }
0x131: {  	_ = 	snop  }
0x132: {  	[tilespmem:s14], [sflag:$0x3] =	stream.indirect_vreg.gather [hbm4b:s0+s5], $0x80, v19, vm0, $0x2000b8;
	[tilespmem:$0x18600] =	vst v63  }
0x133: {  	_ = 	snop  }
0x134: {  	[tilespmem:s15], [sflag:$0x3] =	stream.indirect_vreg.gather [hbm4b:s7+s5], $0x80, v19, vm0, $0x2000b8;
	[tilespmem:$0x18600] =	vst v63  }
0x135: {  	_ = 	snop  }
0x136: {  	[tilespmem:s17], [sflag:$0x3] =	stream.indirect_vreg.gather [hbm4b:s8+s5], $0x80, v19, vm0, $0x2000b8;
	[tilespmem:$0x18600] =	vst v63  }
0x137: {  	s19 =	simm.s32 $0xBE00;
	s14 =	simm.s32 $0x4  }
0x138: {  	[tilespmem:s19], [sflag:$0x3] =	stream.indirect_vreg.gather [hbm4b:s10+s5], $0x80, v19, vm0, $0x2000b8;
	[tilespmem:$0x18600] =	vst v63  }
0x139: {  	_ =	swait.ge [sflag:s14], $0x4000  }
0x13a: {  	[sflag:s14] =	ssyncset.done $0x0  }
0x13b: {  	s15 =	simm.s32 $0xA;
	s20 =	rddreg [dreg:$0xb];
	[sflag:s14] =	ssyncadd.s32 $0xFFFFC000  }
0x13c: {  	[hbm4b:s20+s5] =	stream.linear.scatter [tilespmem:s12], [sflag:$0xA], $0x4000, $0x200038;
	[tilespmem:$0x18600] =	vst v63  }
0x13d: {  	_ =	swait.ge [sflag:s15], $0x4000  }
0x13e: {  	[sflag:s15] =	ssyncset.done $0x0  }
0x13f: {  	[sflag:s15] =	ssyncadd.s32 $0xFFFFC000  }
0x140: {  	v19 =	vld [tilespmem:$0x490];
	_ =	sdelay $0x4  }
0x141: {  	v20 =	vshll.u32 v19, $0x3  }
0x142: {  	v19 =	vand.u32 $0x7, v19;
	v20 =	vand.u32 $0xFFFFFFC0, v20  }
0x143: {  	v19 =	vor.u32 v19, v20  }
0x144: {  	v20 =	vperm.xlane v19, v16;
	_ =	sdelay $0x1  }
0x145: {  	v20 =	vadd.s32 v17, v20;
	_ =	sdelay $0x4  }
0x146: {  	[tilespmem:s12], [sflag:$0x4] =	stream.indirect_vreg.gather [hbm4b:s0+s5], $0x80, v20, vm0, $0x2000b8;
	[tilespmem:$0x18600] =	vst v63  }
0x147: {  	s22 =	simm.s32 $0xCE00;
	v19 =	vperm.xlane v19, v18  }
0x148: {  	[tilespmem:s22], [sflag:$0x4] =	stream.indirect_vreg.gather [hbm4b:s7+s5], $0x80, v20, vm0, $0x2000b8;
	[tilespmem:$0x18600] =	vst v63  }
0x149: {  	s23 =	simm.s32 $0xD600;
	v19 =	vadd.s32 v17, v19  }
0x14a: {  	[tilespmem:s23], [sflag:$0x4] =	stream.indirect_vreg.gather [hbm4b:s8+s5], $0x80, v20, vm0, $0x2000b8;
	[tilespmem:$0x18600] =	vst v63  }
0x14b: {  	s19 =	simm.s32 $0xDE00  }
0x14c: {  	[tilespmem:s19], [sflag:$0x4] =	stream.indirect_vreg.gather [hbm4b:s10+s5], $0x80, v20, vm0, $0x2000b8;
	[tilespmem:$0x18600] =	vst v63  }
0x14d: {  	s20 =	simm.s32 $0xE600  }
0x14e: {  	[tilespmem:s20], [sflag:$0x4] =	stream.indirect_vreg.gather [hbm4b:s0+s5], $0x80, v19, vm0, $0x2000b8;
	[tilespmem:$0x18600] =	vst v63  }
0x14f: {  	s22 =	simm.s32 $0xEE00  }
0x150: {  	[tilespmem:s22], [sflag:$0x4] =	stream.indirect_vreg.gather [hbm4b:s7+s5], $0x80, v19, vm0, $0x2000b8;
	[tilespmem:$0x18600] =	vst v63  }
0x151: {  	s23 =	simm.s32 $0xF600  }
0x152: {  	[tilespmem:s23], [sflag:$0x4] =	stream.indirect_vreg.gather [hbm4b:s8+s5], $0x80, v19, vm0, $0x2000b8;
	[tilespmem:$0x18600] =	vst v63  }
0x153: {  	s17 =	simm.s32 $0x5;
	s19 =	simm.s32 $0xFE00  }
0x154: {  	[tilespmem:s19], [sflag:$0x4] =	stream.indirect_vreg.gather [hbm4b:s10+s5], $0x80, v19, vm0, $0x2000b8;
	[tilespmem:$0x18600] =	vst v63  }
0x155: {  	_ =	swait.ge [sflag:s17], $0x4000  }
0x156: {  	[sflag:s17] =	ssyncset.done $0x0  }
0x157: {  	s20 =	rddreg [dreg:$0xc];
	[sflag:s17] =	ssyncadd.s32 $0xFFFFC000  }
0x158: {  	[hbm4b:s20+s5] =	stream.linear.scatter [tilespmem:s4], [sflag:$0xB], $0x4000, $0x200038;
	[tilespmem:$0x18600] =	vst v63  }
0x159: {  	s20 =	simm.s32 $0xB  }
0x15a: {  	_ =	swait.ge [sflag:s20], $0x4000  }
0x15b: {  	[sflag:s20] =	ssyncset.done $0x0  }
0x15c: {  	[sflag:s20] =	ssyncadd.s32 $0xFFFFC000  }
0x15d: {  	v19 =	vld [tilespmem:$0x4A0];
	_ =	sdelay $0x4  }
0x15e: {  	v20 =	vshll.u32 v19, $0x3  }
0x15f: {  	v19 =	vand.u32 $0x7, v19;
	v20 =	vand.u32 $0xFFFFFFC0, v20  }
0x160: {  	v19 =	vor.u32 v19, v20  }
0x161: {  	v20 =	vperm.xlane v19, v16;
	_ =	sdelay $0x1  }
0x162: {  	v20 =	vadd.s32 v17, v20;
	_ =	sdelay $0x4  }
0x163: {  	[tilespmem:s4], [sflag:$0x5] =	stream.indirect_vreg.gather [hbm4b:s0+s5], $0x80, v20, vm0, $0x2000b8;
	[tilespmem:$0x18600] =	vst v63  }
0x164: {  	s22 =	simm.s32 $0x10E00;
	v19 =	vperm.xlane v19, v18  }
0x165: {  	[tilespmem:s22], [sflag:$0x5] =	stream.indirect_vreg.gather [hbm4b:s7+s5], $0x80, v20, vm0, $0x2000b8;
	[tilespmem:$0x18600] =	vst v63  }
0x166: {  	s23 =	simm.s32 $0x11600;
	v19 =	vadd.s32 v17, v19  }
0x167: {  	[tilespmem:s23], [sflag:$0x5] =	stream.indirect_vreg.gather [hbm4b:s8+s5], $0x80, v20, vm0, $0x2000b8;
	[tilespmem:$0x18600] =	vst v63  }
0x168: {  	s22 =	simm.s32 $0x11E00  }
0x169: {  	[tilespmem:s22], [sflag:$0x5] =	stream.indirect_vreg.gather [hbm4b:s10+s5], $0x80, v20, vm0, $0x2000b8;
	[tilespmem:$0x18600] =	vst v63  }
0x16a: {  	s23 =	simm.s32 $0x12600  }
0x16b: {  	[tilespmem:s23], [sflag:$0x5] =	stream.indirect_vreg.gather [hbm4b:s0+s5], $0x80, v19, vm0, $0x2000b8;
	[tilespmem:$0x18600] =	vst v63  }
0x16c: {  	s22 =	simm.s32 $0x12E00  }
0x16d: {  	[tilespmem:s22], [sflag:$0x5] =	stream.indirect_vreg.gather [hbm4b:s7+s5], $0x80, v19, vm0, $0x2000b8;
	[tilespmem:$0x18600] =	vst v63  }
0x16e: {  	s23 =	simm.s32 $0x13600  }
0x16f: {  	[tilespmem:s23], [sflag:$0x5] =	stream.indirect_vreg.gather [hbm4b:s8+s5], $0x80, v19, vm0, $0x2000b8;
	[tilespmem:$0x18600] =	vst v63  }
0x170: {  	s22 =	simm.s32 $0x13E00  }
0x171: {  	[tilespmem:s22], [sflag:$0x5] =	stream.indirect_vreg.gather [hbm4b:s10+s5], $0x80, v19, vm0, $0x2000b8;
	[tilespmem:$0x18600] =	vst v63  }
0x172: {  	s22 =	simm.s32 $0x6  }
0x173: {  	_ =	swait.ge [sflag:s22], $0x4000  }
0x174: {  	[sflag:s22] =	ssyncset.done $0x0  }
0x175: {  	s23 =	rddreg [dreg:$0xd];
	[sflag:s22] =	ssyncadd.s32 $0xFFFFC000  }
0x176: {  	[hbm4b:s23+s5] =	stream.linear.scatter [tilespmem:s2], [sflag:$0xC], $0x4000, $0x200038;
	[tilespmem:$0x18600] =	vst v63  }
0x177: {  	s23 =	simm.s32 $0xC  }
0x178: {  	_ =	swait.ge [sflag:s23], $0x4000  }
0x179: {  	[sflag:s23] =	ssyncset.done $0x0  }
0x17a: {  	[sflag:s23] =	ssyncadd.s32 $0xFFFFC000  }
0x17b: {  	v19 =	vld [tilespmem:$0x4B0];
	_ =	sdelay $0x4  }
0x17c: {  	v20 =	vshll.u32 v19, $0x3  }
0x17d: {  	v19 =	vand.u32 $0x7, v19;
	v20 =	vand.u32 $0xFFFFFFC0, v20  }
0x17e: {  	v19 =	vor.u32 v19, v20  }
0x17f: {  	v20 =	vperm.xlane v19, v16;
	_ =	sdelay $0x1  }
0x180: {  	v20 =	vadd.s32 v17, v20;
	_ =	sdelay $0x4  }
0x181: {  	[tilespmem:s2], [sflag:$0x6] =	stream.indirect_vreg.gather [hbm4b:s0+s5], $0x80, v20, vm0, $0x2000b8;
	[tilespmem:$0x18600] =	vst v63  }
0x182: {  	s19 =	simm.s32 $0x14E00;
	v19 =	vperm.xlane v19, v18  }
0x183: {  	[tilespmem:s19], [sflag:$0x6] =	stream.indirect_vreg.gather [hbm4b:s7+s5], $0x80, v20, vm0, $0x2000b8;
	[tilespmem:$0x18600] =	vst v63  }
0x184: {  	v19 =	vadd.s32 v17, v19;
	s19 =	simm.s32 $0x15600  }
0x185: {  	[tilespmem:s19], [sflag:$0x6] =	stream.indirect_vreg.gather [hbm4b:s8+s5], $0x80, v20, vm0, $0x2000b8;
	[tilespmem:$0x18600] =	vst v63  }
0x186: {  	s19 =	simm.s32 $0x15E00  }
0x187: {  	[tilespmem:s19], [sflag:$0x6] =	stream.indirect_vreg.gather [hbm4b:s10+s5], $0x80, v20, vm0, $0x2000b8;
	[tilespmem:$0x18600] =	vst v63  }
0x188: {  	s19 =	simm.s32 $0x16600  }
0x189: {  	[tilespmem:s19], [sflag:$0x6] =	stream.indirect_vreg.gather [hbm4b:s0+s5], $0x80, v19, vm0, $0x2000b8;
	[tilespmem:$0x18600] =	vst v63  }
0x18a: {  	s19 =	simm.s32 $0x16E00  }
0x18b: {  	[tilespmem:s19], [sflag:$0x6] =	stream.indirect_vreg.gather [hbm4b:s7+s5], $0x80, v19, vm0, $0x2000b8;
	[tilespmem:$0x18600] =	vst v63  }
0x18c: {  	s19 =	simm.s32 $0x17600  }
0x18d: {  	[tilespmem:s19], [sflag:$0x6] =	stream.indirect_vreg.gather [hbm4b:s8+s5], $0x80, v19, vm0, $0x2000b8;
	[tilespmem:$0x18600] =	vst v63  }
0x18e: {  	s19 =	simm.s32 $0x17E00  }
0x18f: {  	[tilespmem:s19], [sflag:$0x6] =	stream.indirect_vreg.gather [hbm4b:s10+s5], $0x80, v19, vm0, $0x2000b8;
	[tilespmem:$0x18600] =	vst v63  }
0x190: {  	_ =	swait.ge [sflag:s1], $0x4000  }
0x191: {  	[sflag:s1] =	ssyncset.done $0x0  }
0x192: {  	s19 =	rddreg [dreg:$0xe];
	[sflag:s1] =	ssyncadd.s32 $0xFFFFC000;
	s1 =	simm.s32 $0x600  }
0x193: {  	[hbm4b:s19+s5] =	stream.linear.scatter [tilespmem:s1], [sflag:$0x7], $0x4000, $0x200038;
	[tilespmem:$0x18600] =	vst v63  }
0x194: {  	_ =	swait.ge [sflag:s3], $0x4000  }
0x195: {  	[sflag:s3] =	ssyncset.done $0x0  }
0x196: {  	s9 =	simm.s32 $0x4600;
	s1 =	rddreg [dreg:$0xf];
	[sflag:s3] =	ssyncadd.s32 $0xFFFFC000  }
0x197: {  	[hbm4b:s1+s5] =	stream.linear.scatter [tilespmem:s9], [sflag:$0x8], $0x4000, $0x200038;
	[tilespmem:$0x18600] =	vst v63  }
0x198: {  	_ =	swait.ge [sflag:s16], $0x4000  }
0x199: {  	[sflag:s16] =	ssyncset.done $0x0  }
0x19a: {  	s24 =	simm.s32 $0x8600;
	s3 =	rddreg [dreg:$0x10];
	[sflag:s16] =	ssyncadd.s32 $0xFFFFC000  }
0x19b: {  	[hbm4b:s3+s5] =	stream.linear.scatter [tilespmem:s24], [sflag:$0x9], $0x4000, $0x200038;
	[tilespmem:$0x18600] =	vst v63  }
0x19c: {  	_ =	swait.ge [sflag:s14], $0x4000  }
0x19d: {  	[sflag:s14] =	ssyncset.done $0x0  }
0x19e: {  	s9 =	rddreg [dreg:$0x11];
	[sflag:s14] =	ssyncadd.s32 $0xFFFFC000  }
0x19f: {  	[hbm4b:s9+s5] =	stream.linear.scatter [tilespmem:s12], [sflag:$0xA], $0x4000, $0x200038;
	[tilespmem:$0x18600] =	vst v63  }
0x1a0: {  	_ =	swait.ge [sflag:s17], $0x4000  }
0x1a1: {  	[sflag:s17] =	ssyncset.done $0x0  }
0x1a2: {  	s16 =	rddreg [dreg:$0x12];
	[sflag:s17] =	ssyncadd.s32 $0xFFFFC000  }
0x1a3: {  	[hbm4b:s16+s5] =	stream.linear.scatter [tilespmem:s4], [sflag:$0xB], $0x4000, $0x200038;
	[tilespmem:$0x18600] =	vst v63  }
0x1a4: {  	_ =	swait.ge [sflag:s22], $0x4000  }
0x1a5: {  	[sflag:s22] =	ssyncset.done $0x0  }
0x1a6: {  	s17 =	rddreg [dreg:$0x13];
	[sflag:s22] =	ssyncadd.s32 $0xFFFFC000  }
0x1a7: {  	[hbm4b:s17+s5] =	stream.linear.scatter [tilespmem:s2], [sflag:$0xC], $0x4000, $0x200038;
	[tilespmem:$0x18600] =	vst v63  }
0x1a8: {  	_ =	swait.ge [sflag:s6], $0x4000  }
0x1a9: {  	[sflag:s6] =	ssyncset.done $0x0  }
0x1aa: {  	[sflag:s6] =	ssyncadd.s32 $0xFFFFC000  }
0x1ab: {  	_ =	swait.ge [sflag:s18], $0x4000  }
0x1ac: {  	[sflag:s18] =	ssyncset.done $0x0  }
0x1ad: {  	[sflag:s18] =	ssyncadd.s32 $0xFFFFC000  }
0x1ae: {  	_ =	swait.ge [sflag:s21], $0x4000  }
0x1af: {  	[sflag:s21] =	ssyncset.done $0x0  }
0x1b0: {  	[sflag:s21] =	ssyncadd.s32 $0xFFFFC000  }
0x1b1: {  	_ =	swait.ge [sflag:s15], $0x4000  }
0x1b2: {  	[sflag:s15] =	ssyncset.done $0x0  }
0x1b3: {  	[sflag:s15] =	ssyncadd.s32 $0xFFFFC000  }
0x1b4: {  	_ =	swait.ge [sflag:s20], $0x4000  }
0x1b5: {  	[sflag:s20] =	ssyncset.done $0x0  }
0x1b6: {  	[sflag:s20] =	ssyncadd.s32 $0xFFFFC000  }
0x1b7: {  	_ =	swait.ge [sflag:s23], $0x4000  }
0x1b8: {  	[sflag:s23] =	ssyncset.done $0x0  }
0x1b9: {  	[sflag:s23] =	ssyncadd.s32 $0xFFFFC000  }
0x1ba: {  	_ =	strace $0x9000004B  }
0x1bb: {  	s22 =	simm.s32 $0xD;
	_ =	strace $0x8000004C  }
0x1bc: {  	_ =	swait.ge [sflag:s22], $0x60  }
0x1bd: {  	[sflag:s22] =	ssyncset.done $0x0  }
0x1be: {  	[sflag:s22] =	ssyncadd.s32 $0xFFFFFFA0  }
0x1bf: {  	_ =	swait.ge [sflag:s22], $0x60  }
0x1c0: {  	p0 =	sne.s32 s13, $0x1;
	[sflag:s22] =	ssyncset.done $0x0  }
0x1c1: {  	s24 =	simm.s32 $0x500;
	s23 =	rddreg [dreg:$0x14];
	[sflag:s22] =	ssyncadd.s32 $0xFFFFFFA0  }
0x1c2: {  	[hbm4b:s23+s5] =	stream.linear.scatter [tilespmem:s24], [sflag:$0xE], $0xC0, $0x200038;
	[tilespmem:$0x18600] =	vst v63  }
.Ltmp0:
0x1c3: {  	_ = 	snop;
	(pc) =	sbr.rel @p0 .LBB2_1-.Ltmp0, $4  }
0x1c4: {  	_ =	swait.ge [sflag:s11], $0xC0  }
0x1c5: {  	[sflag:s11] =	ssyncset.done $0x0  }
0x1c6: {  	[sflag:s11] =	ssyncadd.s32 $0xFFFFFF40  }
0x1c7: {  	s13 =	sadd.s32 $0xFFFFFFFF, s13;
	_ =	strace $0x9000004C  }
0x1c8: {  	_ =	sfence.sel $0x180000  }
0x1c9: {  	[bflag:$0x0] =	sbarrier.arrive $0xFFFF  }
0x1ca: {  	_ =	strace $0x90000047  }
0x1cb: {  	s0 =	stileid.u32;
	[bflag:$0x2] =	sbarrier.arrive $0xFFFF  }
0x1cc: {  	p0 =	sne.s32 s0, $0x0;
	s0 =	rddreg [dreg:$0x6]  }
0x1cd: {  	s0 =	sadd.s32 @!p0 $0x100000, s0  }
0x1ce: {  	[sflag:s0] =	ssyncadd.tile.s32 @!p0 $0x1;
	_ =	shalt  }
.Lfunc_end2:
_tile_overlayer_lowered:
.L_overlay_start_2:
0x1cf: {  	(tag) =	ssettag $0x2  }
0x1d0: {  	s0 =	rddreg [dreg:$0x0];
	s2 =	stileid.u32  }
0x1d1: {  	s1 =	rddreg [dreg:$0x1];
	p0 =	sne.s32 s2, $0x0  }
0x1d2: {  	s3 =	rddreg [dreg:$0x2];
	[bflag:$0x3] =	sbarrier.arrive $0xFFFF;
	s2 =	simm.s32 @!p0 $0x1C0E  }
0x1d3: {  	[timem:s3], [sflag:s2] =	dma.local @!p0 [hbm:s0], s1  }
0x1d4: {  	s0 =	simm.s32 @!p0 $0xE  }
0x1d5: {  	_ =	swait.ge @!p0 [sflag:s0], s1  }
0x1d6: {  	s1 =	ssub.s32 @!p0 $0x0, s1;
	[sflag:s0] =	ssyncset.done @!p0 $0x0  }
0x1d7: {  	[sflag:s0] =	ssyncadd.s32 @!p0 s1  }
0x1d8: {  	[bflag:$0x3] =	sbarrier.arrive $0xFFFF  }
0x1d9: {  	_ =	shalt  }

// kernel: kernel.9.cloned.1.call-start
scs
__scs_entry_jumppad:
0x0: {  	(pc) =	sbr.rel $0x88, $3  }
0x1: {  	(tag) =	ssettag $0x0;
	lr =	simm.s32 $0x1  }
0x2: {  	[smem:$0x3F9E] =	sst lr;
	_ =	strace $0xD0000000  }
0x3: {  	_ = 	snop  }
0x4: {  	_ = 	snop  }
0x5: {  	_ = 	snop  }
0x6: {  	_ = 	snop  }
0x7: {  	_ = 	snop  }
__scs_overlays_trampoline_lowered:
0x8: {  	[smem:$0x3FAD] =	sst s0  }
0x9: {  	[smem:$0x3FAE] =	sst s1  }
0xa: {  	[smem:$0x3FAF] =	sst s2  }
0xb: {  	[smem:$0x3FB0] =	sst s3  }
0xc: {  	[smem:$0x3FB1] =	sst s4  }
0xd: {  	[smem:$0x3FB2] =	sst s5  }
0xe: {  	[smem:$0x3FB3] =	sst s6  }
0xf: {  	[smem:$0x3FB4] =	sst s7  }
0x10: {  	[smem:$0x3FB5] =	sst s8  }
0x11: {  	[smem:$0x3FB6] =	sst s9;
	s0 =	simm.s32 @!p0 $0x0  }
0x12: {  	s1 =	sld [smem:$0x3F9C];
	s0 =	simm.s32 @p0 $0x1  }
0x13: {  	[smem:$0x3FB7] =	sst s0;
	s0 =	simm.s32 @!p1 $0x0  }
0x14: {  	s2 =	sld [smem:$0x3F9B];
	s0 =	simm.s32 @p1 $0x1  }
0x15: {  	[smem:$0x3FB8] =	sst s0;
	s0 =	simm.s32 @!p2 $0x0  }
0x16: {  	s3 =	sld [smem:$0x3FDB];
	s0 =	simm.s32 @p2 $0x1  }
0x17: {  	s4 =	simm.s32 $0x1BF5;
	[smem:$0x3FBA] =	sst s0  }
0x18: {  	s0 =	sld [smem:$0x3F9D];
	_ =	swait.ge [sflag:s4], $0x0  }
0x19: {  	s7 =	sld [smem:$0x3F9E]  }
0x1a: {  	s8 =	sadd.s32 $0xFFFFE003, lr  }
0x1b: {  	s9 =	sadd.s32 $0xFFFFFEF7, lr;
	s5 =	simm.s32 $0xFFFFFFFF;
	p2 =	slt.u32 s8, $0xFFFFF086  }
0x1c: {  	p1 =	slt.u32 s9, $0xF7A;
	s5 =	simm.s32 @!p2 $0x0  }
0x1d: {  	s5 =	simm.s32 @p1 $0x1;
	p0 =	seq.s32 s7, s2  }
0x1e: {  	s7 =	smul.u32 @!p0 $0xF7A, s2;
	p2 =	seq.s32 @!p0 s5, $0x0  }
0x1f: {  	s9 =	smul.u32 $0xF7A, s1;
	s8 =	simm.s32 @!p0 $0x1BF5;
	p2 =	por !p2, p0  }
0x20: {  	[sflag:s8] =	ssyncset.s32 @!p0 $0xFFFFF086;
	s6 =	sadd.s32 @!p0 s3, s7;
	s7 =	simm.s32 @!p0 $0x108  }
0x21: {  	s3 =	sadd.s32 s3, s9;
	s6 =	sadd.s32 @!p0 $0x88, s6;
	s7 =	simm.s32 @p2 $0x1082  }
0x22: {  	[simem:s7], [sflag:s8] =	dma.local @!p0 [hbm:s6], $0xF7A  }
0x23: {  	s9 =	sor.u32 $0xD0000000, s2;
	s6 =	simm.s32 $0x108;
	_ =	swait.ge @!p0 [sflag:s8], $0x0  }
0x24: {  	s3 =	sadd.s32 $0x88, s3;
	s6 =	simm.s32 @!p1 $0x1082;
	[sflag:s4] =	ssyncset.s32 $0xFFFFF086  }
0x25: {  	[simem:s6], [sflag:s4] =	dma.local [hbm:s3], $0xF7A  }
0x26: {  	[smem:$0x3F9E] =	sst s1;
	(tag) =	ssettag s2;
	_ =	strace s9  }
0x27: {  	s1 =	sld [smem:$0x3FAE]  }
0x28: {  	s2 =	sld [smem:$0x3FAF]  }
0x29: {  	s4 =	sld [smem:$0x3FB1]  }
0x2a: {  	p0 =	seq.s32 s5, $0x0;
	s5 =	sld [smem:$0x3FB2]  }
0x2b: {  	s6 =	sld [smem:$0x3FB3]  }
0x2c: {  	s7 =	sld [smem:$0x3FB4]  }
0x2d: {  	s3 =	simm.s32 $0x108;
	s8 =	sld [smem:$0x3FB5]  }
0x2e: {  	s3 =	simm.s32 @!p0 $0x1082;
	s9 =	sld [smem:$0x3FB6]  }
0x2f: {  	lr =	sadd.s32 s0, s3;
	s0 =	sld [smem:$0x3FAD]  }
0x30: {  	s3 =	sld [smem:$0x3FB0]  }
0x31: {  	[smem:$0x3FB9] =	sst s10  }
0x32: {  	s10 =	sld [smem:$0x3FB7];
	_ =	sdelay $0x3  }
0x33: {  	p0 =	seq.s32 s10, $0x1;
	s10 =	sld [smem:$0x3FB9];
	_ =	sdelay $0x3  }
0x34: {  	[smem:$0x3FB9] =	sst s10  }
0x35: {  	s10 =	sld [smem:$0x3FB8];
	_ =	sdelay $0x3  }
0x36: {  	p1 =	seq.s32 s10, $0x1;
	s10 =	sld [smem:$0x3FB9];
	_ =	sdelay $0x3  }
0x37: {  	[smem:$0x3FB9] =	sst s10  }
0x38: {  	s10 =	sld [smem:$0x3FBA]  }
0x39: {  	_ = 	snop;
	(pc) =	sbr.ind lr, $3  }
0x3a: {  	_ = 	snop  }
0x3b: {  	_ = 	snop  }
0x3c: {  	p2 =	seq.s32 s10, $0x1;
	s10 =	sld [smem:$0x3FB9]  }
0x3d: {  	_ =	shalt  }
0x3e: {  	_ =	shalt  }
0x3f: {  	_ =	shalt  }
0x40: {  	_ =	shalt  }
0x41: {  	_ =	shalt  }
0x42: {  	_ =	shalt  }
0x43: {  	_ =	shalt  }
0x44: {  	_ =	shalt  }
0x45: {  	_ =	shalt  }
0x46: {  	_ =	shalt  }
0x47: {  	_ =	shalt  }
0x48: {  	_ =	shalt  }
0x49: {  	_ =	shalt  }
0x4a: {  	_ =	shalt  }
0x4b: {  	_ =	shalt  }
0x4c: {  	_ =	shalt  }
0x4d: {  	_ =	shalt  }
0x4e: {  	_ =	shalt  }
0x4f: {  	_ =	shalt  }
0x50: {  	_ =	shalt  }
0x51: {  	_ =	shalt  }
0x52: {  	_ =	shalt  }
0x53: {  	_ =	shalt  }
0x54: {  	_ =	shalt  }
0x55: {  	_ =	shalt  }
0x56: {  	_ =	shalt  }
0x57: {  	_ =	shalt  }
0x58: {  	_ =	shalt  }
0x59: {  	_ =	shalt  }
0x5a: {  	_ =	shalt  }
0x5b: {  	_ =	shalt  }
0x5c: {  	_ =	shalt  }
0x5d: {  	_ =	shalt  }
0x5e: {  	_ =	shalt  }
0x5f: {  	_ =	shalt  }
0x60: {  	_ =	shalt  }
0x61: {  	_ =	shalt  }
0x62: {  	_ =	shalt  }
0x63: {  	_ =	shalt  }
0x64: {  	_ =	shalt  }
0x65: {  	_ =	shalt  }
0x66: {  	_ =	shalt  }
0x67: {  	_ =	shalt  }
0x68: {  	_ =	shalt  }
0x69: {  	_ =	shalt  }
0x6a: {  	_ =	shalt  }
0x6b: {  	_ =	shalt  }
0x6c: {  	_ =	shalt  }
0x6d: {  	_ =	shalt  }
0x6e: {  	_ =	shalt  }
0x6f: {  	_ =	shalt  }
0x70: {  	_ =	shalt  }
0x71: {  	_ =	shalt  }
0x72: {  	_ =	shalt  }
0x73: {  	_ =	shalt  }
0x74: {  	_ =	shalt  }
0x75: {  	_ =	shalt  }
0x76: {  	_ =	shalt  }
0x77: {  	_ =	shalt  }
0x78: {  	_ =	shalt  }
0x79: {  	_ =	shalt  }
0x7a: {  	_ =	shalt  }
0x7b: {  	_ =	shalt  }
0x7c: {  	_ =	shalt  }
0x7d: {  	_ =	shalt  }
0x7e: {  	_ =	shalt  }
0x7f: {  	_ =	shalt  }
0x80: {  	_ =	shalt  }
0x81: {  	_ =	shalt  }
0x82: {  	_ =	shalt  }
0x83: {  	_ =	shalt  }
0x84: {  	_ =	shalt  }
0x85: {  	_ =	shalt  }
0x86: {  	_ =	shalt  }
0x87: {  	_ =	shalt  }
.Lfunc_end0:
.L_simem_size_0:
called_computation.1_lowered:
.L_overlay_start_0:
0x88: {  	s2 =	sld [smem:$0x3FD9]  }
0x89: {  	s3 =	sld [smem:$0x3FFE];
	_ =	sdelay $0x1  }
0x8a: {  	s1 =	srdreg.scid  }
0x8b: {  	s0 =	sand.u32 $0x1, s1  }
0x8c: {  	s14 =	sshll.u32 s0, $0xA;
	s2 =	sadd.s32 s3, s2  }
0x8d: {  	s2 =	sadd.s32 s2, s14  }
0x8e: {  	[smem:$0x3FC5] =	sst s2  }
0x8f: {  	_ = 	snop  }
0x90: {  	s2 =	sld [smem:$0x3FD0];
	_ =	sdelay $0x1  }
0x91: {  	s15 =	sld [smem:$0x3FC9]  }
0x92: {  	s5 =	simm.s32 $0xA;
	s6 =	simm.s32 $0x10;
	s4 =	sld [smem:$0x3FC8]  }
0x93: {  	[smem:s6], [sflag:s5] =	dma.local [hbm:s2], $0x1  }
0x94: {  	_ =	swait.eq [sflag:s5], $0x1  }
0x95: {  	[sflag:s5] =	ssyncset.done $0x0  }
0x96: {  	s16 =	sld [smem:$0x10];
	[sflag:s5] =	ssyncadd.s32 $0xFFFFFFFF  }
0x97: {  	s17 =	sld [smem:$0x11];
	(tm) =	ssettm $0x1  }
0x98: {  	s18 =	sld [smem:$0x3FFB];
	_ =	sdelay $0x3  }
0x99: {  	_ =	strace s18  }
0x9a: {  	s6 =	sld [smem:$0x3FFC];
	_ =	sdelay $0x3  }
0x9b: {  	_ =	strace s6  }
0x9c: {  	s6 =	sld [smem:$0x3FFD];
	_ =	sdelay $0x3  }
0x9d: {  	_ =	strace s6  }
0x9e: {  	_ =	strace $0x8FFFFFFF  }
0x9f: {  	s19 =	sld [smem:$0x3FDB];
	_ =	sdelay $0x1  }
0xa0: {  	s7 =	simm.s32 $_scs_section_size  }
0xa1: {  	s8 =	simm.s32 $_size__tile_overlayer_lowered;
	s9 =	simm.s32 $_tile_overlayer_lowered  }
0xa2: {  	s22 =	simm.s32 $0x1BFF;
	s21 =	sshll.u32 s9, $0x1;
	s6 =	sadd.s32 s7, s19  }
0xa3: {  	s10 =	simm.s32 $0x0;
	s20 =	sshll.u32 s8, $0x1;
	s8 =	sadd.s32 s21, s6  }
0xa4: {  	[timem:s10], [sflag:s22] =	dma.local [hbm:s8], s20  }
0xa5: {  	_ =	swait.ge [sflag:s22], s20  }
0xa6: {  	s7 =	ssub.s32 $0x0, s20;
	[sflag:s22] =	ssyncset.done $0x0  }
0xa7: {  	[sflag:s22] =	ssyncadd.s32 s7;
	_ =	sdelay $0x1  }
0xa8: {  	s23 =	simm.s32 $0x1B8B  }
0xa9: {  	_ =	swait.ge [sflag:s23], $0x1  }
0xaa: {  	[sflag:s23] =	ssyncset.done $0x0  }
0xab: {  	s25 =	simm.s32 $0x1B8E;
	s24 =	sld [smem:$0x3FFE];
	[sflag:s23] =	ssyncadd.s32 $0xFFFFFFFF  }
0xac: {  	s26 =	simm.s32 $execute0_lowered;
	[smem:$0x3FD2] =	sst s25  }
0xad: {  	s8 =	sshll.u32 s26, $0x1;
	_ =	strace $0x8000004E;
	[dreg:$0x1] =	wrdreg $0xFFFFFFFF  }
0xae: {  	s28 =	simm.s32 $_size_execute0_lowered;
	s6 =	sadd.s32 s6, s8;
	[dreg:$0x0] =	wrdreg $0x0  }
0xaf: {  	s8 =	sshll.u32 s28, $0x1;
	[dreg:$0x2] =	wrdreg s6  }
0xb0: {  	[dreg:$0x3] =	wrdreg s8  }
0xb1: {  	[dreg:$0x4] =	wrdreg $0xC0  }
0xb2: {  	_ =	task [dreg:s10], $0x5FFFF  }
0xb3: {  	[dreg:$0x1] =	wrdreg $0xFFFFFFFF  }
0xb4: {  	[dreg:$0x0] =	wrdreg $0x60  }
0xb5: {  	[dreg:$0x2] =	wrdreg s24  }
0xb6: {  	[dreg:$0x3] =	wrdreg s15  }
0xb7: {  	[dreg:$0x4] =	wrdreg s4  }
0xb8: {  	[dreg:$0x5] =	wrdreg s16  }
0xb9: {  	[dreg:$0x6] =	wrdreg s17  }
0xba: {  	[dreg:$0x7] =	wrdreg $0x3000  }
0xbb: {  	[dreg:$0x8] =	wrdreg $0x9  }
0xbc: {  	_ =	task.clear_ibuf [dreg:s10], $0x9FFFF;
	_ =	strace $0x9000004E  }
0xbd: {  	s29 =	simm.s32 $0x9;
	_ =	strace $0x80000055  }
0xbe: {  	_ =	swait.ge [sflag:s29], $0x1  }
0xbf: {  	[sflag:s29] =	ssyncadd.s32 $0xFFFFFFFF  }
0xc0: {  	_ =	strace $0x90000055  }
0xc1: {  	_ =	sfence  }
0xc2: {  	s30 =	sld [smem:$0x0];
	_ =	sdelay $0x2  }
0xc3: {  	s31 =	sshll.u32 s1, $0xD;
	s1 =	sshrl.u32 s1, $0x2  }
0xc4: {  	s3 =	sand.u32 $0x4000, s31;
	s1 =	sadd.s32 s1, s30  }
0xc5: {  	s0 =	sor.u32 s3, s0;
	s1 =	sshll.u32 s1, $0x11  }
0xc6: {  	s0 =	sor.u32 s1, s0  }
0xc7: {  	s0 =	sadd.s32 $0x8F2B, s0  }
0xc8: {  	[sflag:s0] =	ssyncadd.remote.s32 $0x1  }
0xc9: {  	_ =	sfence.sel $0xFFFF  }
0xca: {  	[dreg:$0x0] =	wrdreg $0xFFFFFFFF;
	(pc) =	sbr.abs _section_cstart, $3  }
0xcb: {  	[dreg:$0x1] =	wrdreg $0xFFFFFFFF  }
0xcc: {  	_ =	task.clear_ibuf [dreg:s10], $0x2FFFF;
	_ =	strace $0x9FFFFFFF  }
0xcd: {  	(tm) =	ssettm $0x7FFFFFFF  }
tec
execute0_lowered:
.L_overlay_start_1:
0x0: {  	(tag) =	ssettag $0x1  }
0x1: {  	s2 =	rddreg [dreg:$0x0]  }
0x2: {  	s0 =	rddreg [dreg:$0x1]  }
0x3: {  	s3 =	rddreg [dreg:$0x3]  }
0x4: {  	s7 =	rddreg [dreg:$0x4];
	s1 =	srdreg.scid  }
0x5: {  	s5 =	stileid.u32;
	s10 =	rddreg [dreg:$0x5]  }
0x6: {  	s28 =	simm.s32 $0x3E00;
	s4 =	sand.u32 $0x1, s1;
	s6 =	smul.u32 $0xC0, s5  }
0x7: {  	s8 =	sshll.u32 s5, $0x8;
	s5 =	simm.s32 $0x0;
	s1 =	sshll.u32 s4, $0xC  }
0x8: {  	s9 =	smul.u32 $0xC00, s4;
	[smem:$0x7FF] =	sst s5;
	s4 =	ssub.s32 $0x2, s4  }
0x9: {  	s1 =	sor.u32 s8, s1;
	_ =	strace $0x8000004F;
	s12 =	sadd.s32 s6, s10  }
0xa: {  	s15 =	sshrl.u32 s4, $0x1;
	s10 =	simm.s32 $0x200;
	s8 =	sshrl.u32 s1, $0x3  }
0xb: {  	s9 =	sadd.s32 s6, s9;
	[dreg:$0x8] =	wrdreg s12;
	s19 =	sor.u32 $0x2010, s1  }
0xc: {  	s12 =	sor.u32 $0x2020, s1;
	s14 =	sor.u32 $0x2040, s1;
	s29 =	sor.u32 $0x20B0, s1  }
0xd: {  	[dreg:$0x16] =	wrdreg s10;
	s30 =	sor.u32 $0x20C0, s1;
	s31 =	sor.u32 $0x20D0, s1  }
0xe: {  	v18 =	vlaneseq.u32;
	s10 =	sadd.s32 $0x300, s0;
	s2 =	sadd.s32 s8, s2;
	s11 =	sadd.s32 $0x1800, s9  }
0xf: {  	s8 =	simm.s32 $0x100;
	v11 =	vor.u32 s29, v18;
	v12 =	vor.u32 s30, v18;
	s29 =	simm.s32 $0x6E00;
	s30 =	simm.s32 $0x7600  }
0x10: {  	s2 =	sadd.s32 $0x1A00, s2;
	s9 =	sshll.u32 s11, $0x7;
	[dreg:$0x15] =	wrdreg s8  }
0x11: {  	s6 =	sshrl.u32 s11, $0x3;
	s11 =	simm.s32 $0x180;
	[dreg:$0x7] =	wrdreg s2  }
0x12: {  	v13 =	vor.u32 s31, v18;
	s31 =	simm.s32 $0x7E00;
	s13 =	sadd.s32 s3, s9;
	[dreg:$0x17] =	wrdreg s11  }
0x13: {  	v2 =	vor.u32 s12, v18;
	s12 =	simm.s32 $0xC600;
	s7 =	sadd.s32 s7, s6;
	[dreg:$0x1b] =	wrdreg s13  }
0x14: {  	s8 =	sadd.s32 $0x200, s0;
	s16 =	sadd.s32 $0x800, s13;
	[dreg:$0x14] =	wrdreg s7  }
0x15: {  	s9 =	ssub.s32 s4, s15;
	s17 =	sadd.s32 $0x1000, s13;
	[dreg:$0x9] =	wrdreg s16  }
0x16: {  	s4 =	sor.u32 $0x2030, s1;
	s18 =	sadd.s32 $0x1800, s13;
	[dreg:$0xa] =	wrdreg s17  }
0x17: {  	s15 =	sor.u32 $0x2060, s1;
	s20 =	sadd.s32 $0x2000, s13;
	[dreg:$0xb] =	wrdreg s18  }
0x18: {  	s11 =	simm.s32 $0xE;
	s21 =	sadd.s32 $0x2800, s13;
	[dreg:$0xc] =	wrdreg s20  }
0x19: {  	s2 =	simm.s32 $0x14600;
	s22 =	sadd.s32 $0x3000, s13;
	[dreg:$0xd] =	wrdreg s21  }
0x1a: {  	s23 =	sadd.s32 $0x3800, s13;
	s24 =	sadd.s32 $0x4000, s13;
	[dreg:$0xe] =	wrdreg s22  }
0x1b: {  	s25 =	sadd.s32 $0x4800, s13;
	s26 =	sadd.s32 $0x5000, s13;
	[dreg:$0xf] =	wrdreg s23  }
0x1c: {  	s3 =	sadd.s32 $0x5800, s13;
	s13 =	simm.s32 $0x280;
	[dreg:$0x10] =	wrdreg s24  }
0x1d: {  	s7 =	sadd.s32 $0x100, s0;
	v3 =	vor.u32 s4, v18;
	s4 =	simm.s32 $0x10600;
	[dreg:$0x11] =	wrdreg s25  }
0x1e: {  	v17 =	vshrl.u32 v18, $0x3;
	s16 =	sor.u32 $0x2000, s1;
	s17 =	sor.u32 $0x2050, s1;
	[dreg:$0x12] =	wrdreg s26  }
0x1f: {  	vm0 =	vmmov $0xffff;
	v16 =	vand.u32 $0x7, v18;
	v17 =	vmul.u32 $0x8, v17;
	s21 =	sor.u32 $0x2070, s1;
	s22 =	sor.u32 $0x2080, s1;
	[dreg:$0x13] =	wrdreg s3  }
0x20: {  	v1 =	vor.u32 s19, v18;
	v4 =	vor.u32 s14, v18;
	v6 =	vor.u32 s15, v18;
	s25 =	sor.u32 $0x2090, s1;
	s26 =	sor.u32 $0x20A0, s1;
	[dreg:$0x18] =	wrdreg s13  }
0x21: {  	s18 =	simm.s32 $0x460;
	s20 =	sor.u32 $0x20E0, s1;
	s23 =	simm.s32 $0x560;
	v0 =	vor.u32 s16, v18;
	v5 =	vor.u32 s17, v18;
	v7 =	vor.u32 s21, v18  }
0x22: {  	s24 =	sor.u32 $0x20F0, s1;
	s13 =	smax.u32 s9, $0x1;
	[dreg:$0x19] =	wrdreg s18;
	v8 =	vor.u32 s22, v18;
	v9 =	vor.u32 s25, v18;
	v10 =	vor.u32 s26, v18  }
0x23: {  	[dreg:$0x1a] =	wrdreg s23;
	v14 =	vor.u32 s20, v18;
	v15 =	vor.u32 s24, v18;
	v18 =	vor.u32 $0x8, v18;
	s25 =	simm.s32 $0x5E00;
	s26 =	simm.s32 $0x6600  }
.LBB2_1:
0x24: {  	_ =	strace $0x80000050  }
0x25: {  	s19 =	rddreg [dreg:$0x7]  }
0x26: {  	[tilespmem:s5], [sflag:$0xE] =	stream.linear.gather [hbm4b:s19+s5], $0x100, $0x200038;
	[tilespmem:$0x18600] =	vst v63  }
0x27: {  	_ =	swait.ge [sflag:s11], $0x100  }
0x28: {  	[sflag:s11] =	ssyncset.done $0x0  }
0x29: {  	[sflag:s11] =	ssyncadd.s32 $0xFFFFFF00  }
0x2a: {  	v19 =	vld [tilespmem:$0x0];
	_ =	sdelay $0x3  }
0x2b: {  	v20 =	vld [tilespmem:$0x10];
	[tilespmem:$0x200] =	vst v0  }
0x2c: {  	[tilespmem:$0x100] =	vst v19;
	v19 =	vld [tilespmem:$0x50]  }
0x2d: {  	[tilespmem:$0x210] =	vst v1  }
0x2e: {  	[tilespmem:$0x220] =	vst v2  }
0x2f: {  	[tilespmem:$0x230] =	vst v3  }
0x30: {  	[tilespmem:$0x110] =	vst v20;
	v20 =	vld [tilespmem:$0x60]  }
0x31: {  	[tilespmem:$0x150] =	vst v19;
	v19 =	vld [tilespmem:$0x70]  }
0x32: {  	[tilespmem:$0x240] =	vst v4  }
0x33: {  	[tilespmem:$0x250] =	vst v5  }
0x34: {  	[tilespmem:$0x260] =	vst v6  }
0x35: {  	[tilespmem:$0x160] =	vst v20;
	v20 =	vld [tilespmem:$0x80]  }
0x36: {  	[tilespmem:$0x170] =	vst v19;
	v19 =	vld [tilespmem:$0x90]  }
0x37: {  	[tilespmem:$0x270] =	vst v7  }
0x38: {  	[tilespmem:$0x280] =	vst v8  }
0x39: {  	[tilespmem:$0x290] =	vst v9  }
0x3a: {  	[tilespmem:$0x180] =	vst v20;
	v20 =	vld [tilespmem:$0xA0]  }
0x3b: {  	[tilespmem:$0x190] =	vst v19;
	v19 =	vld [tilespmem:$0xB0]  }
0x3c: {  	[tilespmem:$0x2A0] =	vst v10  }
0x3d: {  	[tilespmem:$0x2B0] =	vst v11  }
0x3e: {  	[tilespmem:$0x2C0] =	vst v12  }
0x3f: {  	[tilespmem:$0x1A0] =	vst v20;
	v20 =	vld [tilespmem:$0xC0]  }
0x40: {  	[tilespmem:$0x1B0] =	vst v19;
	v19 =	vld [tilespmem:$0xD0]  }
0x41: {  	v21 =	vld [tilespmem:$0x20];
	[tilespmem:$0x2D0] =	vst v13  }
0x42: {  	v22 =	vld [tilespmem:$0x30];
	[tilespmem:$0x2E0] =	vst v14  }
0x43: {  	v23 =	vld [tilespmem:$0x40];
	[tilespmem:$0x2F0] =	vst v15  }
0x44: {  	[tilespmem:$0x1C0] =	vst v20;
	v20 =	vld [tilespmem:$0xE0]  }
0x45: {  	[tilespmem:$0x1D0] =	vst v19;
	v19 =	vld [tilespmem:$0xF0]  }
0x46: {  	[tilespmem:$0x120] =	vst v21  }
0x47: {  	[tilespmem:$0x130] =	vst v22  }
0x48: {  	s16 =	rddreg [dreg:$0x15];
	[tilespmem:$0x140] =	vst v23  }
0x49: {  	s20 =	rddreg [dreg:$0x16];
	[tilespmem:$0x1E0] =	vst v20  }
0x4a: {  	s22 =	simm.s32 $0x80;
	s21 =	rddreg [dreg:$0x5];
	[tilespmem:$0x1F0] =	vst v19  }
0x4b: {  	[spmem:s21] =	stream.indirect.scatter [tilespmem:s20], [sflag:$0xE], $0x1, s16, s22, $0x2000b8;
	[tilespmem:$0x18600] =	vst v63  }
0x4c: {  	_ =	swait.ge [sflag:s11], $0x80  }
0x4d: {  	s17 =	rddreg [dreg:$0x17];
	[sflag:s11] =	ssyncset.done $0x0  }
0x4e: {  	s18 =	rddreg [dreg:$0x18];
	[sflag:s11] =	ssyncadd.s32 $0xFFFFFF80  }
0x4f: {  	[spmem:s21] =	stream.indirect.scatter [tilespmem:s18], [sflag:$0xE], $0x1, s17, s22, $0x2000b8;
	[tilespmem:$0x18600] =	vst v63  }
0x50: {  	_ =	swait.ge [sflag:s11], $0x80  }
0x51: {  	[sflag:s11] =	ssyncset.done $0x0  }
0x52: {  	[sflag:s11] =	ssyncadd.s32 $0xFFFFFF80  }
0x53: {  	_ =	strace $0x90000050  }
0x54: {  	_ =	strace $0x80000051  }
0x55: {  	[bflag:$0x0] =	sbarrier.arrive $0xFFFF  }
0x56: {  	_ =	strace $0x90000051  }
0x57: {  	_ =	strace $0x80000052  }
0x58: {  	s21 =	simm.s32 $0x400;
	s20 =	rddreg [dreg:$0x8]  }
0x59: {  	[tilespmem:s21], [sflag:$0xE] =	stream.linear.gather [spmem:s20], $0xC0, $0x200038;
	[tilespmem:$0x18600] =	vst v63  }
0x5a: {  	_ =	swait.ge [sflag:s11], $0xC0  }
0x5b: {  	[sflag:s11] =	ssyncset.done $0x0  }
0x5c: {  	[sflag:s11] =	ssyncadd.s32 $0xFFFFFF40  }
0x5d: {  	_ =	strace $0x90000052  }
0x5e: {  	s23 =	rddreg [dreg:$0x19]  }
0x5f: {  	s6 =	simm.s32 $0x60;
	s1 =	simm.s32 $0x500;
	s3 =	rddreg [dreg:$0x2]  }
0x60: {  	[tilespmem:s1], [sflag:$0xD] =	stream.indirect.gather [hbm4b:s3+s6], $0x1, s21, s6, $0xb8;
	[tilespmem:$0x18600] =	vst v63  }
0x61: {  	s24 =	rddreg [dreg:$0x1a]  }
0x62: {  	[tilespmem:s24], [sflag:$0xD] =	stream.indirect.gather [hbm4b:s3+s6], $0x1, s23, s6, $0xb8;
	[tilespmem:$0x18600] =	vst v63  }
0x63: {  	_ =	strace $0x80000053  }
0x64: {  	v19 =	vld [tilespmem:$0x400];
	_ =	sdelay $0x4  }
0x65: {  	v20 =	vshll.u32 v19, $0x3  }
0x66: {  	v19 =	vand.u32 $0x7, v19;
	v20 =	vand.u32 $0xFFFFFFC0, v20  }
0x67: {  	v19 =	vor.u32 v19, v20  }
0x68: {  	v20 =	vperm.xlane v19, v16;
	_ =	sdelay $0x1  }
0x69: {  	v20 =	vadd.s32 v17, v20;
	_ =	sdelay $0x3  }
0x6a: {  	s6 =	simm.s32 $0x600  }
0x6b: {  	[tilespmem:s6], [sflag:$0x1] =	stream.indirect_vreg.gather [hbm4b:s0+s5], $0x80, v20, vm0, $0x2000b8;
	[tilespmem:$0x18600] =	vst v63  }
0x6c: {  	s19 =	simm.s32 $0xE00;
	v19 =	vperm.xlane v19, v18  }
0x6d: {  	[tilespmem:s19], [sflag:$0x1] =	stream.indirect_vreg.gather [hbm4b:s7+s5], $0x80, v20, vm0, $0x2000b8;
	[tilespmem:$0x18600] =	vst v63  }
0x6e: {  	s21 =	simm.s32 $0x1600;
	v19 =	vadd.s32 v17, v19  }
0x6f: {  	[tilespmem:s21], [sflag:$0x1] =	stream.indirect_vreg.gather [hbm4b:s8+s5], $0x80, v20, vm0, $0x2000b8;
	[tilespmem:$0x18600] =	vst v63  }
0x70: {  	s22 =	simm.s32 $0x1E00  }
0x71: {  	[tilespmem:s22], [sflag:$0x1] =	stream.indirect_vreg.gather [hbm4b:s10+s5], $0x80, v20, vm0, $0x2000b8;
	[tilespmem:$0x18600] =	vst v63  }
0x72: {  	s24 =	simm.s32 $0x2600  }
0x73: {  	[tilespmem:s24], [sflag:$0x1] =	stream.indirect_vreg.gather [hbm4b:s0+s5], $0x80, v19, vm0, $0x2000b8;
	[tilespmem:$0x18600] =	vst v63  }
0x74: {  	s3 =	simm.s32 $0x2E00  }
0x75: {  	[tilespmem:s3], [sflag:$0x1] =	stream.indirect_vreg.gather [hbm4b:s7+s5], $0x80, v19, vm0, $0x2000b8;
	[tilespmem:$0x18600] =	vst v63  }
0x76: {  	s18 =	simm.s32 $0x3600  }
0x77: {  	[tilespmem:s18], [sflag:$0x1] =	stream.indirect_vreg.gather [hbm4b:s8+s5], $0x80, v19, vm0, $0x2000b8;
	[tilespmem:$0x18600] =	vst v63  }
0x78: {  	_ = 	snop  }
0x79: {  	[tilespmem:s28], [sflag:$0x1] =	stream.indirect_vreg.gather [hbm4b:s10+s5], $0x80, v19, vm0, $0x2000b8;
	[tilespmem:$0x18600] =	vst v63  }
0x7a: {  	v19 =	vld [tilespmem:$0x410];
	_ =	sdelay $0x4  }
0x7b: {  	v20 =	vshll.u32 v19, $0x3  }
0x7c: {  	v19 =	vand.u32 $0x7, v19;
	v20 =	vand.u32 $0xFFFFFFC0, v20  }
0x7d: {  	v19 =	vor.u32 v19, v20  }
0x7e: {  	v20 =	vperm.xlane v19, v16;
	_ =	sdelay $0x1  }
0x7f: {  	v20 =	vadd.s32 v17, v20;
	_ =	sdelay $0x3  }
0x80: {  	s9 =	simm.s32 $0x4600  }
0x81: {  	[tilespmem:s9], [sflag:$0x2] =	stream.indirect_vreg.gather [hbm4b:s0+s5], $0x80, v20, vm0, $0x2000b8;
	[tilespmem:$0x18600] =	vst v63  }
0x82: {  	s23 =	simm.s32 $0x4E00;
	v19 =	vperm.xlane v19, v18  }
0x83: {  	[tilespmem:s23], [sflag:$0x2] =	stream.indirect_vreg.gather [hbm4b:s7+s5], $0x80, v20, vm0, $0x2000b8;
	[tilespmem:$0x18600] =	vst v63  }
0x84: {  	s16 =	simm.s32 $0x5600;
	v19 =	vadd.s32 v17, v19  }
0x85: {  	[tilespmem:s16], [sflag:$0x2] =	stream.indirect_vreg.gather [hbm4b:s8+s5], $0x80, v20, vm0, $0x2000b8;
	[tilespmem:$0x18600] =	vst v63  }
0x86: {  	_ = 	snop  }
0x87: {  	[tilespmem:s25], [sflag:$0x2] =	stream.indirect_vreg.gather [hbm4b:s10+s5], $0x80, v20, vm0, $0x2000b8;
	[tilespmem:$0x18600] =	vst v63  }
0x88: {  	_ = 	snop  }
0x89: {  	[tilespmem:s26], [sflag:$0x2] =	stream.indirect_vreg.gather [hbm4b:s0+s5], $0x80, v19, vm0, $0x2000b8;
	[tilespmem:$0x18600] =	vst v63  }
0x8a: {  	_ = 	snop  }
0x8b: {  	[tilespmem:s29], [sflag:$0x2] =	stream.indirect_vreg.gather [hbm4b:s7+s5], $0x80, v19, vm0, $0x2000b8;
	[tilespmem:$0x18600] =	vst v63  }
0x8c: {  	_ = 	snop  }
0x8d: {  	[tilespmem:s30], [sflag:$0x2] =	stream.indirect_vreg.gather [hbm4b:s8+s5], $0x80, v19, vm0, $0x2000b8;
	[tilespmem:$0x18600] =	vst v63  }
0x8e: {  	_ = 	snop  }
0x8f: {  	[tilespmem:s31], [sflag:$0x2] =	stream.indirect_vreg.gather [hbm4b:s10+s5], $0x80, v19, vm0, $0x2000b8;
	[tilespmem:$0x18600] =	vst v63  }
0x90: {  	v19 =	vld [tilespmem:$0x420];
	_ =	sdelay $0x4  }
0x91: {  	v20 =	vshll.u32 v19, $0x3  }
0x92: {  	v19 =	vand.u32 $0x7, v19;
	v20 =	vand.u32 $0xFFFFFFC0, v20  }
0x93: {  	v19 =	vor.u32 v19, v20  }
0x94: {  	v20 =	vperm.xlane v19, v16;
	_ =	sdelay $0x1  }
0x95: {  	v20 =	vadd.s32 v17, v20;
	_ =	sdelay $0x3  }
0x96: {  	s14 =	simm.s32 $0x8600  }
0x97: {  	[tilespmem:s14], [sflag:$0x3] =	stream.indirect_vreg.gather [hbm4b:s0+s5], $0x80, v20, vm0, $0x2000b8;
	[tilespmem:$0x18600] =	vst v63  }
0x98: {  	s20 =	simm.s32 $0x8E00;
	v19 =	vperm.xlane v19, v18  }
0x99: {  	[tilespmem:s20], [sflag:$0x3] =	stream.indirect_vreg.gather [hbm4b:s7+s5], $0x80, v20, vm0, $0x2000b8;
	[tilespmem:$0x18600] =	vst v63  }
0x9a: {  	s15 =	simm.s32 $0x9600;
	v19 =	vadd.s32 v17, v19  }
0x9b: {  	[tilespmem:s15], [sflag:$0x3] =	stream.indirect_vreg.gather [hbm4b:s8+s5], $0x80, v20, vm0, $0x2000b8;
	[tilespmem:$0x18600] =	vst v63  }
0x9c: {  	s17 =	simm.s32 $0x9E00  }
0x9d: {  	[tilespmem:s17], [sflag:$0x3] =	stream.indirect_vreg.gather [hbm4b:s10+s5], $0x80, v20, vm0, $0x2000b8;
	[tilespmem:$0x18600] =	vst v63  }
0x9e: {  	s14 =	simm.s32 $0xA600  }
0x9f: {  	[tilespmem:s14], [sflag:$0x3] =	stream.indirect_vreg.gather [hbm4b:s0+s5], $0x80, v19, vm0, $0x2000b8;
	[tilespmem:$0x18600] =	vst v63  }
0xa0: {  	s15 =	simm.s32 $0xAE00  }
0xa1: {  	[tilespmem:s15], [sflag:$0x3] =	stream.indirect_vreg.gather [hbm4b:s7+s5], $0x80, v19, vm0, $0x2000b8;
	[tilespmem:$0x18600] =	vst v63  }
0xa2: {  	s17 =	simm.s32 $0xB600  }
0xa3: {  	[tilespmem:s17], [sflag:$0x3] =	stream.indirect_vreg.gather [hbm4b:s8+s5], $0x80, v19, vm0, $0x2000b8;
	[tilespmem:$0x18600] =	vst v63  }
0xa4: {  	s6 =	simm.s32 $0xBE00  }
0xa5: {  	[tilespmem:s6], [sflag:$0x3] =	stream.indirect_vreg.gather [hbm4b:s10+s5], $0x80, v19, vm0, $0x2000b8;
	[tilespmem:$0x18600] =	vst v63  }
0xa6: {  	v19 =	vld [tilespmem:$0x430];
	_ =	sdelay $0x4  }
0xa7: {  	v20 =	vshll.u32 v19, $0x3  }
0xa8: {  	v19 =	vand.u32 $0x7, v19;
	v20 =	vand.u32 $0xFFFFFFC0, v20  }
0xa9: {  	v19 =	vor.u32 v19, v20  }
0xaa: {  	v20 =	vperm.xlane v19, v16;
	_ =	sdelay $0x1  }
0xab: {  	v20 =	vadd.s32 v17, v20;
	_ =	sdelay $0x4  }
0xac: {  	[tilespmem:s12], [sflag:$0x4] =	stream.indirect_vreg.gather [hbm4b:s0+s5], $0x80, v20, vm0, $0x2000b8;
	[tilespmem:$0x18600] =	vst v63  }
0xad: {  	s9 =	simm.s32 $0xCE00;
	v19 =	vperm.xlane v19, v18  }
0xae: {  	[tilespmem:s9], [sflag:$0x4] =	stream.indirect_vreg.gather [hbm4b:s7+s5], $0x80, v20, vm0, $0x2000b8;
	[tilespmem:$0x18600] =	vst v63  }
0xaf: {  	s6 =	simm.s32 $0xD600;
	v19 =	vadd.s32 v17, v19  }
0xb0: {  	[tilespmem:s6], [sflag:$0x4] =	stream.indirect_vreg.gather [hbm4b:s8+s5], $0x80, v20, vm0, $0x2000b8;
	[tilespmem:$0x18600] =	vst v63  }
0xb1: {  	s9 =	simm.s32 $0xDE00  }
0xb2: {  	[tilespmem:s9], [sflag:$0x4] =	stream.indirect_vreg.gather [hbm4b:s10+s5], $0x80, v20, vm0, $0x2000b8;
	[tilespmem:$0x18600] =	vst v63  }
0xb3: {  	s6 =	simm.s32 $0xE600  }
0xb4: {  	[tilespmem:s6], [sflag:$0x4] =	stream.indirect_vreg.gather [hbm4b:s0+s5], $0x80, v19, vm0, $0x2000b8;
	[tilespmem:$0x18600] =	vst v63  }
0xb5: {  	s9 =	simm.s32 $0xEE00  }
0xb6: {  	[tilespmem:s9], [sflag:$0x4] =	stream.indirect_vreg.gather [hbm4b:s7+s5], $0x80, v19, vm0, $0x2000b8;
	[tilespmem:$0x18600] =	vst v63  }
0xb7: {  	s6 =	simm.s32 $0xF600  }
0xb8: {  	[tilespmem:s6], [sflag:$0x4] =	stream.indirect_vreg.gather [hbm4b:s8+s5], $0x80, v19, vm0, $0x2000b8;
	[tilespmem:$0x18600] =	vst v63  }
0xb9: {  	s9 =	simm.s32 $0xFE00  }
0xba: {  	[tilespmem:s9], [sflag:$0x4] =	stream.indirect_vreg.gather [hbm4b:s10+s5], $0x80, v19, vm0, $0x2000b8;
	[tilespmem:$0x18600] =	vst v63  }
0xbb: {  	v19 =	vld [tilespmem:$0x440];
	_ =	sdelay $0x4  }
0xbc: {  	v20 =	vshll.u32 v19, $0x3  }
0xbd: {  	v19 =	vand.u32 $0x7, v19;
	v20 =	vand.u32 $0xFFFFFFC0, v20  }
0xbe: {  	v19 =	vor.u32 v19, v20  }
0xbf: {  	v20 =	vperm.xlane v19, v16;
	_ =	sdelay $0x1  }
0xc0: {  	v20 =	vadd.s32 v17, v20;
	_ =	sdelay $0x4  }
0xc1: {  	[tilespmem:s4], [sflag:$0x5] =	stream.indirect_vreg.gather [hbm4b:s0+s5], $0x80, v20, vm0, $0x2000b8;
	[tilespmem:$0x18600] =	vst v63  }
0xc2: {  	s6 =	simm.s32 $0x10E00;
	v19 =	vperm.xlane v19, v18  }
0xc3: {  	[tilespmem:s6], [sflag:$0x5] =	stream.indirect_vreg.gather [hbm4b:s7+s5], $0x80, v20, vm0, $0x2000b8;
	[tilespmem:$0x18600] =	vst v63  }
0xc4: {  	s9 =	simm.s32 $0x11600;
	v19 =	vadd.s32 v17, v19  }
0xc5: {  	[tilespmem:s9], [sflag:$0x5] =	stream.indirect_vreg.gather [hbm4b:s8+s5], $0x80, v20, vm0, $0x2000b8;
	[tilespmem:$0x18600] =	vst v63  }
0xc6: {  	s6 =	simm.s32 $0x11E00  }
0xc7: {  	[tilespmem:s6], [sflag:$0x5] =	stream.indirect_vreg.gather [hbm4b:s10+s5], $0x80, v20, vm0, $0x2000b8;
	[tilespmem:$0x18600] =	vst v63  }
0xc8: {  	s9 =	simm.s32 $0x12600  }
0xc9: {  	[tilespmem:s9], [sflag:$0x5] =	stream.indirect_vreg.gather [hbm4b:s0+s5], $0x80, v19, vm0, $0x2000b8;
	[tilespmem:$0x18600] =	vst v63  }
0xca: {  	s6 =	simm.s32 $0x12E00  }
0xcb: {  	[tilespmem:s6], [sflag:$0x5] =	stream.indirect_vreg.gather [hbm4b:s7+s5], $0x80, v19, vm0, $0x2000b8;
	[tilespmem:$0x18600] =	vst v63  }
0xcc: {  	s9 =	simm.s32 $0x13600  }
0xcd: {  	[tilespmem:s9], [sflag:$0x5] =	stream.indirect_vreg.gather [hbm4b:s8+s5], $0x80, v19, vm0, $0x2000b8;
	[tilespmem:$0x18600] =	vst v63  }
0xce: {  	s6 =	simm.s32 $0x13E00  }
0xcf: {  	[tilespmem:s6], [sflag:$0x5] =	stream.indirect_vreg.gather [hbm4b:s10+s5], $0x80, v19, vm0, $0x2000b8;
	[tilespmem:$0x18600] =	vst v63  }
0xd0: {  	v19 =	vld [tilespmem:$0x450];
	_ =	sdelay $0x4  }
0xd1: {  	v20 =	vshll.u32 v19, $0x3  }
0xd2: {  	v19 =	vand.u32 $0x7, v19;
	v20 =	vand.u32 $0xFFFFFFC0, v20  }
0xd3: {  	v19 =	vor.u32 v19, v20  }
0xd4: {  	v20 =	vperm.xlane v19, v16;
	_ =	sdelay $0x1  }
0xd5: {  	v20 =	vadd.s32 v17, v20;
	_ =	sdelay $0x4  }
0xd6: {  	[tilespmem:s2], [sflag:$0x6] =	stream.indirect_vreg.gather [hbm4b:s0+s5], $0x80, v20, vm0, $0x2000b8;
	[tilespmem:$0x18600] =	vst v63  }
0xd7: {  	s9 =	simm.s32 $0x14E00;
	v19 =	vperm.xlane v19, v18  }
0xd8: {  	[tilespmem:s9], [sflag:$0x6] =	stream.indirect_vreg.gather [hbm4b:s7+s5], $0x80, v20, vm0, $0x2000b8;
	[tilespmem:$0x18600] =	vst v63  }
0xd9: {  	s6 =	simm.s32 $0x15600;
	v19 =	vadd.s32 v17, v19  }
0xda: {  	[tilespmem:s6], [sflag:$0x6] =	stream.indirect_vreg.gather [hbm4b:s8+s5], $0x80, v20, vm0, $0x2000b8;
	[tilespmem:$0x18600] =	vst v63  }
0xdb: {  	s9 =	simm.s32 $0x15E00  }
0xdc: {  	[tilespmem:s9], [sflag:$0x6] =	stream.indirect_vreg.gather [hbm4b:s10+s5], $0x80, v20, vm0, $0x2000b8;
	[tilespmem:$0x18600] =	vst v63  }
0xdd: {  	s6 =	simm.s32 $0x16600  }
0xde: {  	[tilespmem:s6], [sflag:$0x6] =	stream.indirect_vreg.gather [hbm4b:s0+s5], $0x80, v19, vm0, $0x2000b8;
	[tilespmem:$0x18600] =	vst v63  }
0xdf: {  	s9 =	simm.s32 $0x16E00  }
0xe0: {  	[tilespmem:s9], [sflag:$0x6] =	stream.indirect_vreg.gather [hbm4b:s7+s5], $0x80, v19, vm0, $0x2000b8;
	[tilespmem:$0x18600] =	vst v63  }
0xe1: {  	s6 =	simm.s32 $0x17600  }
0xe2: {  	[tilespmem:s6], [sflag:$0x6] =	stream.indirect_vreg.gather [hbm4b:s8+s5], $0x80, v19, vm0, $0x2000b8;
	[tilespmem:$0x18600] =	vst v63  }
0xe3: {  	s1 =	simm.s32 $0x1;
	s9 =	simm.s32 $0x17E00  }
0xe4: {  	[tilespmem:s9], [sflag:$0x6] =	stream.indirect_vreg.gather [hbm4b:s10+s5], $0x80, v19, vm0, $0x2000b8;
	[tilespmem:$0x18600] =	vst v63  }
0xe5: {  	_ =	swait.ge [sflag:s1], $0x4000  }
0xe6: {  	[sflag:s1] =	ssyncset.done $0x0  }
0xe7: {  	s9 =	simm.s32 $0x600;
	s6 =	rddreg [dreg:$0x1b];
	[sflag:s1] =	ssyncadd.s32 $0xFFFFC000  }
0xe8: {  	[hbm4b:s6+s5] =	stream.linear.scatter [tilespmem:s9], [sflag:$0x7], $0x4000, $0x200038;
	[tilespmem:$0x18600] =	vst v63  }
0xe9: {  	s6 =	simm.s32 $0x7  }
0xea: {  	_ =	swait.ge [sflag:s6], $0x4000  }
0xeb: {  	[sflag:s6] =	ssyncset.done $0x0  }
0xec: {  	[sflag:s6] =	ssyncadd.s32 $0xFFFFC000  }
0xed: {  	v19 =	vld [tilespmem:$0x460];
	_ =	sdelay $0x4  }
0xee: {  	v20 =	vshll.u32 v19, $0x3  }
0xef: {  	v19 =	vand.u32 $0x7, v19;
	v20 =	vand.u32 $0xFFFFFFC0, v20  }
0xf0: {  	v19 =	vor.u32 v19, v20  }
0xf1: {  	v20 =	vperm.xlane v19, v16;
	_ =	sdelay $0x1  }
0xf2: {  	v20 =	vadd.s32 v17, v20;
	_ =	sdelay $0x4  }
0xf3: {  	[tilespmem:s9], [sflag:$0x1] =	stream.indirect_vreg.gather [hbm4b:s0+s5], $0x80, v20, vm0, $0x2000b8;
	[tilespmem:$0x18600] =	vst v63  }
0xf4: {  	v19 =	vperm.xlane v19, v18  }
0xf5: {  	[tilespmem:s19], [sflag:$0x1] =	stream.indirect_vreg.gather [hbm4b:s7+s5], $0x80, v20, vm0, $0x2000b8;
	[tilespmem:$0x18600] =	vst v63  }
0xf6: {  	v19 =	vadd.s32 v17, v19  }
0xf7: {  	[tilespmem:s21], [sflag:$0x1] =	stream.indirect_vreg.gather [hbm4b:s8+s5], $0x80, v20, vm0, $0x2000b8;
	[tilespmem:$0x18600] =	vst v63  }
0xf8: {  	_ = 	snop  }
0xf9: {  	[tilespmem:s22], [sflag:$0x1] =	stream.indirect_vreg.gather [hbm4b:s10+s5], $0x80, v20, vm0, $0x2000b8;
	[tilespmem:$0x18600] =	vst v63  }
0xfa: {  	_ = 	snop  }
0xfb: {  	[tilespmem:s24], [sflag:$0x1] =	stream.indirect_vreg.gather [hbm4b:s0+s5], $0x80, v19, vm0, $0x2000b8;
	[tilespmem:$0x18600] =	vst v63  }
0xfc: {  	_ = 	snop  }
0xfd: {  	[tilespmem:s3], [sflag:$0x1] =	stream.indirect_vreg.gather [hbm4b:s7+s5], $0x80, v19, vm0, $0x2000b8;
	[tilespmem:$0x18600] =	vst v63  }
0xfe: {  	_ = 	snop  }
0xff: {  	[tilespmem:s18], [sflag:$0x1] =	stream.indirect_vreg.gather [hbm4b:s8+s5], $0x80, v19, vm0, $0x2000b8;
	[tilespmem:$0x18600] =	vst v63  }
0x100: {  	s3 =	simm.s32 $0x2  }
0x101: {  	[tilespmem:s28], [sflag:$0x1] =	stream.indirect_vreg.gather [hbm4b:s10+s5], $0x80, v19, vm0, $0x2000b8;
	[tilespmem:$0x18600] =	vst v63  }
0x102: {  	_ =	swait.ge [sflag:s3], $0x4000  }
0x103: {  	s22 =	simm.s32 $0x4600;
	[sflag:s3] =	ssyncset.done $0x0  }
0x104: {  	s18 =	simm.s32 $0x8;
	s21 =	rddreg [dreg:$0x9];
	[sflag:s3] =	ssyncadd.s32 $0xFFFFC000  }
0x105: {  	[hbm4b:s21+s5] =	stream.linear.scatter [tilespmem:s22], [sflag:$0x8], $0x4000, $0x200038;
	[tilespmem:$0x18600] =	vst v63  }
0x106: {  	_ =	swait.ge [sflag:s18], $0x4000  }
0x107: {  	[sflag:s18] =	ssyncset.done $0x0  }
0x108: {  	[sflag:s18] =	ssyncadd.s32 $0xFFFFC000  }
0x109: {  	v19 =	vld [tilespmem:$0x470];
	_ =	sdelay $0x4  }
0x10a: {  	v20 =	vshll.u32 v19, $0x3  }
0x10b: {  	v19 =	vand.u32 $0x7, v19;
	v20 =	vand.u32 $0xFFFFFFC0, v20  }
0x10c: {  	v19 =	vor.u32 v19, v20  }
0x10d: {  	v20 =	vperm.xlane v19, v16;
	_ =	sdelay $0x1  }
0x10e: {  	v20 =	vadd.s32 v17, v20;
	_ =	sdelay $0x4  }
0x10f: {  	[tilespmem:s22], [sflag:$0x2] =	stream.indirect_vreg.gather [hbm4b:s0+s5], $0x80, v20, vm0, $0x2000b8;
	[tilespmem:$0x18600] =	vst v63  }
0x110: {  	v19 =	vperm.xlane v19, v18  }
0x111: {  	[tilespmem:s23], [sflag:$0x2] =	stream.indirect_vreg.gather [hbm4b:s7+s5], $0x80, v20, vm0, $0x2000b8;
	[tilespmem:$0x18600] =	vst v63  }
0x112: {  	v19 =	vadd.s32 v17, v19  }
0x113: {  	[tilespmem:s16], [sflag:$0x2] =	stream.indirect_vreg.gather [hbm4b:s8+s5], $0x80, v20, vm0, $0x2000b8;
	[tilespmem:$0x18600] =	vst v63  }
0x114: {  	_ = 	snop  }
0x115: {  	[tilespmem:s25], [sflag:$0x2] =	stream.indirect_vreg.gather [hbm4b:s10+s5], $0x80, v20, vm0, $0x2000b8;
	[tilespmem:$0x18600] =	vst v63  }
0x116: {  	_ = 	snop  }
0x117: {  	[tilespmem:s26], [sflag:$0x2] =	stream.indirect_vreg.gather [hbm4b:s0+s5], $0x80, v19, vm0, $0x2000b8;
	[tilespmem:$0x18600] =	vst v63  }
0x118: {  	_ = 	snop  }
0x119: {  	[tilespmem:s29], [sflag:$0x2] =	stream.indirect_vreg.gather [hbm4b:s7+s5], $0x80, v19, vm0, $0x2000b8;
	[tilespmem:$0x18600] =	vst v63  }
0x11a: {  	_ = 	snop  }
0x11b: {  	[tilespmem:s30], [sflag:$0x2] =	stream.indirect_vreg.gather [hbm4b:s8+s5], $0x80, v19, vm0, $0x2000b8;
	[tilespmem:$0x18600] =	vst v63  }
0x11c: {  	s16 =	simm.s32 $0x3  }
0x11d: {  	[tilespmem:s31], [sflag:$0x2] =	stream.indirect_vreg.gather [hbm4b:s10+s5], $0x80, v19, vm0, $0x2000b8;
	[tilespmem:$0x18600] =	vst v63  }
0x11e: {  	_ =	swait.ge [sflag:s16], $0x4000  }
0x11f: {  	s24 =	simm.s32 $0x8600;
	[sflag:s16] =	ssyncset.done $0x0  }
0x120: {  	s21 =	simm.s32 $0x9;
	s23 =	rddreg [dreg:$0xa];
	[sflag:s16] =	ssyncadd.s32 $0xFFFFC000  }
0x121: {  	[hbm4b:s23+s5] =	stream.linear.scatter [tilespmem:s24], [sflag:$0x9], $0x4000, $0x200038;
	[tilespmem:$0x18600] =	vst v63  }
0x122: {  	_ =	swait.ge [sflag:s21], $0x4000  }
0x123: {  	[sflag:s21] =	ssyncset.done $0x0  }
0x124: {  	[sflag:s21] =	ssyncadd.s32 $0xFFFFC000  }
0x125: {  	v19 =	vld [tilespmem:$0x480];
	_ =	sdelay $0x4  }
0x126: {  	v20 =	vshll.u32 v19, $0x3  }
0x127: {  	v19 =	vand.u32 $0x7, v19;
	v20 =	vand.u32 $0xFFFFFFC0, v20  }
0x128: {  	v19 =	vor.u32 v19, v20  }
0x129: {  	v20 =	vperm.xlane v19, v16;
	_ =	sdelay $0x1  }
0x12a: {  	v20 =	vadd.s32 v17, v20;
	_ =	sdelay $0x4  }
0x12b: {  	[tilespmem:s24], [sflag:$0x3] =	stream.indirect_vreg.gather [hbm4b:s0+s5], $0x80, v20, vm0, $0x2000b8;
	[tilespmem:$0x18600] =	vst v63  }
0x12c: {  	v19 =	vperm.xlane v19, v18  }
0x12d: {  	[tilespmem:s20], [sflag:$0x3] =	stream.indirect_vreg.gather [hbm4b:s7+s5], $0x80, v20, vm0, $0x2000b8;
	[tilespmem:$0x18600] =	vst v63  }
0x12e: {  	s22 =	simm.s32 $0x9600;
	v19 =	vadd.s32 v17, v19  }
0x12f: {  	[tilespmem:s22], [sflag:$0x3] =	stream.indirect_vreg.gather [hbm4b:s8+s5], $0x80, v20, vm0, $0x2000b8;
	[tilespmem:$0x18600] =	vst v63  }
0x130: {  	s23 =	simm.s32 $0x9E00  }
0x131: {  	[tilespmem:s23], [sflag:$0x3] =	stream.indirect_vreg.gather [hbm4b:s10+s5], $0x80, v20, vm0, $0x2000b8;
	[tilespmem:$0x18600] =	vst v63  }
0x132: {  	_ = 	snop  }
0x133: {  	[tilespmem:s14], [sflag:$0x3] =	stream.indirect_vreg.gather [hbm4b:s0+s5], $0x80, v19, vm0, $0x2000b8;
	[tilespmem:$0x18600] =	vst v63  }
0x134: {  	_ = 	snop  }
0x135: {  	[tilespmem:s15], [sflag:$0x3] =	stream.indirect_vreg.gather [hbm4b:s7+s5], $0x80, v19, vm0, $0x2000b8;
	[tilespmem:$0x18600] =	vst v63  }
0x136: {  	_ = 	snop  }
0x137: {  	[tilespmem:s17], [sflag:$0x3] =	stream.indirect_vreg.gather [hbm4b:s8+s5], $0x80, v19, vm0, $0x2000b8;
	[tilespmem:$0x18600] =	vst v63  }
0x138: {  	s19 =	simm.s32 $0xBE00;
	s14 =	simm.s32 $0x4  }
0x139: {  	[tilespmem:s19], [sflag:$0x3] =	stream.indirect_vreg.gather [hbm4b:s10+s5], $0x80, v19, vm0, $0x2000b8;
	[tilespmem:$0x18600] =	vst v63  }
0x13a: {  	_ =	swait.ge [sflag:s14], $0x4000  }
0x13b: {  	[sflag:s14] =	ssyncset.done $0x0  }
0x13c: {  	s15 =	simm.s32 $0xA;
	s20 =	rddreg [dreg:$0xb];
	[sflag:s14] =	ssyncadd.s32 $0xFFFFC000  }
0x13d: {  	[hbm4b:s20+s5] =	stream.linear.scatter [tilespmem:s12], [sflag:$0xA], $0x4000, $0x200038;
	[tilespmem:$0x18600] =	vst v63  }
0x13e: {  	_ =	swait.ge [sflag:s15], $0x4000  }
0x13f: {  	[sflag:s15] =	ssyncset.done $0x0  }
0x140: {  	[sflag:s15] =	ssyncadd.s32 $0xFFFFC000  }
0x141: {  	v19 =	vld [tilespmem:$0x490];
	_ =	sdelay $0x4  }
0x142: {  	v20 =	vshll.u32 v19, $0x3  }
0x143: {  	v19 =	vand.u32 $0x7, v19;
	v20 =	vand.u32 $0xFFFFFFC0, v20  }
0x144: {  	v19 =	vor.u32 v19, v20  }
0x145: {  	v20 =	vperm.xlane v19, v16;
	_ =	sdelay $0x1  }
0x146: {  	v20 =	vadd.s32 v17, v20;
	_ =	sdelay $0x4  }
0x147: {  	[tilespmem:s12], [sflag:$0x4] =	stream.indirect_vreg.gather [hbm4b:s0+s5], $0x80, v20, vm0, $0x2000b8;
	[tilespmem:$0x18600] =	vst v63  }
0x148: {  	s22 =	simm.s32 $0xCE00;
	v19 =	vperm.xlane v19, v18  }
0x149: {  	[tilespmem:s22], [sflag:$0x4] =	stream.indirect_vreg.gather [hbm4b:s7+s5], $0x80, v20, vm0, $0x2000b8;
	[tilespmem:$0x18600] =	vst v63  }
0x14a: {  	s23 =	simm.s32 $0xD600;
	v19 =	vadd.s32 v17, v19  }
0x14b: {  	[tilespmem:s23], [sflag:$0x4] =	stream.indirect_vreg.gather [hbm4b:s8+s5], $0x80, v20, vm0, $0x2000b8;
	[tilespmem:$0x18600] =	vst v63  }
0x14c: {  	s19 =	simm.s32 $0xDE00  }
0x14d: {  	[tilespmem:s19], [sflag:$0x4] =	stream.indirect_vreg.gather [hbm4b:s10+s5], $0x80, v20, vm0, $0x2000b8;
	[tilespmem:$0x18600] =	vst v63  }
0x14e: {  	s20 =	simm.s32 $0xE600  }
0x14f: {  	[tilespmem:s20], [sflag:$0x4] =	stream.indirect_vreg.gather [hbm4b:s0+s5], $0x80, v19, vm0, $0x2000b8;
	[tilespmem:$0x18600] =	vst v63  }
0x150: {  	s22 =	simm.s32 $0xEE00  }
0x151: {  	[tilespmem:s22], [sflag:$0x4] =	stream.indirect_vreg.gather [hbm4b:s7+s5], $0x80, v19, vm0, $0x2000b8;
	[tilespmem:$0x18600] =	vst v63  }
0x152: {  	s23 =	simm.s32 $0xF600  }
0x153: {  	[tilespmem:s23], [sflag:$0x4] =	stream.indirect_vreg.gather [hbm4b:s8+s5], $0x80, v19, vm0, $0x2000b8;
	[tilespmem:$0x18600] =	vst v63  }
0x154: {  	s17 =	simm.s32 $0x5;
	s19 =	simm.s32 $0xFE00  }
0x155: {  	[tilespmem:s19], [sflag:$0x4] =	stream.indirect_vreg.gather [hbm4b:s10+s5], $0x80, v19, vm0, $0x2000b8;
	[tilespmem:$0x18600] =	vst v63  }
0x156: {  	_ =	swait.ge [sflag:s17], $0x4000  }
0x157: {  	[sflag:s17] =	ssyncset.done $0x0  }
0x158: {  	s20 =	rddreg [dreg:$0xc];
	[sflag:s17] =	ssyncadd.s32 $0xFFFFC000  }
0x159: {  	[hbm4b:s20+s5] =	stream.linear.scatter [tilespmem:s4], [sflag:$0xB], $0x4000, $0x200038;
	[tilespmem:$0x18600] =	vst v63  }
0x15a: {  	s20 =	simm.s32 $0xB  }
0x15b: {  	_ =	swait.ge [sflag:s20], $0x4000  }
0x15c: {  	[sflag:s20] =	ssyncset.done $0x0  }
0x15d: {  	[sflag:s20] =	ssyncadd.s32 $0xFFFFC000  }
0x15e: {  	v19 =	vld [tilespmem:$0x4A0];
	_ =	sdelay $0x4  }
0x15f: {  	v20 =	vshll.u32 v19, $0x3  }
0x160: {  	v19 =	vand.u32 $0x7, v19;
	v20 =	vand.u32 $0xFFFFFFC0, v20  }
0x161: {  	v19 =	vor.u32 v19, v20  }
0x162: {  	v20 =	vperm.xlane v19, v16;
	_ =	sdelay $0x1  }
0x163: {  	v20 =	vadd.s32 v17, v20;
	_ =	sdelay $0x4  }
0x164: {  	[tilespmem:s4], [sflag:$0x5] =	stream.indirect_vreg.gather [hbm4b:s0+s5], $0x80, v20, vm0, $0x2000b8;
	[tilespmem:$0x18600] =	vst v63  }
0x165: {  	s22 =	simm.s32 $0x10E00;
	v19 =	vperm.xlane v19, v18  }
0x166: {  	[tilespmem:s22], [sflag:$0x5] =	stream.indirect_vreg.gather [hbm4b:s7+s5], $0x80, v20, vm0, $0x2000b8;
	[tilespmem:$0x18600] =	vst v63  }
0x167: {  	s23 =	simm.s32 $0x11600;
	v19 =	vadd.s32 v17, v19  }
0x168: {  	[tilespmem:s23], [sflag:$0x5] =	stream.indirect_vreg.gather [hbm4b:s8+s5], $0x80, v20, vm0, $0x2000b8;
	[tilespmem:$0x18600] =	vst v63  }
0x169: {  	s22 =	simm.s32 $0x11E00  }
0x16a: {  	[tilespmem:s22], [sflag:$0x5] =	stream.indirect_vreg.gather [hbm4b:s10+s5], $0x80, v20, vm0, $0x2000b8;
	[tilespmem:$0x18600] =	vst v63  }
0x16b: {  	s23 =	simm.s32 $0x12600  }
0x16c: {  	[tilespmem:s23], [sflag:$0x5] =	stream.indirect_vreg.gather [hbm4b:s0+s5], $0x80, v19, vm0, $0x2000b8;
	[tilespmem:$0x18600] =	vst v63  }
0x16d: {  	s22 =	simm.s32 $0x12E00  }
0x16e: {  	[tilespmem:s22], [sflag:$0x5] =	stream.indirect_vreg.gather [hbm4b:s7+s5], $0x80, v19, vm0, $0x2000b8;
	[tilespmem:$0x18600] =	vst v63  }
0x16f: {  	s23 =	simm.s32 $0x13600  }
0x170: {  	[tilespmem:s23], [sflag:$0x5] =	stream.indirect_vreg.gather [hbm4b:s8+s5], $0x80, v19, vm0, $0x2000b8;
	[tilespmem:$0x18600] =	vst v63  }
0x171: {  	s22 =	simm.s32 $0x13E00  }
0x172: {  	[tilespmem:s22], [sflag:$0x5] =	stream.indirect_vreg.gather [hbm4b:s10+s5], $0x80, v19, vm0, $0x2000b8;
	[tilespmem:$0x18600] =	vst v63  }
0x173: {  	s22 =	simm.s32 $0x6  }
0x174: {  	_ =	swait.ge [sflag:s22], $0x4000  }
0x175: {  	[sflag:s22] =	ssyncset.done $0x0  }
0x176: {  	s23 =	rddreg [dreg:$0xd];
	[sflag:s22] =	ssyncadd.s32 $0xFFFFC000  }
0x177: {  	[hbm4b:s23+s5] =	stream.linear.scatter [tilespmem:s2], [sflag:$0xC], $0x4000, $0x200038;
	[tilespmem:$0x18600] =	vst v63  }
0x178: {  	s23 =	simm.s32 $0xC  }
0x179: {  	_ =	swait.ge [sflag:s23], $0x4000  }
0x17a: {  	[sflag:s23] =	ssyncset.done $0x0  }
0x17b: {  	[sflag:s23] =	ssyncadd.s32 $0xFFFFC000  }
0x17c: {  	v19 =	vld [tilespmem:$0x4B0];
	_ =	sdelay $0x4  }
0x17d: {  	v20 =	vshll.u32 v19, $0x3  }
0x17e: {  	v19 =	vand.u32 $0x7, v19;
	v20 =	vand.u32 $0xFFFFFFC0, v20  }
0x17f: {  	v19 =	vor.u32 v19, v20  }
0x180: {  	v20 =	vperm.xlane v19, v16;
	_ =	sdelay $0x1  }
0x181: {  	v20 =	vadd.s32 v17, v20;
	_ =	sdelay $0x4  }
0x182: {  	[tilespmem:s2], [sflag:$0x6] =	stream.indirect_vreg.gather [hbm4b:s0+s5], $0x80, v20, vm0, $0x2000b8;
	[tilespmem:$0x18600] =	vst v63  }
0x183: {  	s19 =	simm.s32 $0x14E00;
	v19 =	vperm.xlane v19, v18  }
0x184: {  	[tilespmem:s19], [sflag:$0x6] =	stream.indirect_vreg.gather [hbm4b:s7+s5], $0x80, v20, vm0, $0x2000b8;
	[tilespmem:$0x18600] =	vst v63  }
0x185: {  	v19 =	vadd.s32 v17, v19;
	s19 =	simm.s32 $0x15600  }
0x186: {  	[tilespmem:s19], [sflag:$0x6] =	stream.indirect_vreg.gather [hbm4b:s8+s5], $0x80, v20, vm0, $0x2000b8;
	[tilespmem:$0x18600] =	vst v63  }
0x187: {  	s19 =	simm.s32 $0x15E00  }
0x188: {  	[tilespmem:s19], [sflag:$0x6] =	stream.indirect_vreg.gather [hbm4b:s10+s5], $0x80, v20, vm0, $0x2000b8;
	[tilespmem:$0x18600] =	vst v63  }
0x189: {  	s19 =	simm.s32 $0x16600  }
0x18a: {  	[tilespmem:s19], [sflag:$0x6] =	stream.indirect_vreg.gather [hbm4b:s0+s5], $0x80, v19, vm0, $0x2000b8;
	[tilespmem:$0x18600] =	vst v63  }
0x18b: {  	s19 =	simm.s32 $0x16E00  }
0x18c: {  	[tilespmem:s19], [sflag:$0x6] =	stream.indirect_vreg.gather [hbm4b:s7+s5], $0x80, v19, vm0, $0x2000b8;
	[tilespmem:$0x18600] =	vst v63  }
0x18d: {  	s19 =	simm.s32 $0x17600  }
0x18e: {  	[tilespmem:s19], [sflag:$0x6] =	stream.indirect_vreg.gather [hbm4b:s8+s5], $0x80, v19, vm0, $0x2000b8;
	[tilespmem:$0x18600] =	vst v63  }
0x18f: {  	s19 =	simm.s32 $0x17E00  }
0x190: {  	[tilespmem:s19], [sflag:$0x6] =	stream.indirect_vreg.gather [hbm4b:s10+s5], $0x80, v19, vm0, $0x2000b8;
	[tilespmem:$0x18600] =	vst v63  }
0x191: {  	_ =	swait.ge [sflag:s1], $0x4000  }
0x192: {  	[sflag:s1] =	ssyncset.done $0x0  }
0x193: {  	s19 =	rddreg [dreg:$0xe];
	[sflag:s1] =	ssyncadd.s32 $0xFFFFC000;
	s1 =	simm.s32 $0x600  }
0x194: {  	[hbm4b:s19+s5] =	stream.linear.scatter [tilespmem:s1], [sflag:$0x7], $0x4000, $0x200038;
	[tilespmem:$0x18600] =	vst v63  }
0x195: {  	_ =	swait.ge [sflag:s3], $0x4000  }
0x196: {  	[sflag:s3] =	ssyncset.done $0x0  }
0x197: {  	s9 =	simm.s32 $0x4600;
	s1 =	rddreg [dreg:$0xf];
	[sflag:s3] =	ssyncadd.s32 $0xFFFFC000  }
0x198: {  	[hbm4b:s1+s5] =	stream.linear.scatter [tilespmem:s9], [sflag:$0x8], $0x4000, $0x200038;
	[tilespmem:$0x18600] =	vst v63  }
0x199: {  	_ =	swait.ge [sflag:s16], $0x4000  }
0x19a: {  	[sflag:s16] =	ssyncset.done $0x0  }
0x19b: {  	s24 =	simm.s32 $0x8600;
	s3 =	rddreg [dreg:$0x10];
	[sflag:s16] =	ssyncadd.s32 $0xFFFFC000  }
0x19c: {  	[hbm4b:s3+s5] =	stream.linear.scatter [tilespmem:s24], [sflag:$0x9], $0x4000, $0x200038;
	[tilespmem:$0x18600] =	vst v63  }
0x19d: {  	_ =	swait.ge [sflag:s14], $0x4000  }
0x19e: {  	[sflag:s14] =	ssyncset.done $0x0  }
0x19f: {  	s9 =	rddreg [dreg:$0x11];
	[sflag:s14] =	ssyncadd.s32 $0xFFFFC000  }
0x1a0: {  	[hbm4b:s9+s5] =	stream.linear.scatter [tilespmem:s12], [sflag:$0xA], $0x4000, $0x200038;
	[tilespmem:$0x18600] =	vst v63  }
0x1a1: {  	_ =	swait.ge [sflag:s17], $0x4000  }
0x1a2: {  	[sflag:s17] =	ssyncset.done $0x0  }
0x1a3: {  	s16 =	rddreg [dreg:$0x12];
	[sflag:s17] =	ssyncadd.s32 $0xFFFFC000  }
0x1a4: {  	[hbm4b:s16+s5] =	stream.linear.scatter [tilespmem:s4], [sflag:$0xB], $0x4000, $0x200038;
	[tilespmem:$0x18600] =	vst v63  }
0x1a5: {  	_ =	swait.ge [sflag:s22], $0x4000  }
0x1a6: {  	[sflag:s22] =	ssyncset.done $0x0  }
0x1a7: {  	s17 =	rddreg [dreg:$0x13];
	[sflag:s22] =	ssyncadd.s32 $0xFFFFC000  }
0x1a8: {  	[hbm4b:s17+s5] =	stream.linear.scatter [tilespmem:s2], [sflag:$0xC], $0x4000, $0x200038;
	[tilespmem:$0x18600] =	vst v63  }
0x1a9: {  	_ =	swait.ge [sflag:s6], $0x4000  }
0x1aa: {  	[sflag:s6] =	ssyncset.done $0x0  }
0x1ab: {  	[sflag:s6] =	ssyncadd.s32 $0xFFFFC000  }
0x1ac: {  	_ =	swait.ge [sflag:s18], $0x4000  }
0x1ad: {  	[sflag:s18] =	ssyncset.done $0x0  }
0x1ae: {  	[sflag:s18] =	ssyncadd.s32 $0xFFFFC000  }
0x1af: {  	_ =	swait.ge [sflag:s21], $0x4000  }
0x1b0: {  	[sflag:s21] =	ssyncset.done $0x0  }
0x1b1: {  	[sflag:s21] =	ssyncadd.s32 $0xFFFFC000  }
0x1b2: {  	_ =	swait.ge [sflag:s15], $0x4000  }
0x1b3: {  	[sflag:s15] =	ssyncset.done $0x0  }
0x1b4: {  	[sflag:s15] =	ssyncadd.s32 $0xFFFFC000  }
0x1b5: {  	_ =	swait.ge [sflag:s20], $0x4000  }
0x1b6: {  	[sflag:s20] =	ssyncset.done $0x0  }
0x1b7: {  	[sflag:s20] =	ssyncadd.s32 $0xFFFFC000  }
0x1b8: {  	_ =	swait.ge [sflag:s23], $0x4000  }
0x1b9: {  	[sflag:s23] =	ssyncset.done $0x0  }
0x1ba: {  	[sflag:s23] =	ssyncadd.s32 $0xFFFFC000  }
0x1bb: {  	_ =	strace $0x90000053  }
0x1bc: {  	s22 =	simm.s32 $0xD;
	_ =	strace $0x80000054  }
0x1bd: {  	_ =	swait.ge [sflag:s22], $0x60  }
0x1be: {  	[sflag:s22] =	ssyncset.done $0x0  }
0x1bf: {  	[sflag:s22] =	ssyncadd.s32 $0xFFFFFFA0  }
0x1c0: {  	_ =	swait.ge [sflag:s22], $0x60  }
0x1c1: {  	p0 =	sne.s32 s13, $0x1;
	[sflag:s22] =	ssyncset.done $0x0  }
0x1c2: {  	s24 =	simm.s32 $0x500;
	s23 =	rddreg [dreg:$0x14];
	[sflag:s22] =	ssyncadd.s32 $0xFFFFFFA0  }
0x1c3: {  	[hbm4b:s23+s5] =	stream.linear.scatter [tilespmem:s24], [sflag:$0xE], $0xC0, $0x200038;
	[tilespmem:$0x18600] =	vst v63  }
.Ltmp0:
0x1c4: {  	_ = 	snop;
	(pc) =	sbr.rel @p0 .LBB2_1-.Ltmp0, $4  }
0x1c5: {  	_ =	swait.ge [sflag:s11], $0xC0  }
0x1c6: {  	[sflag:s11] =	ssyncset.done $0x0  }
0x1c7: {  	[sflag:s11] =	ssyncadd.s32 $0xFFFFFF40  }
0x1c8: {  	s13 =	sadd.s32 $0xFFFFFFFF, s13;
	_ =	strace $0x90000054  }
0x1c9: {  	_ =	sfence.sel $0x180000  }
0x1ca: {  	[bflag:$0x0] =	sbarrier.arrive $0xFFFF  }
0x1cb: {  	_ =	strace $0x9000004F  }
0x1cc: {  	s0 =	stileid.u32;
	[bflag:$0x2] =	sbarrier.arrive $0xFFFF  }
0x1cd: {  	p0 =	sne.s32 s0, $0x0;
	s0 =	rddreg [dreg:$0x6]  }
0x1ce: {  	s0 =	sadd.s32 @!p0 $0x100000, s0  }
0x1cf: {  	[sflag:s0] =	ssyncadd.tile.s32 @!p0 $0x1;
	_ =	shalt  }
.Lfunc_end2:
_tile_overlayer_lowered:
.L_overlay_start_2:
0x1d0: {  	(tag) =	ssettag $0x2  }
0x1d1: {  	s0 =	rddreg [dreg:$0x0];
	s2 =	stileid.u32  }
0x1d2: {  	s1 =	rddreg [dreg:$0x1];
	p0 =	sne.s32 s2, $0x0  }
0x1d3: {  	s3 =	rddreg [dreg:$0x2];
	[bflag:$0x3] =	sbarrier.arrive $0xFFFF;
	s2 =	simm.s32 @!p0 $0x1C0E  }
0x1d4: {  	[timem:s3], [sflag:s2] =	dma.local @!p0 [hbm:s0], s1  }
0x1d5: {  	s0 =	simm.s32 @!p0 $0xE  }
0x1d6: {  	_ =	swait.ge @!p0 [sflag:s0], s1  }
0x1d7: {  	s1 =	ssub.s32 @!p0 $0x0, s1;
	[sflag:s0] =	ssyncset.done @!p0 $0x0  }
0x1d8: {  	[sflag:s0] =	ssyncadd.s32 @!p0 s1  }
0x1d9: {  	[bflag:$0x3] =	sbarrier.arrive $0xFFFF  }
0x1da: {  	_ =	shalt  }

</sc_bundles>
